<compile_context>
chip_gen: v7x
topology: tpu7x:2x2x1
jax: 0.10.2.dev20260603
libtpu: 0.0.44.dev20260713+nightly
codegen_flags: <defaults>
</compile_context>

<pallas_src>
import jax
import jax.numpy as jnp
from jax import lax
from jax.experimental import pallas as pl
from jax.experimental.pallas import tpu as pltpu
from jax.experimental.pallas import tpu_sc as plsc

_K = 25088
_ROW = 224 * 224
_ROWS = 768
_NC, _NS, _L = 2, 16, 16
_NW = _NC * _NS
_RPW = _ROWS // _NW
_NSLICES = _ROW // _L
_HSTRIDE = 257
_ABSM = 0x7FFFFFFF
_DELTA = 600000


def _clear_hist(hist_v):
    zeros = jnp.zeros((_L,), jnp.int32)

    def body(j, c):
        hist_v[pl.ds(j * _L, _L)] = zeros
        return c

    lax.fori_loop(0, _HSTRIDE * _L // _L, body, jnp.int32(0))


def _totals(hist_v, tot_v):
    zeros = jnp.zeros((_L,), jnp.int32)

    def body(j, c):
        vals = [hist_v[pl.ds(l * _HSTRIDE + j * _L, _L)] for l in range(_L)]
        for l in range(_L):
            hist_v[pl.ds(l * _HSTRIDE + j * _L, _L)] = zeros
        while len(vals) > 1:
            vals = [
                vals[m] + vals[m + 1] if m + 1 < len(vals) else vals[m]
                for m in range(0, len(vals), 2)
            ]
        tot_v[pl.ds(j * _L, _L)] = vals[0]
        return c

    lax.fori_loop(0, 256 // _L, body, jnp.int32(0))


def _scan_bucket(tot_v, krem, top):
    iota = lax.iota(jnp.int32, _L)

    def cond(c):
        acc, _ = c
        return acc < krem

    def body(c):
        acc, j = c
        j = j - 1
        return acc + jnp.sum(tot_v[pl.ds(j * _L, _L)]), j

    acc, j = lax.while_loop(cond, body, (jnp.int32(0), jnp.int32(top // _L)))
    t = tot_v[pl.ds(j * _L, _L)]
    above_chunk = acc - jnp.sum(t)
    suff = above_chunk + lax.rev(plsc.cumsum(lax.rev(t, (0,))), (0,))
    m = suff >= krem
    istar = plsc.all_reduce_population_count(m)[0] - 1
    b = j * _L + istar
    count_above = jnp.max(jnp.where(iota == istar, suff - t, 0))
    return b, krem - count_above


def _sc_body(x_hbm, thr_hbm, row_v, s2_v, hist_v, tot_v, thr_v, dma_sem):
    wid = lax.axis_index("s") * _NC + lax.axis_index("c")
    iota = lax.iota(jnp.int32, _L)
    lane_base = iota * _HSTRIDE
    ones = jnp.ones((_L,), jnp.int32)

    pltpu.async_copy(x_hbm.at[wid * _RPW], row_v, dma_sem)
    _clear_hist(hist_v)

    def surv_pass(n, sel_shift, sel_val, hist_shift, hmask, compact):
        g = 4

        def body(i, w):
            base = i * (_L * g)
            abs_ = [s2_v[pl.ds(base + u * _L, _L)] for u in range(g)]
            valids = [(base + u * _L + iota) < n for u in range(g)]
            if sel_shift is None:
                hits = valids
            else:
                hits = [
                    v
                    & (
                        (lax.shift_right_logical(ab, sel_shift) & 0xFF)
                        == sel_val
                    )
                    for v, ab in zip(valids, abs_)
                ]
            fs = [
                lax.shift_right_logical(ab, hist_shift) & hmask
                for ab in abs_
            ]
            if compact:
                pcs = [plsc.all_reduce_population_count(h)[0] for h in hits]
            for u, (ab, hit, f) in enumerate(zip(abs_, hits, fs)):
                plsc.addupdate_scatter(hist_v, [lane_base + f], ones, mask=hit)
                if compact:
                    plsc.store_compressed(s2_v.at[pl.ds(w, _L)], ab, mask=hit)
                    w = w + pcs[u]
            return w

        nit = (n + _L * g - 1) // (_L * g)
        return lax.fori_loop(0, nit, body, jnp.int32(0))

    def select_surv(n, krem):
        surv_pass(n, None, None, 23, 0xFF, False)
        _totals(hist_v, tot_v)
        c1, krem = _scan_bucket(tot_v, krem, 256)

        n = surv_pass(n, 23, c1, 15, 0xFF, True)
        _totals(hist_v, tot_v)
        c2, krem = _scan_bucket(tot_v, krem, 256)

        n = surv_pass(n, 15, c2, 7, 0xFF, True)
        _totals(hist_v, tot_v)
        c3, krem = _scan_bucket(tot_v, krem, 256)

        surv_pass(n, 7, c3, 0, 0x7F, False)
        _totals(hist_v, tot_v)
        c4, _ = _scan_bucket(tot_v, krem, 128)

        return (
            lax.shift_left(c1, 23)
            | lax.shift_left(c2, 15)
            | lax.shift_left(c3, 7)
            | c4
        )

    def do_row(r, t_prev):
        row = wid * _RPW + r
        pltpu.make_async_copy(x_hbm.at[row], row_v, dma_sem).wait()

        lo = jnp.maximum(t_prev - _DELTA, 0)
        hi = t_prev + _DELTA
        span = lax.bitcast_convert_type(hi - lo, jnp.uint32)

        g = 14

        def win(i, carry):
            w, c0, c1, c2, c3 = carry
            cs = [c0, c1, c2, c3]
            base = i * (_L * g)
            abs_ = [
                lax.bitcast_convert_type(
                    row_v[pl.ds(base + u * _L, _L)], jnp.int32
                )
                & _ABSM
                for u in range(g)
            ]
            mhis = [ab > hi for ab in abs_]
            mins = [
                lax.bitcast_convert_type(ab - lo, jnp.uint32) <= span
                for ab in abs_
            ]
            pcs = [plsc.all_reduce_population_count(m)[0] for m in mins]
            for u, (ab, mh, mi) in enumerate(zip(abs_, mhis, mins)):
                cs[u % 4] = cs[u % 4] + mh.astype(jnp.int32)
                plsc.store_compressed(s2_v.at[pl.ds(w, _L)], ab, mask=mi)
                w = w + pcs[u]
            return w, cs[0], cs[1], cs[2], cs[3]

        cz = jnp.zeros((_L,), jnp.int32)
        n_win, c0, c1, c2, c3 = lax.fori_loop(
            0, _NSLICES // g, win, (jnp.int32(0), cz, cz, cz, cz)
        )
        cnt_hi = jnp.sum((c0 + c1) + (c2 + c3))
        ok = (cnt_hi < _K) & (cnt_hi + n_win >= _K)

        @pl.when(jnp.logical_not(ok))
        def _():
            def cp(i, c):
                base = i * (_L * 4)
                for u in range(4):
                    s2_v[pl.ds(base + u * _L, _L)] = (
                        lax.bitcast_convert_type(
                            row_v[pl.ds(base + u * _L, _L)], jnp.int32
                        )
                        & _ABSM
                    )
                return c

            lax.fori_loop(0, _NSLICES // 4, cp, jnp.int32(0))

        @pl.when(r + 1 < _RPW)
        def _():
            pltpu.async_copy(x_hbm.at[row + 1], row_v, dma_sem)

        n_eff = jnp.where(ok, n_win, _ROW)
        k_eff = jnp.where(ok, _K - cnt_hi, _K)
        t = select_surv(n_eff, k_eff)

        plsc.store_scatter(
            thr_v, [jnp.full((_L,), r, jnp.int32)],
            jnp.full((_L,), t, jnp.int32), mask=iota == 0,
        )
        return t

    lax.fori_loop(0, _RPW, do_row, jnp.int32(0))
    pltpu.sync_copy(thr_v, thr_hbm.at[pl.ds(wid * _RPW, _RPW)])


def _sc_thresholds(x2):
    mesh = plsc.VectorSubcoreMesh(core_axis_name="c", subcore_axis_name="s")
    return pl.kernel(
        _sc_body,
        out_type=jax.ShapeDtypeStruct((_ROWS,), jnp.int32),
        mesh=mesh,
        compiler_params=pltpu.CompilerParams(needs_layout_passes=False),
        scratch_types=[
            pltpu.VMEM((_ROW,), jnp.float32),
            pltpu.VMEM((_ROW + _L,), jnp.int32),
            pltpu.VMEM((_HSTRIDE * _L,), jnp.int32),
            pltpu.VMEM((256 + _L,), jnp.int32),
            pltpu.VMEM((_RPW,), jnp.int32),
            pltpu.SemaphoreType.DMA,
        ],
    )(x2)


_CB = 8


def _tc_mask_body(x_ref, thr_ref, o_ref):
    xb = x_ref[...]
    ab = lax.bitcast_convert_type(xb, jnp.int32) & _ABSM
    t = thr_ref[:, :1].reshape(1, _CB, 1, 1)
    o_ref[...] = jnp.where(ab >= t, xb, jnp.float32(0.0))


def _tc_mask(x, thrb):
    B, C, H, W = x.shape
    cpb = C // _CB

    return pl.pallas_call(
        _tc_mask_body,
        grid=(B * cpb,),
        in_specs=[
            pl.BlockSpec(
                (1, _CB, H, W), lambda i: (i // cpb, i % cpb, 0, 0)
            ),
            pl.BlockSpec((_CB, 128), lambda i: (i, 0)),
        ],
        out_specs=pl.BlockSpec(
            (1, _CB, H, W), lambda i: (i // cpb, i % cpb, 0, 0)
        ),
        out_shape=jax.ShapeDtypeStruct((B, C, H, W), jnp.float32),
    )(x, thrb)


def kernel(x):
    B, C, H, W = x.shape
    x2 = x.reshape(_ROWS, _ROW)
    thr = _sc_thresholds(x2)
    thrb = jnp.broadcast_to(thr[:, None], (_ROWS, 128))
    return _tc_mask(x, thrb)

# --- scband reference (transcript-rebuilt; emitter-appended) ---
"""Pipeline reference for scband-sparsify2-d-abs-987842478202 (READ-ONLY COPY).

The authoritative reference and input builder live on the scoring server;
editing this copy changes nothing except your own understanding.
"""

import jax, jax.numpy as jnp
import numpy as np

SPARSE_RATIO = 0.5

def setup_inputs(seed: int = 0) -> dict:
    key = jax.random.key(seed)
    x = jax.random.normal(key, (4, 192, 224, 224), dtype=jnp.float32)
    return {"x": x}

def reference(x):
    B, C, H, W = x.shape
    layer_size = H * W
    k = int(SPARSE_RATIO * layer_size)
    absx = jnp.abs(x)
    tmpx = absx.reshape(B, C, -1)
    topvals, _ = jax.lax.top_k(tmpx, k)
    topval = topvals[:, :, -1]  # [B, C], k-th largest |x| per channel map
    comp = (absx >= topval[:, :, None, None]).astype(x.dtype)
    return comp * x

if __name__ == "__main__":
    import jax
    _d = setup_inputs()
    print(jax.jit(kernel)(*tuple(_d.values())))

</pallas_src>

<mosaic_0001>
#map = affine_map<(d0, d1) -> (0, 0)>
#map1 = affine_map<(d0, d1) -> (0)>
module attributes {stable_mosaic.version = 14 : i64} {
  func.func @_sc_body(%arg0: i32, %arg1: i32, %arg2: memref<768x50176xf32, #tpu.memory_space<hbm>>, %arg3: memref<768xi32, #tpu.memory_space<hbm>>, %arg4: memref<50176xf32, #tpu.memory_space<vmem>>, %arg5: memref<50192xi32, #tpu.memory_space<vmem>>, %arg6: memref<4112xi32, #tpu.memory_space<vmem>>, %arg7: memref<272xi32, #tpu.memory_space<vmem>>, %arg8: memref<24xi32, #tpu.memory_space<vmem>>, %arg9: memref<!tpu.dma_semaphore, #tpu.memory_space<semaphore_mem>>) attributes {dimension_semantics = [#tpu.dimension_semantics<core_parallel>, #tpu.dimension_semantics<subcore_parallel>], iteration_bounds = array<i64: 2, 16>, scalar_prefetch = 0 : i64, scratch_operands = 6 : i64, tpu.core_type = #tpu.core_type<sc_vector_subcore>, window_params = [{transform_indices = #map}, {transform_indices = #map1}]} {
    %mul3A = arith.constant 2 : i32
    %mul3A_0 = arith.muli %arg1, %mul3A : i32
    %add3A = arith.addi %mul3A_0, %arg0 : i32
    %iota3A = tpu.iota {dimensions = array<i32: 0>} : vector<16xi32>
    %mul3A_1 = arith.constant 257 : i32
    %mul3A_2 = vector.broadcast %mul3A_1 : i32 to vector<16xi32>
    %mul3A_3 = arith.muli %iota3A, %mul3A_2 : vector<16xi32>
    %broadcast_in_dim3A = arith.constant 1 : i32
    %broadcast_in_dim3A_4 = vector.broadcast %broadcast_in_dim3A : i32 to vector<16xi32>
    %mul3A_5 = arith.constant 24 : i32
    %mul3A_6 = arith.muli %add3A, %mul3A_5 : i32
    %dma_start3A = arith.constant 0 : i32
    %dma_start3A_7 = tpu.memref_slice %arg2[%mul3A_6, %dma_start3A] : memref<768x50176xf32, #tpu.memory_space<hbm>> -> memref<1x50176xf32, #tpu.memory_space<hbm>>
    %dma_start3A_8 = tpu.memref_squeeze %dma_start3A_7 : memref<1x50176xf32, #tpu.memory_space<hbm>> -> memref<50176xf32, #tpu.memory_space<hbm>>
    %dma_start3A_9 = arith.constant 0 : i32
    %dma_start3A_10 = tpu.memref_slice %arg2[%mul3A_6, %dma_start3A_9] : memref<768x50176xf32, #tpu.memory_space<hbm>> -> memref<1x50176xf32, #tpu.memory_space<hbm>>
    %dma_start3A_11 = tpu.memref_squeeze %dma_start3A_10 : memref<1x50176xf32, #tpu.memory_space<hbm>> -> memref<50176xf32, #tpu.memory_space<hbm>>
    tpu.enqueue_dma source(%dma_start3A_11 : memref<50176xf32, #tpu.memory_space<hbm>>) target(%arg4 : memref<50176xf32, #tpu.memory_space<vmem>>) target_semaphore(%arg9 : memref<!tpu.dma_semaphore, #tpu.memory_space<semaphore_mem>>)
    %broadcast_in_dim3A_12 = arith.constant 0 : i32
    %broadcast_in_dim3A_13 = vector.broadcast %broadcast_in_dim3A_12 : i32 to vector<16xi32>
    %scan3A = arith.constant 0 : i32
    %scan3A_14 = arith.constant 0 : i32
    %scan3A_15 = arith.constant 257 : i32
    %scan3A_16 = arith.addi %scan3A_14, %scan3A_15 : i32
    %scan3A_17 = arith.constant 1 : i32
    scf.for %scan3A_28 = %scan3A_14 to %scan3A_16 step %scan3A_17  : i32 {
      %mul3A_29 = arith.constant 16 : i32
      %mul3A_30 = arith.muli %scan3A_28, %mul3A_29 : i32
      %swap3A = arith.index_cast %mul3A_30 : i32 to index
      %swap3A_31 = tpu.vector_load %arg6[%swap3A] {strides = array<i32>} : memref<4112xi32, #tpu.memory_space<vmem>>, vector<16xi32>,
      tpu.vector_store %arg6[%swap3A], %broadcast_in_dim3A_13 {strides = array<i32>} : memref<4112xi32, #tpu.memory_space<vmem>>, vector<16xi32>,
    }
    %scan3A_18 = arith.constant 257 : i32
    %scan3A_19 = arith.constant 0 : i32
    %scan3A_20 = arith.constant 0 : i32
    %scan3A_21 = arith.constant 24 : i32
    %scan3A_22 = arith.addi %scan3A_20, %scan3A_21 : i32
    %scan3A_23 = arith.constant 1 : i32
    %scan3A_24 = scf.for %scan3A_28 = %scan3A_20 to %scan3A_22 step %scan3A_23 iter_args(%scan3A_29 = %scan3A_19) -> (i32)  : i32 {
      %mul3A_30 = arith.constant 24 : i32
      %mul3A_31 = arith.muli %add3A, %mul3A_30 : i32
      %add3A_32 = arith.addi %mul3A_31, %scan3A_28 : i32
      %dma_wait3A = arith.constant 0 : i32
      %dma_wait3A_33 = tpu.memref_slice %arg2[%add3A_32, %dma_wait3A] : memref<768x50176xf32, #tpu.memory_space<hbm>> -> memref<1x50176xf32, #tpu.memory_space<hbm>>
      %dma_wait3A_34 = tpu.memref_squeeze %dma_wait3A_33 : memref<1x50176xf32, #tpu.memory_space<hbm>> -> memref<50176xf32, #tpu.memory_space<hbm>>
      %dma_wait3A_35 = arith.constant 0 : i32
      %dma_wait3A_36 = tpu.memref_slice %arg2[%add3A_32, %dma_wait3A_35] : memref<768x50176xf32, #tpu.memory_space<hbm>> -> memref<1x50176xf32, #tpu.memory_space<hbm>>
      %dma_wait3A_37 = tpu.memref_squeeze %dma_wait3A_36 : memref<1x50176xf32, #tpu.memory_space<hbm>> -> memref<50176xf32, #tpu.memory_space<hbm>>
      tpu.wait_dma2 semaphore(%arg9 : memref<!tpu.dma_semaphore, #tpu.memory_space<semaphore_mem>>) src(%dma_wait3A_37 : memref<50176xf32, #tpu.memory_space<hbm>>) dst(%arg4 : memref<50176xf32, #tpu.memory_space<vmem>>)
      %sub3A = arith.constant 600000 : i32
      %sub3A_38 = arith.subi %scan3A_29, %sub3A : i32
      %max3A = arith.constant 0 : i32
      %max3A_39 = arith.maxsi %sub3A_38, %max3A : i32
      %add3A_40 = arith.constant 600000 : i32
      %add3A_41 = arith.addi %scan3A_29, %add3A_40 : i32
      %sub3A_42 = arith.subi %add3A_41, %max3A_39 : i32
      %bitcast_convert_type3A = arith.bitcast %sub3A_42 : i32 to i32
      %broadcast_in_dim3A_43 = arith.constant 0 : i32
      %broadcast_in_dim3A_44 = vector.broadcast %broadcast_in_dim3A_43 : i32 to vector<16xi32>
      %scan3A_45 = arith.constant 0 : i32
      %scan3A_46 = arith.constant 0 : i32
      %scan3A_47 = arith.constant 224 : i32
      %scan3A_48 = arith.addi %scan3A_46, %scan3A_47 : i32
      %scan3A_49 = arith.constant 1 : i32
      %scan3A_50:5 = scf.for %scan3A_473 = %scan3A_46 to %scan3A_48 step %scan3A_49 iter_args(%scan3A_474 = %scan3A_45, %scan3A_475 = %broadcast_in_dim3A_44, %scan3A_476 = %broadcast_in_dim3A_44, %scan3A_477 = %broadcast_in_dim3A_44, %scan3A_478 = %broadcast_in_dim3A_44) -> (i32, vector<16xi32>, vector<16xi32>, vector<16xi32>, vector<16xi32>)  : i32 {
        %mul3A_479 = arith.constant 224 : i32
        %mul3A_480 = arith.muli %scan3A_473, %mul3A_479 : i32
        %add3A_481 = arith.constant 0 : i32
        %add3A_482 = arith.addi %mul3A_480, %add3A_481 : i32
        %get3A_483 = arith.index_cast %add3A_482 : i32 to index
        %get3A_484 = tpu.vector_load %arg4[%get3A_483] {strides = array<i32>} : memref<50176xf32, #tpu.memory_space<vmem>>, vector<16xf32>,
        %bitcast_convert_type3A_485 = tpu.bitcast %get3A_484 : vector<16xf32> -> vector<16xi32>
        %and3A_486 = arith.constant 2147483647 : i32
        %and3A_487 = vector.broadcast %and3A_486 : i32 to vector<16xi32>
        %and3A_488 = arith.andi %bitcast_convert_type3A_485, %and3A_487 : vector<16xi32>
        %add3A_489 = arith.constant 16 : i32
        %add3A_490 = arith.addi %mul3A_480, %add3A_489 : i32
        %get3A_491 = arith.index_cast %add3A_490 : i32 to index
        %get3A_492 = tpu.vector_load %arg4[%get3A_491] {strides = array<i32>} : memref<50176xf32, #tpu.memory_space<vmem>>, vector<16xf32>,
        %bitcast_convert_type3A_493 = tpu.bitcast %get3A_492 : vector<16xf32> -> vector<16xi32>
        %and3A_494 = arith.constant 2147483647 : i32
        %and3A_495 = vector.broadcast %and3A_494 : i32 to vector<16xi32>
        %and3A_496 = arith.andi %bitcast_convert_type3A_493, %and3A_495 : vector<16xi32>
        %add3A_497 = arith.constant 32 : i32
        %add3A_498 = arith.addi %mul3A_480, %add3A_497 : i32
        %get3A_499 = arith.index_cast %add3A_498 : i32 to index
        %get3A_500 = tpu.vector_load %arg4[%get3A_499] {strides = array<i32>} : memref<50176xf32, #tpu.memory_space<vmem>>, vector<16xf32>,
        %bitcast_convert_type3A_501 = tpu.bitcast %get3A_500 : vector<16xf32> -> vector<16xi32>
        %and3A_502 = arith.constant 2147483647 : i32
        %and3A_503 = vector.broadcast %and3A_502 : i32 to vector<16xi32>
        %and3A_504 = arith.andi %bitcast_convert_type3A_501, %and3A_503 : vector<16xi32>
        %add3A_505 = arith.constant 48 : i32
        %add3A_506 = arith.addi %mul3A_480, %add3A_505 : i32
        %get3A_507 = arith.index_cast %add3A_506 : i32 to index
        %get3A_508 = tpu.vector_load %arg4[%get3A_507] {strides = array<i32>} : memref<50176xf32, #tpu.memory_space<vmem>>, vector<16xf32>,
        %bitcast_convert_type3A_509 = tpu.bitcast %get3A_508 : vector<16xf32> -> vector<16xi32>
        %and3A_510 = arith.constant 2147483647 : i32
        %and3A_511 = vector.broadcast %and3A_510 : i32 to vector<16xi32>
        %and3A_512 = arith.andi %bitcast_convert_type3A_509, %and3A_511 : vector<16xi32>
        %add3A_513 = arith.constant 64 : i32
        %add3A_514 = arith.addi %mul3A_480, %add3A_513 : i32
        %get3A_515 = arith.index_cast %add3A_514 : i32 to index
        %get3A_516 = tpu.vector_load %arg4[%get3A_515] {strides = array<i32>} : memref<50176xf32, #tpu.memory_space<vmem>>, vector<16xf32>,
        %bitcast_convert_type3A_517 = tpu.bitcast %get3A_516 : vector<16xf32> -> vector<16xi32>
        %and3A_518 = arith.constant 2147483647 : i32
        %and3A_519 = vector.broadcast %and3A_518 : i32 to vector<16xi32>
        %and3A_520 = arith.andi %bitcast_convert_type3A_517, %and3A_519 : vector<16xi32>
        %add3A_521 = arith.constant 80 : i32
        %add3A_522 = arith.addi %mul3A_480, %add3A_521 : i32
        %get3A_523 = arith.index_cast %add3A_522 : i32 to index
        %get3A_524 = tpu.vector_load %arg4[%get3A_523] {strides = array<i32>} : memref<50176xf32, #tpu.memory_space<vmem>>, vector<16xf32>,
        %bitcast_convert_type3A_525 = tpu.bitcast %get3A_524 : vector<16xf32> -> vector<16xi32>
        %and3A_526 = arith.constant 2147483647 : i32
        %and3A_527 = vector.broadcast %and3A_526 : i32 to vector<16xi32>
        %and3A_528 = arith.andi %bitcast_convert_type3A_525, %and3A_527 : vector<16xi32>
        %add3A_529 = arith.constant 96 : i32
        %add3A_530 = arith.addi %mul3A_480, %add3A_529 : i32
        %get3A_531 = arith.index_cast %add3A_530 : i32 to index
        %get3A_532 = tpu.vector_load %arg4[%get3A_531] {strides = array<i32>} : memref<50176xf32, #tpu.memory_space<vmem>>, vector<16xf32>,
        %bitcast_convert_type3A_533 = tpu.bitcast %get3A_532 : vector<16xf32> -> vector<16xi32>
        %and3A_534 = arith.constant 2147483647 : i32
        %and3A_535 = vector.broadcast %and3A_534 : i32 to vector<16xi32>
        %and3A_536 = arith.andi %bitcast_convert_type3A_533, %and3A_535 : vector<16xi32>
        %add3A_537 = arith.constant 112 : i32
        %add3A_538 = arith.addi %mul3A_480, %add3A_537 : i32
        %get3A_539 = arith.index_cast %add3A_538 : i32 to index
        %get3A_540 = tpu.vector_load %arg4[%get3A_539] {strides = array<i32>} : memref<50176xf32, #tpu.memory_space<vmem>>, vector<16xf32>,
        %bitcast_convert_type3A_541 = tpu.bitcast %get3A_540 : vector<16xf32> -> vector<16xi32>
        %and3A_542 = arith.constant 2147483647 : i32
        %and3A_543 = vector.broadcast %and3A_542 : i32 to vector<16xi32>
        %and3A_544 = arith.andi %bitcast_convert_type3A_541, %and3A_543 : vector<16xi32>
        %add3A_545 = arith.constant 128 : i32
        %add3A_546 = arith.addi %mul3A_480, %add3A_545 : i32
        %get3A_547 = arith.index_cast %add3A_546 : i32 to index
        %get3A_548 = tpu.vector_load %arg4[%get3A_547] {strides = array<i32>} : memref<50176xf32, #tpu.memory_space<vmem>>, vector<16xf32>,
        %bitcast_convert_type3A_549 = tpu.bitcast %get3A_548 : vector<16xf32> -> vector<16xi32>
        %and3A_550 = arith.constant 2147483647 : i32
        %and3A_551 = vector.broadcast %and3A_550 : i32 to vector<16xi32>
        %and3A_552 = arith.andi %bitcast_convert_type3A_549, %and3A_551 : vector<16xi32>
        %add3A_553 = arith.constant 144 : i32
        %add3A_554 = arith.addi %mul3A_480, %add3A_553 : i32
        %get3A_555 = arith.index_cast %add3A_554 : i32 to index
        %get3A_556 = tpu.vector_load %arg4[%get3A_555] {strides = array<i32>} : memref<50176xf32, #tpu.memory_space<vmem>>, vector<16xf32>,
        %bitcast_convert_type3A_557 = tpu.bitcast %get3A_556 : vector<16xf32> -> vector<16xi32>
        %and3A_558 = arith.constant 2147483647 : i32
        %and3A_559 = vector.broadcast %and3A_558 : i32 to vector<16xi32>
        %and3A_560 = arith.andi %bitcast_convert_type3A_557, %and3A_559 : vector<16xi32>
        %add3A_561 = arith.constant 160 : i32
        %add3A_562 = arith.addi %mul3A_480, %add3A_561 : i32
        %get3A_563 = arith.index_cast %add3A_562 : i32 to index
        %get3A_564 = tpu.vector_load %arg4[%get3A_563] {strides = array<i32>} : memref<50176xf32, #tpu.memory_space<vmem>>, vector<16xf32>,
        %bitcast_convert_type3A_565 = tpu.bitcast %get3A_564 : vector<16xf32> -> vector<16xi32>
        %and3A_566 = arith.constant 2147483647 : i32
        %and3A_567 = vector.broadcast %and3A_566 : i32 to vector<16xi32>
        %and3A_568 = arith.andi %bitcast_convert_type3A_565, %and3A_567 : vector<16xi32>
        %add3A_569 = arith.constant 176 : i32
        %add3A_570 = arith.addi %mul3A_480, %add3A_569 : i32
        %get3A_571 = arith.index_cast %add3A_570 : i32 to index
        %get3A_572 = tpu.vector_load %arg4[%get3A_571] {strides = array<i32>} : memref<50176xf32, #tpu.memory_space<vmem>>, vector<16xf32>,
        %bitcast_convert_type3A_573 = tpu.bitcast %get3A_572 : vector<16xf32> -> vector<16xi32>
        %and3A_574 = arith.constant 2147483647 : i32
        %and3A_575 = vector.broadcast %and3A_574 : i32 to vector<16xi32>
        %and3A_576 = arith.andi %bitcast_convert_type3A_573, %and3A_575 : vector<16xi32>
        %add3A_577 = arith.constant 192 : i32
        %add3A_578 = arith.addi %mul3A_480, %add3A_577 : i32
        %get3A_579 = arith.index_cast %add3A_578 : i32 to index
        %get3A_580 = tpu.vector_load %arg4[%get3A_579] {strides = array<i32>} : memref<50176xf32, #tpu.memory_space<vmem>>, vector<16xf32>,
        %bitcast_convert_type3A_581 = tpu.bitcast %get3A_580 : vector<16xf32> -> vector<16xi32>
        %and3A_582 = arith.constant 2147483647 : i32
        %and3A_583 = vector.broadcast %and3A_582 : i32 to vector<16xi32>
        %and3A_584 = arith.andi %bitcast_convert_type3A_581, %and3A_583 : vector<16xi32>
        %add3A_585 = arith.constant 208 : i32
        %add3A_586 = arith.addi %mul3A_480, %add3A_585 : i32
        %get3A_587 = arith.index_cast %add3A_586 : i32 to index
        %get3A_588 = tpu.vector_load %arg4[%get3A_587] {strides = array<i32>} : memref<50176xf32, #tpu.memory_space<vmem>>, vector<16xf32>,
        %bitcast_convert_type3A_589 = tpu.bitcast %get3A_588 : vector<16xf32> -> vector<16xi32>
        %and3A_590 = arith.constant 2147483647 : i32
        %and3A_591 = vector.broadcast %and3A_590 : i32 to vector<16xi32>
        %and3A_592 = arith.andi %bitcast_convert_type3A_589, %and3A_591 : vector<16xi32>
        %gt3A = vector.broadcast %add3A_41 : i32 to vector<16xi32>
        %gt3A_593 = arith.cmpi sgt, %and3A_488, %gt3A : vector<16xi32>
        %gt3A_594 = vector.broadcast %add3A_41 : i32 to vector<16xi32>
        %gt3A_595 = arith.cmpi sgt, %and3A_496, %gt3A_594 : vector<16xi32>
        %gt3A_596 = vector.broadcast %add3A_41 : i32 to vector<16xi32>
        %gt3A_597 = arith.cmpi sgt, %and3A_504, %gt3A_596 : vector<16xi32>
        %gt3A_598 = vector.broadcast %add3A_41 : i32 to vector<16xi32>
        %gt3A_599 = arith.cmpi sgt, %and3A_512, %gt3A_598 : vector<16xi32>
        %gt3A_600 = vector.broadcast %add3A_41 : i32 to vector<16xi32>
        %gt3A_601 = arith.cmpi sgt, %and3A_520, %gt3A_600 : vector<16xi32>
        %gt3A_602 = vector.broadcast %add3A_41 : i32 to vector<16xi32>
        %gt3A_603 = arith.cmpi sgt, %and3A_528, %gt3A_602 : vector<16xi32>
        %gt3A_604 = vector.broadcast %add3A_41 : i32 to vector<16xi32>
        %gt3A_605 = arith.cmpi sgt, %and3A_536, %gt3A_604 : vector<16xi32>
        %gt3A_606 = vector.broadcast %add3A_41 : i32 to vector<16xi32>
        %gt3A_607 = arith.cmpi sgt, %and3A_544, %gt3A_606 : vector<16xi32>
        %gt3A_608 = vector.broadcast %add3A_41 : i32 to vector<16xi32>
        %gt3A_609 = arith.cmpi sgt, %and3A_552, %gt3A_608 : vector<16xi32>
        %gt3A_610 = vector.broadcast %add3A_41 : i32 to vector<16xi32>
        %gt3A_611 = arith.cmpi sgt, %and3A_560, %gt3A_610 : vector<16xi32>
        %gt3A_612 = vector.broadcast %add3A_41 : i32 to vector<16xi32>
        %gt3A_613 = arith.cmpi sgt, %and3A_568, %gt3A_612 : vector<16xi32>
        %gt3A_614 = vector.broadcast %add3A_41 : i32 to vector<16xi32>
        %gt3A_615 = arith.cmpi sgt, %and3A_576, %gt3A_614 : vector<16xi32>
        %gt3A_616 = vector.broadcast %add3A_41 : i32 to vector<16xi32>
        %gt3A_617 = arith.cmpi sgt, %and3A_584, %gt3A_616 : vector<16xi32>
        %gt3A_618 = vector.broadcast %add3A_41 : i32 to vector<16xi32>
        %gt3A_619 = arith.cmpi sgt, %and3A_592, %gt3A_618 : vector<16xi32>
        %sub3A_620 = vector.broadcast %max3A_39 : i32 to vector<16xi32>
        %sub3A_621 = arith.subi %and3A_488, %sub3A_620 : vector<16xi32>
        %bitcast_convert_type3A_622 = tpu.bitcast %sub3A_621 : vector<16xi32> -> vector<16xi32>
        %le3A = vector.broadcast %bitcast_convert_type3A : i32 to vector<16xi32>
        %le3A_623 = arith.cmpi ule, %bitcast_convert_type3A_622, %le3A : vector<16xi32>
        %sub3A_624 = vector.broadcast %max3A_39 : i32 to vector<16xi32>
        %sub3A_625 = arith.subi %and3A_496, %sub3A_624 : vector<16xi32>
        %bitcast_convert_type3A_626 = tpu.bitcast %sub3A_625 : vector<16xi32> -> vector<16xi32>
        %le3A_627 = vector.broadcast %bitcast_convert_type3A : i32 to vector<16xi32>
        %le3A_628 = arith.cmpi ule, %bitcast_convert_type3A_626, %le3A_627 : vector<16xi32>
        %sub3A_629 = vector.broadcast %max3A_39 : i32 to vector<16xi32>
        %sub3A_630 = arith.subi %and3A_504, %sub3A_629 : vector<16xi32>
        %bitcast_convert_type3A_631 = tpu.bitcast %sub3A_630 : vector<16xi32> -> vector<16xi32>
        %le3A_632 = vector.broadcast %bitcast_convert_type3A : i32 to vector<16xi32>
        %le3A_633 = arith.cmpi ule, %bitcast_convert_type3A_631, %le3A_632 : vector<16xi32>
        %sub3A_634 = vector.broadcast %max3A_39 : i32 to vector<16xi32>
        %sub3A_635 = arith.subi %and3A_512, %sub3A_634 : vector<16xi32>
        %bitcast_convert_type3A_636 = tpu.bitcast %sub3A_635 : vector<16xi32> -> vector<16xi32>
        %le3A_637 = vector.broadcast %bitcast_convert_type3A : i32 to vector<16xi32>
        %le3A_638 = arith.cmpi ule, %bitcast_convert_type3A_636, %le3A_637 : vector<16xi32>
        %sub3A_639 = vector.broadcast %max3A_39 : i32 to vector<16xi32>
        %sub3A_640 = arith.subi %and3A_520, %sub3A_639 : vector<16xi32>
        %bitcast_convert_type3A_641 = tpu.bitcast %sub3A_640 : vector<16xi32> -> vector<16xi32>
        %le3A_642 = vector.broadcast %bitcast_convert_type3A : i32 to vector<16xi32>
        %le3A_643 = arith.cmpi ule, %bitcast_convert_type3A_641, %le3A_642 : vector<16xi32>
        %sub3A_644 = vector.broadcast %max3A_39 : i32 to vector<16xi32>
        %sub3A_645 = arith.subi %and3A_528, %sub3A_644 : vector<16xi32>
        %bitcast_convert_type3A_646 = tpu.bitcast %sub3A_645 : vector<16xi32> -> vector<16xi32>
        %le3A_647 = vector.broadcast %bitcast_convert_type3A : i32 to vector<16xi32>
        %le3A_648 = arith.cmpi ule, %bitcast_convert_type3A_646, %le3A_647 : vector<16xi32>
        %sub3A_649 = vector.broadcast %max3A_39 : i32 to vector<16xi32>
        %sub3A_650 = arith.subi %and3A_536, %sub3A_649 : vector<16xi32>
        %bitcast_convert_type3A_651 = tpu.bitcast %sub3A_650 : vector<16xi32> -> vector<16xi32>
        %le3A_652 = vector.broadcast %bitcast_convert_type3A : i32 to vector<16xi32>
        %le3A_653 = arith.cmpi ule, %bitcast_convert_type3A_651, %le3A_652 : vector<16xi32>
        %sub3A_654 = vector.broadcast %max3A_39 : i32 to vector<16xi32>
        %sub3A_655 = arith.subi %and3A_544, %sub3A_654 : vector<16xi32>
        %bitcast_convert_type3A_656 = tpu.bitcast %sub3A_655 : vector<16xi32> -> vector<16xi32>
        %le3A_657 = vector.broadcast %bitcast_convert_type3A : i32 to vector<16xi32>
        %le3A_658 = arith.cmpi ule, %bitcast_convert_type3A_656, %le3A_657 : vector<16xi32>
        %sub3A_659 = vector.broadcast %max3A_39 : i32 to vector<16xi32>
        %sub3A_660 = arith.subi %and3A_552, %sub3A_659 : vector<16xi32>
        %bitcast_convert_type3A_661 = tpu.bitcast %sub3A_660 : vector<16xi32> -> vector<16xi32>
        %le3A_662 = vector.broadcast %bitcast_convert_type3A : i32 to vector<16xi32>
        %le3A_663 = arith.cmpi ule, %bitcast_convert_type3A_661, %le3A_662 : vector<16xi32>
        %sub3A_664 = vector.broadcast %max3A_39 : i32 to vector<16xi32>
        %sub3A_665 = arith.subi %and3A_560, %sub3A_664 : vector<16xi32>
        %bitcast_convert_type3A_666 = tpu.bitcast %sub3A_665 : vector<16xi32> -> vector<16xi32>
        %le3A_667 = vector.broadcast %bitcast_convert_type3A : i32 to vector<16xi32>
        %le3A_668 = arith.cmpi ule, %bitcast_convert_type3A_666, %le3A_667 : vector<16xi32>
        %sub3A_669 = vector.broadcast %max3A_39 : i32 to vector<16xi32>
        %sub3A_670 = arith.subi %and3A_568, %sub3A_669 : vector<16xi32>
        %bitcast_convert_type3A_671 = tpu.bitcast %sub3A_670 : vector<16xi32> -> vector<16xi32>
        %le3A_672 = vector.broadcast %bitcast_convert_type3A : i32 to vector<16xi32>
        %le3A_673 = arith.cmpi ule, %bitcast_convert_type3A_671, %le3A_672 : vector<16xi32>
        %sub3A_674 = vector.broadcast %max3A_39 : i32 to vector<16xi32>
        %sub3A_675 = arith.subi %and3A_576, %sub3A_674 : vector<16xi32>
        %bitcast_convert_type3A_676 = tpu.bitcast %sub3A_675 : vector<16xi32> -> vector<16xi32>
        %le3A_677 = vector.broadcast %bitcast_convert_type3A : i32 to vector<16xi32>
        %le3A_678 = arith.cmpi ule, %bitcast_convert_type3A_676, %le3A_677 : vector<16xi32>
        %sub3A_679 = vector.broadcast %max3A_39 : i32 to vector<16xi32>
        %sub3A_680 = arith.subi %and3A_584, %sub3A_679 : vector<16xi32>
        %bitcast_convert_type3A_681 = tpu.bitcast %sub3A_680 : vector<16xi32> -> vector<16xi32>
        %le3A_682 = vector.broadcast %bitcast_convert_type3A : i32 to vector<16xi32>
        %le3A_683 = arith.cmpi ule, %bitcast_convert_type3A_681, %le3A_682 : vector<16xi32>
        %sub3A_684 = vector.broadcast %max3A_39 : i32 to vector<16xi32>
        %sub3A_685 = arith.subi %and3A_592, %sub3A_684 : vector<16xi32>
        %bitcast_convert_type3A_686 = tpu.bitcast %sub3A_685 : vector<16xi32> -> vector<16xi32>
        %le3A_687 = vector.broadcast %bitcast_convert_type3A : i32 to vector<16xi32>
        %le3A_688 = arith.cmpi ule, %bitcast_convert_type3A_686, %le3A_687 : vector<16xi32>
        %all_reduce_population_count3A_689 = tpu.all_reduce %le3A_623 {dim = 0 : i64, kind = #tpu.reduction_kind<sum>} : vector<16xi1> -> vector<16xi32>
        %slice3A_690 = vector.extract_strided_slice %all_reduce_population_count3A_689 {offsets = [0], sizes = [1], strides = [1]} : vector<16xi32> to vector<1xi32>
        %squeeze3A_691 = vector.extract %slice3A_690[0] : i32 from vector<1xi32>
        %all_reduce_population_count3A_692 = tpu.all_reduce %le3A_628 {dim = 0 : i64, kind = #tpu.reduction_kind<sum>} : vector<16xi1> -> vector<16xi32>
        %slice3A_693 = vector.extract_strided_slice %all_reduce_population_count3A_692 {offsets = [0], sizes = [1], strides = [1]} : vector<16xi32> to vector<1xi32>
        %squeeze3A_694 = vector.extract %slice3A_693[0] : i32 from vector<1xi32>
        %all_reduce_population_count3A_695 = tpu.all_reduce %le3A_633 {dim = 0 : i64, kind = #tpu.reduction_kind<sum>} : vector<16xi1> -> vector<16xi32>
        %slice3A_696 = vector.extract_strided_slice %all_reduce_population_count3A_695 {offsets = [0], sizes = [1], strides = [1]} : vector<16xi32> to vector<1xi32>
        %squeeze3A_697 = vector.extract %slice3A_696[0] : i32 from vector<1xi32>
        %all_reduce_population_count3A_698 = tpu.all_reduce %le3A_638 {dim = 0 : i64, kind = #tpu.reduction_kind<sum>} : vector<16xi1> -> vector<16xi32>
        %slice3A_699 = vector.extract_strided_slice %all_reduce_population_count3A_698 {offsets = [0], sizes = [1], strides = [1]} : vector<16xi32> to vector<1xi32>
        %squeeze3A_700 = vector.extract %slice3A_699[0] : i32 from vector<1xi32>
        %all_reduce_population_count3A_701 = tpu.all_reduce %le3A_643 {dim = 0 : i64, kind = #tpu.reduction_kind<sum>} : vector<16xi1> -> vector<16xi32>
        %slice3A_702 = vector.extract_strided_slice %all_reduce_population_count3A_701 {offsets = [0], sizes = [1], strides = [1]} : vector<16xi32> to vector<1xi32>
        %squeeze3A_703 = vector.extract %slice3A_702[0] : i32 from vector<1xi32>
        %all_reduce_population_count3A_704 = tpu.all_reduce %le3A_648 {dim = 0 : i64, kind = #tpu.reduction_kind<sum>} : vector<16xi1> -> vector<16xi32>
        %slice3A_705 = vector.extract_strided_slice %all_reduce_population_count3A_704 {offsets = [0], sizes = [1], strides = [1]} : vector<16xi32> to vector<1xi32>
        %squeeze3A_706 = vector.extract %slice3A_705[0] : i32 from vector<1xi32>
        %all_reduce_population_count3A_707 = tpu.all_reduce %le3A_653 {dim = 0 : i64, kind = #tpu.reduction_kind<sum>} : vector<16xi1> -> vector<16xi32>
        %slice3A_708 = vector.extract_strided_slice %all_reduce_population_count3A_707 {offsets = [0], sizes = [1], strides = [1]} : vector<16xi32> to vector<1xi32>
        %squeeze3A_709 = vector.extract %slice3A_708[0] : i32 from vector<1xi32>
        %all_reduce_population_count3A_710 = tpu.all_reduce %le3A_658 {dim = 0 : i64, kind = #tpu.reduction_kind<sum>} : vector<16xi1> -> vector<16xi32>
        %slice3A_711 = vector.extract_strided_slice %all_reduce_population_count3A_710 {offsets = [0], sizes = [1], strides = [1]} : vector<16xi32> to vector<1xi32>
        %squeeze3A_712 = vector.extract %slice3A_711[0] : i32 from vector<1xi32>
        %all_reduce_population_count3A_713 = tpu.all_reduce %le3A_663 {dim = 0 : i64, kind = #tpu.reduction_kind<sum>} : vector<16xi1> -> vector<16xi32>
        %slice3A_714 = vector.extract_strided_slice %all_reduce_population_count3A_713 {offsets = [0], sizes = [1], strides = [1]} : vector<16xi32> to vector<1xi32>
        %squeeze3A_715 = vector.extract %slice3A_714[0] : i32 from vector<1xi32>
        %all_reduce_population_count3A_716 = tpu.all_reduce %le3A_668 {dim = 0 : i64, kind = #tpu.reduction_kind<sum>} : vector<16xi1> -> vector<16xi32>
        %slice3A_717 = vector.extract_strided_slice %all_reduce_population_count3A_716 {offsets = [0], sizes = [1], strides = [1]} : vector<16xi32> to vector<1xi32>
        %squeeze3A_718 = vector.extract %slice3A_717[0] : i32 from vector<1xi32>
        %all_reduce_population_count3A_719 = tpu.all_reduce %le3A_673 {dim = 0 : i64, kind = #tpu.reduction_kind<sum>} : vector<16xi1> -> vector<16xi32>
        %slice3A_720 = vector.extract_strided_slice %all_reduce_population_count3A_719 {offsets = [0], sizes = [1], strides = [1]} : vector<16xi32> to vector<1xi32>
        %squeeze3A_721 = vector.extract %slice3A_720[0] : i32 from vector<1xi32>
        %all_reduce_population_count3A_722 = tpu.all_reduce %le3A_678 {dim = 0 : i64, kind = #tpu.reduction_kind<sum>} : vector<16xi1> -> vector<16xi32>
        %slice3A_723 = vector.extract_strided_slice %all_reduce_population_count3A_722 {offsets = [0], sizes = [1], strides = [1]} : vector<16xi32> to vector<1xi32>
        %squeeze3A_724 = vector.extract %slice3A_723[0] : i32 from vector<1xi32>
        %all_reduce_population_count3A_725 = tpu.all_reduce %le3A_683 {dim = 0 : i64, kind = #tpu.reduction_kind<sum>} : vector<16xi1> -> vector<16xi32>
        %slice3A_726 = vector.extract_strided_slice %all_reduce_population_count3A_725 {offsets = [0], sizes = [1], strides = [1]} : vector<16xi32> to vector<1xi32>
        %squeeze3A_727 = vector.extract %slice3A_726[0] : i32 from vector<1xi32>
        %all_reduce_population_count3A_728 = tpu.all_reduce %le3A_688 {dim = 0 : i64, kind = #tpu.reduction_kind<sum>} : vector<16xi1> -> vector<16xi32>
        %slice3A_729 = vector.extract_strided_slice %all_reduce_population_count3A_728 {offsets = [0], sizes = [1], strides = [1]} : vector<16xi32> to vector<1xi32>
        %squeeze3A_730 = vector.extract %slice3A_729[0] : i32 from vector<1xi32>
        %convert_element_type3A_731 = arith.extui %gt3A_593 : vector<16xi1> to vector<16xi32>
        %add3A_732 = arith.addi %scan3A_475, %convert_element_type3A_731 : vector<16xi32>
        %swap3A = arith.index_cast %scan3A_474 : i32 to index
        %swap3A_733 = tpu.vector_load %arg5[%swap3A] masked %le3A_623 {strides = array<i32>} : memref<50192xi32, #tpu.memory_space<vmem>>, vector<16xi32>, vector<16xi1>
        tpu.vector_store %arg5[%swap3A], %and3A_488 masked %le3A_623 {strides = array<i32>} : memref<50192xi32, #tpu.memory_space<vmem>>, vector<16xi32>, vector<16xi1>
        %add3A_734 = arith.addi %scan3A_474, %squeeze3A_691 : i32
        %convert_element_type3A_735 = arith.extui %gt3A_595 : vector<16xi1> to vector<16xi32>
        %add3A_736 = arith.addi %scan3A_476, %convert_element_type3A_735 : vector<16xi32>
        %swap3A_737 = arith.index_cast %add3A_734 : i32 to index
        %swap3A_738 = tpu.vector_load %arg5[%swap3A_737] masked %le3A_628 {strides = array<i32>} : memref<50192xi32, #tpu.memory_space<vmem>>, vector<16xi32>, vector<16xi1>
        tpu.vector_store %arg5[%swap3A_737], %and3A_496 masked %le3A_628 {strides = array<i32>} : memref<50192xi32, #tpu.memory_space<vmem>>, vector<16xi32>, vector<16xi1>
        %add3A_739 = arith.addi %add3A_734, %squeeze3A_694 : i32
        %convert_element_type3A_740 = arith.extui %gt3A_597 : vector<16xi1> to vector<16xi32>
        %add3A_741 = arith.addi %scan3A_477, %convert_element_type3A_740 : vector<16xi32>
        %swap3A_742 = arith.index_cast %add3A_739 : i32 to index
        %swap3A_743 = tpu.vector_load %arg5[%swap3A_742] masked %le3A_633 {strides = array<i32>} : memref<50192xi32, #tpu.memory_space<vmem>>, vector<16xi32>, vector<16xi1>
        tpu.vector_store %arg5[%swap3A_742], %and3A_504 masked %le3A_633 {strides = array<i32>} : memref<50192xi32, #tpu.memory_space<vmem>>, vector<16xi32>, vector<16xi1>
        %add3A_744 = arith.addi %add3A_739, %squeeze3A_697 : i32
        %convert_element_type3A_745 = arith.extui %gt3A_599 : vector<16xi1> to vector<16xi32>
        %add3A_746 = arith.addi %scan3A_478, %convert_element_type3A_745 : vector<16xi32>
        %swap3A_747 = arith.index_cast %add3A_744 : i32 to index
        %swap3A_748 = tpu.vector_load %arg5[%swap3A_747] masked %le3A_638 {strides = array<i32>} : memref<50192xi32, #tpu.memory_space<vmem>>, vector<16xi32>, vector<16xi1>
        tpu.vector_store %arg5[%swap3A_747], %and3A_512 masked %le3A_638 {strides = array<i32>} : memref<50192xi32, #tpu.memory_space<vmem>>, vector<16xi32>, vector<16xi1>
        %add3A_749 = arith.addi %add3A_744, %squeeze3A_700 : i32
        %convert_element_type3A_750 = arith.extui %gt3A_601 : vector<16xi1> to vector<16xi32>
        %add3A_751 = arith.addi %add3A_732, %convert_element_type3A_750 : vector<16xi32>
        %swap3A_752 = arith.index_cast %add3A_749 : i32 to index
        %swap3A_753 = tpu.vector_load %arg5[%swap3A_752] masked %le3A_643 {strides = array<i32>} : memref<50192xi32, #tpu.memory_space<vmem>>, vector<16xi32>, vector<16xi1>
        tpu.vector_store %arg5[%swap3A_752], %and3A_520 masked %le3A_643 {strides = array<i32>} : memref<50192xi32, #tpu.memory_space<vmem>>, vector<16xi32>, vector<16xi1>
        %add3A_754 = arith.addi %add3A_749, %squeeze3A_703 : i32
        %convert_element_type3A_755 = arith.extui %gt3A_603 : vector<16xi1> to vector<16xi32>
        %add3A_756 = arith.addi %add3A_736, %convert_element_type3A_755 : vector<16xi32>
        %swap3A_757 = arith.index_cast %add3A_754 : i32 to index
        %swap3A_758 = tpu.vector_load %arg5[%swap3A_757] masked %le3A_648 {strides = array<i32>} : memref<50192xi32, #tpu.memory_space<vmem>>, vector<16xi32>, vector<16xi1>
        tpu.vector_store %arg5[%swap3A_757], %and3A_528 masked %le3A_648 {strides = array<i32>} : memref<50192xi32, #tpu.memory_space<vmem>>, vector<16xi32>, vector<16xi1>
        %add3A_759 = arith.addi %add3A_754, %squeeze3A_706 : i32
        %convert_element_type3A_760 = arith.extui %gt3A_605 : vector<16xi1> to vector<16xi32>
        %add3A_761 = arith.addi %add3A_741, %convert_element_type3A_760 : vector<16xi32>
        %swap3A_762 = arith.index_cast %add3A_759 : i32 to index
        %swap3A_763 = tpu.vector_load %arg5[%swap3A_762] masked %le3A_653 {strides = array<i32>} : memref<50192xi32, #tpu.memory_space<vmem>>, vector<16xi32>, vector<16xi1>
        tpu.vector_store %arg5[%swap3A_762], %and3A_536 masked %le3A_653 {strides = array<i32>} : memref<50192xi32, #tpu.memory_space<vmem>>, vector<16xi32>, vector<16xi1>
        %add3A_764 = arith.addi %add3A_759, %squeeze3A_709 : i32
        %convert_element_type3A_765 = arith.extui %gt3A_607 : vector<16xi1> to vector<16xi32>
        %add3A_766 = arith.addi %add3A_746, %convert_element_type3A_765 : vector<16xi32>
        %swap3A_767 = arith.index_cast %add3A_764 : i32 to index
        %swap3A_768 = tpu.vector_load %arg5[%swap3A_767] masked %le3A_658 {strides = array<i32>} : memref<50192xi32, #tpu.memory_space<vmem>>, vector<16xi32>, vector<16xi1>
        tpu.vector_store %arg5[%swap3A_767], %and3A_544 masked %le3A_658 {strides = array<i32>} : memref<50192xi32, #tpu.memory_space<vmem>>, vector<16xi32>, vector<16xi1>
        %add3A_769 = arith.addi %add3A_764, %squeeze3A_712 : i32
        %convert_element_type3A_770 = arith.extui %gt3A_609 : vector<16xi1> to vector<16xi32>
        %add3A_771 = arith.addi %add3A_751, %convert_element_type3A_770 : vector<16xi32>
        %swap3A_772 = arith.index_cast %add3A_769 : i32 to index
        %swap3A_773 = tpu.vector_load %arg5[%swap3A_772] masked %le3A_663 {strides = array<i32>} : memref<50192xi32, #tpu.memory_space<vmem>>, vector<16xi32>, vector<16xi1>
        tpu.vector_store %arg5[%swap3A_772], %and3A_552 masked %le3A_663 {strides = array<i32>} : memref<50192xi32, #tpu.memory_space<vmem>>, vector<16xi32>, vector<16xi1>
        %add3A_774 = arith.addi %add3A_769, %squeeze3A_715 : i32
        %convert_element_type3A_775 = arith.extui %gt3A_611 : vector<16xi1> to vector<16xi32>
        %add3A_776 = arith.addi %add3A_756, %convert_element_type3A_775 : vector<16xi32>
        %swap3A_777 = arith.index_cast %add3A_774 : i32 to index
        %swap3A_778 = tpu.vector_load %arg5[%swap3A_777] masked %le3A_668 {strides = array<i32>} : memref<50192xi32, #tpu.memory_space<vmem>>, vector<16xi32>, vector<16xi1>
        tpu.vector_store %arg5[%swap3A_777], %and3A_560 masked %le3A_668 {strides = array<i32>} : memref<50192xi32, #tpu.memory_space<vmem>>, vector<16xi32>, vector<16xi1>
        %add3A_779 = arith.addi %add3A_774, %squeeze3A_718 : i32
        %convert_element_type3A_780 = arith.extui %gt3A_613 : vector<16xi1> to vector<16xi32>
        %add3A_781 = arith.addi %add3A_761, %convert_element_type3A_780 : vector<16xi32>
        %swap3A_782 = arith.index_cast %add3A_779 : i32 to index
        %swap3A_783 = tpu.vector_load %arg5[%swap3A_782] masked %le3A_673 {strides = array<i32>} : memref<50192xi32, #tpu.memory_space<vmem>>, vector<16xi32>, vector<16xi1>
        tpu.vector_store %arg5[%swap3A_782], %and3A_568 masked %le3A_673 {strides = array<i32>} : memref<50192xi32, #tpu.memory_space<vmem>>, vector<16xi32>, vector<16xi1>
        %add3A_784 = arith.addi %add3A_779, %squeeze3A_721 : i32
        %convert_element_type3A_785 = arith.extui %gt3A_615 : vector<16xi1> to vector<16xi32>
        %add3A_786 = arith.addi %add3A_766, %convert_element_type3A_785 : vector<16xi32>
        %swap3A_787 = arith.index_cast %add3A_784 : i32 to index
        %swap3A_788 = tpu.vector_load %arg5[%swap3A_787] masked %le3A_678 {strides = array<i32>} : memref<50192xi32, #tpu.memory_space<vmem>>, vector<16xi32>, vector<16xi1>
        tpu.vector_store %arg5[%swap3A_787], %and3A_576 masked %le3A_678 {strides = array<i32>} : memref<50192xi32, #tpu.memory_space<vmem>>, vector<16xi32>, vector<16xi1>
        %add3A_789 = arith.addi %add3A_784, %squeeze3A_724 : i32
        %convert_element_type3A_790 = arith.extui %gt3A_617 : vector<16xi1> to vector<16xi32>
        %add3A_791 = arith.addi %add3A_771, %convert_element_type3A_790 : vector<16xi32>
        %swap3A_792 = arith.index_cast %add3A_789 : i32 to index
        %swap3A_793 = tpu.vector_load %arg5[%swap3A_792] masked %le3A_683 {strides = array<i32>} : memref<50192xi32, #tpu.memory_space<vmem>>, vector<16xi32>, vector<16xi1>
        tpu.vector_store %arg5[%swap3A_792], %and3A_584 masked %le3A_683 {strides = array<i32>} : memref<50192xi32, #tpu.memory_space<vmem>>, vector<16xi32>, vector<16xi1>
        %add3A_794 = arith.addi %add3A_789, %squeeze3A_727 : i32
        %convert_element_type3A_795 = arith.extui %gt3A_619 : vector<16xi1> to vector<16xi32>
        %add3A_796 = arith.addi %add3A_776, %convert_element_type3A_795 : vector<16xi32>
        %swap3A_797 = arith.index_cast %add3A_794 : i32 to index
        %swap3A_798 = tpu.vector_load %arg5[%swap3A_797] masked %le3A_688 {strides = array<i32>} : memref<50192xi32, #tpu.memory_space<vmem>>, vector<16xi32>, vector<16xi1>
        tpu.vector_store %arg5[%swap3A_797], %and3A_592 masked %le3A_688 {strides = array<i32>} : memref<50192xi32, #tpu.memory_space<vmem>>, vector<16xi32>, vector<16xi1>
        %add3A_799 = arith.addi %add3A_794, %squeeze3A_730 : i32
        scf.yield %add3A_799, %add3A_791, %add3A_796, %add3A_781, %add3A_786 : i32, vector<16xi32>, vector<16xi32>, vector<16xi32>, vector<16xi32>
      }
      %scan3A_51 = arith.constant 224 : i32
      %add3A_52 = arith.addi %scan3A_50#1, %scan3A_50#2 : vector<16xi32>
      %add3A_53 = arith.addi %scan3A_50#3, %scan3A_50#4 : vector<16xi32>
      %add3A_54 = arith.addi %add3A_52, %add3A_53 : vector<16xi32>
      %reduce_sum3A = arith.constant true
      %reduce_sum3A_55 = vector.broadcast %reduce_sum3A : i1 to vector<16xi1>
      %reduce_sum3A_56 = tpu.scan <sum>, %add3A_54 masked %reduce_sum3A_55 : vector<16xi32>, vector<16xi1> -> vector<16xi32>
      %reduce_sum3A_57 = vector.extract %reduce_sum3A_56[15] : i32 from vector<16xi32>
      %lt3A = arith.constant 25088 : i32
      %lt3A_58 = arith.cmpi slt, %reduce_sum3A_57, %lt3A : i32
      %add3A_59 = arith.addi %reduce_sum3A_57, %scan3A_50#0 : i32
      %ge3A = arith.constant 25088 : i32
      %ge3A_60 = arith.cmpi sge, %add3A_59, %ge3A : i32
      %and3A = arith.andi %lt3A_58, %ge3A_60 : i1
      %not3A = arith.constant true
      %not3A_61 = arith.xori %and3A, %not3A : i1
      %convert_element_type3A = arith.extui %not3A_61 : i1 to i32
      %cond3A = arith.constant 0 : i32
      %cond3A_62 = arith.cmpi ne, %convert_element_type3A, %cond3A : i32
      scf.if %cond3A_62 {
        %scan3A_473 = arith.constant 0 : i32
        %scan3A_474 = arith.constant 0 : i32
        %scan3A_475 = arith.constant 784 : i32
        %scan3A_476 = arith.addi %scan3A_474, %scan3A_475 : i32
        %scan3A_477 = arith.constant 1 : i32
        scf.for %scan3A_479 = %scan3A_474 to %scan3A_476 step %scan3A_477  : i32 {
          %mul3A_480 = arith.constant 64 : i32
          %mul3A_481 = arith.muli %scan3A_479, %mul3A_480 : i32
          %add3A_482 = arith.constant 0 : i32
          %add3A_483 = arith.addi %mul3A_481, %add3A_482 : i32
          %get3A_484 = arith.index_cast %add3A_483 : i32 to index
          %get3A_485 = tpu.vector_load %arg4[%get3A_484] {strides = array<i32>} : memref<50176xf32, #tpu.memory_space<vmem>>, vector<16xf32>,
          %bitcast_convert_type3A_486 = tpu.bitcast %get3A_485 : vector<16xf32> -> vector<16xi32>
          %and3A_487 = arith.constant 2147483647 : i32
          %and3A_488 = vector.broadcast %and3A_487 : i32 to vector<16xi32>
          %and3A_489 = arith.andi %bitcast_convert_type3A_486, %and3A_488 : vector<16xi32>
          %add3A_490 = arith.constant 0 : i32
          %add3A_491 = arith.addi %mul3A_481, %add3A_490 : i32
          %swap3A = arith.index_cast %add3A_491 : i32 to index
          %swap3A_492 = tpu.vector_load %arg5[%swap3A] {strides = array<i32>} : memref<50192xi32, #tpu.memory_space<vmem>>, vector<16xi32>,
          tpu.vector_store %arg5[%swap3A], %and3A_489 {strides = array<i32>} : memref<50192xi32, #tpu.memory_space<vmem>>, vector<16xi32>,
          %add3A_493 = arith.constant 16 : i32
          %add3A_494 = arith.addi %mul3A_481, %add3A_493 : i32
          %get3A_495 = arith.index_cast %add3A_494 : i32 to index
          %get3A_496 = tpu.vector_load %arg4[%get3A_495] {strides = array<i32>} : memref<50176xf32, #tpu.memory_space<vmem>>, vector<16xf32>,
          %bitcast_convert_type3A_497 = tpu.bitcast %get3A_496 : vector<16xf32> -> vector<16xi32>
          %and3A_498 = arith.constant 2147483647 : i32
          %and3A_499 = vector.broadcast %and3A_498 : i32 to vector<16xi32>
          %and3A_500 = arith.andi %bitcast_convert_type3A_497, %and3A_499 : vector<16xi32>
          %add3A_501 = arith.constant 16 : i32
          %add3A_502 = arith.addi %mul3A_481, %add3A_501 : i32
          %swap3A_503 = arith.index_cast %add3A_502 : i32 to index
          %swap3A_504 = tpu.vector_load %arg5[%swap3A_503] {strides = array<i32>} : memref<50192xi32, #tpu.memory_space<vmem>>, vector<16xi32>,
          tpu.vector_store %arg5[%swap3A_503], %and3A_500 {strides = array<i32>} : memref<50192xi32, #tpu.memory_space<vmem>>, vector<16xi32>,
          %add3A_505 = arith.constant 32 : i32
          %add3A_506 = arith.addi %mul3A_481, %add3A_505 : i32
          %get3A_507 = arith.index_cast %add3A_506 : i32 to index
          %get3A_508 = tpu.vector_load %arg4[%get3A_507] {strides = array<i32>} : memref<50176xf32, #tpu.memory_space<vmem>>, vector<16xf32>,
          %bitcast_convert_type3A_509 = tpu.bitcast %get3A_508 : vector<16xf32> -> vector<16xi32>
          %and3A_510 = arith.constant 2147483647 : i32
          %and3A_511 = vector.broadcast %and3A_510 : i32 to vector<16xi32>
          %and3A_512 = arith.andi %bitcast_convert_type3A_509, %and3A_511 : vector<16xi32>
          %add3A_513 = arith.constant 32 : i32
          %add3A_514 = arith.addi %mul3A_481, %add3A_513 : i32
          %swap3A_515 = arith.index_cast %add3A_514 : i32 to index
          %swap3A_516 = tpu.vector_load %arg5[%swap3A_515] {strides = array<i32>} : memref<50192xi32, #tpu.memory_space<vmem>>, vector<16xi32>,
          tpu.vector_store %arg5[%swap3A_515], %and3A_512 {strides = array<i32>} : memref<50192xi32, #tpu.memory_space<vmem>>, vector<16xi32>,
          %add3A_517 = arith.constant 48 : i32
          %add3A_518 = arith.addi %mul3A_481, %add3A_517 : i32
          %get3A_519 = arith.index_cast %add3A_518 : i32 to index
          %get3A_520 = tpu.vector_load %arg4[%get3A_519] {strides = array<i32>} : memref<50176xf32, #tpu.memory_space<vmem>>, vector<16xf32>,
          %bitcast_convert_type3A_521 = tpu.bitcast %get3A_520 : vector<16xf32> -> vector<16xi32>
          %and3A_522 = arith.constant 2147483647 : i32
          %and3A_523 = vector.broadcast %and3A_522 : i32 to vector<16xi32>
          %and3A_524 = arith.andi %bitcast_convert_type3A_521, %and3A_523 : vector<16xi32>
          %add3A_525 = arith.constant 48 : i32
          %add3A_526 = arith.addi %mul3A_481, %add3A_525 : i32
          %swap3A_527 = arith.index_cast %add3A_526 : i32 to index
          %swap3A_528 = tpu.vector_load %arg5[%swap3A_527] {strides = array<i32>} : memref<50192xi32, #tpu.memory_space<vmem>>, vector<16xi32>,
          tpu.vector_store %arg5[%swap3A_527], %and3A_524 {strides = array<i32>} : memref<50192xi32, #tpu.memory_space<vmem>>, vector<16xi32>,
        }
        %scan3A_478 = arith.constant 784 : i32
      } else {
      }
      %add3A_63 = arith.constant 1 : i32
      %add3A_64 = arith.addi %scan3A_28, %add3A_63 : i32
      %lt3A_65 = arith.constant 24 : i32
      %lt3A_66 = arith.cmpi slt, %add3A_64, %lt3A_65 : i32
      %convert_element_type3A_67 = arith.extui %lt3A_66 : i1 to i32
      %cond3A_68 = arith.constant 0 : i32
      %cond3A_69 = arith.cmpi ne, %convert_element_type3A_67, %cond3A_68 : i32
      scf.if %cond3A_69 {
        %add3A_473 = arith.constant 1 : i32
        %add3A_474 = arith.addi %add3A_32, %add3A_473 : i32
        %dma_start3A_475 = arith.constant 0 : i32
        %dma_start3A_476 = tpu.memref_slice %arg2[%add3A_474, %dma_start3A_475] : memref<768x50176xf32, #tpu.memory_space<hbm>> -> memref<1x50176xf32, #tpu.memory_space<hbm>>
        %dma_start3A_477 = tpu.memref_squeeze %dma_start3A_476 : memref<1x50176xf32, #tpu.memory_space<hbm>> -> memref<50176xf32, #tpu.memory_space<hbm>>
        %dma_start3A_478 = arith.constant 0 : i32
        %dma_start3A_479 = tpu.memref_slice %arg2[%add3A_474, %dma_start3A_478] : memref<768x50176xf32, #tpu.memory_space<hbm>> -> memref<1x50176xf32, #tpu.memory_space<hbm>>
        %dma_start3A_480 = tpu.memref_squeeze %dma_start3A_479 : memref<1x50176xf32, #tpu.memory_space<hbm>> -> memref<50176xf32, #tpu.memory_space<hbm>>
        tpu.enqueue_dma source(%dma_start3A_480 : memref<50176xf32, #tpu.memory_space<hbm>>) target(%arg4 : memref<50176xf32, #tpu.memory_space<vmem>>) target_semaphore(%arg9 : memref<!tpu.dma_semaphore, #tpu.memory_space<semaphore_mem>>)
      } else {
      }
      %jit3A = arith.constant 50176 : i32
      %select_n3A = arith.select %and3A, %scan3A_50#0, %jit3A : i32
      %sub3A_70 = arith.constant 25088 : i32
      %sub3A_71 = arith.subi %sub3A_70, %reduce_sum3A_57 : i32
      %jit3A_72 = arith.constant 25088 : i32
      %select_n3A_73 = arith.select %and3A, %sub3A_71, %jit3A_72 : i32
      %add3A_74 = arith.constant 64 : i32
      %add3A_75 = arith.addi %select_n3A, %add3A_74 : i32
      %sub3A_76 = arith.constant 1 : i32
      %sub3A_77 = arith.subi %add3A_75, %sub3A_76 : i32
      %jit3A_78 = arith.constant 64 : i32
      %div3A = arith.divsi %sub3A_77, %jit3A_78 : i32
      %sign3A = arith.constant 0 : i32
      %sign3A_79 = arith.cmpi sgt, %sub3A_77, %sign3A : i32
      %sign3A_80 = arith.extui %sign3A_79 : i1 to i32
      %sign3A_81 = arith.constant 0 : i32
      %sign3A_82 = arith.cmpi slt, %sub3A_77, %sign3A_81 : i32
      %sign3A_83 = arith.extui %sign3A_82 : i1 to i32
      %sign3A_84 = arith.subi %sign3A_80, %sign3A_83 : i32
      %sign3A_85 = arith.constant 0 : i32
      %sign3A_86 = arith.cmpi sgt, %jit3A_78, %sign3A_85 : i32
      %sign3A_87 = arith.extui %sign3A_86 : i1 to i32
      %sign3A_88 = arith.constant 0 : i32
      %sign3A_89 = arith.cmpi slt, %jit3A_78, %sign3A_88 : i32
      %sign3A_90 = arith.extui %sign3A_89 : i1 to i32
      %sign3A_91 = arith.subi %sign3A_87, %sign3A_90 : i32
      %ne3A = arith.cmpi ne, %sign3A_84, %sign3A_91 : i32
      %rem3A = arith.remsi %sub3A_77, %jit3A_78 : i32
      %ne3A_92 = arith.constant 0 : i32
      %ne3A_93 = arith.cmpi ne, %rem3A, %ne3A_92 : i32
      %and3A_94 = arith.andi %ne3A, %ne3A_93 : i1
      %sub3A_95 = arith.constant 1 : i32
      %sub3A_96 = arith.subi %div3A, %sub3A_95 : i32
      %select_n3A_97 = arith.select %and3A_94, %sub3A_96, %div3A : i32
      %while3A = arith.constant 0 : i32
      %while3A_98 = arith.constant 0 : i32
      %while3A_99 = arith.subi %select_n3A_97, %while3A_98 : i32
      %while3A_100 = arith.addi %while3A_98, %while3A_99 : i32
      %while3A_101 = arith.constant 1 : i32
      %while3A_102 = arith.divsi %while3A_99, %while3A_101 : i32
      %while3A_103 = arith.muli %while3A_102, %while3A_101 : i32
      %while3A_104 = arith.addi %while3A_98, %while3A_103 : i32
      %while3A_105 = arith.constant 1 : i32
      scf.for %while3A_473 = %while3A_98 to %while3A_104 step %while3A_105  : i32 {
        %mul3A_474 = arith.constant 64 : i32
        %mul3A_475 = arith.muli %while3A_473, %mul3A_474 : i32
        %add3A_476 = arith.constant 0 : i32
        %add3A_477 = arith.addi %mul3A_475, %add3A_476 : i32
        %get3A_478 = arith.index_cast %add3A_477 : i32 to index
        %get3A_479 = tpu.vector_load %arg5[%get3A_478] {strides = array<i32>} : memref<50192xi32, #tpu.memory_space<vmem>>, vector<16xi32>,
        %add3A_480 = arith.constant 16 : i32
        %add3A_481 = arith.addi %mul3A_475, %add3A_480 : i32
        %get3A_482 = arith.index_cast %add3A_481 : i32 to index
        %get3A_483 = tpu.vector_load %arg5[%get3A_482] {strides = array<i32>} : memref<50192xi32, #tpu.memory_space<vmem>>, vector<16xi32>,
        %add3A_484 = arith.constant 32 : i32
        %add3A_485 = arith.addi %mul3A_475, %add3A_484 : i32
        %get3A_486 = arith.index_cast %add3A_485 : i32 to index
        %get3A_487 = tpu.vector_load %arg5[%get3A_486] {strides = array<i32>} : memref<50192xi32, #tpu.memory_space<vmem>>, vector<16xi32>,
        %add3A_488 = arith.constant 48 : i32
        %add3A_489 = arith.addi %mul3A_475, %add3A_488 : i32
        %get3A_490 = arith.index_cast %add3A_489 : i32 to index
        %get3A_491 = tpu.vector_load %arg5[%get3A_490] {strides = array<i32>} : memref<50192xi32, #tpu.memory_space<vmem>>, vector<16xi32>,
        %add3A_492 = arith.constant 0 : i32
        %add3A_493 = arith.addi %mul3A_475, %add3A_492 : i32
        %add3A_494 = vector.broadcast %add3A_493 : i32 to vector<16xi32>
        %add3A_495 = arith.addi %add3A_494, %iota3A : vector<16xi32>
        %lt3A_496 = vector.broadcast %select_n3A : i32 to vector<16xi32>
        %lt3A_497 = arith.cmpi slt, %add3A_495, %lt3A_496 : vector<16xi32>
        %add3A_498 = arith.constant 16 : i32
        %add3A_499 = arith.addi %mul3A_475, %add3A_498 : i32
        %add3A_500 = vector.broadcast %add3A_499 : i32 to vector<16xi32>
        %add3A_501 = arith.addi %add3A_500, %iota3A : vector<16xi32>
        %lt3A_502 = vector.broadcast %select_n3A : i32 to vector<16xi32>
        %lt3A_503 = arith.cmpi slt, %add3A_501, %lt3A_502 : vector<16xi32>
        %add3A_504 = arith.constant 32 : i32
        %add3A_505 = arith.addi %mul3A_475, %add3A_504 : i32
        %add3A_506 = vector.broadcast %add3A_505 : i32 to vector<16xi32>
        %add3A_507 = arith.addi %add3A_506, %iota3A : vector<16xi32>
        %lt3A_508 = vector.broadcast %select_n3A : i32 to vector<16xi32>
        %lt3A_509 = arith.cmpi slt, %add3A_507, %lt3A_508 : vector<16xi32>
        %add3A_510 = arith.constant 48 : i32
        %add3A_511 = arith.addi %mul3A_475, %add3A_510 : i32
        %add3A_512 = vector.broadcast %add3A_511 : i32 to vector<16xi32>
        %add3A_513 = arith.addi %add3A_512, %iota3A : vector<16xi32>
        %lt3A_514 = vector.broadcast %select_n3A : i32 to vector<16xi32>
        %lt3A_515 = arith.cmpi slt, %add3A_513, %lt3A_514 : vector<16xi32>
        %shift_right_logical3A = arith.constant 23 : i32
        %shift_right_logical3A_516 = vector.broadcast %shift_right_logical3A : i32 to vector<16xi32>
        %shift_right_logical3A_517 = arith.shrui %get3A_479, %shift_right_logical3A_516 : vector<16xi32>
        %and3A_518 = arith.constant 255 : i32
        %and3A_519 = vector.broadcast %and3A_518 : i32 to vector<16xi32>
        %and3A_520 = arith.andi %shift_right_logical3A_517, %and3A_519 : vector<16xi32>
        %shift_right_logical3A_521 = arith.constant 23 : i32
        %shift_right_logical3A_522 = vector.broadcast %shift_right_logical3A_521 : i32 to vector<16xi32>
        %shift_right_logical3A_523 = arith.shrui %get3A_483, %shift_right_logical3A_522 : vector<16xi32>
        %and3A_524 = arith.constant 255 : i32
        %and3A_525 = vector.broadcast %and3A_524 : i32 to vector<16xi32>
        %and3A_526 = arith.andi %shift_right_logical3A_523, %and3A_525 : vector<16xi32>
        %shift_right_logical3A_527 = arith.constant 23 : i32
        %shift_right_logical3A_528 = vector.broadcast %shift_right_logical3A_527 : i32 to vector<16xi32>
        %shift_right_logical3A_529 = arith.shrui %get3A_487, %shift_right_logical3A_528 : vector<16xi32>
        %and3A_530 = arith.constant 255 : i32
        %and3A_531 = vector.broadcast %and3A_530 : i32 to vector<16xi32>
        %and3A_532 = arith.andi %shift_right_logical3A_529, %and3A_531 : vector<16xi32>
        %shift_right_logical3A_533 = arith.constant 23 : i32
        %shift_right_logical3A_534 = vector.broadcast %shift_right_logical3A_533 : i32 to vector<16xi32>
        %shift_right_logical3A_535 = arith.shrui %get3A_491, %shift_right_logical3A_534 : vector<16xi32>
        %and3A_536 = arith.constant 255 : i32
        %and3A_537 = vector.broadcast %and3A_536 : i32 to vector<16xi32>
        %and3A_538 = arith.andi %shift_right_logical3A_535, %and3A_537 : vector<16xi32>
        %add3A_539 = arith.addi %mul3A_3, %and3A_520 : vector<16xi32>
        tpu.vector_store_idx %arg6[%add3A_539], %broadcast_in_dim3A_4 masked %lt3A_497 {add = true} : memref<4112xi32, #tpu.memory_space<vmem>>[vector<16xi32>], vector<16xi32>, vector<16xi1>
        %add3A_540 = arith.addi %mul3A_3, %and3A_526 : vector<16xi32>
        tpu.vector_store_idx %arg6[%add3A_540], %broadcast_in_dim3A_4 masked %lt3A_503 {add = true} : memref<4112xi32, #tpu.memory_space<vmem>>[vector<16xi32>], vector<16xi32>, vector<16xi1>
        %add3A_541 = arith.addi %mul3A_3, %and3A_532 : vector<16xi32>
        tpu.vector_store_idx %arg6[%add3A_541], %broadcast_in_dim3A_4 masked %lt3A_509 {add = true} : memref<4112xi32, #tpu.memory_space<vmem>>[vector<16xi32>], vector<16xi32>, vector<16xi1>
        %add3A_542 = arith.addi %mul3A_3, %and3A_538 : vector<16xi32>
        tpu.vector_store_idx %arg6[%add3A_542], %broadcast_in_dim3A_4 masked %lt3A_515 {add = true} : memref<4112xi32, #tpu.memory_space<vmem>>[vector<16xi32>], vector<16xi32>, vector<16xi1>
      }
      %while3A_106 = arith.constant 1 : i32
      scf.for %while3A_473 = %while3A_104 to %while3A_100 step %while3A_106  : i32 {
        %mul3A_474 = arith.constant 64 : i32
        %mul3A_475 = arith.muli %while3A_473, %mul3A_474 : i32
        %add3A_476 = arith.constant 0 : i32
        %add3A_477 = arith.addi %mul3A_475, %add3A_476 : i32
        %get3A_478 = arith.index_cast %add3A_477 : i32 to index
        %get3A_479 = tpu.vector_load %arg5[%get3A_478] {strides = array<i32>} : memref<50192xi32, #tpu.memory_space<vmem>>, vector<16xi32>,
        %add3A_480 = arith.constant 16 : i32
        %add3A_481 = arith.addi %mul3A_475, %add3A_480 : i32
        %get3A_482 = arith.index_cast %add3A_481 : i32 to index
        %get3A_483 = tpu.vector_load %arg5[%get3A_482] {strides = array<i32>} : memref<50192xi32, #tpu.memory_space<vmem>>, vector<16xi32>,
        %add3A_484 = arith.constant 32 : i32
        %add3A_485 = arith.addi %mul3A_475, %add3A_484 : i32
        %get3A_486 = arith.index_cast %add3A_485 : i32 to index
        %get3A_487 = tpu.vector_load %arg5[%get3A_486] {strides = array<i32>} : memref<50192xi32, #tpu.memory_space<vmem>>, vector<16xi32>,
        %add3A_488 = arith.constant 48 : i32
        %add3A_489 = arith.addi %mul3A_475, %add3A_488 : i32
        %get3A_490 = arith.index_cast %add3A_489 : i32 to index
        %get3A_491 = tpu.vector_load %arg5[%get3A_490] {strides = array<i32>} : memref<50192xi32, #tpu.memory_space<vmem>>, vector<16xi32>,
        %add3A_492 = arith.constant 0 : i32
        %add3A_493 = arith.addi %mul3A_475, %add3A_492 : i32
        %add3A_494 = vector.broadcast %add3A_493 : i32 to vector<16xi32>
        %add3A_495 = arith.addi %add3A_494, %iota3A : vector<16xi32>
        %lt3A_496 = vector.broadcast %select_n3A : i32 to vector<16xi32>
        %lt3A_497 = arith.cmpi slt, %add3A_495, %lt3A_496 : vector<16xi32>
        %add3A_498 = arith.constant 16 : i32
        %add3A_499 = arith.addi %mul3A_475, %add3A_498 : i32
        %add3A_500 = vector.broadcast %add3A_499 : i32 to vector<16xi32>
        %add3A_501 = arith.addi %add3A_500, %iota3A : vector<16xi32>
        %lt3A_502 = vector.broadcast %select_n3A : i32 to vector<16xi32>
        %lt3A_503 = arith.cmpi slt, %add3A_501, %lt3A_502 : vector<16xi32>
        %add3A_504 = arith.constant 32 : i32
        %add3A_505 = arith.addi %mul3A_475, %add3A_504 : i32
        %add3A_506 = vector.broadcast %add3A_505 : i32 to vector<16xi32>
        %add3A_507 = arith.addi %add3A_506, %iota3A : vector<16xi32>
        %lt3A_508 = vector.broadcast %select_n3A : i32 to vector<16xi32>
        %lt3A_509 = arith.cmpi slt, %add3A_507, %lt3A_508 : vector<16xi32>
        %add3A_510 = arith.constant 48 : i32
        %add3A_511 = arith.addi %mul3A_475, %add3A_510 : i32
        %add3A_512 = vector.broadcast %add3A_511 : i32 to vector<16xi32>
        %add3A_513 = arith.addi %add3A_512, %iota3A : vector<16xi32>
        %lt3A_514 = vector.broadcast %select_n3A : i32 to vector<16xi32>
        %lt3A_515 = arith.cmpi slt, %add3A_513, %lt3A_514 : vector<16xi32>
        %shift_right_logical3A = arith.constant 23 : i32
        %shift_right_logical3A_516 = vector.broadcast %shift_right_logical3A : i32 to vector<16xi32>
        %shift_right_logical3A_517 = arith.shrui %get3A_479, %shift_right_logical3A_516 : vector<16xi32>
        %and3A_518 = arith.constant 255 : i32
        %and3A_519 = vector.broadcast %and3A_518 : i32 to vector<16xi32>
        %and3A_520 = arith.andi %shift_right_logical3A_517, %and3A_519 : vector<16xi32>
        %shift_right_logical3A_521 = arith.constant 23 : i32
        %shift_right_logical3A_522 = vector.broadcast %shift_right_logical3A_521 : i32 to vector<16xi32>
        %shift_right_logical3A_523 = arith.shrui %get3A_483, %shift_right_logical3A_522 : vector<16xi32>
        %and3A_524 = arith.constant 255 : i32
        %and3A_525 = vector.broadcast %and3A_524 : i32 to vector<16xi32>
        %and3A_526 = arith.andi %shift_right_logical3A_523, %and3A_525 : vector<16xi32>
        %shift_right_logical3A_527 = arith.constant 23 : i32
        %shift_right_logical3A_528 = vector.broadcast %shift_right_logical3A_527 : i32 to vector<16xi32>
        %shift_right_logical3A_529 = arith.shrui %get3A_487, %shift_right_logical3A_528 : vector<16xi32>
        %and3A_530 = arith.constant 255 : i32
        %and3A_531 = vector.broadcast %and3A_530 : i32 to vector<16xi32>
        %and3A_532 = arith.andi %shift_right_logical3A_529, %and3A_531 : vector<16xi32>
        %shift_right_logical3A_533 = arith.constant 23 : i32
        %shift_right_logical3A_534 = vector.broadcast %shift_right_logical3A_533 : i32 to vector<16xi32>
        %shift_right_logical3A_535 = arith.shrui %get3A_491, %shift_right_logical3A_534 : vector<16xi32>
        %and3A_536 = arith.constant 255 : i32
        %and3A_537 = vector.broadcast %and3A_536 : i32 to vector<16xi32>
        %and3A_538 = arith.andi %shift_right_logical3A_535, %and3A_537 : vector<16xi32>
        %add3A_539 = arith.addi %mul3A_3, %and3A_520 : vector<16xi32>
        tpu.vector_store_idx %arg6[%add3A_539], %broadcast_in_dim3A_4 masked %lt3A_497 {add = true} : memref<4112xi32, #tpu.memory_space<vmem>>[vector<16xi32>], vector<16xi32>, vector<16xi1>
        %add3A_540 = arith.addi %mul3A_3, %and3A_526 : vector<16xi32>
        tpu.vector_store_idx %arg6[%add3A_540], %broadcast_in_dim3A_4 masked %lt3A_503 {add = true} : memref<4112xi32, #tpu.memory_space<vmem>>[vector<16xi32>], vector<16xi32>, vector<16xi1>
        %add3A_541 = arith.addi %mul3A_3, %and3A_532 : vector<16xi32>
        tpu.vector_store_idx %arg6[%add3A_541], %broadcast_in_dim3A_4 masked %lt3A_509 {add = true} : memref<4112xi32, #tpu.memory_space<vmem>>[vector<16xi32>], vector<16xi32>, vector<16xi1>
        %add3A_542 = arith.addi %mul3A_3, %and3A_538 : vector<16xi32>
        tpu.vector_store_idx %arg6[%add3A_542], %broadcast_in_dim3A_4 masked %lt3A_515 {add = true} : memref<4112xi32, #tpu.memory_space<vmem>>[vector<16xi32>], vector<16xi32>, vector<16xi1>
      }
      %broadcast_in_dim3A_107 = arith.constant 0 : i32
      %broadcast_in_dim3A_108 = vector.broadcast %broadcast_in_dim3A_107 : i32 to vector<16xi32>
      %scan3A_109 = arith.constant 0 : i32
      %scan3A_110 = arith.constant 0 : i32
      %scan3A_111 = arith.constant 16 : i32
      %scan3A_112 = arith.addi %scan3A_110, %scan3A_111 : i32
      %scan3A_113 = arith.constant 1 : i32
      scf.for %scan3A_473 = %scan3A_110 to %scan3A_112 step %scan3A_113  : i32 {
        %mul3A_474 = arith.constant 16 : i32
        %mul3A_475 = arith.muli %scan3A_473, %mul3A_474 : i32
        %add3A_476 = arith.constant 0 : i32
        %add3A_477 = arith.addi %add3A_476, %mul3A_475 : i32
        %get3A_478 = arith.index_cast %add3A_477 : i32 to index
        %get3A_479 = tpu.vector_load %arg6[%get3A_478] {strides = array<i32>} : memref<4112xi32, #tpu.memory_space<vmem>>, vector<16xi32>,
        %mul3A_480 = arith.constant 16 : i32
        %mul3A_481 = arith.muli %scan3A_473, %mul3A_480 : i32
        %add3A_482 = arith.constant 257 : i32
        %add3A_483 = arith.addi %add3A_482, %mul3A_481 : i32
        %get3A_484 = arith.index_cast %add3A_483 : i32 to index
        %get3A_485 = tpu.vector_load %arg6[%get3A_484] {strides = array<i32>} : memref<4112xi32, #tpu.memory_space<vmem>>, vector<16xi32>,
        %mul3A_486 = arith.constant 16 : i32
        %mul3A_487 = arith.muli %scan3A_473, %mul3A_486 : i32
        %add3A_488 = arith.constant 514 : i32
        %add3A_489 = arith.addi %add3A_488, %mul3A_487 : i32
        %get3A_490 = arith.index_cast %add3A_489 : i32 to index
        %get3A_491 = tpu.vector_load %arg6[%get3A_490] {strides = array<i32>} : memref<4112xi32, #tpu.memory_space<vmem>>, vector<16xi32>,
        %mul3A_492 = arith.constant 16 : i32
        %mul3A_493 = arith.muli %scan3A_473, %mul3A_492 : i32
        %add3A_494 = arith.constant 771 : i32
        %add3A_495 = arith.addi %add3A_494, %mul3A_493 : i32
        %get3A_496 = arith.index_cast %add3A_495 : i32 to index
        %get3A_497 = tpu.vector_load %arg6[%get3A_496] {strides = array<i32>} : memref<4112xi32, #tpu.memory_space<vmem>>, vector<16xi32>,
        %mul3A_498 = arith.constant 16 : i32
        %mul3A_499 = arith.muli %scan3A_473, %mul3A_498 : i32
        %add3A_500 = arith.constant 1028 : i32
        %add3A_501 = arith.addi %add3A_500, %mul3A_499 : i32
        %get3A_502 = arith.index_cast %add3A_501 : i32 to index
        %get3A_503 = tpu.vector_load %arg6[%get3A_502] {strides = array<i32>} : memref<4112xi32, #tpu.memory_space<vmem>>, vector<16xi32>,
        %mul3A_504 = arith.constant 16 : i32
        %mul3A_505 = arith.muli %scan3A_473, %mul3A_504 : i32
        %add3A_506 = arith.constant 1285 : i32
        %add3A_507 = arith.addi %add3A_506, %mul3A_505 : i32
        %get3A_508 = arith.index_cast %add3A_507 : i32 to index
        %get3A_509 = tpu.vector_load %arg6[%get3A_508] {strides = array<i32>} : memref<4112xi32, #tpu.memory_space<vmem>>, vector<16xi32>,
        %mul3A_510 = arith.constant 16 : i32
        %mul3A_511 = arith.muli %scan3A_473, %mul3A_510 : i32
        %add3A_512 = arith.constant 1542 : i32
        %add3A_513 = arith.addi %add3A_512, %mul3A_511 : i32
        %get3A_514 = arith.index_cast %add3A_513 : i32 to index
        %get3A_515 = tpu.vector_load %arg6[%get3A_514] {strides = array<i32>} : memref<4112xi32, #tpu.memory_space<vmem>>, vector<16xi32>,
        %mul3A_516 = arith.constant 16 : i32
        %mul3A_517 = arith.muli %scan3A_473, %mul3A_516 : i32
        %add3A_518 = arith.constant 1799 : i32
        %add3A_519 = arith.addi %add3A_518, %mul3A_517 : i32
        %get3A_520 = arith.index_cast %add3A_519 : i32 to index
        %get3A_521 = tpu.vector_load %arg6[%get3A_520] {strides = array<i32>} : memref<4112xi32, #tpu.memory_space<vmem>>, vector<16xi32>,
        %mul3A_522 = arith.constant 16 : i32
        %mul3A_523 = arith.muli %scan3A_473, %mul3A_522 : i32
        %add3A_524 = arith.constant 2056 : i32
        %add3A_525 = arith.addi %add3A_524, %mul3A_523 : i32
        %get3A_526 = arith.index_cast %add3A_525 : i32 to index
        %get3A_527 = tpu.vector_load %arg6[%get3A_526] {strides = array<i32>} : memref<4112xi32, #tpu.memory_space<vmem>>, vector<16xi32>,
        %mul3A_528 = arith.constant 16 : i32
        %mul3A_529 = arith.muli %scan3A_473, %mul3A_528 : i32
        %add3A_530 = arith.constant 2313 : i32
        %add3A_531 = arith.addi %add3A_530, %mul3A_529 : i32
        %get3A_532 = arith.index_cast %add3A_531 : i32 to index
        %get3A_533 = tpu.vector_load %arg6[%get3A_532] {strides = array<i32>} : memref<4112xi32, #tpu.memory_space<vmem>>, vector<16xi32>,
        %mul3A_534 = arith.constant 16 : i32
        %mul3A_535 = arith.muli %scan3A_473, %mul3A_534 : i32
        %add3A_536 = arith.constant 2570 : i32
        %add3A_537 = arith.addi %add3A_536, %mul3A_535 : i32
        %get3A_538 = arith.index_cast %add3A_537 : i32 to index
        %get3A_539 = tpu.vector_load %arg6[%get3A_538] {strides = array<i32>} : memref<4112xi32, #tpu.memory_space<vmem>>, vector<16xi32>,
        %mul3A_540 = arith.constant 16 : i32
        %mul3A_541 = arith.muli %scan3A_473, %mul3A_540 : i32
        %add3A_542 = arith.constant 2827 : i32
        %add3A_543 = arith.addi %add3A_542, %mul3A_541 : i32
        %get3A_544 = arith.index_cast %add3A_543 : i32 to index
        %get3A_545 = tpu.vector_load %arg6[%get3A_544] {strides = array<i32>} : memref<4112xi32, #tpu.memory_space<vmem>>, vector<16xi32>,
        %mul3A_546 = arith.constant 16 : i32
        %mul3A_547 = arith.muli %scan3A_473, %mul3A_546 : i32
        %add3A_548 = arith.constant 3084 : i32
        %add3A_549 = arith.addi %add3A_548, %mul3A_547 : i32
        %get3A_550 = arith.index_cast %add3A_549 : i32 to index
        %get3A_551 = tpu.vector_load %arg6[%get3A_550] {strides = array<i32>} : memref<4112xi32, #tpu.memory_space<vmem>>, vector<16xi32>,
        %mul3A_552 = arith.constant 16 : i32
        %mul3A_553 = arith.muli %scan3A_473, %mul3A_552 : i32
        %add3A_554 = arith.constant 3341 : i32
        %add3A_555 = arith.addi %add3A_554, %mul3A_553 : i32
        %get3A_556 = arith.index_cast %add3A_555 : i32 to index
        %get3A_557 = tpu.vector_load %arg6[%get3A_556] {strides = array<i32>} : memref<4112xi32, #tpu.memory_space<vmem>>, vector<16xi32>,
        %mul3A_558 = arith.constant 16 : i32
        %mul3A_559 = arith.muli %scan3A_473, %mul3A_558 : i32
        %add3A_560 = arith.constant 3598 : i32
        %add3A_561 = arith.addi %add3A_560, %mul3A_559 : i32
        %get3A_562 = arith.index_cast %add3A_561 : i32 to index
        %get3A_563 = tpu.vector_load %arg6[%get3A_562] {strides = array<i32>} : memref<4112xi32, #tpu.memory_space<vmem>>, vector<16xi32>,
        %mul3A_564 = arith.constant 16 : i32
        %mul3A_565 = arith.muli %scan3A_473, %mul3A_564 : i32
        %add3A_566 = arith.constant 3855 : i32
        %add3A_567 = arith.addi %add3A_566, %mul3A_565 : i32
        %get3A_568 = arith.index_cast %add3A_567 : i32 to index
        %get3A_569 = tpu.vector_load %arg6[%get3A_568] {strides = array<i32>} : memref<4112xi32, #tpu.memory_space<vmem>>, vector<16xi32>,
        %mul3A_570 = arith.constant 16 : i32
        %mul3A_571 = arith.muli %scan3A_473, %mul3A_570 : i32
        %add3A_572 = arith.constant 0 : i32
        %add3A_573 = arith.addi %add3A_572, %mul3A_571 : i32
        %swap3A = arith.index_cast %add3A_573 : i32 to index
        %swap3A_574 = tpu.vector_load %arg6[%swap3A] {strides = array<i32>} : memref<4112xi32, #tpu.memory_space<vmem>>, vector<16xi32>,
        tpu.vector_store %arg6[%swap3A], %broadcast_in_dim3A_108 {strides = array<i32>} : memref<4112xi32, #tpu.memory_space<vmem>>, vector<16xi32>,
        %mul3A_575 = arith.constant 16 : i32
        %mul3A_576 = arith.muli %scan3A_473, %mul3A_575 : i32
        %add3A_577 = arith.constant 257 : i32
        %add3A_578 = arith.addi %add3A_577, %mul3A_576 : i32
        %swap3A_579 = arith.index_cast %add3A_578 : i32 to index
        %swap3A_580 = tpu.vector_load %arg6[%swap3A_579] {strides = array<i32>} : memref<4112xi32, #tpu.memory_space<vmem>>, vector<16xi32>,
        tpu.vector_store %arg6[%swap3A_579], %broadcast_in_dim3A_108 {strides = array<i32>} : memref<4112xi32, #tpu.memory_space<vmem>>, vector<16xi32>,
        %mul3A_581 = arith.constant 16 : i32
        %mul3A_582 = arith.muli %scan3A_473, %mul3A_581 : i32
        %add3A_583 = arith.constant 514 : i32
        %add3A_584 = arith.addi %add3A_583, %mul3A_582 : i32
        %swap3A_585 = arith.index_cast %add3A_584 : i32 to index
        %swap3A_586 = tpu.vector_load %arg6[%swap3A_585] {strides = array<i32>} : memref<4112xi32, #tpu.memory_space<vmem>>, vector<16xi32>,
        tpu.vector_store %arg6[%swap3A_585], %broadcast_in_dim3A_108 {strides = array<i32>} : memref<4112xi32, #tpu.memory_space<vmem>>, vector<16xi32>,
        %mul3A_587 = arith.constant 16 : i32
        %mul3A_588 = arith.muli %scan3A_473, %mul3A_587 : i32
        %add3A_589 = arith.constant 771 : i32
        %add3A_590 = arith.addi %add3A_589, %mul3A_588 : i32
        %swap3A_591 = arith.index_cast %add3A_590 : i32 to index
        %swap3A_592 = tpu.vector_load %arg6[%swap3A_591] {strides = array<i32>} : memref<4112xi32, #tpu.memory_space<vmem>>, vector<16xi32>,
        tpu.vector_store %arg6[%swap3A_591], %broadcast_in_dim3A_108 {strides = array<i32>} : memref<4112xi32, #tpu.memory_space<vmem>>, vector<16xi32>,
        %mul3A_593 = arith.constant 16 : i32
        %mul3A_594 = arith.muli %scan3A_473, %mul3A_593 : i32
        %add3A_595 = arith.constant 1028 : i32
        %add3A_596 = arith.addi %add3A_595, %mul3A_594 : i32
        %swap3A_597 = arith.index_cast %add3A_596 : i32 to index
        %swap3A_598 = tpu.vector_load %arg6[%swap3A_597] {strides = array<i32>} : memref<4112xi32, #tpu.memory_space<vmem>>, vector<16xi32>,
        tpu.vector_store %arg6[%swap3A_597], %broadcast_in_dim3A_108 {strides = array<i32>} : memref<4112xi32, #tpu.memory_space<vmem>>, vector<16xi32>,
        %mul3A_599 = arith.constant 16 : i32
        %mul3A_600 = arith.muli %scan3A_473, %mul3A_599 : i32
        %add3A_601 = arith.constant 1285 : i32
        %add3A_602 = arith.addi %add3A_601, %mul3A_600 : i32
        %swap3A_603 = arith.index_cast %add3A_602 : i32 to index
        %swap3A_604 = tpu.vector_load %arg6[%swap3A_603] {strides = array<i32>} : memref<4112xi32, #tpu.memory_space<vmem>>, vector<16xi32>,
        tpu.vector_store %arg6[%swap3A_603], %broadcast_in_dim3A_108 {strides = array<i32>} : memref<4112xi32, #tpu.memory_space<vmem>>, vector<16xi32>,
        %mul3A_605 = arith.constant 16 : i32
        %mul3A_606 = arith.muli %scan3A_473, %mul3A_605 : i32
        %add3A_607 = arith.constant 1542 : i32
        %add3A_608 = arith.addi %add3A_607, %mul3A_606 : i32
        %swap3A_609 = arith.index_cast %add3A_608 : i32 to index
        %swap3A_610 = tpu.vector_load %arg6[%swap3A_609] {strides = array<i32>} : memref<4112xi32, #tpu.memory_space<vmem>>, vector<16xi32>,
        tpu.vector_store %arg6[%swap3A_609], %broadcast_in_dim3A_108 {strides = array<i32>} : memref<4112xi32, #tpu.memory_space<vmem>>, vector<16xi32>,
        %mul3A_611 = arith.constant 16 : i32
        %mul3A_612 = arith.muli %scan3A_473, %mul3A_611 : i32
        %add3A_613 = arith.constant 1799 : i32
        %add3A_614 = arith.addi %add3A_613, %mul3A_612 : i32
        %swap3A_615 = arith.index_cast %add3A_614 : i32 to index
        %swap3A_616 = tpu.vector_load %arg6[%swap3A_615] {strides = array<i32>} : memref<4112xi32, #tpu.memory_space<vmem>>, vector<16xi32>,
        tpu.vector_store %arg6[%swap3A_615], %broadcast_in_dim3A_108 {strides = array<i32>} : memref<4112xi32, #tpu.memory_space<vmem>>, vector<16xi32>,
        %mul3A_617 = arith.constant 16 : i32
        %mul3A_618 = arith.muli %scan3A_473, %mul3A_617 : i32
        %add3A_619 = arith.constant 2056 : i32
        %add3A_620 = arith.addi %add3A_619, %mul3A_618 : i32
        %swap3A_621 = arith.index_cast %add3A_620 : i32 to index
        %swap3A_622 = tpu.vector_load %arg6[%swap3A_621] {strides = array<i32>} : memref<4112xi32, #tpu.memory_space<vmem>>, vector<16xi32>,
        tpu.vector_store %arg6[%swap3A_621], %broadcast_in_dim3A_108 {strides = array<i32>} : memref<4112xi32, #tpu.memory_space<vmem>>, vector<16xi32>,
        %mul3A_623 = arith.constant 16 : i32
        %mul3A_624 = arith.muli %scan3A_473, %mul3A_623 : i32
        %add3A_625 = arith.constant 2313 : i32
        %add3A_626 = arith.addi %add3A_625, %mul3A_624 : i32
        %swap3A_627 = arith.index_cast %add3A_626 : i32 to index
        %swap3A_628 = tpu.vector_load %arg6[%swap3A_627] {strides = array<i32>} : memref<4112xi32, #tpu.memory_space<vmem>>, vector<16xi32>,
        tpu.vector_store %arg6[%swap3A_627], %broadcast_in_dim3A_108 {strides = array<i32>} : memref<4112xi32, #tpu.memory_space<vmem>>, vector<16xi32>,
        %mul3A_629 = arith.constant 16 : i32
        %mul3A_630 = arith.muli %scan3A_473, %mul3A_629 : i32
        %add3A_631 = arith.constant 2570 : i32
        %add3A_632 = arith.addi %add3A_631, %mul3A_630 : i32
        %swap3A_633 = arith.index_cast %add3A_632 : i32 to index
        %swap3A_634 = tpu.vector_load %arg6[%swap3A_633] {strides = array<i32>} : memref<4112xi32, #tpu.memory_space<vmem>>, vector<16xi32>,
        tpu.vector_store %arg6[%swap3A_633], %broadcast_in_dim3A_108 {strides = array<i32>} : memref<4112xi32, #tpu.memory_space<vmem>>, vector<16xi32>,
        %mul3A_635 = arith.constant 16 : i32
        %mul3A_636 = arith.muli %scan3A_473, %mul3A_635 : i32
        %add3A_637 = arith.constant 2827 : i32
        %add3A_638 = arith.addi %add3A_637, %mul3A_636 : i32
        %swap3A_639 = arith.index_cast %add3A_638 : i32 to index
        %swap3A_640 = tpu.vector_load %arg6[%swap3A_639] {strides = array<i32>} : memref<4112xi32, #tpu.memory_space<vmem>>, vector<16xi32>,
        tpu.vector_store %arg6[%swap3A_639], %broadcast_in_dim3A_108 {strides = array<i32>} : memref<4112xi32, #tpu.memory_space<vmem>>, vector<16xi32>,
        %mul3A_641 = arith.constant 16 : i32
        %mul3A_642 = arith.muli %scan3A_473, %mul3A_641 : i32
        %add3A_643 = arith.constant 3084 : i32
        %add3A_644 = arith.addi %add3A_643, %mul3A_642 : i32
        %swap3A_645 = arith.index_cast %add3A_644 : i32 to index
        %swap3A_646 = tpu.vector_load %arg6[%swap3A_645] {strides = array<i32>} : memref<4112xi32, #tpu.memory_space<vmem>>, vector<16xi32>,
        tpu.vector_store %arg6[%swap3A_645], %broadcast_in_dim3A_108 {strides = array<i32>} : memref<4112xi32, #tpu.memory_space<vmem>>, vector<16xi32>,
        %mul3A_647 = arith.constant 16 : i32
        %mul3A_648 = arith.muli %scan3A_473, %mul3A_647 : i32
        %add3A_649 = arith.constant 3341 : i32
        %add3A_650 = arith.addi %add3A_649, %mul3A_648 : i32
        %swap3A_651 = arith.index_cast %add3A_650 : i32 to index
        %swap3A_652 = tpu.vector_load %arg6[%swap3A_651] {strides = array<i32>} : memref<4112xi32, #tpu.memory_space<vmem>>, vector<16xi32>,
        tpu.vector_store %arg6[%swap3A_651], %broadcast_in_dim3A_108 {strides = array<i32>} : memref<4112xi32, #tpu.memory_space<vmem>>, vector<16xi32>,
        %mul3A_653 = arith.constant 16 : i32
        %mul3A_654 = arith.muli %scan3A_473, %mul3A_653 : i32
        %add3A_655 = arith.constant 3598 : i32
        %add3A_656 = arith.addi %add3A_655, %mul3A_654 : i32
        %swap3A_657 = arith.index_cast %add3A_656 : i32 to index
        %swap3A_658 = tpu.vector_load %arg6[%swap3A_657] {strides = array<i32>} : memref<4112xi32, #tpu.memory_space<vmem>>, vector<16xi32>,
        tpu.vector_store %arg6[%swap3A_657], %broadcast_in_dim3A_108 {strides = array<i32>} : memref<4112xi32, #tpu.memory_space<vmem>>, vector<16xi32>,
        %mul3A_659 = arith.constant 16 : i32
        %mul3A_660 = arith.muli %scan3A_473, %mul3A_659 : i32
        %add3A_661 = arith.constant 3855 : i32
        %add3A_662 = arith.addi %add3A_661, %mul3A_660 : i32
        %swap3A_663 = arith.index_cast %add3A_662 : i32 to index
        %swap3A_664 = tpu.vector_load %arg6[%swap3A_663] {strides = array<i32>} : memref<4112xi32, #tpu.memory_space<vmem>>, vector<16xi32>,
        tpu.vector_store %arg6[%swap3A_663], %broadcast_in_dim3A_108 {strides = array<i32>} : memref<4112xi32, #tpu.memory_space<vmem>>, vector<16xi32>,
        %add3A_665 = arith.addi %get3A_479, %get3A_485 : vector<16xi32>
        %add3A_666 = arith.addi %get3A_491, %get3A_497 : vector<16xi32>
        %add3A_667 = arith.addi %get3A_503, %get3A_509 : vector<16xi32>
        %add3A_668 = arith.addi %get3A_515, %get3A_521 : vector<16xi32>
        %add3A_669 = arith.addi %get3A_527, %get3A_533 : vector<16xi32>
        %add3A_670 = arith.addi %get3A_539, %get3A_545 : vector<16xi32>
        %add3A_671 = arith.addi %get3A_551, %get3A_557 : vector<16xi32>
        %add3A_672 = arith.addi %get3A_563, %get3A_569 : vector<16xi32>
        %add3A_673 = arith.addi %add3A_665, %add3A_666 : vector<16xi32>
        %add3A_674 = arith.addi %add3A_667, %add3A_668 : vector<16xi32>
        %add3A_675 = arith.addi %add3A_669, %add3A_670 : vector<16xi32>
        %add3A_676 = arith.addi %add3A_671, %add3A_672 : vector<16xi32>
        %add3A_677 = arith.addi %add3A_673, %add3A_674 : vector<16xi32>
        %add3A_678 = arith.addi %add3A_675, %add3A_676 : vector<16xi32>
        %add3A_679 = arith.addi %add3A_677, %add3A_678 : vector<16xi32>
        %mul3A_680 = arith.constant 16 : i32
        %mul3A_681 = arith.muli %scan3A_473, %mul3A_680 : i32
        %swap3A_682 = arith.index_cast %mul3A_681 : i32 to index
        %swap3A_683 = tpu.vector_load %arg7[%swap3A_682] {strides = array<i32>} : memref<272xi32, #tpu.memory_space<vmem>>, vector<16xi32>,
        tpu.vector_store %arg7[%swap3A_682], %add3A_679 {strides = array<i32>} : memref<272xi32, #tpu.memory_space<vmem>>, vector<16xi32>,
      }
      %scan3A_114 = arith.constant 16 : i32
      %iota3A_115 = tpu.iota {dimensions = array<i32: 0>} : vector<16xi32>
      %while3A_116 = arith.constant 0 : i32
      %while3A_117 = arith.constant 16 : i32
      %while3A_118:2 = scf.while (%while3A_473 = %while3A_116, %while3A_474 = %while3A_117) : (i32, i32) -> (i32, i32) {
        %lt3A_475 = arith.cmpi slt, %while3A_473, %select_n3A_73 : i32
        scf.condition(%lt3A_475) %while3A_473, %while3A_474 : i32, i32
      } do {
      ^bb0(%while3A_473: i32, %while3A_474: i32):
        %sub3A_475 = arith.constant 1 : i32
        %sub3A_476 = arith.subi %while3A_474, %sub3A_475 : i32
        %mul3A_477 = arith.constant 16 : i32
        %mul3A_478 = arith.muli %sub3A_476, %mul3A_477 : i32
        %get3A_479 = arith.index_cast %mul3A_478 : i32 to index
        %get3A_480 = tpu.vector_load %arg7[%get3A_479] {strides = array<i32>} : memref<272xi32, #tpu.memory_space<vmem>>, vector<16xi32>,
        %reduce_sum3A_481 = arith.constant true
        %reduce_sum3A_482 = vector.broadcast %reduce_sum3A_481 : i1 to vector<16xi1>
        %reduce_sum3A_483 = tpu.scan <sum>, %get3A_480 masked %reduce_sum3A_482 : vector<16xi32>, vector<16xi1> -> vector<16xi32>
        %reduce_sum3A_484 = vector.extract %reduce_sum3A_483[15] : i32 from vector<16xi32>
        %add3A_485 = arith.addi %while3A_473, %reduce_sum3A_484 : i32
        scf.yield %add3A_485, %sub3A_476 : i32, i32
      }
      %mul3A_119 = arith.constant 16 : i32
      %mul3A_120 = arith.muli %while3A_118#1, %mul3A_119 : i32
      %get3A = arith.index_cast %mul3A_120 : i32 to index
      %get3A_121 = tpu.vector_load %arg7[%get3A] {strides = array<i32>} : memref<272xi32, #tpu.memory_space<vmem>>, vector<16xi32>,
      %reduce_sum3A_122 = arith.constant true
      %reduce_sum3A_123 = vector.broadcast %reduce_sum3A_122 : i1 to vector<16xi1>
      %reduce_sum3A_124 = tpu.scan <sum>, %get3A_121 masked %reduce_sum3A_123 : vector<16xi32>, vector<16xi1> -> vector<16xi32>
      %reduce_sum3A_125 = vector.extract %reduce_sum3A_124[15] : i32 from vector<16xi32>
      %sub3A_126 = arith.subi %while3A_118#0, %reduce_sum3A_125 : i32
      %rev3A = arith.constant 15 : i32
      %rev3A_127 = vector.broadcast %rev3A : i32 to vector<16xi32>
      %rev3A_128 = tpu.iota {dimensions = array<i32: 0>} : vector<16xi32>
      %rev3A_129 = arith.subi %rev3A_127, %rev3A_128 : vector<16xi32>
      %rev3A_130 = tpu.dynamic_gather %get3A_121[%rev3A_129] in [0] : vector<16xi32>, vector<16xi32> -> vector<16xi32>
      %broadcast_in_dim3A_131 = arith.constant true
      %broadcast_in_dim3A_132 = vector.broadcast %broadcast_in_dim3A_131 : i1 to vector<16xi1>
      %masked_cumsum3A = tpu.scan <sum>, %rev3A_130 masked %broadcast_in_dim3A_132 : vector<16xi32>, vector<16xi1> -> vector<16xi32>
      %rev3A_133 = arith.constant 15 : i32
      %rev3A_134 = vector.broadcast %rev3A_133 : i32 to vector<16xi32>
      %rev3A_135 = tpu.iota {dimensions = array<i32: 0>} : vector<16xi32>
      %rev3A_136 = arith.subi %rev3A_134, %rev3A_135 : vector<16xi32>
      %rev3A_137 = tpu.dynamic_gather %masked_cumsum3A[%rev3A_136] in [0] : vector<16xi32>, vector<16xi32> -> vector<16xi32>
      %add3A_138 = vector.broadcast %sub3A_126 : i32 to vector<16xi32>
      %add3A_139 = arith.addi %add3A_138, %rev3A_137 : vector<16xi32>
      %ge3A_140 = vector.broadcast %select_n3A_73 : i32 to vector<16xi32>
      %ge3A_141 = arith.cmpi sge, %add3A_139, %ge3A_140 : vector<16xi32>
      %all_reduce_population_count3A = tpu.all_reduce %ge3A_141 {dim = 0 : i64, kind = #tpu.reduction_kind<sum>} : vector<16xi1> -> vector<16xi32>
      %slice3A = vector.extract_strided_slice %all_reduce_population_count3A {offsets = [0], sizes = [1], strides = [1]} : vector<16xi32> to vector<1xi32>
      %squeeze3A = vector.extract %slice3A[0] : i32 from vector<1xi32>
      %sub3A_142 = arith.constant 1 : i32
      %sub3A_143 = arith.subi %squeeze3A, %sub3A_142 : i32
      %mul3A_144 = arith.constant 16 : i32
      %mul3A_145 = arith.muli %while3A_118#1, %mul3A_144 : i32
      %add3A_146 = arith.addi %mul3A_145, %sub3A_143 : i32
      %eq3A = vector.broadcast %sub3A_143 : i32 to vector<16xi32>
      %eq3A_147 = arith.cmpi eq, %iota3A_115, %eq3A : vector<16xi32>
      %sub3A_148 = arith.subi %add3A_139, %get3A_121 : vector<16xi32>
      %jit3A_149 = arith.constant 0 : i32
      %broadcast_in_dim3A_150 = vector.broadcast %jit3A_149 : i32 to vector<16xi32>
      %select_n3A_151 = arith.select %eq3A_147, %sub3A_148, %broadcast_in_dim3A_150 : vector<16xi1>, vector<16xi32>
      %reduce_max3A = arith.constant true
      %reduce_max3A_152 = vector.broadcast %reduce_max3A : i1 to vector<16xi1>
      %reduce_max3A_153 = arith.constant -2147483648 : i32
      %reduce_max3A_154 = vector.broadcast %reduce_max3A_153 : i32 to vector<16xi32>
      %reduce_max3A_155 = arith.xori %select_n3A_151, %reduce_max3A_154 : vector<16xi32>
      %reduce_max3A_156 = tpu.scan <max>, %reduce_max3A_155 masked %reduce_max3A_152 : vector<16xi32>, vector<16xi1> -> vector<16xi32>
      %reduce_max3A_157 = arith.xori %reduce_max3A_156, %reduce_max3A_154 : vector<16xi32>
      %reduce_max3A_158 = vector.extract %reduce_max3A_157[15] : i32 from vector<16xi32>
      %sub3A_159 = arith.subi %select_n3A_73, %reduce_max3A_158 : i32
      %add3A_160 = arith.constant 64 : i32
      %add3A_161 = arith.addi %select_n3A, %add3A_160 : i32
      %sub3A_162 = arith.constant 1 : i32
      %sub3A_163 = arith.subi %add3A_161, %sub3A_162 : i32
      %jit3A_164 = arith.constant 64 : i32
      %div3A_165 = arith.divsi %sub3A_163, %jit3A_164 : i32
      %sign3A_166 = arith.constant 0 : i32
      %sign3A_167 = arith.cmpi sgt, %sub3A_163, %sign3A_166 : i32
      %sign3A_168 = arith.extui %sign3A_167 : i1 to i32
      %sign3A_169 = arith.constant 0 : i32
      %sign3A_170 = arith.cmpi slt, %sub3A_163, %sign3A_169 : i32
      %sign3A_171 = arith.extui %sign3A_170 : i1 to i32
      %sign3A_172 = arith.subi %sign3A_168, %sign3A_171 : i32
      %sign3A_173 = arith.constant 0 : i32
      %sign3A_174 = arith.cmpi sgt, %jit3A_164, %sign3A_173 : i32
      %sign3A_175 = arith.extui %sign3A_174 : i1 to i32
      %sign3A_176 = arith.constant 0 : i32
      %sign3A_177 = arith.cmpi slt, %jit3A_164, %sign3A_176 : i32
      %sign3A_178 = arith.extui %sign3A_177 : i1 to i32
      %sign3A_179 = arith.subi %sign3A_175, %sign3A_178 : i32
      %ne3A_180 = arith.cmpi ne, %sign3A_172, %sign3A_179 : i32
      %rem3A_181 = arith.remsi %sub3A_163, %jit3A_164 : i32
      %ne3A_182 = arith.constant 0 : i32
      %ne3A_183 = arith.cmpi ne, %rem3A_181, %ne3A_182 : i32
      %and3A_184 = arith.andi %ne3A_180, %ne3A_183 : i1
      %sub3A_185 = arith.constant 1 : i32
      %sub3A_186 = arith.subi %div3A_165, %sub3A_185 : i32
      %select_n3A_187 = arith.select %and3A_184, %sub3A_186, %div3A_165 : i32
      %while3A_188 = arith.constant 0 : i32
      %while3A_189 = arith.constant 0 : i32
      %while3A_190 = arith.subi %select_n3A_187, %while3A_188 : i32
      %while3A_191 = arith.addi %while3A_188, %while3A_190 : i32
      %while3A_192 = arith.constant 1 : i32
      %while3A_193 = arith.divsi %while3A_190, %while3A_192 : i32
      %while3A_194 = arith.muli %while3A_193, %while3A_192 : i32
      %while3A_195 = arith.addi %while3A_188, %while3A_194 : i32
      %while3A_196 = arith.constant 1 : i32
      %while3A_197 = scf.for %while3A_473 = %while3A_188 to %while3A_195 step %while3A_196 iter_args(%while3A_474 = %while3A_189) -> (i32)  : i32 {
        %mul3A_475 = arith.constant 64 : i32
        %mul3A_476 = arith.muli %while3A_473, %mul3A_475 : i32
        %add3A_477 = arith.constant 0 : i32
        %add3A_478 = arith.addi %mul3A_476, %add3A_477 : i32
        %get3A_479 = arith.index_cast %add3A_478 : i32 to index
        %get3A_480 = tpu.vector_load %arg5[%get3A_479] {strides = array<i32>} : memref<50192xi32, #tpu.memory_space<vmem>>, vector<16xi32>,
        %add3A_481 = arith.constant 16 : i32
        %add3A_482 = arith.addi %mul3A_476, %add3A_481 : i32
        %get3A_483 = arith.index_cast %add3A_482 : i32 to index
        %get3A_484 = tpu.vector_load %arg5[%get3A_483] {strides = array<i32>} : memref<50192xi32, #tpu.memory_space<vmem>>, vector<16xi32>,
        %add3A_485 = arith.constant 32 : i32
        %add3A_486 = arith.addi %mul3A_476, %add3A_485 : i32
        %get3A_487 = arith.index_cast %add3A_486 : i32 to index
        %get3A_488 = tpu.vector_load %arg5[%get3A_487] {strides = array<i32>} : memref<50192xi32, #tpu.memory_space<vmem>>, vector<16xi32>,
        %add3A_489 = arith.constant 48 : i32
        %add3A_490 = arith.addi %mul3A_476, %add3A_489 : i32
        %get3A_491 = arith.index_cast %add3A_490 : i32 to index
        %get3A_492 = tpu.vector_load %arg5[%get3A_491] {strides = array<i32>} : memref<50192xi32, #tpu.memory_space<vmem>>, vector<16xi32>,
        %add3A_493 = arith.constant 0 : i32
        %add3A_494 = arith.addi %mul3A_476, %add3A_493 : i32
        %add3A_495 = vector.broadcast %add3A_494 : i32 to vector<16xi32>
        %add3A_496 = arith.addi %add3A_495, %iota3A : vector<16xi32>
        %lt3A_497 = vector.broadcast %select_n3A : i32 to vector<16xi32>
        %lt3A_498 = arith.cmpi slt, %add3A_496, %lt3A_497 : vector<16xi32>
        %add3A_499 = arith.constant 16 : i32
        %add3A_500 = arith.addi %mul3A_476, %add3A_499 : i32
        %add3A_501 = vector.broadcast %add3A_500 : i32 to vector<16xi32>
        %add3A_502 = arith.addi %add3A_501, %iota3A : vector<16xi32>
        %lt3A_503 = vector.broadcast %select_n3A : i32 to vector<16xi32>
        %lt3A_504 = arith.cmpi slt, %add3A_502, %lt3A_503 : vector<16xi32>
        %add3A_505 = arith.constant 32 : i32
        %add3A_506 = arith.addi %mul3A_476, %add3A_505 : i32
        %add3A_507 = vector.broadcast %add3A_506 : i32 to vector<16xi32>
        %add3A_508 = arith.addi %add3A_507, %iota3A : vector<16xi32>
        %lt3A_509 = vector.broadcast %select_n3A : i32 to vector<16xi32>
        %lt3A_510 = arith.cmpi slt, %add3A_508, %lt3A_509 : vector<16xi32>
        %add3A_511 = arith.constant 48 : i32
        %add3A_512 = arith.addi %mul3A_476, %add3A_511 : i32
        %add3A_513 = vector.broadcast %add3A_512 : i32 to vector<16xi32>
        %add3A_514 = arith.addi %add3A_513, %iota3A : vector<16xi32>
        %lt3A_515 = vector.broadcast %select_n3A : i32 to vector<16xi32>
        %lt3A_516 = arith.cmpi slt, %add3A_514, %lt3A_515 : vector<16xi32>
        %shift_right_logical3A = arith.constant 23 : i32
        %shift_right_logical3A_517 = vector.broadcast %shift_right_logical3A : i32 to vector<16xi32>
        %shift_right_logical3A_518 = arith.shrui %get3A_480, %shift_right_logical3A_517 : vector<16xi32>
        %and3A_519 = arith.constant 255 : i32
        %and3A_520 = vector.broadcast %and3A_519 : i32 to vector<16xi32>
        %and3A_521 = arith.andi %shift_right_logical3A_518, %and3A_520 : vector<16xi32>
        %eq3A_522 = vector.broadcast %add3A_146 : i32 to vector<16xi32>
        %eq3A_523 = arith.cmpi eq, %and3A_521, %eq3A_522 : vector<16xi32>
        %and3A_524 = arith.andi %lt3A_498, %eq3A_523 : vector<16xi1>
        %shift_right_logical3A_525 = arith.constant 23 : i32
        %shift_right_logical3A_526 = vector.broadcast %shift_right_logical3A_525 : i32 to vector<16xi32>
        %shift_right_logical3A_527 = arith.shrui %get3A_484, %shift_right_logical3A_526 : vector<16xi32>
        %and3A_528 = arith.constant 255 : i32
        %and3A_529 = vector.broadcast %and3A_528 : i32 to vector<16xi32>
        %and3A_530 = arith.andi %shift_right_logical3A_527, %and3A_529 : vector<16xi32>
        %eq3A_531 = vector.broadcast %add3A_146 : i32 to vector<16xi32>
        %eq3A_532 = arith.cmpi eq, %and3A_530, %eq3A_531 : vector<16xi32>
        %and3A_533 = arith.andi %lt3A_504, %eq3A_532 : vector<16xi1>
        %shift_right_logical3A_534 = arith.constant 23 : i32
        %shift_right_logical3A_535 = vector.broadcast %shift_right_logical3A_534 : i32 to vector<16xi32>
        %shift_right_logical3A_536 = arith.shrui %get3A_488, %shift_right_logical3A_535 : vector<16xi32>
        %and3A_537 = arith.constant 255 : i32
        %and3A_538 = vector.broadcast %and3A_537 : i32 to vector<16xi32>
        %and3A_539 = arith.andi %shift_right_logical3A_536, %and3A_538 : vector<16xi32>
        %eq3A_540 = vector.broadcast %add3A_146 : i32 to vector<16xi32>
        %eq3A_541 = arith.cmpi eq, %and3A_539, %eq3A_540 : vector<16xi32>
        %and3A_542 = arith.andi %lt3A_510, %eq3A_541 : vector<16xi1>
        %shift_right_logical3A_543 = arith.constant 23 : i32
        %shift_right_logical3A_544 = vector.broadcast %shift_right_logical3A_543 : i32 to vector<16xi32>
        %shift_right_logical3A_545 = arith.shrui %get3A_492, %shift_right_logical3A_544 : vector<16xi32>
        %and3A_546 = arith.constant 255 : i32
        %and3A_547 = vector.broadcast %and3A_546 : i32 to vector<16xi32>
        %and3A_548 = arith.andi %shift_right_logical3A_545, %and3A_547 : vector<16xi32>
        %eq3A_549 = vector.broadcast %add3A_146 : i32 to vector<16xi32>
        %eq3A_550 = arith.cmpi eq, %and3A_548, %eq3A_549 : vector<16xi32>
        %and3A_551 = arith.andi %lt3A_516, %eq3A_550 : vector<16xi1>
        %shift_right_logical3A_552 = arith.constant 15 : i32
        %shift_right_logical3A_553 = vector.broadcast %shift_right_logical3A_552 : i32 to vector<16xi32>
        %shift_right_logical3A_554 = arith.shrui %get3A_480, %shift_right_logical3A_553 : vector<16xi32>
        %and3A_555 = arith.constant 255 : i32
        %and3A_556 = vector.broadcast %and3A_555 : i32 to vector<16xi32>
        %and3A_557 = arith.andi %shift_right_logical3A_554, %and3A_556 : vector<16xi32>
        %shift_right_logical3A_558 = arith.constant 15 : i32
        %shift_right_logical3A_559 = vector.broadcast %shift_right_logical3A_558 : i32 to vector<16xi32>
        %shift_right_logical3A_560 = arith.shrui %get3A_484, %shift_right_logical3A_559 : vector<16xi32>
        %and3A_561 = arith.constant 255 : i32
        %and3A_562 = vector.broadcast %and3A_561 : i32 to vector<16xi32>
        %and3A_563 = arith.andi %shift_right_logical3A_560, %and3A_562 : vector<16xi32>
        %shift_right_logical3A_564 = arith.constant 15 : i32
        %shift_right_logical3A_565 = vector.broadcast %shift_right_logical3A_564 : i32 to vector<16xi32>
        %shift_right_logical3A_566 = arith.shrui %get3A_488, %shift_right_logical3A_565 : vector<16xi32>
        %and3A_567 = arith.constant 255 : i32
        %and3A_568 = vector.broadcast %and3A_567 : i32 to vector<16xi32>
        %and3A_569 = arith.andi %shift_right_logical3A_566, %and3A_568 : vector<16xi32>
        %shift_right_logical3A_570 = arith.constant 15 : i32
        %shift_right_logical3A_571 = vector.broadcast %shift_right_logical3A_570 : i32 to vector<16xi32>
        %shift_right_logical3A_572 = arith.shrui %get3A_492, %shift_right_logical3A_571 : vector<16xi32>
        %and3A_573 = arith.constant 255 : i32
        %and3A_574 = vector.broadcast %and3A_573 : i32 to vector<16xi32>
        %and3A_575 = arith.andi %shift_right_logical3A_572, %and3A_574 : vector<16xi32>
        %all_reduce_population_count3A_576 = tpu.all_reduce %and3A_524 {dim = 0 : i64, kind = #tpu.reduction_kind<sum>} : vector<16xi1> -> vector<16xi32>
        %slice3A_577 = vector.extract_strided_slice %all_reduce_population_count3A_576 {offsets = [0], sizes = [1], strides = [1]} : vector<16xi32> to vector<1xi32>
        %squeeze3A_578 = vector.extract %slice3A_577[0] : i32 from vector<1xi32>
        %all_reduce_population_count3A_579 = tpu.all_reduce %and3A_533 {dim = 0 : i64, kind = #tpu.reduction_kind<sum>} : vector<16xi1> -> vector<16xi32>
        %slice3A_580 = vector.extract_strided_slice %all_reduce_population_count3A_579 {offsets = [0], sizes = [1], strides = [1]} : vector<16xi32> to vector<1xi32>
        %squeeze3A_581 = vector.extract %slice3A_580[0] : i32 from vector<1xi32>
        %all_reduce_population_count3A_582 = tpu.all_reduce %and3A_542 {dim = 0 : i64, kind = #tpu.reduction_kind<sum>} : vector<16xi1> -> vector<16xi32>
        %slice3A_583 = vector.extract_strided_slice %all_reduce_population_count3A_582 {offsets = [0], sizes = [1], strides = [1]} : vector<16xi32> to vector<1xi32>
        %squeeze3A_584 = vector.extract %slice3A_583[0] : i32 from vector<1xi32>
        %all_reduce_population_count3A_585 = tpu.all_reduce %and3A_551 {dim = 0 : i64, kind = #tpu.reduction_kind<sum>} : vector<16xi1> -> vector<16xi32>
        %slice3A_586 = vector.extract_strided_slice %all_reduce_population_count3A_585 {offsets = [0], sizes = [1], strides = [1]} : vector<16xi32> to vector<1xi32>
        %squeeze3A_587 = vector.extract %slice3A_586[0] : i32 from vector<1xi32>
        %add3A_588 = arith.addi %mul3A_3, %and3A_557 : vector<16xi32>
        tpu.vector_store_idx %arg6[%add3A_588], %broadcast_in_dim3A_4 masked %and3A_524 {add = true} : memref<4112xi32, #tpu.memory_space<vmem>>[vector<16xi32>], vector<16xi32>, vector<16xi1>
        %swap3A = arith.index_cast %while3A_474 : i32 to index
        %swap3A_589 = tpu.vector_load %arg5[%swap3A] masked %and3A_524 {strides = array<i32>} : memref<50192xi32, #tpu.memory_space<vmem>>, vector<16xi32>, vector<16xi1>
        tpu.vector_store %arg5[%swap3A], %get3A_480 masked %and3A_524 {strides = array<i32>} : memref<50192xi32, #tpu.memory_space<vmem>>, vector<16xi32>, vector<16xi1>
        %add3A_590 = arith.addi %while3A_474, %squeeze3A_578 : i32
        %add3A_591 = arith.addi %mul3A_3, %and3A_563 : vector<16xi32>
        tpu.vector_store_idx %arg6[%add3A_591], %broadcast_in_dim3A_4 masked %and3A_533 {add = true} : memref<4112xi32, #tpu.memory_space<vmem>>[vector<16xi32>], vector<16xi32>, vector<16xi1>
        %swap3A_592 = arith.index_cast %add3A_590 : i32 to index
        %swap3A_593 = tpu.vector_load %arg5[%swap3A_592] masked %and3A_533 {strides = array<i32>} : memref<50192xi32, #tpu.memory_space<vmem>>, vector<16xi32>, vector<16xi1>
        tpu.vector_store %arg5[%swap3A_592], %get3A_484 masked %and3A_533 {strides = array<i32>} : memref<50192xi32, #tpu.memory_space<vmem>>, vector<16xi32>, vector<16xi1>
        %add3A_594 = arith.addi %add3A_590, %squeeze3A_581 : i32
        %add3A_595 = arith.addi %mul3A_3, %and3A_569 : vector<16xi32>
        tpu.vector_store_idx %arg6[%add3A_595], %broadcast_in_dim3A_4 masked %and3A_542 {add = true} : memref<4112xi32, #tpu.memory_space<vmem>>[vector<16xi32>], vector<16xi32>, vector<16xi1>
        %swap3A_596 = arith.index_cast %add3A_594 : i32 to index
        %swap3A_597 = tpu.vector_load %arg5[%swap3A_596] masked %and3A_542 {strides = array<i32>} : memref<50192xi32, #tpu.memory_space<vmem>>, vector<16xi32>, vector<16xi1>
        tpu.vector_store %arg5[%swap3A_596], %get3A_488 masked %and3A_542 {strides = array<i32>} : memref<50192xi32, #tpu.memory_space<vmem>>, vector<16xi32>, vector<16xi1>
        %add3A_598 = arith.addi %add3A_594, %squeeze3A_584 : i32
        %add3A_599 = arith.addi %mul3A_3, %and3A_575 : vector<16xi32>
        tpu.vector_store_idx %arg6[%add3A_599], %broadcast_in_dim3A_4 masked %and3A_551 {add = true} : memref<4112xi32, #tpu.memory_space<vmem>>[vector<16xi32>], vector<16xi32>, vector<16xi1>
        %swap3A_600 = arith.index_cast %add3A_598 : i32 to index
        %swap3A_601 = tpu.vector_load %arg5[%swap3A_600] masked %and3A_551 {strides = array<i32>} : memref<50192xi32, #tpu.memory_space<vmem>>, vector<16xi32>, vector<16xi1>
        tpu.vector_store %arg5[%swap3A_600], %get3A_492 masked %and3A_551 {strides = array<i32>} : memref<50192xi32, #tpu.memory_space<vmem>>, vector<16xi32>, vector<16xi1>
        %add3A_602 = arith.addi %add3A_598, %squeeze3A_587 : i32
        scf.yield %add3A_602 : i32
      }
      %while3A_198 = arith.constant 1 : i32
      %while3A_199 = scf.for %while3A_473 = %while3A_195 to %while3A_191 step %while3A_198 iter_args(%while3A_474 = %while3A_197) -> (i32)  : i32 {
        %mul3A_475 = arith.constant 64 : i32
        %mul3A_476 = arith.muli %while3A_473, %mul3A_475 : i32
        %add3A_477 = arith.constant 0 : i32
        %add3A_478 = arith.addi %mul3A_476, %add3A_477 : i32
        %get3A_479 = arith.index_cast %add3A_478 : i32 to index
        %get3A_480 = tpu.vector_load %arg5[%get3A_479] {strides = array<i32>} : memref<50192xi32, #tpu.memory_space<vmem>>, vector<16xi32>,
        %add3A_481 = arith.constant 16 : i32
        %add3A_482 = arith.addi %mul3A_476, %add3A_481 : i32
        %get3A_483 = arith.index_cast %add3A_482 : i32 to index
        %get3A_484 = tpu.vector_load %arg5[%get3A_483] {strides = array<i32>} : memref<50192xi32, #tpu.memory_space<vmem>>, vector<16xi32>,
        %add3A_485 = arith.constant 32 : i32
        %add3A_486 = arith.addi %mul3A_476, %add3A_485 : i32
        %get3A_487 = arith.index_cast %add3A_486 : i32 to index
        %get3A_488 = tpu.vector_load %arg5[%get3A_487] {strides = array<i32>} : memref<50192xi32, #tpu.memory_space<vmem>>, vector<16xi32>,
        %add3A_489 = arith.constant 48 : i32
        %add3A_490 = arith.addi %mul3A_476, %add3A_489 : i32
        %get3A_491 = arith.index_cast %add3A_490 : i32 to index
        %get3A_492 = tpu.vector_load %arg5[%get3A_491] {strides = array<i32>} : memref<50192xi32, #tpu.memory_space<vmem>>, vector<16xi32>,
        %add3A_493 = arith.constant 0 : i32
        %add3A_494 = arith.addi %mul3A_476, %add3A_493 : i32
        %add3A_495 = vector.broadcast %add3A_494 : i32 to vector<16xi32>
        %add3A_496 = arith.addi %add3A_495, %iota3A : vector<16xi32>
        %lt3A_497 = vector.broadcast %select_n3A : i32 to vector<16xi32>
        %lt3A_498 = arith.cmpi slt, %add3A_496, %lt3A_497 : vector<16xi32>
        %add3A_499 = arith.constant 16 : i32
        %add3A_500 = arith.addi %mul3A_476, %add3A_499 : i32
        %add3A_501 = vector.broadcast %add3A_500 : i32 to vector<16xi32>
        %add3A_502 = arith.addi %add3A_501, %iota3A : vector<16xi32>
        %lt3A_503 = vector.broadcast %select_n3A : i32 to vector<16xi32>
        %lt3A_504 = arith.cmpi slt, %add3A_502, %lt3A_503 : vector<16xi32>
        %add3A_505 = arith.constant 32 : i32
        %add3A_506 = arith.addi %mul3A_476, %add3A_505 : i32
        %add3A_507 = vector.broadcast %add3A_506 : i32 to vector<16xi32>
        %add3A_508 = arith.addi %add3A_507, %iota3A : vector<16xi32>
        %lt3A_509 = vector.broadcast %select_n3A : i32 to vector<16xi32>
        %lt3A_510 = arith.cmpi slt, %add3A_508, %lt3A_509 : vector<16xi32>
        %add3A_511 = arith.constant 48 : i32
        %add3A_512 = arith.addi %mul3A_476, %add3A_511 : i32
        %add3A_513 = vector.broadcast %add3A_512 : i32 to vector<16xi32>
        %add3A_514 = arith.addi %add3A_513, %iota3A : vector<16xi32>
        %lt3A_515 = vector.broadcast %select_n3A : i32 to vector<16xi32>
        %lt3A_516 = arith.cmpi slt, %add3A_514, %lt3A_515 : vector<16xi32>
        %shift_right_logical3A = arith.constant 23 : i32
        %shift_right_logical3A_517 = vector.broadcast %shift_right_logical3A : i32 to vector<16xi32>
        %shift_right_logical3A_518 = arith.shrui %get3A_480, %shift_right_logical3A_517 : vector<16xi32>
        %and3A_519 = arith.constant 255 : i32
        %and3A_520 = vector.broadcast %and3A_519 : i32 to vector<16xi32>
        %and3A_521 = arith.andi %shift_right_logical3A_518, %and3A_520 : vector<16xi32>
        %eq3A_522 = vector.broadcast %add3A_146 : i32 to vector<16xi32>
        %eq3A_523 = arith.cmpi eq, %and3A_521, %eq3A_522 : vector<16xi32>
        %and3A_524 = arith.andi %lt3A_498, %eq3A_523 : vector<16xi1>
        %shift_right_logical3A_525 = arith.constant 23 : i32
        %shift_right_logical3A_526 = vector.broadcast %shift_right_logical3A_525 : i32 to vector<16xi32>
        %shift_right_logical3A_527 = arith.shrui %get3A_484, %shift_right_logical3A_526 : vector<16xi32>
        %and3A_528 = arith.constant 255 : i32
        %and3A_529 = vector.broadcast %and3A_528 : i32 to vector<16xi32>
        %and3A_530 = arith.andi %shift_right_logical3A_527, %and3A_529 : vector<16xi32>
        %eq3A_531 = vector.broadcast %add3A_146 : i32 to vector<16xi32>
        %eq3A_532 = arith.cmpi eq, %and3A_530, %eq3A_531 : vector<16xi32>
        %and3A_533 = arith.andi %lt3A_504, %eq3A_532 : vector<16xi1>
        %shift_right_logical3A_534 = arith.constant 23 : i32
        %shift_right_logical3A_535 = vector.broadcast %shift_right_logical3A_534 : i32 to vector<16xi32>
        %shift_right_logical3A_536 = arith.shrui %get3A_488, %shift_right_logical3A_535 : vector<16xi32>
        %and3A_537 = arith.constant 255 : i32
        %and3A_538 = vector.broadcast %and3A_537 : i32 to vector<16xi32>
        %and3A_539 = arith.andi %shift_right_logical3A_536, %and3A_538 : vector<16xi32>
        %eq3A_540 = vector.broadcast %add3A_146 : i32 to vector<16xi32>
        %eq3A_541 = arith.cmpi eq, %and3A_539, %eq3A_540 : vector<16xi32>
        %and3A_542 = arith.andi %lt3A_510, %eq3A_541 : vector<16xi1>
        %shift_right_logical3A_543 = arith.constant 23 : i32
        %shift_right_logical3A_544 = vector.broadcast %shift_right_logical3A_543 : i32 to vector<16xi32>
        %shift_right_logical3A_545 = arith.shrui %get3A_492, %shift_right_logical3A_544 : vector<16xi32>
        %and3A_546 = arith.constant 255 : i32
        %and3A_547 = vector.broadcast %and3A_546 : i32 to vector<16xi32>
        %and3A_548 = arith.andi %shift_right_logical3A_545, %and3A_547 : vector<16xi32>
        %eq3A_549 = vector.broadcast %add3A_146 : i32 to vector<16xi32>
        %eq3A_550 = arith.cmpi eq, %and3A_548, %eq3A_549 : vector<16xi32>
        %and3A_551 = arith.andi %lt3A_516, %eq3A_550 : vector<16xi1>
        %shift_right_logical3A_552 = arith.constant 15 : i32
        %shift_right_logical3A_553 = vector.broadcast %shift_right_logical3A_552 : i32 to vector<16xi32>
        %shift_right_logical3A_554 = arith.shrui %get3A_480, %shift_right_logical3A_553 : vector<16xi32>
        %and3A_555 = arith.constant 255 : i32
        %and3A_556 = vector.broadcast %and3A_555 : i32 to vector<16xi32>
        %and3A_557 = arith.andi %shift_right_logical3A_554, %and3A_556 : vector<16xi32>
        %shift_right_logical3A_558 = arith.constant 15 : i32
        %shift_right_logical3A_559 = vector.broadcast %shift_right_logical3A_558 : i32 to vector<16xi32>
        %shift_right_logical3A_560 = arith.shrui %get3A_484, %shift_right_logical3A_559 : vector<16xi32>
        %and3A_561 = arith.constant 255 : i32
        %and3A_562 = vector.broadcast %and3A_561 : i32 to vector<16xi32>
        %and3A_563 = arith.andi %shift_right_logical3A_560, %and3A_562 : vector<16xi32>
        %shift_right_logical3A_564 = arith.constant 15 : i32
        %shift_right_logical3A_565 = vector.broadcast %shift_right_logical3A_564 : i32 to vector<16xi32>
        %shift_right_logical3A_566 = arith.shrui %get3A_488, %shift_right_logical3A_565 : vector<16xi32>
        %and3A_567 = arith.constant 255 : i32
        %and3A_568 = vector.broadcast %and3A_567 : i32 to vector<16xi32>
        %and3A_569 = arith.andi %shift_right_logical3A_566, %and3A_568 : vector<16xi32>
        %shift_right_logical3A_570 = arith.constant 15 : i32
        %shift_right_logical3A_571 = vector.broadcast %shift_right_logical3A_570 : i32 to vector<16xi32>
        %shift_right_logical3A_572 = arith.shrui %get3A_492, %shift_right_logical3A_571 : vector<16xi32>
        %and3A_573 = arith.constant 255 : i32
        %and3A_574 = vector.broadcast %and3A_573 : i32 to vector<16xi32>
        %and3A_575 = arith.andi %shift_right_logical3A_572, %and3A_574 : vector<16xi32>
        %all_reduce_population_count3A_576 = tpu.all_reduce %and3A_524 {dim = 0 : i64, kind = #tpu.reduction_kind<sum>} : vector<16xi1> -> vector<16xi32>
        %slice3A_577 = vector.extract_strided_slice %all_reduce_population_count3A_576 {offsets = [0], sizes = [1], strides = [1]} : vector<16xi32> to vector<1xi32>
        %squeeze3A_578 = vector.extract %slice3A_577[0] : i32 from vector<1xi32>
        %all_reduce_population_count3A_579 = tpu.all_reduce %and3A_533 {dim = 0 : i64, kind = #tpu.reduction_kind<sum>} : vector<16xi1> -> vector<16xi32>
        %slice3A_580 = vector.extract_strided_slice %all_reduce_population_count3A_579 {offsets = [0], sizes = [1], strides = [1]} : vector<16xi32> to vector<1xi32>
        %squeeze3A_581 = vector.extract %slice3A_580[0] : i32 from vector<1xi32>
        %all_reduce_population_count3A_582 = tpu.all_reduce %and3A_542 {dim = 0 : i64, kind = #tpu.reduction_kind<sum>} : vector<16xi1> -> vector<16xi32>
        %slice3A_583 = vector.extract_strided_slice %all_reduce_population_count3A_582 {offsets = [0], sizes = [1], strides = [1]} : vector<16xi32> to vector<1xi32>
        %squeeze3A_584 = vector.extract %slice3A_583[0] : i32 from vector<1xi32>
        %all_reduce_population_count3A_585 = tpu.all_reduce %and3A_551 {dim = 0 : i64, kind = #tpu.reduction_kind<sum>} : vector<16xi1> -> vector<16xi32>
        %slice3A_586 = vector.extract_strided_slice %all_reduce_population_count3A_585 {offsets = [0], sizes = [1], strides = [1]} : vector<16xi32> to vector<1xi32>
        %squeeze3A_587 = vector.extract %slice3A_586[0] : i32 from vector<1xi32>
        %add3A_588 = arith.addi %mul3A_3, %and3A_557 : vector<16xi32>
        tpu.vector_store_idx %arg6[%add3A_588], %broadcast_in_dim3A_4 masked %and3A_524 {add = true} : memref<4112xi32, #tpu.memory_space<vmem>>[vector<16xi32>], vector<16xi32>, vector<16xi1>
        %swap3A = arith.index_cast %while3A_474 : i32 to index
        %swap3A_589 = tpu.vector_load %arg5[%swap3A] masked %and3A_524 {strides = array<i32>} : memref<50192xi32, #tpu.memory_space<vmem>>, vector<16xi32>, vector<16xi1>
        tpu.vector_store %arg5[%swap3A], %get3A_480 masked %and3A_524 {strides = array<i32>} : memref<50192xi32, #tpu.memory_space<vmem>>, vector<16xi32>, vector<16xi1>
        %add3A_590 = arith.addi %while3A_474, %squeeze3A_578 : i32
        %add3A_591 = arith.addi %mul3A_3, %and3A_563 : vector<16xi32>
        tpu.vector_store_idx %arg6[%add3A_591], %broadcast_in_dim3A_4 masked %and3A_533 {add = true} : memref<4112xi32, #tpu.memory_space<vmem>>[vector<16xi32>], vector<16xi32>, vector<16xi1>
        %swap3A_592 = arith.index_cast %add3A_590 : i32 to index
        %swap3A_593 = tpu.vector_load %arg5[%swap3A_592] masked %and3A_533 {strides = array<i32>} : memref<50192xi32, #tpu.memory_space<vmem>>, vector<16xi32>, vector<16xi1>
        tpu.vector_store %arg5[%swap3A_592], %get3A_484 masked %and3A_533 {strides = array<i32>} : memref<50192xi32, #tpu.memory_space<vmem>>, vector<16xi32>, vector<16xi1>
        %add3A_594 = arith.addi %add3A_590, %squeeze3A_581 : i32
        %add3A_595 = arith.addi %mul3A_3, %and3A_569 : vector<16xi32>
        tpu.vector_store_idx %arg6[%add3A_595], %broadcast_in_dim3A_4 masked %and3A_542 {add = true} : memref<4112xi32, #tpu.memory_space<vmem>>[vector<16xi32>], vector<16xi32>, vector<16xi1>
        %swap3A_596 = arith.index_cast %add3A_594 : i32 to index
        %swap3A_597 = tpu.vector_load %arg5[%swap3A_596] masked %and3A_542 {strides = array<i32>} : memref<50192xi32, #tpu.memory_space<vmem>>, vector<16xi32>, vector<16xi1>
        tpu.vector_store %arg5[%swap3A_596], %get3A_488 masked %and3A_542 {strides = array<i32>} : memref<50192xi32, #tpu.memory_space<vmem>>, vector<16xi32>, vector<16xi1>
        %add3A_598 = arith.addi %add3A_594, %squeeze3A_584 : i32
        %add3A_599 = arith.addi %mul3A_3, %and3A_575 : vector<16xi32>
        tpu.vector_store_idx %arg6[%add3A_599], %broadcast_in_dim3A_4 masked %and3A_551 {add = true} : memref<4112xi32, #tpu.memory_space<vmem>>[vector<16xi32>], vector<16xi32>, vector<16xi1>
        %swap3A_600 = arith.index_cast %add3A_598 : i32 to index
        %swap3A_601 = tpu.vector_load %arg5[%swap3A_600] masked %and3A_551 {strides = array<i32>} : memref<50192xi32, #tpu.memory_space<vmem>>, vector<16xi32>, vector<16xi1>
        tpu.vector_store %arg5[%swap3A_600], %get3A_492 masked %and3A_551 {strides = array<i32>} : memref<50192xi32, #tpu.memory_space<vmem>>, vector<16xi32>, vector<16xi1>
        %add3A_602 = arith.addi %add3A_598, %squeeze3A_587 : i32
        scf.yield %add3A_602 : i32
      }
      %broadcast_in_dim3A_200 = arith.constant 0 : i32
      %broadcast_in_dim3A_201 = vector.broadcast %broadcast_in_dim3A_200 : i32 to vector<16xi32>
      %scan3A_202 = arith.constant 0 : i32
      %scan3A_203 = arith.constant 0 : i32
      %scan3A_204 = arith.constant 16 : i32
      %scan3A_205 = arith.addi %scan3A_203, %scan3A_204 : i32
      %scan3A_206 = arith.constant 1 : i32
      scf.for %scan3A_473 = %scan3A_203 to %scan3A_205 step %scan3A_206  : i32 {
        %mul3A_474 = arith.constant 16 : i32
        %mul3A_475 = arith.muli %scan3A_473, %mul3A_474 : i32
        %add3A_476 = arith.constant 0 : i32
        %add3A_477 = arith.addi %add3A_476, %mul3A_475 : i32
        %get3A_478 = arith.index_cast %add3A_477 : i32 to index
        %get3A_479 = tpu.vector_load %arg6[%get3A_478] {strides = array<i32>} : memref<4112xi32, #tpu.memory_space<vmem>>, vector<16xi32>,
        %mul3A_480 = arith.constant 16 : i32
        %mul3A_481 = arith.muli %scan3A_473, %mul3A_480 : i32
        %add3A_482 = arith.constant 257 : i32
        %add3A_483 = arith.addi %add3A_482, %mul3A_481 : i32
        %get3A_484 = arith.index_cast %add3A_483 : i32 to index
        %get3A_485 = tpu.vector_load %arg6[%get3A_484] {strides = array<i32>} : memref<4112xi32, #tpu.memory_space<vmem>>, vector<16xi32>,
        %mul3A_486 = arith.constant 16 : i32
        %mul3A_487 = arith.muli %scan3A_473, %mul3A_486 : i32
        %add3A_488 = arith.constant 514 : i32
        %add3A_489 = arith.addi %add3A_488, %mul3A_487 : i32
        %get3A_490 = arith.index_cast %add3A_489 : i32 to index
        %get3A_491 = tpu.vector_load %arg6[%get3A_490] {strides = array<i32>} : memref<4112xi32, #tpu.memory_space<vmem>>, vector<16xi32>,
        %mul3A_492 = arith.constant 16 : i32
        %mul3A_493 = arith.muli %scan3A_473, %mul3A_492 : i32
        %add3A_494 = arith.constant 771 : i32
        %add3A_495 = arith.addi %add3A_494, %mul3A_493 : i32
        %get3A_496 = arith.index_cast %add3A_495 : i32 to index
        %get3A_497 = tpu.vector_load %arg6[%get3A_496] {strides = array<i32>} : memref<4112xi32, #tpu.memory_space<vmem>>, vector<16xi32>,
        %mul3A_498 = arith.constant 16 : i32
        %mul3A_499 = arith.muli %scan3A_473, %mul3A_498 : i32
        %add3A_500 = arith.constant 1028 : i32
        %add3A_501 = arith.addi %add3A_500, %mul3A_499 : i32
        %get3A_502 = arith.index_cast %add3A_501 : i32 to index
        %get3A_503 = tpu.vector_load %arg6[%get3A_502] {strides = array<i32>} : memref<4112xi32, #tpu.memory_space<vmem>>, vector<16xi32>,
        %mul3A_504 = arith.constant 16 : i32
        %mul3A_505 = arith.muli %scan3A_473, %mul3A_504 : i32
        %add3A_506 = arith.constant 1285 : i32
        %add3A_507 = arith.addi %add3A_506, %mul3A_505 : i32
        %get3A_508 = arith.index_cast %add3A_507 : i32 to index
        %get3A_509 = tpu.vector_load %arg6[%get3A_508] {strides = array<i32>} : memref<4112xi32, #tpu.memory_space<vmem>>, vector<16xi32>,
        %mul3A_510 = arith.constant 16 : i32
        %mul3A_511 = arith.muli %scan3A_473, %mul3A_510 : i32
        %add3A_512 = arith.constant 1542 : i32
        %add3A_513 = arith.addi %add3A_512, %mul3A_511 : i32
        %get3A_514 = arith.index_cast %add3A_513 : i32 to index
        %get3A_515 = tpu.vector_load %arg6[%get3A_514] {strides = array<i32>} : memref<4112xi32, #tpu.memory_space<vmem>>, vector<16xi32>,
        %mul3A_516 = arith.constant 16 : i32
        %mul3A_517 = arith.muli %scan3A_473, %mul3A_516 : i32
        %add3A_518 = arith.constant 1799 : i32
        %add3A_519 = arith.addi %add3A_518, %mul3A_517 : i32
        %get3A_520 = arith.index_cast %add3A_519 : i32 to index
        %get3A_521 = tpu.vector_load %arg6[%get3A_520] {strides = array<i32>} : memref<4112xi32, #tpu.memory_space<vmem>>, vector<16xi32>,
        %mul3A_522 = arith.constant 16 : i32
        %mul3A_523 = arith.muli %scan3A_473, %mul3A_522 : i32
        %add3A_524 = arith.constant 2056 : i32
        %add3A_525 = arith.addi %add3A_524, %mul3A_523 : i32
        %get3A_526 = arith.index_cast %add3A_525 : i32 to index
        %get3A_527 = tpu.vector_load %arg6[%get3A_526] {strides = array<i32>} : memref<4112xi32, #tpu.memory_space<vmem>>, vector<16xi32>,
        %mul3A_528 = arith.constant 16 : i32
        %mul3A_529 = arith.muli %scan3A_473, %mul3A_528 : i32
        %add3A_530 = arith.constant 2313 : i32
        %add3A_531 = arith.addi %add3A_530, %mul3A_529 : i32
        %get3A_532 = arith.index_cast %add3A_531 : i32 to index
        %get3A_533 = tpu.vector_load %arg6[%get3A_532] {strides = array<i32>} : memref<4112xi32, #tpu.memory_space<vmem>>, vector<16xi32>,
        %mul3A_534 = arith.constant 16 : i32
        %mul3A_535 = arith.muli %scan3A_473, %mul3A_534 : i32
        %add3A_536 = arith.constant 2570 : i32
        %add3A_537 = arith.addi %add3A_536, %mul3A_535 : i32
        %get3A_538 = arith.index_cast %add3A_537 : i32 to index
        %get3A_539 = tpu.vector_load %arg6[%get3A_538] {strides = array<i32>} : memref<4112xi32, #tpu.memory_space<vmem>>, vector<16xi32>,
        %mul3A_540 = arith.constant 16 : i32
        %mul3A_541 = arith.muli %scan3A_473, %mul3A_540 : i32
        %add3A_542 = arith.constant 2827 : i32
        %add3A_543 = arith.addi %add3A_542, %mul3A_541 : i32
        %get3A_544 = arith.index_cast %add3A_543 : i32 to index
        %get3A_545 = tpu.vector_load %arg6[%get3A_544] {strides = array<i32>} : memref<4112xi32, #tpu.memory_space<vmem>>, vector<16xi32>,
        %mul3A_546 = arith.constant 16 : i32
        %mul3A_547 = arith.muli %scan3A_473, %mul3A_546 : i32
        %add3A_548 = arith.constant 3084 : i32
        %add3A_549 = arith.addi %add3A_548, %mul3A_547 : i32
        %get3A_550 = arith.index_cast %add3A_549 : i32 to index
        %get3A_551 = tpu.vector_load %arg6[%get3A_550] {strides = array<i32>} : memref<4112xi32, #tpu.memory_space<vmem>>, vector<16xi32>,
        %mul3A_552 = arith.constant 16 : i32
        %mul3A_553 = arith.muli %scan3A_473, %mul3A_552 : i32
        %add3A_554 = arith.constant 3341 : i32
        %add3A_555 = arith.addi %add3A_554, %mul3A_553 : i32
        %get3A_556 = arith.index_cast %add3A_555 : i32 to index
        %get3A_557 = tpu.vector_load %arg6[%get3A_556] {strides = array<i32>} : memref<4112xi32, #tpu.memory_space<vmem>>, vector<16xi32>,
        %mul3A_558 = arith.constant 16 : i32
        %mul3A_559 = arith.muli %scan3A_473, %mul3A_558 : i32
        %add3A_560 = arith.constant 3598 : i32
        %add3A_561 = arith.addi %add3A_560, %mul3A_559 : i32
        %get3A_562 = arith.index_cast %add3A_561 : i32 to index
        %get3A_563 = tpu.vector_load %arg6[%get3A_562] {strides = array<i32>} : memref<4112xi32, #tpu.memory_space<vmem>>, vector<16xi32>,
        %mul3A_564 = arith.constant 16 : i32
        %mul3A_565 = arith.muli %scan3A_473, %mul3A_564 : i32
        %add3A_566 = arith.constant 3855 : i32
        %add3A_567 = arith.addi %add3A_566, %mul3A_565 : i32
        %get3A_568 = arith.index_cast %add3A_567 : i32 to index
        %get3A_569 = tpu.vector_load %arg6[%get3A_568] {strides = array<i32>} : memref<4112xi32, #tpu.memory_space<vmem>>, vector<16xi32>,
        %mul3A_570 = arith.constant 16 : i32
        %mul3A_571 = arith.muli %scan3A_473, %mul3A_570 : i32
        %add3A_572 = arith.constant 0 : i32
        %add3A_573 = arith.addi %add3A_572, %mul3A_571 : i32
        %swap3A = arith.index_cast %add3A_573 : i32 to index
        %swap3A_574 = tpu.vector_load %arg6[%swap3A] {strides = array<i32>} : memref<4112xi32, #tpu.memory_space<vmem>>, vector<16xi32>,
        tpu.vector_store %arg6[%swap3A], %broadcast_in_dim3A_201 {strides = array<i32>} : memref<4112xi32, #tpu.memory_space<vmem>>, vector<16xi32>,
        %mul3A_575 = arith.constant 16 : i32
        %mul3A_576 = arith.muli %scan3A_473, %mul3A_575 : i32
        %add3A_577 = arith.constant 257 : i32
        %add3A_578 = arith.addi %add3A_577, %mul3A_576 : i32
        %swap3A_579 = arith.index_cast %add3A_578 : i32 to index
        %swap3A_580 = tpu.vector_load %arg6[%swap3A_579] {strides = array<i32>} : memref<4112xi32, #tpu.memory_space<vmem>>, vector<16xi32>,
        tpu.vector_store %arg6[%swap3A_579], %broadcast_in_dim3A_201 {strides = array<i32>} : memref<4112xi32, #tpu.memory_space<vmem>>, vector<16xi32>,
        %mul3A_581 = arith.constant 16 : i32
        %mul3A_582 = arith.muli %scan3A_473, %mul3A_581 : i32
        %add3A_583 = arith.constant 514 : i32
        %add3A_584 = arith.addi %add3A_583, %mul3A_582 : i32
        %swap3A_585 = arith.index_cast %add3A_584 : i32 to index
        %swap3A_586 = tpu.vector_load %arg6[%swap3A_585] {strides = array<i32>} : memref<4112xi32, #tpu.memory_space<vmem>>, vector<16xi32>,
        tpu.vector_store %arg6[%swap3A_585], %broadcast_in_dim3A_201 {strides = array<i32>} : memref<4112xi32, #tpu.memory_space<vmem>>, vector<16xi32>,
        %mul3A_587 = arith.constant 16 : i32
        %mul3A_588 = arith.muli %scan3A_473, %mul3A_587 : i32
        %add3A_589 = arith.constant 771 : i32
        %add3A_590 = arith.addi %add3A_589, %mul3A_588 : i32
        %swap3A_591 = arith.index_cast %add3A_590 : i32 to index
        %swap3A_592 = tpu.vector_load %arg6[%swap3A_591] {strides = array<i32>} : memref<4112xi32, #tpu.memory_space<vmem>>, vector<16xi32>,
        tpu.vector_store %arg6[%swap3A_591], %broadcast_in_dim3A_201 {strides = array<i32>} : memref<4112xi32, #tpu.memory_space<vmem>>, vector<16xi32>,
        %mul3A_593 = arith.constant 16 : i32
        %mul3A_594 = arith.muli %scan3A_473, %mul3A_593 : i32
        %add3A_595 = arith.constant 1028 : i32
        %add3A_596 = arith.addi %add3A_595, %mul3A_594 : i32
        %swap3A_597 = arith.index_cast %add3A_596 : i32 to index
        %swap3A_598 = tpu.vector_load %arg6[%swap3A_597] {strides = array<i32>} : memref<4112xi32, #tpu.memory_space<vmem>>, vector<16xi32>,
        tpu.vector_store %arg6[%swap3A_597], %broadcast_in_dim3A_201 {strides = array<i32>} : memref<4112xi32, #tpu.memory_space<vmem>>, vector<16xi32>,
        %mul3A_599 = arith.constant 16 : i32
        %mul3A_600 = arith.muli %scan3A_473, %mul3A_599 : i32
        %add3A_601 = arith.constant 1285 : i32
        %add3A_602 = arith.addi %add3A_601, %mul3A_600 : i32
        %swap3A_603 = arith.index_cast %add3A_602 : i32 to index
        %swap3A_604 = tpu.vector_load %arg6[%swap3A_603] {strides = array<i32>} : memref<4112xi32, #tpu.memory_space<vmem>>, vector<16xi32>,
        tpu.vector_store %arg6[%swap3A_603], %broadcast_in_dim3A_201 {strides = array<i32>} : memref<4112xi32, #tpu.memory_space<vmem>>, vector<16xi32>,
        %mul3A_605 = arith.constant 16 : i32
        %mul3A_606 = arith.muli %scan3A_473, %mul3A_605 : i32
        %add3A_607 = arith.constant 1542 : i32
        %add3A_608 = arith.addi %add3A_607, %mul3A_606 : i32
        %swap3A_609 = arith.index_cast %add3A_608 : i32 to index
        %swap3A_610 = tpu.vector_load %arg6[%swap3A_609] {strides = array<i32>} : memref<4112xi32, #tpu.memory_space<vmem>>, vector<16xi32>,
        tpu.vector_store %arg6[%swap3A_609], %broadcast_in_dim3A_201 {strides = array<i32>} : memref<4112xi32, #tpu.memory_space<vmem>>, vector<16xi32>,
        %mul3A_611 = arith.constant 16 : i32
        %mul3A_612 = arith.muli %scan3A_473, %mul3A_611 : i32
        %add3A_613 = arith.constant 1799 : i32
        %add3A_614 = arith.addi %add3A_613, %mul3A_612 : i32
        %swap3A_615 = arith.index_cast %add3A_614 : i32 to index
        %swap3A_616 = tpu.vector_load %arg6[%swap3A_615] {strides = array<i32>} : memref<4112xi32, #tpu.memory_space<vmem>>, vector<16xi32>,
        tpu.vector_store %arg6[%swap3A_615], %broadcast_in_dim3A_201 {strides = array<i32>} : memref<4112xi32, #tpu.memory_space<vmem>>, vector<16xi32>,
        %mul3A_617 = arith.constant 16 : i32
        %mul3A_618 = arith.muli %scan3A_473, %mul3A_617 : i32
        %add3A_619 = arith.constant 2056 : i32
        %add3A_620 = arith.addi %add3A_619, %mul3A_618 : i32
        %swap3A_621 = arith.index_cast %add3A_620 : i32 to index
        %swap3A_622 = tpu.vector_load %arg6[%swap3A_621] {strides = array<i32>} : memref<4112xi32, #tpu.memory_space<vmem>>, vector<16xi32>,
        tpu.vector_store %arg6[%swap3A_621], %broadcast_in_dim3A_201 {strides = array<i32>} : memref<4112xi32, #tpu.memory_space<vmem>>, vector<16xi32>,
        %mul3A_623 = arith.constant 16 : i32
        %mul3A_624 = arith.muli %scan3A_473, %mul3A_623 : i32
        %add3A_625 = arith.constant 2313 : i32
        %add3A_626 = arith.addi %add3A_625, %mul3A_624 : i32
        %swap3A_627 = arith.index_cast %add3A_626 : i32 to index
        %swap3A_628 = tpu.vector_load %arg6[%swap3A_627] {strides = array<i32>} : memref<4112xi32, #tpu.memory_space<vmem>>, vector<16xi32>,
        tpu.vector_store %arg6[%swap3A_627], %broadcast_in_dim3A_201 {strides = array<i32>} : memref<4112xi32, #tpu.memory_space<vmem>>, vector<16xi32>,
        %mul3A_629 = arith.constant 16 : i32
        %mul3A_630 = arith.muli %scan3A_473, %mul3A_629 : i32
        %add3A_631 = arith.constant 2570 : i32
        %add3A_632 = arith.addi %add3A_631, %mul3A_630 : i32
        %swap3A_633 = arith.index_cast %add3A_632 : i32 to index
        %swap3A_634 = tpu.vector_load %arg6[%swap3A_633] {strides = array<i32>} : memref<4112xi32, #tpu.memory_space<vmem>>, vector<16xi32>,
        tpu.vector_store %arg6[%swap3A_633], %broadcast_in_dim3A_201 {strides = array<i32>} : memref<4112xi32, #tpu.memory_space<vmem>>, vector<16xi32>,
        %mul3A_635 = arith.constant 16 : i32
        %mul3A_636 = arith.muli %scan3A_473, %mul3A_635 : i32
        %add3A_637 = arith.constant 2827 : i32
        %add3A_638 = arith.addi %add3A_637, %mul3A_636 : i32
        %swap3A_639 = arith.index_cast %add3A_638 : i32 to index
        %swap3A_640 = tpu.vector_load %arg6[%swap3A_639] {strides = array<i32>} : memref<4112xi32, #tpu.memory_space<vmem>>, vector<16xi32>,
        tpu.vector_store %arg6[%swap3A_639], %broadcast_in_dim3A_201 {strides = array<i32>} : memref<4112xi32, #tpu.memory_space<vmem>>, vector<16xi32>,
        %mul3A_641 = arith.constant 16 : i32
        %mul3A_642 = arith.muli %scan3A_473, %mul3A_641 : i32
        %add3A_643 = arith.constant 3084 : i32
        %add3A_644 = arith.addi %add3A_643, %mul3A_642 : i32
        %swap3A_645 = arith.index_cast %add3A_644 : i32 to index
        %swap3A_646 = tpu.vector_load %arg6[%swap3A_645] {strides = array<i32>} : memref<4112xi32, #tpu.memory_space<vmem>>, vector<16xi32>,
        tpu.vector_store %arg6[%swap3A_645], %broadcast_in_dim3A_201 {strides = array<i32>} : memref<4112xi32, #tpu.memory_space<vmem>>, vector<16xi32>,
        %mul3A_647 = arith.constant 16 : i32
        %mul3A_648 = arith.muli %scan3A_473, %mul3A_647 : i32
        %add3A_649 = arith.constant 3341 : i32
        %add3A_650 = arith.addi %add3A_649, %mul3A_648 : i32
        %swap3A_651 = arith.index_cast %add3A_650 : i32 to index
        %swap3A_652 = tpu.vector_load %arg6[%swap3A_651] {strides = array<i32>} : memref<4112xi32, #tpu.memory_space<vmem>>, vector<16xi32>,
        tpu.vector_store %arg6[%swap3A_651], %broadcast_in_dim3A_201 {strides = array<i32>} : memref<4112xi32, #tpu.memory_space<vmem>>, vector<16xi32>,
        %mul3A_653 = arith.constant 16 : i32
        %mul3A_654 = arith.muli %scan3A_473, %mul3A_653 : i32
        %add3A_655 = arith.constant 3598 : i32
        %add3A_656 = arith.addi %add3A_655, %mul3A_654 : i32
        %swap3A_657 = arith.index_cast %add3A_656 : i32 to index
        %swap3A_658 = tpu.vector_load %arg6[%swap3A_657] {strides = array<i32>} : memref<4112xi32, #tpu.memory_space<vmem>>, vector<16xi32>,
        tpu.vector_store %arg6[%swap3A_657], %broadcast_in_dim3A_201 {strides = array<i32>} : memref<4112xi32, #tpu.memory_space<vmem>>, vector<16xi32>,
        %mul3A_659 = arith.constant 16 : i32
        %mul3A_660 = arith.muli %scan3A_473, %mul3A_659 : i32
        %add3A_661 = arith.constant 3855 : i32
        %add3A_662 = arith.addi %add3A_661, %mul3A_660 : i32
        %swap3A_663 = arith.index_cast %add3A_662 : i32 to index
        %swap3A_664 = tpu.vector_load %arg6[%swap3A_663] {strides = array<i32>} : memref<4112xi32, #tpu.memory_space<vmem>>, vector<16xi32>,
        tpu.vector_store %arg6[%swap3A_663], %broadcast_in_dim3A_201 {strides = array<i32>} : memref<4112xi32, #tpu.memory_space<vmem>>, vector<16xi32>,
        %add3A_665 = arith.addi %get3A_479, %get3A_485 : vector<16xi32>
        %add3A_666 = arith.addi %get3A_491, %get3A_497 : vector<16xi32>
        %add3A_667 = arith.addi %get3A_503, %get3A_509 : vector<16xi32>
        %add3A_668 = arith.addi %get3A_515, %get3A_521 : vector<16xi32>
        %add3A_669 = arith.addi %get3A_527, %get3A_533 : vector<16xi32>
        %add3A_670 = arith.addi %get3A_539, %get3A_545 : vector<16xi32>
        %add3A_671 = arith.addi %get3A_551, %get3A_557 : vector<16xi32>
        %add3A_672 = arith.addi %get3A_563, %get3A_569 : vector<16xi32>
        %add3A_673 = arith.addi %add3A_665, %add3A_666 : vector<16xi32>
        %add3A_674 = arith.addi %add3A_667, %add3A_668 : vector<16xi32>
        %add3A_675 = arith.addi %add3A_669, %add3A_670 : vector<16xi32>
        %add3A_676 = arith.addi %add3A_671, %add3A_672 : vector<16xi32>
        %add3A_677 = arith.addi %add3A_673, %add3A_674 : vector<16xi32>
        %add3A_678 = arith.addi %add3A_675, %add3A_676 : vector<16xi32>
        %add3A_679 = arith.addi %add3A_677, %add3A_678 : vector<16xi32>
        %mul3A_680 = arith.constant 16 : i32
        %mul3A_681 = arith.muli %scan3A_473, %mul3A_680 : i32
        %swap3A_682 = arith.index_cast %mul3A_681 : i32 to index
        %swap3A_683 = tpu.vector_load %arg7[%swap3A_682] {strides = array<i32>} : memref<272xi32, #tpu.memory_space<vmem>>, vector<16xi32>,
        tpu.vector_store %arg7[%swap3A_682], %add3A_679 {strides = array<i32>} : memref<272xi32, #tpu.memory_space<vmem>>, vector<16xi32>,
      }
      %scan3A_207 = arith.constant 16 : i32
      %iota3A_208 = tpu.iota {dimensions = array<i32: 0>} : vector<16xi32>
      %while3A_209 = arith.constant 0 : i32
      %while3A_210 = arith.constant 16 : i32
      %while3A_211:2 = scf.while (%while3A_473 = %while3A_209, %while3A_474 = %while3A_210) : (i32, i32) -> (i32, i32) {
        %lt3A_475 = arith.cmpi slt, %while3A_473, %sub3A_159 : i32
        scf.condition(%lt3A_475) %while3A_473, %while3A_474 : i32, i32
      } do {
      ^bb0(%while3A_473: i32, %while3A_474: i32):
        %sub3A_475 = arith.constant 1 : i32
        %sub3A_476 = arith.subi %while3A_474, %sub3A_475 : i32
        %mul3A_477 = arith.constant 16 : i32
        %mul3A_478 = arith.muli %sub3A_476, %mul3A_477 : i32
        %get3A_479 = arith.index_cast %mul3A_478 : i32 to index
        %get3A_480 = tpu.vector_load %arg7[%get3A_479] {strides = array<i32>} : memref<272xi32, #tpu.memory_space<vmem>>, vector<16xi32>,
        %reduce_sum3A_481 = arith.constant true
        %reduce_sum3A_482 = vector.broadcast %reduce_sum3A_481 : i1 to vector<16xi1>
        %reduce_sum3A_483 = tpu.scan <sum>, %get3A_480 masked %reduce_sum3A_482 : vector<16xi32>, vector<16xi1> -> vector<16xi32>
        %reduce_sum3A_484 = vector.extract %reduce_sum3A_483[15] : i32 from vector<16xi32>
        %add3A_485 = arith.addi %while3A_473, %reduce_sum3A_484 : i32
        scf.yield %add3A_485, %sub3A_476 : i32, i32
      }
      %mul3A_212 = arith.constant 16 : i32
      %mul3A_213 = arith.muli %while3A_211#1, %mul3A_212 : i32
      %get3A_214 = arith.index_cast %mul3A_213 : i32 to index
      %get3A_215 = tpu.vector_load %arg7[%get3A_214] {strides = array<i32>} : memref<272xi32, #tpu.memory_space<vmem>>, vector<16xi32>,
      %reduce_sum3A_216 = arith.constant true
      %reduce_sum3A_217 = vector.broadcast %reduce_sum3A_216 : i1 to vector<16xi1>
      %reduce_sum3A_218 = tpu.scan <sum>, %get3A_215 masked %reduce_sum3A_217 : vector<16xi32>, vector<16xi1> -> vector<16xi32>
      %reduce_sum3A_219 = vector.extract %reduce_sum3A_218[15] : i32 from vector<16xi32>
      %sub3A_220 = arith.subi %while3A_211#0, %reduce_sum3A_219 : i32
      %rev3A_221 = arith.constant 15 : i32
      %rev3A_222 = vector.broadcast %rev3A_221 : i32 to vector<16xi32>
      %rev3A_223 = tpu.iota {dimensions = array<i32: 0>} : vector<16xi32>
      %rev3A_224 = arith.subi %rev3A_222, %rev3A_223 : vector<16xi32>
      %rev3A_225 = tpu.dynamic_gather %get3A_215[%rev3A_224] in [0] : vector<16xi32>, vector<16xi32> -> vector<16xi32>
      %broadcast_in_dim3A_226 = arith.constant true
      %broadcast_in_dim3A_227 = vector.broadcast %broadcast_in_dim3A_226 : i1 to vector<16xi1>
      %masked_cumsum3A_228 = tpu.scan <sum>, %rev3A_225 masked %broadcast_in_dim3A_227 : vector<16xi32>, vector<16xi1> -> vector<16xi32>
      %rev3A_229 = arith.constant 15 : i32
      %rev3A_230 = vector.broadcast %rev3A_229 : i32 to vector<16xi32>
      %rev3A_231 = tpu.iota {dimensions = array<i32: 0>} : vector<16xi32>
      %rev3A_232 = arith.subi %rev3A_230, %rev3A_231 : vector<16xi32>
      %rev3A_233 = tpu.dynamic_gather %masked_cumsum3A_228[%rev3A_232] in [0] : vector<16xi32>, vector<16xi32> -> vector<16xi32>
      %add3A_234 = vector.broadcast %sub3A_220 : i32 to vector<16xi32>
      %add3A_235 = arith.addi %add3A_234, %rev3A_233 : vector<16xi32>
      %ge3A_236 = vector.broadcast %sub3A_159 : i32 to vector<16xi32>
      %ge3A_237 = arith.cmpi sge, %add3A_235, %ge3A_236 : vector<16xi32>
      %all_reduce_population_count3A_238 = tpu.all_reduce %ge3A_237 {dim = 0 : i64, kind = #tpu.reduction_kind<sum>} : vector<16xi1> -> vector<16xi32>
      %slice3A_239 = vector.extract_strided_slice %all_reduce_population_count3A_238 {offsets = [0], sizes = [1], strides = [1]} : vector<16xi32> to vector<1xi32>
      %squeeze3A_240 = vector.extract %slice3A_239[0] : i32 from vector<1xi32>
      %sub3A_241 = arith.constant 1 : i32
      %sub3A_242 = arith.subi %squeeze3A_240, %sub3A_241 : i32
      %mul3A_243 = arith.constant 16 : i32
      %mul3A_244 = arith.muli %while3A_211#1, %mul3A_243 : i32
      %add3A_245 = arith.addi %mul3A_244, %sub3A_242 : i32
      %eq3A_246 = vector.broadcast %sub3A_242 : i32 to vector<16xi32>
      %eq3A_247 = arith.cmpi eq, %iota3A_208, %eq3A_246 : vector<16xi32>
      %sub3A_248 = arith.subi %add3A_235, %get3A_215 : vector<16xi32>
      %jit3A_249 = arith.constant 0 : i32
      %broadcast_in_dim3A_250 = vector.broadcast %jit3A_249 : i32 to vector<16xi32>
      %select_n3A_251 = arith.select %eq3A_247, %sub3A_248, %broadcast_in_dim3A_250 : vector<16xi1>, vector<16xi32>
      %reduce_max3A_252 = arith.constant true
      %reduce_max3A_253 = vector.broadcast %reduce_max3A_252 : i1 to vector<16xi1>
      %reduce_max3A_254 = arith.constant -2147483648 : i32
      %reduce_max3A_255 = vector.broadcast %reduce_max3A_254 : i32 to vector<16xi32>
      %reduce_max3A_256 = arith.xori %select_n3A_251, %reduce_max3A_255 : vector<16xi32>
      %reduce_max3A_257 = tpu.scan <max>, %reduce_max3A_256 masked %reduce_max3A_253 : vector<16xi32>, vector<16xi1> -> vector<16xi32>
      %reduce_max3A_258 = arith.xori %reduce_max3A_257, %reduce_max3A_255 : vector<16xi32>
      %reduce_max3A_259 = vector.extract %reduce_max3A_258[15] : i32 from vector<16xi32>
      %sub3A_260 = arith.subi %sub3A_159, %reduce_max3A_259 : i32
      %add3A_261 = arith.constant 64 : i32
      %add3A_262 = arith.addi %while3A_199, %add3A_261 : i32
      %sub3A_263 = arith.constant 1 : i32
      %sub3A_264 = arith.subi %add3A_262, %sub3A_263 : i32
      %jit3A_265 = arith.constant 64 : i32
      %div3A_266 = arith.divsi %sub3A_264, %jit3A_265 : i32
      %sign3A_267 = arith.constant 0 : i32
      %sign3A_268 = arith.cmpi sgt, %sub3A_264, %sign3A_267 : i32
      %sign3A_269 = arith.extui %sign3A_268 : i1 to i32
      %sign3A_270 = arith.constant 0 : i32
      %sign3A_271 = arith.cmpi slt, %sub3A_264, %sign3A_270 : i32
      %sign3A_272 = arith.extui %sign3A_271 : i1 to i32
      %sign3A_273 = arith.subi %sign3A_269, %sign3A_272 : i32
      %sign3A_274 = arith.constant 0 : i32
      %sign3A_275 = arith.cmpi sgt, %jit3A_265, %sign3A_274 : i32
      %sign3A_276 = arith.extui %sign3A_275 : i1 to i32
      %sign3A_277 = arith.constant 0 : i32
      %sign3A_278 = arith.cmpi slt, %jit3A_265, %sign3A_277 : i32
      %sign3A_279 = arith.extui %sign3A_278 : i1 to i32
      %sign3A_280 = arith.subi %sign3A_276, %sign3A_279 : i32
      %ne3A_281 = arith.cmpi ne, %sign3A_273, %sign3A_280 : i32
      %rem3A_282 = arith.remsi %sub3A_264, %jit3A_265 : i32
      %ne3A_283 = arith.constant 0 : i32
      %ne3A_284 = arith.cmpi ne, %rem3A_282, %ne3A_283 : i32
      %and3A_285 = arith.andi %ne3A_281, %ne3A_284 : i1
      %sub3A_286 = arith.constant 1 : i32
      %sub3A_287 = arith.subi %div3A_266, %sub3A_286 : i32
      %select_n3A_288 = arith.select %and3A_285, %sub3A_287, %div3A_266 : i32
      %while3A_289 = arith.constant 0 : i32
      %while3A_290 = arith.constant 0 : i32
      %while3A_291 = arith.subi %select_n3A_288, %while3A_289 : i32
      %while3A_292 = arith.addi %while3A_289, %while3A_291 : i32
      %while3A_293 = arith.constant 1 : i32
      %while3A_294 = arith.divsi %while3A_291, %while3A_293 : i32
      %while3A_295 = arith.muli %while3A_294, %while3A_293 : i32
      %while3A_296 = arith.addi %while3A_289, %while3A_295 : i32
      %while3A_297 = arith.constant 1 : i32
      %while3A_298 = scf.for %while3A_473 = %while3A_289 to %while3A_296 step %while3A_297 iter_args(%while3A_474 = %while3A_290) -> (i32)  : i32 {
        %mul3A_475 = arith.constant 64 : i32
        %mul3A_476 = arith.muli %while3A_473, %mul3A_475 : i32
        %add3A_477 = arith.constant 0 : i32
        %add3A_478 = arith.addi %mul3A_476, %add3A_477 : i32
        %get3A_479 = arith.index_cast %add3A_478 : i32 to index
        %get3A_480 = tpu.vector_load %arg5[%get3A_479] {strides = array<i32>} : memref<50192xi32, #tpu.memory_space<vmem>>, vector<16xi32>,
        %add3A_481 = arith.constant 16 : i32
        %add3A_482 = arith.addi %mul3A_476, %add3A_481 : i32
        %get3A_483 = arith.index_cast %add3A_482 : i32 to index
        %get3A_484 = tpu.vector_load %arg5[%get3A_483] {strides = array<i32>} : memref<50192xi32, #tpu.memory_space<vmem>>, vector<16xi32>,
        %add3A_485 = arith.constant 32 : i32
        %add3A_486 = arith.addi %mul3A_476, %add3A_485 : i32
        %get3A_487 = arith.index_cast %add3A_486 : i32 to index
        %get3A_488 = tpu.vector_load %arg5[%get3A_487] {strides = array<i32>} : memref<50192xi32, #tpu.memory_space<vmem>>, vector<16xi32>,
        %add3A_489 = arith.constant 48 : i32
        %add3A_490 = arith.addi %mul3A_476, %add3A_489 : i32
        %get3A_491 = arith.index_cast %add3A_490 : i32 to index
        %get3A_492 = tpu.vector_load %arg5[%get3A_491] {strides = array<i32>} : memref<50192xi32, #tpu.memory_space<vmem>>, vector<16xi32>,
        %add3A_493 = arith.constant 0 : i32
        %add3A_494 = arith.addi %mul3A_476, %add3A_493 : i32
        %add3A_495 = vector.broadcast %add3A_494 : i32 to vector<16xi32>
        %add3A_496 = arith.addi %add3A_495, %iota3A : vector<16xi32>
        %lt3A_497 = vector.broadcast %while3A_199 : i32 to vector<16xi32>
        %lt3A_498 = arith.cmpi slt, %add3A_496, %lt3A_497 : vector<16xi32>
        %add3A_499 = arith.constant 16 : i32
        %add3A_500 = arith.addi %mul3A_476, %add3A_499 : i32
        %add3A_501 = vector.broadcast %add3A_500 : i32 to vector<16xi32>
        %add3A_502 = arith.addi %add3A_501, %iota3A : vector<16xi32>
        %lt3A_503 = vector.broadcast %while3A_199 : i32 to vector<16xi32>
        %lt3A_504 = arith.cmpi slt, %add3A_502, %lt3A_503 : vector<16xi32>
        %add3A_505 = arith.constant 32 : i32
        %add3A_506 = arith.addi %mul3A_476, %add3A_505 : i32
        %add3A_507 = vector.broadcast %add3A_506 : i32 to vector<16xi32>
        %add3A_508 = arith.addi %add3A_507, %iota3A : vector<16xi32>
        %lt3A_509 = vector.broadcast %while3A_199 : i32 to vector<16xi32>
        %lt3A_510 = arith.cmpi slt, %add3A_508, %lt3A_509 : vector<16xi32>
        %add3A_511 = arith.constant 48 : i32
        %add3A_512 = arith.addi %mul3A_476, %add3A_511 : i32
        %add3A_513 = vector.broadcast %add3A_512 : i32 to vector<16xi32>
        %add3A_514 = arith.addi %add3A_513, %iota3A : vector<16xi32>
        %lt3A_515 = vector.broadcast %while3A_199 : i32 to vector<16xi32>
        %lt3A_516 = arith.cmpi slt, %add3A_514, %lt3A_515 : vector<16xi32>
        %shift_right_logical3A = arith.constant 15 : i32
        %shift_right_logical3A_517 = vector.broadcast %shift_right_logical3A : i32 to vector<16xi32>
        %shift_right_logical3A_518 = arith.shrui %get3A_480, %shift_right_logical3A_517 : vector<16xi32>
        %and3A_519 = arith.constant 255 : i32
        %and3A_520 = vector.broadcast %and3A_519 : i32 to vector<16xi32>
        %and3A_521 = arith.andi %shift_right_logical3A_518, %and3A_520 : vector<16xi32>
        %eq3A_522 = vector.broadcast %add3A_245 : i32 to vector<16xi32>
        %eq3A_523 = arith.cmpi eq, %and3A_521, %eq3A_522 : vector<16xi32>
        %and3A_524 = arith.andi %lt3A_498, %eq3A_523 : vector<16xi1>
        %shift_right_logical3A_525 = arith.constant 15 : i32
        %shift_right_logical3A_526 = vector.broadcast %shift_right_logical3A_525 : i32 to vector<16xi32>
        %shift_right_logical3A_527 = arith.shrui %get3A_484, %shift_right_logical3A_526 : vector<16xi32>
        %and3A_528 = arith.constant 255 : i32
        %and3A_529 = vector.broadcast %and3A_528 : i32 to vector<16xi32>
        %and3A_530 = arith.andi %shift_right_logical3A_527, %and3A_529 : vector<16xi32>
        %eq3A_531 = vector.broadcast %add3A_245 : i32 to vector<16xi32>
        %eq3A_532 = arith.cmpi eq, %and3A_530, %eq3A_531 : vector<16xi32>
        %and3A_533 = arith.andi %lt3A_504, %eq3A_532 : vector<16xi1>
        %shift_right_logical3A_534 = arith.constant 15 : i32
        %shift_right_logical3A_535 = vector.broadcast %shift_right_logical3A_534 : i32 to vector<16xi32>
        %shift_right_logical3A_536 = arith.shrui %get3A_488, %shift_right_logical3A_535 : vector<16xi32>
        %and3A_537 = arith.constant 255 : i32
        %and3A_538 = vector.broadcast %and3A_537 : i32 to vector<16xi32>
        %and3A_539 = arith.andi %shift_right_logical3A_536, %and3A_538 : vector<16xi32>
        %eq3A_540 = vector.broadcast %add3A_245 : i32 to vector<16xi32>
        %eq3A_541 = arith.cmpi eq, %and3A_539, %eq3A_540 : vector<16xi32>
        %and3A_542 = arith.andi %lt3A_510, %eq3A_541 : vector<16xi1>
        %shift_right_logical3A_543 = arith.constant 15 : i32
        %shift_right_logical3A_544 = vector.broadcast %shift_right_logical3A_543 : i32 to vector<16xi32>
        %shift_right_logical3A_545 = arith.shrui %get3A_492, %shift_right_logical3A_544 : vector<16xi32>
        %and3A_546 = arith.constant 255 : i32
        %and3A_547 = vector.broadcast %and3A_546 : i32 to vector<16xi32>
        %and3A_548 = arith.andi %shift_right_logical3A_545, %and3A_547 : vector<16xi32>
        %eq3A_549 = vector.broadcast %add3A_245 : i32 to vector<16xi32>
        %eq3A_550 = arith.cmpi eq, %and3A_548, %eq3A_549 : vector<16xi32>
        %and3A_551 = arith.andi %lt3A_516, %eq3A_550 : vector<16xi1>
        %shift_right_logical3A_552 = arith.constant 7 : i32
        %shift_right_logical3A_553 = vector.broadcast %shift_right_logical3A_552 : i32 to vector<16xi32>
        %shift_right_logical3A_554 = arith.shrui %get3A_480, %shift_right_logical3A_553 : vector<16xi32>
        %and3A_555 = arith.constant 255 : i32
        %and3A_556 = vector.broadcast %and3A_555 : i32 to vector<16xi32>
        %and3A_557 = arith.andi %shift_right_logical3A_554, %and3A_556 : vector<16xi32>
        %shift_right_logical3A_558 = arith.constant 7 : i32
        %shift_right_logical3A_559 = vector.broadcast %shift_right_logical3A_558 : i32 to vector<16xi32>
        %shift_right_logical3A_560 = arith.shrui %get3A_484, %shift_right_logical3A_559 : vector<16xi32>
        %and3A_561 = arith.constant 255 : i32
        %and3A_562 = vector.broadcast %and3A_561 : i32 to vector<16xi32>
        %and3A_563 = arith.andi %shift_right_logical3A_560, %and3A_562 : vector<16xi32>
        %shift_right_logical3A_564 = arith.constant 7 : i32
        %shift_right_logical3A_565 = vector.broadcast %shift_right_logical3A_564 : i32 to vector<16xi32>
        %shift_right_logical3A_566 = arith.shrui %get3A_488, %shift_right_logical3A_565 : vector<16xi32>
        %and3A_567 = arith.constant 255 : i32
        %and3A_568 = vector.broadcast %and3A_567 : i32 to vector<16xi32>
        %and3A_569 = arith.andi %shift_right_logical3A_566, %and3A_568 : vector<16xi32>
        %shift_right_logical3A_570 = arith.constant 7 : i32
        %shift_right_logical3A_571 = vector.broadcast %shift_right_logical3A_570 : i32 to vector<16xi32>
        %shift_right_logical3A_572 = arith.shrui %get3A_492, %shift_right_logical3A_571 : vector<16xi32>
        %and3A_573 = arith.constant 255 : i32
        %and3A_574 = vector.broadcast %and3A_573 : i32 to vector<16xi32>
        %and3A_575 = arith.andi %shift_right_logical3A_572, %and3A_574 : vector<16xi32>
        %all_reduce_population_count3A_576 = tpu.all_reduce %and3A_524 {dim = 0 : i64, kind = #tpu.reduction_kind<sum>} : vector<16xi1> -> vector<16xi32>
        %slice3A_577 = vector.extract_strided_slice %all_reduce_population_count3A_576 {offsets = [0], sizes = [1], strides = [1]} : vector<16xi32> to vector<1xi32>
        %squeeze3A_578 = vector.extract %slice3A_577[0] : i32 from vector<1xi32>
        %all_reduce_population_count3A_579 = tpu.all_reduce %and3A_533 {dim = 0 : i64, kind = #tpu.reduction_kind<sum>} : vector<16xi1> -> vector<16xi32>
        %slice3A_580 = vector.extract_strided_slice %all_reduce_population_count3A_579 {offsets = [0], sizes = [1], strides = [1]} : vector<16xi32> to vector<1xi32>
        %squeeze3A_581 = vector.extract %slice3A_580[0] : i32 from vector<1xi32>
        %all_reduce_population_count3A_582 = tpu.all_reduce %and3A_542 {dim = 0 : i64, kind = #tpu.reduction_kind<sum>} : vector<16xi1> -> vector<16xi32>
        %slice3A_583 = vector.extract_strided_slice %all_reduce_population_count3A_582 {offsets = [0], sizes = [1], strides = [1]} : vector<16xi32> to vector<1xi32>
        %squeeze3A_584 = vector.extract %slice3A_583[0] : i32 from vector<1xi32>
        %all_reduce_population_count3A_585 = tpu.all_reduce %and3A_551 {dim = 0 : i64, kind = #tpu.reduction_kind<sum>} : vector<16xi1> -> vector<16xi32>
        %slice3A_586 = vector.extract_strided_slice %all_reduce_population_count3A_585 {offsets = [0], sizes = [1], strides = [1]} : vector<16xi32> to vector<1xi32>
        %squeeze3A_587 = vector.extract %slice3A_586[0] : i32 from vector<1xi32>
        %add3A_588 = arith.addi %mul3A_3, %and3A_557 : vector<16xi32>
        tpu.vector_store_idx %arg6[%add3A_588], %broadcast_in_dim3A_4 masked %and3A_524 {add = true} : memref<4112xi32, #tpu.memory_space<vmem>>[vector<16xi32>], vector<16xi32>, vector<16xi1>
        %swap3A = arith.index_cast %while3A_474 : i32 to index
        %swap3A_589 = tpu.vector_load %arg5[%swap3A] masked %and3A_524 {strides = array<i32>} : memref<50192xi32, #tpu.memory_space<vmem>>, vector<16xi32>, vector<16xi1>
        tpu.vector_store %arg5[%swap3A], %get3A_480 masked %and3A_524 {strides = array<i32>} : memref<50192xi32, #tpu.memory_space<vmem>>, vector<16xi32>, vector<16xi1>
        %add3A_590 = arith.addi %while3A_474, %squeeze3A_578 : i32
        %add3A_591 = arith.addi %mul3A_3, %and3A_563 : vector<16xi32>
        tpu.vector_store_idx %arg6[%add3A_591], %broadcast_in_dim3A_4 masked %and3A_533 {add = true} : memref<4112xi32, #tpu.memory_space<vmem>>[vector<16xi32>], vector<16xi32>, vector<16xi1>
        %swap3A_592 = arith.index_cast %add3A_590 : i32 to index
        %swap3A_593 = tpu.vector_load %arg5[%swap3A_592] masked %and3A_533 {strides = array<i32>} : memref<50192xi32, #tpu.memory_space<vmem>>, vector<16xi32>, vector<16xi1>
        tpu.vector_store %arg5[%swap3A_592], %get3A_484 masked %and3A_533 {strides = array<i32>} : memref<50192xi32, #tpu.memory_space<vmem>>, vector<16xi32>, vector<16xi1>
        %add3A_594 = arith.addi %add3A_590, %squeeze3A_581 : i32
        %add3A_595 = arith.addi %mul3A_3, %and3A_569 : vector<16xi32>
        tpu.vector_store_idx %arg6[%add3A_595], %broadcast_in_dim3A_4 masked %and3A_542 {add = true} : memref<4112xi32, #tpu.memory_space<vmem>>[vector<16xi32>], vector<16xi32>, vector<16xi1>
        %swap3A_596 = arith.index_cast %add3A_594 : i32 to index
        %swap3A_597 = tpu.vector_load %arg5[%swap3A_596] masked %and3A_542 {strides = array<i32>} : memref<50192xi32, #tpu.memory_space<vmem>>, vector<16xi32>, vector<16xi1>
        tpu.vector_store %arg5[%swap3A_596], %get3A_488 masked %and3A_542 {strides = array<i32>} : memref<50192xi32, #tpu.memory_space<vmem>>, vector<16xi32>, vector<16xi1>
        %add3A_598 = arith.addi %add3A_594, %squeeze3A_584 : i32
        %add3A_599 = arith.addi %mul3A_3, %and3A_575 : vector<16xi32>
        tpu.vector_store_idx %arg6[%add3A_599], %broadcast_in_dim3A_4 masked %and3A_551 {add = true} : memref<4112xi32, #tpu.memory_space<vmem>>[vector<16xi32>], vector<16xi32>, vector<16xi1>
        %swap3A_600 = arith.index_cast %add3A_598 : i32 to index
        %swap3A_601 = tpu.vector_load %arg5[%swap3A_600] masked %and3A_551 {strides = array<i32>} : memref<50192xi32, #tpu.memory_space<vmem>>, vector<16xi32>, vector<16xi1>
        tpu.vector_store %arg5[%swap3A_600], %get3A_492 masked %and3A_551 {strides = array<i32>} : memref<50192xi32, #tpu.memory_space<vmem>>, vector<16xi32>, vector<16xi1>
        %add3A_602 = arith.addi %add3A_598, %squeeze3A_587 : i32
        scf.yield %add3A_602 : i32
      }
      %while3A_299 = arith.constant 1 : i32
      %while3A_300 = scf.for %while3A_473 = %while3A_296 to %while3A_292 step %while3A_299 iter_args(%while3A_474 = %while3A_298) -> (i32)  : i32 {
        %mul3A_475 = arith.constant 64 : i32
        %mul3A_476 = arith.muli %while3A_473, %mul3A_475 : i32
        %add3A_477 = arith.constant 0 : i32
        %add3A_478 = arith.addi %mul3A_476, %add3A_477 : i32
        %get3A_479 = arith.index_cast %add3A_478 : i32 to index
        %get3A_480 = tpu.vector_load %arg5[%get3A_479] {strides = array<i32>} : memref<50192xi32, #tpu.memory_space<vmem>>, vector<16xi32>,
        %add3A_481 = arith.constant 16 : i32
        %add3A_482 = arith.addi %mul3A_476, %add3A_481 : i32
        %get3A_483 = arith.index_cast %add3A_482 : i32 to index
        %get3A_484 = tpu.vector_load %arg5[%get3A_483] {strides = array<i32>} : memref<50192xi32, #tpu.memory_space<vmem>>, vector<16xi32>,
        %add3A_485 = arith.constant 32 : i32
        %add3A_486 = arith.addi %mul3A_476, %add3A_485 : i32
        %get3A_487 = arith.index_cast %add3A_486 : i32 to index
        %get3A_488 = tpu.vector_load %arg5[%get3A_487] {strides = array<i32>} : memref<50192xi32, #tpu.memory_space<vmem>>, vector<16xi32>,
        %add3A_489 = arith.constant 48 : i32
        %add3A_490 = arith.addi %mul3A_476, %add3A_489 : i32
        %get3A_491 = arith.index_cast %add3A_490 : i32 to index
        %get3A_492 = tpu.vector_load %arg5[%get3A_491] {strides = array<i32>} : memref<50192xi32, #tpu.memory_space<vmem>>, vector<16xi32>,
        %add3A_493 = arith.constant 0 : i32
        %add3A_494 = arith.addi %mul3A_476, %add3A_493 : i32
        %add3A_495 = vector.broadcast %add3A_494 : i32 to vector<16xi32>
        %add3A_496 = arith.addi %add3A_495, %iota3A : vector<16xi32>
        %lt3A_497 = vector.broadcast %while3A_199 : i32 to vector<16xi32>
        %lt3A_498 = arith.cmpi slt, %add3A_496, %lt3A_497 : vector<16xi32>
        %add3A_499 = arith.constant 16 : i32
        %add3A_500 = arith.addi %mul3A_476, %add3A_499 : i32
        %add3A_501 = vector.broadcast %add3A_500 : i32 to vector<16xi32>
        %add3A_502 = arith.addi %add3A_501, %iota3A : vector<16xi32>
        %lt3A_503 = vector.broadcast %while3A_199 : i32 to vector<16xi32>
        %lt3A_504 = arith.cmpi slt, %add3A_502, %lt3A_503 : vector<16xi32>
        %add3A_505 = arith.constant 32 : i32
        %add3A_506 = arith.addi %mul3A_476, %add3A_505 : i32
        %add3A_507 = vector.broadcast %add3A_506 : i32 to vector<16xi32>
        %add3A_508 = arith.addi %add3A_507, %iota3A : vector<16xi32>
        %lt3A_509 = vector.broadcast %while3A_199 : i32 to vector<16xi32>
        %lt3A_510 = arith.cmpi slt, %add3A_508, %lt3A_509 : vector<16xi32>
        %add3A_511 = arith.constant 48 : i32
        %add3A_512 = arith.addi %mul3A_476, %add3A_511 : i32
        %add3A_513 = vector.broadcast %add3A_512 : i32 to vector<16xi32>
        %add3A_514 = arith.addi %add3A_513, %iota3A : vector<16xi32>
        %lt3A_515 = vector.broadcast %while3A_199 : i32 to vector<16xi32>
        %lt3A_516 = arith.cmpi slt, %add3A_514, %lt3A_515 : vector<16xi32>
        %shift_right_logical3A = arith.constant 15 : i32
        %shift_right_logical3A_517 = vector.broadcast %shift_right_logical3A : i32 to vector<16xi32>
        %shift_right_logical3A_518 = arith.shrui %get3A_480, %shift_right_logical3A_517 : vector<16xi32>
        %and3A_519 = arith.constant 255 : i32
        %and3A_520 = vector.broadcast %and3A_519 : i32 to vector<16xi32>
        %and3A_521 = arith.andi %shift_right_logical3A_518, %and3A_520 : vector<16xi32>
        %eq3A_522 = vector.broadcast %add3A_245 : i32 to vector<16xi32>
        %eq3A_523 = arith.cmpi eq, %and3A_521, %eq3A_522 : vector<16xi32>
        %and3A_524 = arith.andi %lt3A_498, %eq3A_523 : vector<16xi1>
        %shift_right_logical3A_525 = arith.constant 15 : i32
        %shift_right_logical3A_526 = vector.broadcast %shift_right_logical3A_525 : i32 to vector<16xi32>
        %shift_right_logical3A_527 = arith.shrui %get3A_484, %shift_right_logical3A_526 : vector<16xi32>
        %and3A_528 = arith.constant 255 : i32
        %and3A_529 = vector.broadcast %and3A_528 : i32 to vector<16xi32>
        %and3A_530 = arith.andi %shift_right_logical3A_527, %and3A_529 : vector<16xi32>
        %eq3A_531 = vector.broadcast %add3A_245 : i32 to vector<16xi32>
        %eq3A_532 = arith.cmpi eq, %and3A_530, %eq3A_531 : vector<16xi32>
        %and3A_533 = arith.andi %lt3A_504, %eq3A_532 : vector<16xi1>
        %shift_right_logical3A_534 = arith.constant 15 : i32
        %shift_right_logical3A_535 = vector.broadcast %shift_right_logical3A_534 : i32 to vector<16xi32>
        %shift_right_logical3A_536 = arith.shrui %get3A_488, %shift_right_logical3A_535 : vector<16xi32>
        %and3A_537 = arith.constant 255 : i32
        %and3A_538 = vector.broadcast %and3A_537 : i32 to vector<16xi32>
        %and3A_539 = arith.andi %shift_right_logical3A_536, %and3A_538 : vector<16xi32>
        %eq3A_540 = vector.broadcast %add3A_245 : i32 to vector<16xi32>
        %eq3A_541 = arith.cmpi eq, %and3A_539, %eq3A_540 : vector<16xi32>
        %and3A_542 = arith.andi %lt3A_510, %eq3A_541 : vector<16xi1>
        %shift_right_logical3A_543 = arith.constant 15 : i32
        %shift_right_logical3A_544 = vector.broadcast %shift_right_logical3A_543 : i32 to vector<16xi32>
        %shift_right_logical3A_545 = arith.shrui %get3A_492, %shift_right_logical3A_544 : vector<16xi32>
        %and3A_546 = arith.constant 255 : i32
        %and3A_547 = vector.broadcast %and3A_546 : i32 to vector<16xi32>
        %and3A_548 = arith.andi %shift_right_logical3A_545, %and3A_547 : vector<16xi32>
        %eq3A_549 = vector.broadcast %add3A_245 : i32 to vector<16xi32>
        %eq3A_550 = arith.cmpi eq, %and3A_548, %eq3A_549 : vector<16xi32>
        %and3A_551 = arith.andi %lt3A_516, %eq3A_550 : vector<16xi1>
        %shift_right_logical3A_552 = arith.constant 7 : i32
        %shift_right_logical3A_553 = vector.broadcast %shift_right_logical3A_552 : i32 to vector<16xi32>
        %shift_right_logical3A_554 = arith.shrui %get3A_480, %shift_right_logical3A_553 : vector<16xi32>
        %and3A_555 = arith.constant 255 : i32
        %and3A_556 = vector.broadcast %and3A_555 : i32 to vector<16xi32>
        %and3A_557 = arith.andi %shift_right_logical3A_554, %and3A_556 : vector<16xi32>
        %shift_right_logical3A_558 = arith.constant 7 : i32
        %shift_right_logical3A_559 = vector.broadcast %shift_right_logical3A_558 : i32 to vector<16xi32>
        %shift_right_logical3A_560 = arith.shrui %get3A_484, %shift_right_logical3A_559 : vector<16xi32>
        %and3A_561 = arith.constant 255 : i32
        %and3A_562 = vector.broadcast %and3A_561 : i32 to vector<16xi32>
        %and3A_563 = arith.andi %shift_right_logical3A_560, %and3A_562 : vector<16xi32>
        %shift_right_logical3A_564 = arith.constant 7 : i32
        %shift_right_logical3A_565 = vector.broadcast %shift_right_logical3A_564 : i32 to vector<16xi32>
        %shift_right_logical3A_566 = arith.shrui %get3A_488, %shift_right_logical3A_565 : vector<16xi32>
        %and3A_567 = arith.constant 255 : i32
        %and3A_568 = vector.broadcast %and3A_567 : i32 to vector<16xi32>
        %and3A_569 = arith.andi %shift_right_logical3A_566, %and3A_568 : vector<16xi32>
        %shift_right_logical3A_570 = arith.constant 7 : i32
        %shift_right_logical3A_571 = vector.broadcast %shift_right_logical3A_570 : i32 to vector<16xi32>
        %shift_right_logical3A_572 = arith.shrui %get3A_492, %shift_right_logical3A_571 : vector<16xi32>
        %and3A_573 = arith.constant 255 : i32
        %and3A_574 = vector.broadcast %and3A_573 : i32 to vector<16xi32>
        %and3A_575 = arith.andi %shift_right_logical3A_572, %and3A_574 : vector<16xi32>
        %all_reduce_population_count3A_576 = tpu.all_reduce %and3A_524 {dim = 0 : i64, kind = #tpu.reduction_kind<sum>} : vector<16xi1> -> vector<16xi32>
        %slice3A_577 = vector.extract_strided_slice %all_reduce_population_count3A_576 {offsets = [0], sizes = [1], strides = [1]} : vector<16xi32> to vector<1xi32>
        %squeeze3A_578 = vector.extract %slice3A_577[0] : i32 from vector<1xi32>
        %all_reduce_population_count3A_579 = tpu.all_reduce %and3A_533 {dim = 0 : i64, kind = #tpu.reduction_kind<sum>} : vector<16xi1> -> vector<16xi32>
        %slice3A_580 = vector.extract_strided_slice %all_reduce_population_count3A_579 {offsets = [0], sizes = [1], strides = [1]} : vector<16xi32> to vector<1xi32>
        %squeeze3A_581 = vector.extract %slice3A_580[0] : i32 from vector<1xi32>
        %all_reduce_population_count3A_582 = tpu.all_reduce %and3A_542 {dim = 0 : i64, kind = #tpu.reduction_kind<sum>} : vector<16xi1> -> vector<16xi32>
        %slice3A_583 = vector.extract_strided_slice %all_reduce_population_count3A_582 {offsets = [0], sizes = [1], strides = [1]} : vector<16xi32> to vector<1xi32>
        %squeeze3A_584 = vector.extract %slice3A_583[0] : i32 from vector<1xi32>
        %all_reduce_population_count3A_585 = tpu.all_reduce %and3A_551 {dim = 0 : i64, kind = #tpu.reduction_kind<sum>} : vector<16xi1> -> vector<16xi32>
        %slice3A_586 = vector.extract_strided_slice %all_reduce_population_count3A_585 {offsets = [0], sizes = [1], strides = [1]} : vector<16xi32> to vector<1xi32>
        %squeeze3A_587 = vector.extract %slice3A_586[0] : i32 from vector<1xi32>
        %add3A_588 = arith.addi %mul3A_3, %and3A_557 : vector<16xi32>
        tpu.vector_store_idx %arg6[%add3A_588], %broadcast_in_dim3A_4 masked %and3A_524 {add = true} : memref<4112xi32, #tpu.memory_space<vmem>>[vector<16xi32>], vector<16xi32>, vector<16xi1>
        %swap3A = arith.index_cast %while3A_474 : i32 to index
        %swap3A_589 = tpu.vector_load %arg5[%swap3A] masked %and3A_524 {strides = array<i32>} : memref<50192xi32, #tpu.memory_space<vmem>>, vector<16xi32>, vector<16xi1>
        tpu.vector_store %arg5[%swap3A], %get3A_480 masked %and3A_524 {strides = array<i32>} : memref<50192xi32, #tpu.memory_space<vmem>>, vector<16xi32>, vector<16xi1>
        %add3A_590 = arith.addi %while3A_474, %squeeze3A_578 : i32
        %add3A_591 = arith.addi %mul3A_3, %and3A_563 : vector<16xi32>
        tpu.vector_store_idx %arg6[%add3A_591], %broadcast_in_dim3A_4 masked %and3A_533 {add = true} : memref<4112xi32, #tpu.memory_space<vmem>>[vector<16xi32>], vector<16xi32>, vector<16xi1>
        %swap3A_592 = arith.index_cast %add3A_590 : i32 to index
        %swap3A_593 = tpu.vector_load %arg5[%swap3A_592] masked %and3A_533 {strides = array<i32>} : memref<50192xi32, #tpu.memory_space<vmem>>, vector<16xi32>, vector<16xi1>
        tpu.vector_store %arg5[%swap3A_592], %get3A_484 masked %and3A_533 {strides = array<i32>} : memref<50192xi32, #tpu.memory_space<vmem>>, vector<16xi32>, vector<16xi1>
        %add3A_594 = arith.addi %add3A_590, %squeeze3A_581 : i32
        %add3A_595 = arith.addi %mul3A_3, %and3A_569 : vector<16xi32>
        tpu.vector_store_idx %arg6[%add3A_595], %broadcast_in_dim3A_4 masked %and3A_542 {add = true} : memref<4112xi32, #tpu.memory_space<vmem>>[vector<16xi32>], vector<16xi32>, vector<16xi1>
        %swap3A_596 = arith.index_cast %add3A_594 : i32 to index
        %swap3A_597 = tpu.vector_load %arg5[%swap3A_596] masked %and3A_542 {strides = array<i32>} : memref<50192xi32, #tpu.memory_space<vmem>>, vector<16xi32>, vector<16xi1>
        tpu.vector_store %arg5[%swap3A_596], %get3A_488 masked %and3A_542 {strides = array<i32>} : memref<50192xi32, #tpu.memory_space<vmem>>, vector<16xi32>, vector<16xi1>
        %add3A_598 = arith.addi %add3A_594, %squeeze3A_584 : i32
        %add3A_599 = arith.addi %mul3A_3, %and3A_575 : vector<16xi32>
        tpu.vector_store_idx %arg6[%add3A_599], %broadcast_in_dim3A_4 masked %and3A_551 {add = true} : memref<4112xi32, #tpu.memory_space<vmem>>[vector<16xi32>], vector<16xi32>, vector<16xi1>
        %swap3A_600 = arith.index_cast %add3A_598 : i32 to index
        %swap3A_601 = tpu.vector_load %arg5[%swap3A_600] masked %and3A_551 {strides = array<i32>} : memref<50192xi32, #tpu.memory_space<vmem>>, vector<16xi32>, vector<16xi1>
        tpu.vector_store %arg5[%swap3A_600], %get3A_492 masked %and3A_551 {strides = array<i32>} : memref<50192xi32, #tpu.memory_space<vmem>>, vector<16xi32>, vector<16xi1>
        %add3A_602 = arith.addi %add3A_598, %squeeze3A_587 : i32
        scf.yield %add3A_602 : i32
      }
      %broadcast_in_dim3A_301 = arith.constant 0 : i32
      %broadcast_in_dim3A_302 = vector.broadcast %broadcast_in_dim3A_301 : i32 to vector<16xi32>
      %scan3A_303 = arith.constant 0 : i32
      %scan3A_304 = arith.constant 0 : i32
      %scan3A_305 = arith.constant 16 : i32
      %scan3A_306 = arith.addi %scan3A_304, %scan3A_305 : i32
      %scan3A_307 = arith.constant 1 : i32
      scf.for %scan3A_473 = %scan3A_304 to %scan3A_306 step %scan3A_307  : i32 {
        %mul3A_474 = arith.constant 16 : i32
        %mul3A_475 = arith.muli %scan3A_473, %mul3A_474 : i32
        %add3A_476 = arith.constant 0 : i32
        %add3A_477 = arith.addi %add3A_476, %mul3A_475 : i32
        %get3A_478 = arith.index_cast %add3A_477 : i32 to index
        %get3A_479 = tpu.vector_load %arg6[%get3A_478] {strides = array<i32>} : memref<4112xi32, #tpu.memory_space<vmem>>, vector<16xi32>,
        %mul3A_480 = arith.constant 16 : i32
        %mul3A_481 = arith.muli %scan3A_473, %mul3A_480 : i32
        %add3A_482 = arith.constant 257 : i32
        %add3A_483 = arith.addi %add3A_482, %mul3A_481 : i32
        %get3A_484 = arith.index_cast %add3A_483 : i32 to index
        %get3A_485 = tpu.vector_load %arg6[%get3A_484] {strides = array<i32>} : memref<4112xi32, #tpu.memory_space<vmem>>, vector<16xi32>,
        %mul3A_486 = arith.constant 16 : i32
        %mul3A_487 = arith.muli %scan3A_473, %mul3A_486 : i32
        %add3A_488 = arith.constant 514 : i32
        %add3A_489 = arith.addi %add3A_488, %mul3A_487 : i32
        %get3A_490 = arith.index_cast %add3A_489 : i32 to index
        %get3A_491 = tpu.vector_load %arg6[%get3A_490] {strides = array<i32>} : memref<4112xi32, #tpu.memory_space<vmem>>, vector<16xi32>,
        %mul3A_492 = arith.constant 16 : i32
        %mul3A_493 = arith.muli %scan3A_473, %mul3A_492 : i32
        %add3A_494 = arith.constant 771 : i32
        %add3A_495 = arith.addi %add3A_494, %mul3A_493 : i32
        %get3A_496 = arith.index_cast %add3A_495 : i32 to index
        %get3A_497 = tpu.vector_load %arg6[%get3A_496] {strides = array<i32>} : memref<4112xi32, #tpu.memory_space<vmem>>, vector<16xi32>,
        %mul3A_498 = arith.constant 16 : i32
        %mul3A_499 = arith.muli %scan3A_473, %mul3A_498 : i32
        %add3A_500 = arith.constant 1028 : i32
        %add3A_501 = arith.addi %add3A_500, %mul3A_499 : i32
        %get3A_502 = arith.index_cast %add3A_501 : i32 to index
        %get3A_503 = tpu.vector_load %arg6[%get3A_502] {strides = array<i32>} : memref<4112xi32, #tpu.memory_space<vmem>>, vector<16xi32>,
        %mul3A_504 = arith.constant 16 : i32
        %mul3A_505 = arith.muli %scan3A_473, %mul3A_504 : i32
        %add3A_506 = arith.constant 1285 : i32
        %add3A_507 = arith.addi %add3A_506, %mul3A_505 : i32
        %get3A_508 = arith.index_cast %add3A_507 : i32 to index
        %get3A_509 = tpu.vector_load %arg6[%get3A_508] {strides = array<i32>} : memref<4112xi32, #tpu.memory_space<vmem>>, vector<16xi32>,
        %mul3A_510 = arith.constant 16 : i32
        %mul3A_511 = arith.muli %scan3A_473, %mul3A_510 : i32
        %add3A_512 = arith.constant 1542 : i32
        %add3A_513 = arith.addi %add3A_512, %mul3A_511 : i32
        %get3A_514 = arith.index_cast %add3A_513 : i32 to index
        %get3A_515 = tpu.vector_load %arg6[%get3A_514] {strides = array<i32>} : memref<4112xi32, #tpu.memory_space<vmem>>, vector<16xi32>,
        %mul3A_516 = arith.constant 16 : i32
        %mul3A_517 = arith.muli %scan3A_473, %mul3A_516 : i32
        %add3A_518 = arith.constant 1799 : i32
        %add3A_519 = arith.addi %add3A_518, %mul3A_517 : i32
        %get3A_520 = arith.index_cast %add3A_519 : i32 to index
        %get3A_521 = tpu.vector_load %arg6[%get3A_520] {strides = array<i32>} : memref<4112xi32, #tpu.memory_space<vmem>>, vector<16xi32>,
        %mul3A_522 = arith.constant 16 : i32
        %mul3A_523 = arith.muli %scan3A_473, %mul3A_522 : i32
        %add3A_524 = arith.constant 2056 : i32
        %add3A_525 = arith.addi %add3A_524, %mul3A_523 : i32
        %get3A_526 = arith.index_cast %add3A_525 : i32 to index
        %get3A_527 = tpu.vector_load %arg6[%get3A_526] {strides = array<i32>} : memref<4112xi32, #tpu.memory_space<vmem>>, vector<16xi32>,
        %mul3A_528 = arith.constant 16 : i32
        %mul3A_529 = arith.muli %scan3A_473, %mul3A_528 : i32
        %add3A_530 = arith.constant 2313 : i32
        %add3A_531 = arith.addi %add3A_530, %mul3A_529 : i32
        %get3A_532 = arith.index_cast %add3A_531 : i32 to index
        %get3A_533 = tpu.vector_load %arg6[%get3A_532] {strides = array<i32>} : memref<4112xi32, #tpu.memory_space<vmem>>, vector<16xi32>,
        %mul3A_534 = arith.constant 16 : i32
        %mul3A_535 = arith.muli %scan3A_473, %mul3A_534 : i32
        %add3A_536 = arith.constant 2570 : i32
        %add3A_537 = arith.addi %add3A_536, %mul3A_535 : i32
        %get3A_538 = arith.index_cast %add3A_537 : i32 to index
        %get3A_539 = tpu.vector_load %arg6[%get3A_538] {strides = array<i32>} : memref<4112xi32, #tpu.memory_space<vmem>>, vector<16xi32>,
        %mul3A_540 = arith.constant 16 : i32
        %mul3A_541 = arith.muli %scan3A_473, %mul3A_540 : i32
        %add3A_542 = arith.constant 2827 : i32
        %add3A_543 = arith.addi %add3A_542, %mul3A_541 : i32
        %get3A_544 = arith.index_cast %add3A_543 : i32 to index
        %get3A_545 = tpu.vector_load %arg6[%get3A_544] {strides = array<i32>} : memref<4112xi32, #tpu.memory_space<vmem>>, vector<16xi32>,
        %mul3A_546 = arith.constant 16 : i32
        %mul3A_547 = arith.muli %scan3A_473, %mul3A_546 : i32
        %add3A_548 = arith.constant 3084 : i32
        %add3A_549 = arith.addi %add3A_548, %mul3A_547 : i32
        %get3A_550 = arith.index_cast %add3A_549 : i32 to index
        %get3A_551 = tpu.vector_load %arg6[%get3A_550] {strides = array<i32>} : memref<4112xi32, #tpu.memory_space<vmem>>, vector<16xi32>,
        %mul3A_552 = arith.constant 16 : i32
        %mul3A_553 = arith.muli %scan3A_473, %mul3A_552 : i32
        %add3A_554 = arith.constant 3341 : i32
        %add3A_555 = arith.addi %add3A_554, %mul3A_553 : i32
        %get3A_556 = arith.index_cast %add3A_555 : i32 to index
        %get3A_557 = tpu.vector_load %arg6[%get3A_556] {strides = array<i32>} : memref<4112xi32, #tpu.memory_space<vmem>>, vector<16xi32>,
        %mul3A_558 = arith.constant 16 : i32
        %mul3A_559 = arith.muli %scan3A_473, %mul3A_558 : i32
        %add3A_560 = arith.constant 3598 : i32
        %add3A_561 = arith.addi %add3A_560, %mul3A_559 : i32
        %get3A_562 = arith.index_cast %add3A_561 : i32 to index
        %get3A_563 = tpu.vector_load %arg6[%get3A_562] {strides = array<i32>} : memref<4112xi32, #tpu.memory_space<vmem>>, vector<16xi32>,
        %mul3A_564 = arith.constant 16 : i32
        %mul3A_565 = arith.muli %scan3A_473, %mul3A_564 : i32
        %add3A_566 = arith.constant 3855 : i32
        %add3A_567 = arith.addi %add3A_566, %mul3A_565 : i32
        %get3A_568 = arith.index_cast %add3A_567 : i32 to index
        %get3A_569 = tpu.vector_load %arg6[%get3A_568] {strides = array<i32>} : memref<4112xi32, #tpu.memory_space<vmem>>, vector<16xi32>,
        %mul3A_570 = arith.constant 16 : i32
        %mul3A_571 = arith.muli %scan3A_473, %mul3A_570 : i32
        %add3A_572 = arith.constant 0 : i32
        %add3A_573 = arith.addi %add3A_572, %mul3A_571 : i32
        %swap3A = arith.index_cast %add3A_573 : i32 to index
        %swap3A_574 = tpu.vector_load %arg6[%swap3A] {strides = array<i32>} : memref<4112xi32, #tpu.memory_space<vmem>>, vector<16xi32>,
        tpu.vector_store %arg6[%swap3A], %broadcast_in_dim3A_302 {strides = array<i32>} : memref<4112xi32, #tpu.memory_space<vmem>>, vector<16xi32>,
        %mul3A_575 = arith.constant 16 : i32
        %mul3A_576 = arith.muli %scan3A_473, %mul3A_575 : i32
        %add3A_577 = arith.constant 257 : i32
        %add3A_578 = arith.addi %add3A_577, %mul3A_576 : i32
        %swap3A_579 = arith.index_cast %add3A_578 : i32 to index
        %swap3A_580 = tpu.vector_load %arg6[%swap3A_579] {strides = array<i32>} : memref<4112xi32, #tpu.memory_space<vmem>>, vector<16xi32>,
        tpu.vector_store %arg6[%swap3A_579], %broadcast_in_dim3A_302 {strides = array<i32>} : memref<4112xi32, #tpu.memory_space<vmem>>, vector<16xi32>,
        %mul3A_581 = arith.constant 16 : i32
        %mul3A_582 = arith.muli %scan3A_473, %mul3A_581 : i32
        %add3A_583 = arith.constant 514 : i32
        %add3A_584 = arith.addi %add3A_583, %mul3A_582 : i32
        %swap3A_585 = arith.index_cast %add3A_584 : i32 to index
        %swap3A_586 = tpu.vector_load %arg6[%swap3A_585] {strides = array<i32>} : memref<4112xi32, #tpu.memory_space<vmem>>, vector<16xi32>,
        tpu.vector_store %arg6[%swap3A_585], %broadcast_in_dim3A_302 {strides = array<i32>} : memref<4112xi32, #tpu.memory_space<vmem>>, vector<16xi32>,
        %mul3A_587 = arith.constant 16 : i32
        %mul3A_588 = arith.muli %scan3A_473, %mul3A_587 : i32
        %add3A_589 = arith.constant 771 : i32
        %add3A_590 = arith.addi %add3A_589, %mul3A_588 : i32
        %swap3A_591 = arith.index_cast %add3A_590 : i32 to index
        %swap3A_592 = tpu.vector_load %arg6[%swap3A_591] {strides = array<i32>} : memref<4112xi32, #tpu.memory_space<vmem>>, vector<16xi32>,
        tpu.vector_store %arg6[%swap3A_591], %broadcast_in_dim3A_302 {strides = array<i32>} : memref<4112xi32, #tpu.memory_space<vmem>>, vector<16xi32>,
        %mul3A_593 = arith.constant 16 : i32
        %mul3A_594 = arith.muli %scan3A_473, %mul3A_593 : i32
        %add3A_595 = arith.constant 1028 : i32
        %add3A_596 = arith.addi %add3A_595, %mul3A_594 : i32
        %swap3A_597 = arith.index_cast %add3A_596 : i32 to index
        %swap3A_598 = tpu.vector_load %arg6[%swap3A_597] {strides = array<i32>} : memref<4112xi32, #tpu.memory_space<vmem>>, vector<16xi32>,
        tpu.vector_store %arg6[%swap3A_597], %broadcast_in_dim3A_302 {strides = array<i32>} : memref<4112xi32, #tpu.memory_space<vmem>>, vector<16xi32>,
        %mul3A_599 = arith.constant 16 : i32
        %mul3A_600 = arith.muli %scan3A_473, %mul3A_599 : i32
        %add3A_601 = arith.constant 1285 : i32
        %add3A_602 = arith.addi %add3A_601, %mul3A_600 : i32
        %swap3A_603 = arith.index_cast %add3A_602 : i32 to index
        %swap3A_604 = tpu.vector_load %arg6[%swap3A_603] {strides = array<i32>} : memref<4112xi32, #tpu.memory_space<vmem>>, vector<16xi32>,
        tpu.vector_store %arg6[%swap3A_603], %broadcast_in_dim3A_302 {strides = array<i32>} : memref<4112xi32, #tpu.memory_space<vmem>>, vector<16xi32>,
        %mul3A_605 = arith.constant 16 : i32
        %mul3A_606 = arith.muli %scan3A_473, %mul3A_605 : i32
        %add3A_607 = arith.constant 1542 : i32
        %add3A_608 = arith.addi %add3A_607, %mul3A_606 : i32
        %swap3A_609 = arith.index_cast %add3A_608 : i32 to index
        %swap3A_610 = tpu.vector_load %arg6[%swap3A_609] {strides = array<i32>} : memref<4112xi32, #tpu.memory_space<vmem>>, vector<16xi32>,
        tpu.vector_store %arg6[%swap3A_609], %broadcast_in_dim3A_302 {strides = array<i32>} : memref<4112xi32, #tpu.memory_space<vmem>>, vector<16xi32>,
        %mul3A_611 = arith.constant 16 : i32
        %mul3A_612 = arith.muli %scan3A_473, %mul3A_611 : i32
        %add3A_613 = arith.constant 1799 : i32
        %add3A_614 = arith.addi %add3A_613, %mul3A_612 : i32
        %swap3A_615 = arith.index_cast %add3A_614 : i32 to index
        %swap3A_616 = tpu.vector_load %arg6[%swap3A_615] {strides = array<i32>} : memref<4112xi32, #tpu.memory_space<vmem>>, vector<16xi32>,
        tpu.vector_store %arg6[%swap3A_615], %broadcast_in_dim3A_302 {strides = array<i32>} : memref<4112xi32, #tpu.memory_space<vmem>>, vector<16xi32>,
        %mul3A_617 = arith.constant 16 : i32
        %mul3A_618 = arith.muli %scan3A_473, %mul3A_617 : i32
        %add3A_619 = arith.constant 2056 : i32
        %add3A_620 = arith.addi %add3A_619, %mul3A_618 : i32
        %swap3A_621 = arith.index_cast %add3A_620 : i32 to index
        %swap3A_622 = tpu.vector_load %arg6[%swap3A_621] {strides = array<i32>} : memref<4112xi32, #tpu.memory_space<vmem>>, vector<16xi32>,
        tpu.vector_store %arg6[%swap3A_621], %broadcast_in_dim3A_302 {strides = array<i32>} : memref<4112xi32, #tpu.memory_space<vmem>>, vector<16xi32>,
        %mul3A_623 = arith.constant 16 : i32
        %mul3A_624 = arith.muli %scan3A_473, %mul3A_623 : i32
        %add3A_625 = arith.constant 2313 : i32
        %add3A_626 = arith.addi %add3A_625, %mul3A_624 : i32
        %swap3A_627 = arith.index_cast %add3A_626 : i32 to index
        %swap3A_628 = tpu.vector_load %arg6[%swap3A_627] {strides = array<i32>} : memref<4112xi32, #tpu.memory_space<vmem>>, vector<16xi32>,
        tpu.vector_store %arg6[%swap3A_627], %broadcast_in_dim3A_302 {strides = array<i32>} : memref<4112xi32, #tpu.memory_space<vmem>>, vector<16xi32>,
        %mul3A_629 = arith.constant 16 : i32
        %mul3A_630 = arith.muli %scan3A_473, %mul3A_629 : i32
        %add3A_631 = arith.constant 2570 : i32
        %add3A_632 = arith.addi %add3A_631, %mul3A_630 : i32
        %swap3A_633 = arith.index_cast %add3A_632 : i32 to index
        %swap3A_634 = tpu.vector_load %arg6[%swap3A_633] {strides = array<i32>} : memref<4112xi32, #tpu.memory_space<vmem>>, vector<16xi32>,
        tpu.vector_store %arg6[%swap3A_633], %broadcast_in_dim3A_302 {strides = array<i32>} : memref<4112xi32, #tpu.memory_space<vmem>>, vector<16xi32>,
        %mul3A_635 = arith.constant 16 : i32
        %mul3A_636 = arith.muli %scan3A_473, %mul3A_635 : i32
        %add3A_637 = arith.constant 2827 : i32
        %add3A_638 = arith.addi %add3A_637, %mul3A_636 : i32
        %swap3A_639 = arith.index_cast %add3A_638 : i32 to index
        %swap3A_640 = tpu.vector_load %arg6[%swap3A_639] {strides = array<i32>} : memref<4112xi32, #tpu.memory_space<vmem>>, vector<16xi32>,
        tpu.vector_store %arg6[%swap3A_639], %broadcast_in_dim3A_302 {strides = array<i32>} : memref<4112xi32, #tpu.memory_space<vmem>>, vector<16xi32>,
        %mul3A_641 = arith.constant 16 : i32
        %mul3A_642 = arith.muli %scan3A_473, %mul3A_641 : i32
        %add3A_643 = arith.constant 3084 : i32
        %add3A_644 = arith.addi %add3A_643, %mul3A_642 : i32
        %swap3A_645 = arith.index_cast %add3A_644 : i32 to index
        %swap3A_646 = tpu.vector_load %arg6[%swap3A_645] {strides = array<i32>} : memref<4112xi32, #tpu.memory_space<vmem>>, vector<16xi32>,
        tpu.vector_store %arg6[%swap3A_645], %broadcast_in_dim3A_302 {strides = array<i32>} : memref<4112xi32, #tpu.memory_space<vmem>>, vector<16xi32>,
        %mul3A_647 = arith.constant 16 : i32
        %mul3A_648 = arith.muli %scan3A_473, %mul3A_647 : i32
        %add3A_649 = arith.constant 3341 : i32
        %add3A_650 = arith.addi %add3A_649, %mul3A_648 : i32
        %swap3A_651 = arith.index_cast %add3A_650 : i32 to index
        %swap3A_652 = tpu.vector_load %arg6[%swap3A_651] {strides = array<i32>} : memref<4112xi32, #tpu.memory_space<vmem>>, vector<16xi32>,
        tpu.vector_store %arg6[%swap3A_651], %broadcast_in_dim3A_302 {strides = array<i32>} : memref<4112xi32, #tpu.memory_space<vmem>>, vector<16xi32>,
        %mul3A_653 = arith.constant 16 : i32
        %mul3A_654 = arith.muli %scan3A_473, %mul3A_653 : i32
        %add3A_655 = arith.constant 3598 : i32
        %add3A_656 = arith.addi %add3A_655, %mul3A_654 : i32
        %swap3A_657 = arith.index_cast %add3A_656 : i32 to index
        %swap3A_658 = tpu.vector_load %arg6[%swap3A_657] {strides = array<i32>} : memref<4112xi32, #tpu.memory_space<vmem>>, vector<16xi32>,
        tpu.vector_store %arg6[%swap3A_657], %broadcast_in_dim3A_302 {strides = array<i32>} : memref<4112xi32, #tpu.memory_space<vmem>>, vector<16xi32>,
        %mul3A_659 = arith.constant 16 : i32
        %mul3A_660 = arith.muli %scan3A_473, %mul3A_659 : i32
        %add3A_661 = arith.constant 3855 : i32
        %add3A_662 = arith.addi %add3A_661, %mul3A_660 : i32
        %swap3A_663 = arith.index_cast %add3A_662 : i32 to index
        %swap3A_664 = tpu.vector_load %arg6[%swap3A_663] {strides = array<i32>} : memref<4112xi32, #tpu.memory_space<vmem>>, vector<16xi32>,
        tpu.vector_store %arg6[%swap3A_663], %broadcast_in_dim3A_302 {strides = array<i32>} : memref<4112xi32, #tpu.memory_space<vmem>>, vector<16xi32>,
        %add3A_665 = arith.addi %get3A_479, %get3A_485 : vector<16xi32>
        %add3A_666 = arith.addi %get3A_491, %get3A_497 : vector<16xi32>
        %add3A_667 = arith.addi %get3A_503, %get3A_509 : vector<16xi32>
        %add3A_668 = arith.addi %get3A_515, %get3A_521 : vector<16xi32>
        %add3A_669 = arith.addi %get3A_527, %get3A_533 : vector<16xi32>
        %add3A_670 = arith.addi %get3A_539, %get3A_545 : vector<16xi32>
        %add3A_671 = arith.addi %get3A_551, %get3A_557 : vector<16xi32>
        %add3A_672 = arith.addi %get3A_563, %get3A_569 : vector<16xi32>
        %add3A_673 = arith.addi %add3A_665, %add3A_666 : vector<16xi32>
        %add3A_674 = arith.addi %add3A_667, %add3A_668 : vector<16xi32>
        %add3A_675 = arith.addi %add3A_669, %add3A_670 : vector<16xi32>
        %add3A_676 = arith.addi %add3A_671, %add3A_672 : vector<16xi32>
        %add3A_677 = arith.addi %add3A_673, %add3A_674 : vector<16xi32>
        %add3A_678 = arith.addi %add3A_675, %add3A_676 : vector<16xi32>
        %add3A_679 = arith.addi %add3A_677, %add3A_678 : vector<16xi32>
        %mul3A_680 = arith.constant 16 : i32
        %mul3A_681 = arith.muli %scan3A_473, %mul3A_680 : i32
        %swap3A_682 = arith.index_cast %mul3A_681 : i32 to index
        %swap3A_683 = tpu.vector_load %arg7[%swap3A_682] {strides = array<i32>} : memref<272xi32, #tpu.memory_space<vmem>>, vector<16xi32>,
        tpu.vector_store %arg7[%swap3A_682], %add3A_679 {strides = array<i32>} : memref<272xi32, #tpu.memory_space<vmem>>, vector<16xi32>,
      }
      %scan3A_308 = arith.constant 16 : i32
      %iota3A_309 = tpu.iota {dimensions = array<i32: 0>} : vector<16xi32>
      %while3A_310 = arith.constant 0 : i32
      %while3A_311 = arith.constant 16 : i32
      %while3A_312:2 = scf.while (%while3A_473 = %while3A_310, %while3A_474 = %while3A_311) : (i32, i32) -> (i32, i32) {
        %lt3A_475 = arith.cmpi slt, %while3A_473, %sub3A_260 : i32
        scf.condition(%lt3A_475) %while3A_473, %while3A_474 : i32, i32
      } do {
      ^bb0(%while3A_473: i32, %while3A_474: i32):
        %sub3A_475 = arith.constant 1 : i32
        %sub3A_476 = arith.subi %while3A_474, %sub3A_475 : i32
        %mul3A_477 = arith.constant 16 : i32
        %mul3A_478 = arith.muli %sub3A_476, %mul3A_477 : i32
        %get3A_479 = arith.index_cast %mul3A_478 : i32 to index
        %get3A_480 = tpu.vector_load %arg7[%get3A_479] {strides = array<i32>} : memref<272xi32, #tpu.memory_space<vmem>>, vector<16xi32>,
        %reduce_sum3A_481 = arith.constant true
        %reduce_sum3A_482 = vector.broadcast %reduce_sum3A_481 : i1 to vector<16xi1>
        %reduce_sum3A_483 = tpu.scan <sum>, %get3A_480 masked %reduce_sum3A_482 : vector<16xi32>, vector<16xi1> -> vector<16xi32>
        %reduce_sum3A_484 = vector.extract %reduce_sum3A_483[15] : i32 from vector<16xi32>
        %add3A_485 = arith.addi %while3A_473, %reduce_sum3A_484 : i32
        scf.yield %add3A_485, %sub3A_476 : i32, i32
      }
      %mul3A_313 = arith.constant 16 : i32
      %mul3A_314 = arith.muli %while3A_312#1, %mul3A_313 : i32
      %get3A_315 = arith.index_cast %mul3A_314 : i32 to index
      %get3A_316 = tpu.vector_load %arg7[%get3A_315] {strides = array<i32>} : memref<272xi32, #tpu.memory_space<vmem>>, vector<16xi32>,
      %reduce_sum3A_317 = arith.constant true
      %reduce_sum3A_318 = vector.broadcast %reduce_sum3A_317 : i1 to vector<16xi1>
      %reduce_sum3A_319 = tpu.scan <sum>, %get3A_316 masked %reduce_sum3A_318 : vector<16xi32>, vector<16xi1> -> vector<16xi32>
      %reduce_sum3A_320 = vector.extract %reduce_sum3A_319[15] : i32 from vector<16xi32>
      %sub3A_321 = arith.subi %while3A_312#0, %reduce_sum3A_320 : i32
      %rev3A_322 = arith.constant 15 : i32
      %rev3A_323 = vector.broadcast %rev3A_322 : i32 to vector<16xi32>
      %rev3A_324 = tpu.iota {dimensions = array<i32: 0>} : vector<16xi32>
      %rev3A_325 = arith.subi %rev3A_323, %rev3A_324 : vector<16xi32>
      %rev3A_326 = tpu.dynamic_gather %get3A_316[%rev3A_325] in [0] : vector<16xi32>, vector<16xi32> -> vector<16xi32>
      %broadcast_in_dim3A_327 = arith.constant true
      %broadcast_in_dim3A_328 = vector.broadcast %broadcast_in_dim3A_327 : i1 to vector<16xi1>
      %masked_cumsum3A_329 = tpu.scan <sum>, %rev3A_326 masked %broadcast_in_dim3A_328 : vector<16xi32>, vector<16xi1> -> vector<16xi32>
      %rev3A_330 = arith.constant 15 : i32
      %rev3A_331 = vector.broadcast %rev3A_330 : i32 to vector<16xi32>
      %rev3A_332 = tpu.iota {dimensions = array<i32: 0>} : vector<16xi32>
      %rev3A_333 = arith.subi %rev3A_331, %rev3A_332 : vector<16xi32>
      %rev3A_334 = tpu.dynamic_gather %masked_cumsum3A_329[%rev3A_333] in [0] : vector<16xi32>, vector<16xi32> -> vector<16xi32>
      %add3A_335 = vector.broadcast %sub3A_321 : i32 to vector<16xi32>
      %add3A_336 = arith.addi %add3A_335, %rev3A_334 : vector<16xi32>
      %ge3A_337 = vector.broadcast %sub3A_260 : i32 to vector<16xi32>
      %ge3A_338 = arith.cmpi sge, %add3A_336, %ge3A_337 : vector<16xi32>
      %all_reduce_population_count3A_339 = tpu.all_reduce %ge3A_338 {dim = 0 : i64, kind = #tpu.reduction_kind<sum>} : vector<16xi1> -> vector<16xi32>
      %slice3A_340 = vector.extract_strided_slice %all_reduce_population_count3A_339 {offsets = [0], sizes = [1], strides = [1]} : vector<16xi32> to vector<1xi32>
      %squeeze3A_341 = vector.extract %slice3A_340[0] : i32 from vector<1xi32>
      %sub3A_342 = arith.constant 1 : i32
      %sub3A_343 = arith.subi %squeeze3A_341, %sub3A_342 : i32
      %mul3A_344 = arith.constant 16 : i32
      %mul3A_345 = arith.muli %while3A_312#1, %mul3A_344 : i32
      %add3A_346 = arith.addi %mul3A_345, %sub3A_343 : i32
      %eq3A_347 = vector.broadcast %sub3A_343 : i32 to vector<16xi32>
      %eq3A_348 = arith.cmpi eq, %iota3A_309, %eq3A_347 : vector<16xi32>
      %sub3A_349 = arith.subi %add3A_336, %get3A_316 : vector<16xi32>
      %jit3A_350 = arith.constant 0 : i32
      %broadcast_in_dim3A_351 = vector.broadcast %jit3A_350 : i32 to vector<16xi32>
      %select_n3A_352 = arith.select %eq3A_348, %sub3A_349, %broadcast_in_dim3A_351 : vector<16xi1>, vector<16xi32>
      %reduce_max3A_353 = arith.constant true
      %reduce_max3A_354 = vector.broadcast %reduce_max3A_353 : i1 to vector<16xi1>
      %reduce_max3A_355 = arith.constant -2147483648 : i32
      %reduce_max3A_356 = vector.broadcast %reduce_max3A_355 : i32 to vector<16xi32>
      %reduce_max3A_357 = arith.xori %select_n3A_352, %reduce_max3A_356 : vector<16xi32>
      %reduce_max3A_358 = tpu.scan <max>, %reduce_max3A_357 masked %reduce_max3A_354 : vector<16xi32>, vector<16xi1> -> vector<16xi32>
      %reduce_max3A_359 = arith.xori %reduce_max3A_358, %reduce_max3A_356 : vector<16xi32>
      %reduce_max3A_360 = vector.extract %reduce_max3A_359[15] : i32 from vector<16xi32>
      %sub3A_361 = arith.subi %sub3A_260, %reduce_max3A_360 : i32
      %add3A_362 = arith.constant 64 : i32
      %add3A_363 = arith.addi %while3A_300, %add3A_362 : i32
      %sub3A_364 = arith.constant 1 : i32
      %sub3A_365 = arith.subi %add3A_363, %sub3A_364 : i32
      %jit3A_366 = arith.constant 64 : i32
      %div3A_367 = arith.divsi %sub3A_365, %jit3A_366 : i32
      %sign3A_368 = arith.constant 0 : i32
      %sign3A_369 = arith.cmpi sgt, %sub3A_365, %sign3A_368 : i32
      %sign3A_370 = arith.extui %sign3A_369 : i1 to i32
      %sign3A_371 = arith.constant 0 : i32
      %sign3A_372 = arith.cmpi slt, %sub3A_365, %sign3A_371 : i32
      %sign3A_373 = arith.extui %sign3A_372 : i1 to i32
      %sign3A_374 = arith.subi %sign3A_370, %sign3A_373 : i32
      %sign3A_375 = arith.constant 0 : i32
      %sign3A_376 = arith.cmpi sgt, %jit3A_366, %sign3A_375 : i32
      %sign3A_377 = arith.extui %sign3A_376 : i1 to i32
      %sign3A_378 = arith.constant 0 : i32
      %sign3A_379 = arith.cmpi slt, %jit3A_366, %sign3A_378 : i32
      %sign3A_380 = arith.extui %sign3A_379 : i1 to i32
      %sign3A_381 = arith.subi %sign3A_377, %sign3A_380 : i32
      %ne3A_382 = arith.cmpi ne, %sign3A_374, %sign3A_381 : i32
      %rem3A_383 = arith.remsi %sub3A_365, %jit3A_366 : i32
      %ne3A_384 = arith.constant 0 : i32
      %ne3A_385 = arith.cmpi ne, %rem3A_383, %ne3A_384 : i32
      %and3A_386 = arith.andi %ne3A_382, %ne3A_385 : i1
      %sub3A_387 = arith.constant 1 : i32
      %sub3A_388 = arith.subi %div3A_367, %sub3A_387 : i32
      %select_n3A_389 = arith.select %and3A_386, %sub3A_388, %div3A_367 : i32
      %while3A_390 = arith.constant 0 : i32
      %while3A_391 = arith.constant 0 : i32
      %while3A_392 = arith.subi %select_n3A_389, %while3A_391 : i32
      %while3A_393 = arith.addi %while3A_391, %while3A_392 : i32
      %while3A_394 = arith.constant 1 : i32
      %while3A_395 = arith.divsi %while3A_392, %while3A_394 : i32
      %while3A_396 = arith.muli %while3A_395, %while3A_394 : i32
      %while3A_397 = arith.addi %while3A_391, %while3A_396 : i32
      %while3A_398 = arith.constant 1 : i32
      scf.for %while3A_473 = %while3A_391 to %while3A_397 step %while3A_398  : i32 {
        %mul3A_474 = arith.constant 64 : i32
        %mul3A_475 = arith.muli %while3A_473, %mul3A_474 : i32
        %add3A_476 = arith.constant 0 : i32
        %add3A_477 = arith.addi %mul3A_475, %add3A_476 : i32
        %get3A_478 = arith.index_cast %add3A_477 : i32 to index
        %get3A_479 = tpu.vector_load %arg5[%get3A_478] {strides = array<i32>} : memref<50192xi32, #tpu.memory_space<vmem>>, vector<16xi32>,
        %add3A_480 = arith.constant 16 : i32
        %add3A_481 = arith.addi %mul3A_475, %add3A_480 : i32
        %get3A_482 = arith.index_cast %add3A_481 : i32 to index
        %get3A_483 = tpu.vector_load %arg5[%get3A_482] {strides = array<i32>} : memref<50192xi32, #tpu.memory_space<vmem>>, vector<16xi32>,
        %add3A_484 = arith.constant 32 : i32
        %add3A_485 = arith.addi %mul3A_475, %add3A_484 : i32
        %get3A_486 = arith.index_cast %add3A_485 : i32 to index
        %get3A_487 = tpu.vector_load %arg5[%get3A_486] {strides = array<i32>} : memref<50192xi32, #tpu.memory_space<vmem>>, vector<16xi32>,
        %add3A_488 = arith.constant 48 : i32
        %add3A_489 = arith.addi %mul3A_475, %add3A_488 : i32
        %get3A_490 = arith.index_cast %add3A_489 : i32 to index
        %get3A_491 = tpu.vector_load %arg5[%get3A_490] {strides = array<i32>} : memref<50192xi32, #tpu.memory_space<vmem>>, vector<16xi32>,
        %add3A_492 = arith.constant 0 : i32
        %add3A_493 = arith.addi %mul3A_475, %add3A_492 : i32
        %add3A_494 = vector.broadcast %add3A_493 : i32 to vector<16xi32>
        %add3A_495 = arith.addi %add3A_494, %iota3A : vector<16xi32>
        %lt3A_496 = vector.broadcast %while3A_300 : i32 to vector<16xi32>
        %lt3A_497 = arith.cmpi slt, %add3A_495, %lt3A_496 : vector<16xi32>
        %add3A_498 = arith.constant 16 : i32
        %add3A_499 = arith.addi %mul3A_475, %add3A_498 : i32
        %add3A_500 = vector.broadcast %add3A_499 : i32 to vector<16xi32>
        %add3A_501 = arith.addi %add3A_500, %iota3A : vector<16xi32>
        %lt3A_502 = vector.broadcast %while3A_300 : i32 to vector<16xi32>
        %lt3A_503 = arith.cmpi slt, %add3A_501, %lt3A_502 : vector<16xi32>
        %add3A_504 = arith.constant 32 : i32
        %add3A_505 = arith.addi %mul3A_475, %add3A_504 : i32
        %add3A_506 = vector.broadcast %add3A_505 : i32 to vector<16xi32>
        %add3A_507 = arith.addi %add3A_506, %iota3A : vector<16xi32>
        %lt3A_508 = vector.broadcast %while3A_300 : i32 to vector<16xi32>
        %lt3A_509 = arith.cmpi slt, %add3A_507, %lt3A_508 : vector<16xi32>
        %add3A_510 = arith.constant 48 : i32
        %add3A_511 = arith.addi %mul3A_475, %add3A_510 : i32
        %add3A_512 = vector.broadcast %add3A_511 : i32 to vector<16xi32>
        %add3A_513 = arith.addi %add3A_512, %iota3A : vector<16xi32>
        %lt3A_514 = vector.broadcast %while3A_300 : i32 to vector<16xi32>
        %lt3A_515 = arith.cmpi slt, %add3A_513, %lt3A_514 : vector<16xi32>
        %shift_right_logical3A = arith.constant 7 : i32
        %shift_right_logical3A_516 = vector.broadcast %shift_right_logical3A : i32 to vector<16xi32>
        %shift_right_logical3A_517 = arith.shrui %get3A_479, %shift_right_logical3A_516 : vector<16xi32>
        %and3A_518 = arith.constant 255 : i32
        %and3A_519 = vector.broadcast %and3A_518 : i32 to vector<16xi32>
        %and3A_520 = arith.andi %shift_right_logical3A_517, %and3A_519 : vector<16xi32>
        %eq3A_521 = vector.broadcast %add3A_346 : i32 to vector<16xi32>
        %eq3A_522 = arith.cmpi eq, %and3A_520, %eq3A_521 : vector<16xi32>
        %and3A_523 = arith.andi %lt3A_497, %eq3A_522 : vector<16xi1>
        %shift_right_logical3A_524 = arith.constant 7 : i32
        %shift_right_logical3A_525 = vector.broadcast %shift_right_logical3A_524 : i32 to vector<16xi32>
        %shift_right_logical3A_526 = arith.shrui %get3A_483, %shift_right_logical3A_525 : vector<16xi32>
        %and3A_527 = arith.constant 255 : i32
        %and3A_528 = vector.broadcast %and3A_527 : i32 to vector<16xi32>
        %and3A_529 = arith.andi %shift_right_logical3A_526, %and3A_528 : vector<16xi32>
        %eq3A_530 = vector.broadcast %add3A_346 : i32 to vector<16xi32>
        %eq3A_531 = arith.cmpi eq, %and3A_529, %eq3A_530 : vector<16xi32>
        %and3A_532 = arith.andi %lt3A_503, %eq3A_531 : vector<16xi1>
        %shift_right_logical3A_533 = arith.constant 7 : i32
        %shift_right_logical3A_534 = vector.broadcast %shift_right_logical3A_533 : i32 to vector<16xi32>
        %shift_right_logical3A_535 = arith.shrui %get3A_487, %shift_right_logical3A_534 : vector<16xi32>
        %and3A_536 = arith.constant 255 : i32
        %and3A_537 = vector.broadcast %and3A_536 : i32 to vector<16xi32>
        %and3A_538 = arith.andi %shift_right_logical3A_535, %and3A_537 : vector<16xi32>
        %eq3A_539 = vector.broadcast %add3A_346 : i32 to vector<16xi32>
        %eq3A_540 = arith.cmpi eq, %and3A_538, %eq3A_539 : vector<16xi32>
        %and3A_541 = arith.andi %lt3A_509, %eq3A_540 : vector<16xi1>
        %shift_right_logical3A_542 = arith.constant 7 : i32
        %shift_right_logical3A_543 = vector.broadcast %shift_right_logical3A_542 : i32 to vector<16xi32>
        %shift_right_logical3A_544 = arith.shrui %get3A_491, %shift_right_logical3A_543 : vector<16xi32>
        %and3A_545 = arith.constant 255 : i32
        %and3A_546 = vector.broadcast %and3A_545 : i32 to vector<16xi32>
        %and3A_547 = arith.andi %shift_right_logical3A_544, %and3A_546 : vector<16xi32>
        %eq3A_548 = vector.broadcast %add3A_346 : i32 to vector<16xi32>
        %eq3A_549 = arith.cmpi eq, %and3A_547, %eq3A_548 : vector<16xi32>
        %and3A_550 = arith.andi %lt3A_515, %eq3A_549 : vector<16xi1>
        %shift_right_logical3A_551 = arith.constant 0 : i32
        %shift_right_logical3A_552 = vector.broadcast %shift_right_logical3A_551 : i32 to vector<16xi32>
        %shift_right_logical3A_553 = arith.shrui %get3A_479, %shift_right_logical3A_552 : vector<16xi32>
        %and3A_554 = arith.constant 127 : i32
        %and3A_555 = vector.broadcast %and3A_554 : i32 to vector<16xi32>
        %and3A_556 = arith.andi %shift_right_logical3A_553, %and3A_555 : vector<16xi32>
        %shift_right_logical3A_557 = arith.constant 0 : i32
        %shift_right_logical3A_558 = vector.broadcast %shift_right_logical3A_557 : i32 to vector<16xi32>
        %shift_right_logical3A_559 = arith.shrui %get3A_483, %shift_right_logical3A_558 : vector<16xi32>
        %and3A_560 = arith.constant 127 : i32
        %and3A_561 = vector.broadcast %and3A_560 : i32 to vector<16xi32>
        %and3A_562 = arith.andi %shift_right_logical3A_559, %and3A_561 : vector<16xi32>
        %shift_right_logical3A_563 = arith.constant 0 : i32
        %shift_right_logical3A_564 = vector.broadcast %shift_right_logical3A_563 : i32 to vector<16xi32>
        %shift_right_logical3A_565 = arith.shrui %get3A_487, %shift_right_logical3A_564 : vector<16xi32>
        %and3A_566 = arith.constant 127 : i32
        %and3A_567 = vector.broadcast %and3A_566 : i32 to vector<16xi32>
        %and3A_568 = arith.andi %shift_right_logical3A_565, %and3A_567 : vector<16xi32>
        %shift_right_logical3A_569 = arith.constant 0 : i32
        %shift_right_logical3A_570 = vector.broadcast %shift_right_logical3A_569 : i32 to vector<16xi32>
        %shift_right_logical3A_571 = arith.shrui %get3A_491, %shift_right_logical3A_570 : vector<16xi32>
        %and3A_572 = arith.constant 127 : i32
        %and3A_573 = vector.broadcast %and3A_572 : i32 to vector<16xi32>
        %and3A_574 = arith.andi %shift_right_logical3A_571, %and3A_573 : vector<16xi32>
        %add3A_575 = arith.addi %mul3A_3, %and3A_556 : vector<16xi32>
        tpu.vector_store_idx %arg6[%add3A_575], %broadcast_in_dim3A_4 masked %and3A_523 {add = true} : memref<4112xi32, #tpu.memory_space<vmem>>[vector<16xi32>], vector<16xi32>, vector<16xi1>
        %add3A_576 = arith.addi %mul3A_3, %and3A_562 : vector<16xi32>
        tpu.vector_store_idx %arg6[%add3A_576], %broadcast_in_dim3A_4 masked %and3A_532 {add = true} : memref<4112xi32, #tpu.memory_space<vmem>>[vector<16xi32>], vector<16xi32>, vector<16xi1>
        %add3A_577 = arith.addi %mul3A_3, %and3A_568 : vector<16xi32>
        tpu.vector_store_idx %arg6[%add3A_577], %broadcast_in_dim3A_4 masked %and3A_541 {add = true} : memref<4112xi32, #tpu.memory_space<vmem>>[vector<16xi32>], vector<16xi32>, vector<16xi1>
        %add3A_578 = arith.addi %mul3A_3, %and3A_574 : vector<16xi32>
        tpu.vector_store_idx %arg6[%add3A_578], %broadcast_in_dim3A_4 masked %and3A_550 {add = true} : memref<4112xi32, #tpu.memory_space<vmem>>[vector<16xi32>], vector<16xi32>, vector<16xi1>
      }
      %while3A_399 = arith.constant 1 : i32
      scf.for %while3A_473 = %while3A_397 to %while3A_393 step %while3A_399  : i32 {
        %mul3A_474 = arith.constant 64 : i32
        %mul3A_475 = arith.muli %while3A_473, %mul3A_474 : i32
        %add3A_476 = arith.constant 0 : i32
        %add3A_477 = arith.addi %mul3A_475, %add3A_476 : i32
        %get3A_478 = arith.index_cast %add3A_477 : i32 to index
        %get3A_479 = tpu.vector_load %arg5[%get3A_478] {strides = array<i32>} : memref<50192xi32, #tpu.memory_space<vmem>>, vector<16xi32>,
        %add3A_480 = arith.constant 16 : i32
        %add3A_481 = arith.addi %mul3A_475, %add3A_480 : i32
        %get3A_482 = arith.index_cast %add3A_481 : i32 to index
        %get3A_483 = tpu.vector_load %arg5[%get3A_482] {strides = array<i32>} : memref<50192xi32, #tpu.memory_space<vmem>>, vector<16xi32>,
        %add3A_484 = arith.constant 32 : i32
        %add3A_485 = arith.addi %mul3A_475, %add3A_484 : i32
        %get3A_486 = arith.index_cast %add3A_485 : i32 to index
        %get3A_487 = tpu.vector_load %arg5[%get3A_486] {strides = array<i32>} : memref<50192xi32, #tpu.memory_space<vmem>>, vector<16xi32>,
        %add3A_488 = arith.constant 48 : i32
        %add3A_489 = arith.addi %mul3A_475, %add3A_488 : i32
        %get3A_490 = arith.index_cast %add3A_489 : i32 to index
        %get3A_491 = tpu.vector_load %arg5[%get3A_490] {strides = array<i32>} : memref<50192xi32, #tpu.memory_space<vmem>>, vector<16xi32>,
        %add3A_492 = arith.constant 0 : i32
        %add3A_493 = arith.addi %mul3A_475, %add3A_492 : i32
        %add3A_494 = vector.broadcast %add3A_493 : i32 to vector<16xi32>
        %add3A_495 = arith.addi %add3A_494, %iota3A : vector<16xi32>
        %lt3A_496 = vector.broadcast %while3A_300 : i32 to vector<16xi32>
        %lt3A_497 = arith.cmpi slt, %add3A_495, %lt3A_496 : vector<16xi32>
        %add3A_498 = arith.constant 16 : i32
        %add3A_499 = arith.addi %mul3A_475, %add3A_498 : i32
        %add3A_500 = vector.broadcast %add3A_499 : i32 to vector<16xi32>
        %add3A_501 = arith.addi %add3A_500, %iota3A : vector<16xi32>
        %lt3A_502 = vector.broadcast %while3A_300 : i32 to vector<16xi32>
        %lt3A_503 = arith.cmpi slt, %add3A_501, %lt3A_502 : vector<16xi32>
        %add3A_504 = arith.constant 32 : i32
        %add3A_505 = arith.addi %mul3A_475, %add3A_504 : i32
        %add3A_506 = vector.broadcast %add3A_505 : i32 to vector<16xi32>
        %add3A_507 = arith.addi %add3A_506, %iota3A : vector<16xi32>
        %lt3A_508 = vector.broadcast %while3A_300 : i32 to vector<16xi32>
        %lt3A_509 = arith.cmpi slt, %add3A_507, %lt3A_508 : vector<16xi32>
        %add3A_510 = arith.constant 48 : i32
        %add3A_511 = arith.addi %mul3A_475, %add3A_510 : i32
        %add3A_512 = vector.broadcast %add3A_511 : i32 to vector<16xi32>
        %add3A_513 = arith.addi %add3A_512, %iota3A : vector<16xi32>
        %lt3A_514 = vector.broadcast %while3A_300 : i32 to vector<16xi32>
        %lt3A_515 = arith.cmpi slt, %add3A_513, %lt3A_514 : vector<16xi32>
        %shift_right_logical3A = arith.constant 7 : i32
        %shift_right_logical3A_516 = vector.broadcast %shift_right_logical3A : i32 to vector<16xi32>
        %shift_right_logical3A_517 = arith.shrui %get3A_479, %shift_right_logical3A_516 : vector<16xi32>
        %and3A_518 = arith.constant 255 : i32
        %and3A_519 = vector.broadcast %and3A_518 : i32 to vector<16xi32>
        %and3A_520 = arith.andi %shift_right_logical3A_517, %and3A_519 : vector<16xi32>
        %eq3A_521 = vector.broadcast %add3A_346 : i32 to vector<16xi32>
        %eq3A_522 = arith.cmpi eq, %and3A_520, %eq3A_521 : vector<16xi32>
        %and3A_523 = arith.andi %lt3A_497, %eq3A_522 : vector<16xi1>
        %shift_right_logical3A_524 = arith.constant 7 : i32
        %shift_right_logical3A_525 = vector.broadcast %shift_right_logical3A_524 : i32 to vector<16xi32>
        %shift_right_logical3A_526 = arith.shrui %get3A_483, %shift_right_logical3A_525 : vector<16xi32>
        %and3A_527 = arith.constant 255 : i32
        %and3A_528 = vector.broadcast %and3A_527 : i32 to vector<16xi32>
        %and3A_529 = arith.andi %shift_right_logical3A_526, %and3A_528 : vector<16xi32>
        %eq3A_530 = vector.broadcast %add3A_346 : i32 to vector<16xi32>
        %eq3A_531 = arith.cmpi eq, %and3A_529, %eq3A_530 : vector<16xi32>
        %and3A_532 = arith.andi %lt3A_503, %eq3A_531 : vector<16xi1>
        %shift_right_logical3A_533 = arith.constant 7 : i32
        %shift_right_logical3A_534 = vector.broadcast %shift_right_logical3A_533 : i32 to vector<16xi32>
        %shift_right_logical3A_535 = arith.shrui %get3A_487, %shift_right_logical3A_534 : vector<16xi32>
        %and3A_536 = arith.constant 255 : i32
        %and3A_537 = vector.broadcast %and3A_536 : i32 to vector<16xi32>
        %and3A_538 = arith.andi %shift_right_logical3A_535, %and3A_537 : vector<16xi32>
        %eq3A_539 = vector.broadcast %add3A_346 : i32 to vector<16xi32>
        %eq3A_540 = arith.cmpi eq, %and3A_538, %eq3A_539 : vector<16xi32>
        %and3A_541 = arith.andi %lt3A_509, %eq3A_540 : vector<16xi1>
        %shift_right_logical3A_542 = arith.constant 7 : i32
        %shift_right_logical3A_543 = vector.broadcast %shift_right_logical3A_542 : i32 to vector<16xi32>
        %shift_right_logical3A_544 = arith.shrui %get3A_491, %shift_right_logical3A_543 : vector<16xi32>
        %and3A_545 = arith.constant 255 : i32
        %and3A_546 = vector.broadcast %and3A_545 : i32 to vector<16xi32>
        %and3A_547 = arith.andi %shift_right_logical3A_544, %and3A_546 : vector<16xi32>
        %eq3A_548 = vector.broadcast %add3A_346 : i32 to vector<16xi32>
        %eq3A_549 = arith.cmpi eq, %and3A_547, %eq3A_548 : vector<16xi32>
        %and3A_550 = arith.andi %lt3A_515, %eq3A_549 : vector<16xi1>
        %shift_right_logical3A_551 = arith.constant 0 : i32
        %shift_right_logical3A_552 = vector.broadcast %shift_right_logical3A_551 : i32 to vector<16xi32>
        %shift_right_logical3A_553 = arith.shrui %get3A_479, %shift_right_logical3A_552 : vector<16xi32>
        %and3A_554 = arith.constant 127 : i32
        %and3A_555 = vector.broadcast %and3A_554 : i32 to vector<16xi32>
        %and3A_556 = arith.andi %shift_right_logical3A_553, %and3A_555 : vector<16xi32>
        %shift_right_logical3A_557 = arith.constant 0 : i32
        %shift_right_logical3A_558 = vector.broadcast %shift_right_logical3A_557 : i32 to vector<16xi32>
        %shift_right_logical3A_559 = arith.shrui %get3A_483, %shift_right_logical3A_558 : vector<16xi32>
        %and3A_560 = arith.constant 127 : i32
        %and3A_561 = vector.broadcast %and3A_560 : i32 to vector<16xi32>
        %and3A_562 = arith.andi %shift_right_logical3A_559, %and3A_561 : vector<16xi32>
        %shift_right_logical3A_563 = arith.constant 0 : i32
        %shift_right_logical3A_564 = vector.broadcast %shift_right_logical3A_563 : i32 to vector<16xi32>
        %shift_right_logical3A_565 = arith.shrui %get3A_487, %shift_right_logical3A_564 : vector<16xi32>
        %and3A_566 = arith.constant 127 : i32
        %and3A_567 = vector.broadcast %and3A_566 : i32 to vector<16xi32>
        %and3A_568 = arith.andi %shift_right_logical3A_565, %and3A_567 : vector<16xi32>
        %shift_right_logical3A_569 = arith.constant 0 : i32
        %shift_right_logical3A_570 = vector.broadcast %shift_right_logical3A_569 : i32 to vector<16xi32>
        %shift_right_logical3A_571 = arith.shrui %get3A_491, %shift_right_logical3A_570 : vector<16xi32>
        %and3A_572 = arith.constant 127 : i32
        %and3A_573 = vector.broadcast %and3A_572 : i32 to vector<16xi32>
        %and3A_574 = arith.andi %shift_right_logical3A_571, %and3A_573 : vector<16xi32>
        %add3A_575 = arith.addi %mul3A_3, %and3A_556 : vector<16xi32>
        tpu.vector_store_idx %arg6[%add3A_575], %broadcast_in_dim3A_4 masked %and3A_523 {add = true} : memref<4112xi32, #tpu.memory_space<vmem>>[vector<16xi32>], vector<16xi32>, vector<16xi1>
        %add3A_576 = arith.addi %mul3A_3, %and3A_562 : vector<16xi32>
        tpu.vector_store_idx %arg6[%add3A_576], %broadcast_in_dim3A_4 masked %and3A_532 {add = true} : memref<4112xi32, #tpu.memory_space<vmem>>[vector<16xi32>], vector<16xi32>, vector<16xi1>
        %add3A_577 = arith.addi %mul3A_3, %and3A_568 : vector<16xi32>
        tpu.vector_store_idx %arg6[%add3A_577], %broadcast_in_dim3A_4 masked %and3A_541 {add = true} : memref<4112xi32, #tpu.memory_space<vmem>>[vector<16xi32>], vector<16xi32>, vector<16xi1>
        %add3A_578 = arith.addi %mul3A_3, %and3A_574 : vector<16xi32>
        tpu.vector_store_idx %arg6[%add3A_578], %broadcast_in_dim3A_4 masked %and3A_550 {add = true} : memref<4112xi32, #tpu.memory_space<vmem>>[vector<16xi32>], vector<16xi32>, vector<16xi1>
      }
      %broadcast_in_dim3A_400 = arith.constant 0 : i32
      %broadcast_in_dim3A_401 = vector.broadcast %broadcast_in_dim3A_400 : i32 to vector<16xi32>
      %scan3A_402 = arith.constant 0 : i32
      %scan3A_403 = arith.constant 0 : i32
      %scan3A_404 = arith.constant 16 : i32
      %scan3A_405 = arith.addi %scan3A_403, %scan3A_404 : i32
      %scan3A_406 = arith.constant 1 : i32
      scf.for %scan3A_473 = %scan3A_403 to %scan3A_405 step %scan3A_406  : i32 {
        %mul3A_474 = arith.constant 16 : i32
        %mul3A_475 = arith.muli %scan3A_473, %mul3A_474 : i32
        %add3A_476 = arith.constant 0 : i32
        %add3A_477 = arith.addi %add3A_476, %mul3A_475 : i32
        %get3A_478 = arith.index_cast %add3A_477 : i32 to index
        %get3A_479 = tpu.vector_load %arg6[%get3A_478] {strides = array<i32>} : memref<4112xi32, #tpu.memory_space<vmem>>, vector<16xi32>,
        %mul3A_480 = arith.constant 16 : i32
        %mul3A_481 = arith.muli %scan3A_473, %mul3A_480 : i32
        %add3A_482 = arith.constant 257 : i32
        %add3A_483 = arith.addi %add3A_482, %mul3A_481 : i32
        %get3A_484 = arith.index_cast %add3A_483 : i32 to index
        %get3A_485 = tpu.vector_load %arg6[%get3A_484] {strides = array<i32>} : memref<4112xi32, #tpu.memory_space<vmem>>, vector<16xi32>,
        %mul3A_486 = arith.constant 16 : i32
        %mul3A_487 = arith.muli %scan3A_473, %mul3A_486 : i32
        %add3A_488 = arith.constant 514 : i32
        %add3A_489 = arith.addi %add3A_488, %mul3A_487 : i32
        %get3A_490 = arith.index_cast %add3A_489 : i32 to index
        %get3A_491 = tpu.vector_load %arg6[%get3A_490] {strides = array<i32>} : memref<4112xi32, #tpu.memory_space<vmem>>, vector<16xi32>,
        %mul3A_492 = arith.constant 16 : i32
        %mul3A_493 = arith.muli %scan3A_473, %mul3A_492 : i32
        %add3A_494 = arith.constant 771 : i32
        %add3A_495 = arith.addi %add3A_494, %mul3A_493 : i32
        %get3A_496 = arith.index_cast %add3A_495 : i32 to index
        %get3A_497 = tpu.vector_load %arg6[%get3A_496] {strides = array<i32>} : memref<4112xi32, #tpu.memory_space<vmem>>, vector<16xi32>,
        %mul3A_498 = arith.constant 16 : i32
        %mul3A_499 = arith.muli %scan3A_473, %mul3A_498 : i32
        %add3A_500 = arith.constant 1028 : i32
        %add3A_501 = arith.addi %add3A_500, %mul3A_499 : i32
        %get3A_502 = arith.index_cast %add3A_501 : i32 to index
        %get3A_503 = tpu.vector_load %arg6[%get3A_502] {strides = array<i32>} : memref<4112xi32, #tpu.memory_space<vmem>>, vector<16xi32>,
        %mul3A_504 = arith.constant 16 : i32
        %mul3A_505 = arith.muli %scan3A_473, %mul3A_504 : i32
        %add3A_506 = arith.constant 1285 : i32
        %add3A_507 = arith.addi %add3A_506, %mul3A_505 : i32
        %get3A_508 = arith.index_cast %add3A_507 : i32 to index
        %get3A_509 = tpu.vector_load %arg6[%get3A_508] {strides = array<i32>} : memref<4112xi32, #tpu.memory_space<vmem>>, vector<16xi32>,
        %mul3A_510 = arith.constant 16 : i32
        %mul3A_511 = arith.muli %scan3A_473, %mul3A_510 : i32
        %add3A_512 = arith.constant 1542 : i32
        %add3A_513 = arith.addi %add3A_512, %mul3A_511 : i32
        %get3A_514 = arith.index_cast %add3A_513 : i32 to index
        %get3A_515 = tpu.vector_load %arg6[%get3A_514] {strides = array<i32>} : memref<4112xi32, #tpu.memory_space<vmem>>, vector<16xi32>,
        %mul3A_516 = arith.constant 16 : i32
        %mul3A_517 = arith.muli %scan3A_473, %mul3A_516 : i32
        %add3A_518 = arith.constant 1799 : i32
        %add3A_519 = arith.addi %add3A_518, %mul3A_517 : i32
        %get3A_520 = arith.index_cast %add3A_519 : i32 to index
        %get3A_521 = tpu.vector_load %arg6[%get3A_520] {strides = array<i32>} : memref<4112xi32, #tpu.memory_space<vmem>>, vector<16xi32>,
        %mul3A_522 = arith.constant 16 : i32
        %mul3A_523 = arith.muli %scan3A_473, %mul3A_522 : i32
        %add3A_524 = arith.constant 2056 : i32
        %add3A_525 = arith.addi %add3A_524, %mul3A_523 : i32
        %get3A_526 = arith.index_cast %add3A_525 : i32 to index
        %get3A_527 = tpu.vector_load %arg6[%get3A_526] {strides = array<i32>} : memref<4112xi32, #tpu.memory_space<vmem>>, vector<16xi32>,
        %mul3A_528 = arith.constant 16 : i32
        %mul3A_529 = arith.muli %scan3A_473, %mul3A_528 : i32
        %add3A_530 = arith.constant 2313 : i32
        %add3A_531 = arith.addi %add3A_530, %mul3A_529 : i32
        %get3A_532 = arith.index_cast %add3A_531 : i32 to index
        %get3A_533 = tpu.vector_load %arg6[%get3A_532] {strides = array<i32>} : memref<4112xi32, #tpu.memory_space<vmem>>, vector<16xi32>,
        %mul3A_534 = arith.constant 16 : i32
        %mul3A_535 = arith.muli %scan3A_473, %mul3A_534 : i32
        %add3A_536 = arith.constant 2570 : i32
        %add3A_537 = arith.addi %add3A_536, %mul3A_535 : i32
        %get3A_538 = arith.index_cast %add3A_537 : i32 to index
        %get3A_539 = tpu.vector_load %arg6[%get3A_538] {strides = array<i32>} : memref<4112xi32, #tpu.memory_space<vmem>>, vector<16xi32>,
        %mul3A_540 = arith.constant 16 : i32
        %mul3A_541 = arith.muli %scan3A_473, %mul3A_540 : i32
        %add3A_542 = arith.constant 2827 : i32
        %add3A_543 = arith.addi %add3A_542, %mul3A_541 : i32
        %get3A_544 = arith.index_cast %add3A_543 : i32 to index
        %get3A_545 = tpu.vector_load %arg6[%get3A_544] {strides = array<i32>} : memref<4112xi32, #tpu.memory_space<vmem>>, vector<16xi32>,
        %mul3A_546 = arith.constant 16 : i32
        %mul3A_547 = arith.muli %scan3A_473, %mul3A_546 : i32
        %add3A_548 = arith.constant 3084 : i32
        %add3A_549 = arith.addi %add3A_548, %mul3A_547 : i32
        %get3A_550 = arith.index_cast %add3A_549 : i32 to index
        %get3A_551 = tpu.vector_load %arg6[%get3A_550] {strides = array<i32>} : memref<4112xi32, #tpu.memory_space<vmem>>, vector<16xi32>,
        %mul3A_552 = arith.constant 16 : i32
        %mul3A_553 = arith.muli %scan3A_473, %mul3A_552 : i32
        %add3A_554 = arith.constant 3341 : i32
        %add3A_555 = arith.addi %add3A_554, %mul3A_553 : i32
        %get3A_556 = arith.index_cast %add3A_555 : i32 to index
        %get3A_557 = tpu.vector_load %arg6[%get3A_556] {strides = array<i32>} : memref<4112xi32, #tpu.memory_space<vmem>>, vector<16xi32>,
        %mul3A_558 = arith.constant 16 : i32
        %mul3A_559 = arith.muli %scan3A_473, %mul3A_558 : i32
        %add3A_560 = arith.constant 3598 : i32
        %add3A_561 = arith.addi %add3A_560, %mul3A_559 : i32
        %get3A_562 = arith.index_cast %add3A_561 : i32 to index
        %get3A_563 = tpu.vector_load %arg6[%get3A_562] {strides = array<i32>} : memref<4112xi32, #tpu.memory_space<vmem>>, vector<16xi32>,
        %mul3A_564 = arith.constant 16 : i32
        %mul3A_565 = arith.muli %scan3A_473, %mul3A_564 : i32
        %add3A_566 = arith.constant 3855 : i32
        %add3A_567 = arith.addi %add3A_566, %mul3A_565 : i32
        %get3A_568 = arith.index_cast %add3A_567 : i32 to index
        %get3A_569 = tpu.vector_load %arg6[%get3A_568] {strides = array<i32>} : memref<4112xi32, #tpu.memory_space<vmem>>, vector<16xi32>,
        %mul3A_570 = arith.constant 16 : i32
        %mul3A_571 = arith.muli %scan3A_473, %mul3A_570 : i32
        %add3A_572 = arith.constant 0 : i32
        %add3A_573 = arith.addi %add3A_572, %mul3A_571 : i32
        %swap3A = arith.index_cast %add3A_573 : i32 to index
        %swap3A_574 = tpu.vector_load %arg6[%swap3A] {strides = array<i32>} : memref<4112xi32, #tpu.memory_space<vmem>>, vector<16xi32>,
        tpu.vector_store %arg6[%swap3A], %broadcast_in_dim3A_401 {strides = array<i32>} : memref<4112xi32, #tpu.memory_space<vmem>>, vector<16xi32>,
        %mul3A_575 = arith.constant 16 : i32
        %mul3A_576 = arith.muli %scan3A_473, %mul3A_575 : i32
        %add3A_577 = arith.constant 257 : i32
        %add3A_578 = arith.addi %add3A_577, %mul3A_576 : i32
        %swap3A_579 = arith.index_cast %add3A_578 : i32 to index
        %swap3A_580 = tpu.vector_load %arg6[%swap3A_579] {strides = array<i32>} : memref<4112xi32, #tpu.memory_space<vmem>>, vector<16xi32>,
        tpu.vector_store %arg6[%swap3A_579], %broadcast_in_dim3A_401 {strides = array<i32>} : memref<4112xi32, #tpu.memory_space<vmem>>, vector<16xi32>,
        %mul3A_581 = arith.constant 16 : i32
        %mul3A_582 = arith.muli %scan3A_473, %mul3A_581 : i32
        %add3A_583 = arith.constant 514 : i32
        %add3A_584 = arith.addi %add3A_583, %mul3A_582 : i32
        %swap3A_585 = arith.index_cast %add3A_584 : i32 to index
        %swap3A_586 = tpu.vector_load %arg6[%swap3A_585] {strides = array<i32>} : memref<4112xi32, #tpu.memory_space<vmem>>, vector<16xi32>,
        tpu.vector_store %arg6[%swap3A_585], %broadcast_in_dim3A_401 {strides = array<i32>} : memref<4112xi32, #tpu.memory_space<vmem>>, vector<16xi32>,
        %mul3A_587 = arith.constant 16 : i32
        %mul3A_588 = arith.muli %scan3A_473, %mul3A_587 : i32
        %add3A_589 = arith.constant 771 : i32
        %add3A_590 = arith.addi %add3A_589, %mul3A_588 : i32
        %swap3A_591 = arith.index_cast %add3A_590 : i32 to index
        %swap3A_592 = tpu.vector_load %arg6[%swap3A_591] {strides = array<i32>} : memref<4112xi32, #tpu.memory_space<vmem>>, vector<16xi32>,
        tpu.vector_store %arg6[%swap3A_591], %broadcast_in_dim3A_401 {strides = array<i32>} : memref<4112xi32, #tpu.memory_space<vmem>>, vector<16xi32>,
        %mul3A_593 = arith.constant 16 : i32
        %mul3A_594 = arith.muli %scan3A_473, %mul3A_593 : i32
        %add3A_595 = arith.constant 1028 : i32
        %add3A_596 = arith.addi %add3A_595, %mul3A_594 : i32
        %swap3A_597 = arith.index_cast %add3A_596 : i32 to index
        %swap3A_598 = tpu.vector_load %arg6[%swap3A_597] {strides = array<i32>} : memref<4112xi32, #tpu.memory_space<vmem>>, vector<16xi32>,
        tpu.vector_store %arg6[%swap3A_597], %broadcast_in_dim3A_401 {strides = array<i32>} : memref<4112xi32, #tpu.memory_space<vmem>>, vector<16xi32>,
        %mul3A_599 = arith.constant 16 : i32
        %mul3A_600 = arith.muli %scan3A_473, %mul3A_599 : i32
        %add3A_601 = arith.constant 1285 : i32
        %add3A_602 = arith.addi %add3A_601, %mul3A_600 : i32
        %swap3A_603 = arith.index_cast %add3A_602 : i32 to index
        %swap3A_604 = tpu.vector_load %arg6[%swap3A_603] {strides = array<i32>} : memref<4112xi32, #tpu.memory_space<vmem>>, vector<16xi32>,
        tpu.vector_store %arg6[%swap3A_603], %broadcast_in_dim3A_401 {strides = array<i32>} : memref<4112xi32, #tpu.memory_space<vmem>>, vector<16xi32>,
        %mul3A_605 = arith.constant 16 : i32
        %mul3A_606 = arith.muli %scan3A_473, %mul3A_605 : i32
        %add3A_607 = arith.constant 1542 : i32
        %add3A_608 = arith.addi %add3A_607, %mul3A_606 : i32
        %swap3A_609 = arith.index_cast %add3A_608 : i32 to index
        %swap3A_610 = tpu.vector_load %arg6[%swap3A_609] {strides = array<i32>} : memref<4112xi32, #tpu.memory_space<vmem>>, vector<16xi32>,
        tpu.vector_store %arg6[%swap3A_609], %broadcast_in_dim3A_401 {strides = array<i32>} : memref<4112xi32, #tpu.memory_space<vmem>>, vector<16xi32>,
        %mul3A_611 = arith.constant 16 : i32
        %mul3A_612 = arith.muli %scan3A_473, %mul3A_611 : i32
        %add3A_613 = arith.constant 1799 : i32
        %add3A_614 = arith.addi %add3A_613, %mul3A_612 : i32
        %swap3A_615 = arith.index_cast %add3A_614 : i32 to index
        %swap3A_616 = tpu.vector_load %arg6[%swap3A_615] {strides = array<i32>} : memref<4112xi32, #tpu.memory_space<vmem>>, vector<16xi32>,
        tpu.vector_store %arg6[%swap3A_615], %broadcast_in_dim3A_401 {strides = array<i32>} : memref<4112xi32, #tpu.memory_space<vmem>>, vector<16xi32>,
        %mul3A_617 = arith.constant 16 : i32
        %mul3A_618 = arith.muli %scan3A_473, %mul3A_617 : i32
        %add3A_619 = arith.constant 2056 : i32
        %add3A_620 = arith.addi %add3A_619, %mul3A_618 : i32
        %swap3A_621 = arith.index_cast %add3A_620 : i32 to index
        %swap3A_622 = tpu.vector_load %arg6[%swap3A_621] {strides = array<i32>} : memref<4112xi32, #tpu.memory_space<vmem>>, vector<16xi32>,
        tpu.vector_store %arg6[%swap3A_621], %broadcast_in_dim3A_401 {strides = array<i32>} : memref<4112xi32, #tpu.memory_space<vmem>>, vector<16xi32>,
        %mul3A_623 = arith.constant 16 : i32
        %mul3A_624 = arith.muli %scan3A_473, %mul3A_623 : i32
        %add3A_625 = arith.constant 2313 : i32
        %add3A_626 = arith.addi %add3A_625, %mul3A_624 : i32
        %swap3A_627 = arith.index_cast %add3A_626 : i32 to index
        %swap3A_628 = tpu.vector_load %arg6[%swap3A_627] {strides = array<i32>} : memref<4112xi32, #tpu.memory_space<vmem>>, vector<16xi32>,
        tpu.vector_store %arg6[%swap3A_627], %broadcast_in_dim3A_401 {strides = array<i32>} : memref<4112xi32, #tpu.memory_space<vmem>>, vector<16xi32>,
        %mul3A_629 = arith.constant 16 : i32
        %mul3A_630 = arith.muli %scan3A_473, %mul3A_629 : i32
        %add3A_631 = arith.constant 2570 : i32
        %add3A_632 = arith.addi %add3A_631, %mul3A_630 : i32
        %swap3A_633 = arith.index_cast %add3A_632 : i32 to index
        %swap3A_634 = tpu.vector_load %arg6[%swap3A_633] {strides = array<i32>} : memref<4112xi32, #tpu.memory_space<vmem>>, vector<16xi32>,
        tpu.vector_store %arg6[%swap3A_633], %broadcast_in_dim3A_401 {strides = array<i32>} : memref<4112xi32, #tpu.memory_space<vmem>>, vector<16xi32>,
        %mul3A_635 = arith.constant 16 : i32
        %mul3A_636 = arith.muli %scan3A_473, %mul3A_635 : i32
        %add3A_637 = arith.constant 2827 : i32
        %add3A_638 = arith.addi %add3A_637, %mul3A_636 : i32
        %swap3A_639 = arith.index_cast %add3A_638 : i32 to index
        %swap3A_640 = tpu.vector_load %arg6[%swap3A_639] {strides = array<i32>} : memref<4112xi32, #tpu.memory_space<vmem>>, vector<16xi32>,
        tpu.vector_store %arg6[%swap3A_639], %broadcast_in_dim3A_401 {strides = array<i32>} : memref<4112xi32, #tpu.memory_space<vmem>>, vector<16xi32>,
        %mul3A_641 = arith.constant 16 : i32
        %mul3A_642 = arith.muli %scan3A_473, %mul3A_641 : i32
        %add3A_643 = arith.constant 3084 : i32
        %add3A_644 = arith.addi %add3A_643, %mul3A_642 : i32
        %swap3A_645 = arith.index_cast %add3A_644 : i32 to index
        %swap3A_646 = tpu.vector_load %arg6[%swap3A_645] {strides = array<i32>} : memref<4112xi32, #tpu.memory_space<vmem>>, vector<16xi32>,
        tpu.vector_store %arg6[%swap3A_645], %broadcast_in_dim3A_401 {strides = array<i32>} : memref<4112xi32, #tpu.memory_space<vmem>>, vector<16xi32>,
        %mul3A_647 = arith.constant 16 : i32
        %mul3A_648 = arith.muli %scan3A_473, %mul3A_647 : i32
        %add3A_649 = arith.constant 3341 : i32
        %add3A_650 = arith.addi %add3A_649, %mul3A_648 : i32
        %swap3A_651 = arith.index_cast %add3A_650 : i32 to index
        %swap3A_652 = tpu.vector_load %arg6[%swap3A_651] {strides = array<i32>} : memref<4112xi32, #tpu.memory_space<vmem>>, vector<16xi32>,
        tpu.vector_store %arg6[%swap3A_651], %broadcast_in_dim3A_401 {strides = array<i32>} : memref<4112xi32, #tpu.memory_space<vmem>>, vector<16xi32>,
        %mul3A_653 = arith.constant 16 : i32
        %mul3A_654 = arith.muli %scan3A_473, %mul3A_653 : i32
        %add3A_655 = arith.constant 3598 : i32
        %add3A_656 = arith.addi %add3A_655, %mul3A_654 : i32
        %swap3A_657 = arith.index_cast %add3A_656 : i32 to index
        %swap3A_658 = tpu.vector_load %arg6[%swap3A_657] {strides = array<i32>} : memref<4112xi32, #tpu.memory_space<vmem>>, vector<16xi32>,
        tpu.vector_store %arg6[%swap3A_657], %broadcast_in_dim3A_401 {strides = array<i32>} : memref<4112xi32, #tpu.memory_space<vmem>>, vector<16xi32>,
        %mul3A_659 = arith.constant 16 : i32
        %mul3A_660 = arith.muli %scan3A_473, %mul3A_659 : i32
        %add3A_661 = arith.constant 3855 : i32
        %add3A_662 = arith.addi %add3A_661, %mul3A_660 : i32
        %swap3A_663 = arith.index_cast %add3A_662 : i32 to index
        %swap3A_664 = tpu.vector_load %arg6[%swap3A_663] {strides = array<i32>} : memref<4112xi32, #tpu.memory_space<vmem>>, vector<16xi32>,
        tpu.vector_store %arg6[%swap3A_663], %broadcast_in_dim3A_401 {strides = array<i32>} : memref<4112xi32, #tpu.memory_space<vmem>>, vector<16xi32>,
        %add3A_665 = arith.addi %get3A_479, %get3A_485 : vector<16xi32>
        %add3A_666 = arith.addi %get3A_491, %get3A_497 : vector<16xi32>
        %add3A_667 = arith.addi %get3A_503, %get3A_509 : vector<16xi32>
        %add3A_668 = arith.addi %get3A_515, %get3A_521 : vector<16xi32>
        %add3A_669 = arith.addi %get3A_527, %get3A_533 : vector<16xi32>
        %add3A_670 = arith.addi %get3A_539, %get3A_545 : vector<16xi32>
        %add3A_671 = arith.addi %get3A_551, %get3A_557 : vector<16xi32>
        %add3A_672 = arith.addi %get3A_563, %get3A_569 : vector<16xi32>
        %add3A_673 = arith.addi %add3A_665, %add3A_666 : vector<16xi32>
        %add3A_674 = arith.addi %add3A_667, %add3A_668 : vector<16xi32>
        %add3A_675 = arith.addi %add3A_669, %add3A_670 : vector<16xi32>
        %add3A_676 = arith.addi %add3A_671, %add3A_672 : vector<16xi32>
        %add3A_677 = arith.addi %add3A_673, %add3A_674 : vector<16xi32>
        %add3A_678 = arith.addi %add3A_675, %add3A_676 : vector<16xi32>
        %add3A_679 = arith.addi %add3A_677, %add3A_678 : vector<16xi32>
        %mul3A_680 = arith.constant 16 : i32
        %mul3A_681 = arith.muli %scan3A_473, %mul3A_680 : i32
        %swap3A_682 = arith.index_cast %mul3A_681 : i32 to index
        %swap3A_683 = tpu.vector_load %arg7[%swap3A_682] {strides = array<i32>} : memref<272xi32, #tpu.memory_space<vmem>>, vector<16xi32>,
        tpu.vector_store %arg7[%swap3A_682], %add3A_679 {strides = array<i32>} : memref<272xi32, #tpu.memory_space<vmem>>, vector<16xi32>,
      }
      %scan3A_407 = arith.constant 16 : i32
      %iota3A_408 = tpu.iota {dimensions = array<i32: 0>} : vector<16xi32>
      %while3A_409 = arith.constant 0 : i32
      %while3A_410 = arith.constant 8 : i32
      %while3A_411:2 = scf.while (%while3A_473 = %while3A_409, %while3A_474 = %while3A_410) : (i32, i32) -> (i32, i32) {
        %lt3A_475 = arith.cmpi slt, %while3A_473, %sub3A_361 : i32
        scf.condition(%lt3A_475) %while3A_473, %while3A_474 : i32, i32
      } do {
      ^bb0(%while3A_473: i32, %while3A_474: i32):
        %sub3A_475 = arith.constant 1 : i32
        %sub3A_476 = arith.subi %while3A_474, %sub3A_475 : i32
        %mul3A_477 = arith.constant 16 : i32
        %mul3A_478 = arith.muli %sub3A_476, %mul3A_477 : i32
        %get3A_479 = arith.index_cast %mul3A_478 : i32 to index
        %get3A_480 = tpu.vector_load %arg7[%get3A_479] {strides = array<i32>} : memref<272xi32, #tpu.memory_space<vmem>>, vector<16xi32>,
        %reduce_sum3A_481 = arith.constant true
        %reduce_sum3A_482 = vector.broadcast %reduce_sum3A_481 : i1 to vector<16xi1>
        %reduce_sum3A_483 = tpu.scan <sum>, %get3A_480 masked %reduce_sum3A_482 : vector<16xi32>, vector<16xi1> -> vector<16xi32>
        %reduce_sum3A_484 = vector.extract %reduce_sum3A_483[15] : i32 from vector<16xi32>
        %add3A_485 = arith.addi %while3A_473, %reduce_sum3A_484 : i32
        scf.yield %add3A_485, %sub3A_476 : i32, i32
      }
      %mul3A_412 = arith.constant 16 : i32
      %mul3A_413 = arith.muli %while3A_411#1, %mul3A_412 : i32
      %get3A_414 = arith.index_cast %mul3A_413 : i32 to index
      %get3A_415 = tpu.vector_load %arg7[%get3A_414] {strides = array<i32>} : memref<272xi32, #tpu.memory_space<vmem>>, vector<16xi32>,
      %reduce_sum3A_416 = arith.constant true
      %reduce_sum3A_417 = vector.broadcast %reduce_sum3A_416 : i1 to vector<16xi1>
      %reduce_sum3A_418 = tpu.scan <sum>, %get3A_415 masked %reduce_sum3A_417 : vector<16xi32>, vector<16xi1> -> vector<16xi32>
      %reduce_sum3A_419 = vector.extract %reduce_sum3A_418[15] : i32 from vector<16xi32>
      %sub3A_420 = arith.subi %while3A_411#0, %reduce_sum3A_419 : i32
      %rev3A_421 = arith.constant 15 : i32
      %rev3A_422 = vector.broadcast %rev3A_421 : i32 to vector<16xi32>
      %rev3A_423 = tpu.iota {dimensions = array<i32: 0>} : vector<16xi32>
      %rev3A_424 = arith.subi %rev3A_422, %rev3A_423 : vector<16xi32>
      %rev3A_425 = tpu.dynamic_gather %get3A_415[%rev3A_424] in [0] : vector<16xi32>, vector<16xi32> -> vector<16xi32>
      %broadcast_in_dim3A_426 = arith.constant true
      %broadcast_in_dim3A_427 = vector.broadcast %broadcast_in_dim3A_426 : i1 to vector<16xi1>
      %masked_cumsum3A_428 = tpu.scan <sum>, %rev3A_425 masked %broadcast_in_dim3A_427 : vector<16xi32>, vector<16xi1> -> vector<16xi32>
      %rev3A_429 = arith.constant 15 : i32
      %rev3A_430 = vector.broadcast %rev3A_429 : i32 to vector<16xi32>
      %rev3A_431 = tpu.iota {dimensions = array<i32: 0>} : vector<16xi32>
      %rev3A_432 = arith.subi %rev3A_430, %rev3A_431 : vector<16xi32>
      %rev3A_433 = tpu.dynamic_gather %masked_cumsum3A_428[%rev3A_432] in [0] : vector<16xi32>, vector<16xi32> -> vector<16xi32>
      %add3A_434 = vector.broadcast %sub3A_420 : i32 to vector<16xi32>
      %add3A_435 = arith.addi %add3A_434, %rev3A_433 : vector<16xi32>
      %ge3A_436 = vector.broadcast %sub3A_361 : i32 to vector<16xi32>
      %ge3A_437 = arith.cmpi sge, %add3A_435, %ge3A_436 : vector<16xi32>
      %all_reduce_population_count3A_438 = tpu.all_reduce %ge3A_437 {dim = 0 : i64, kind = #tpu.reduction_kind<sum>} : vector<16xi1> -> vector<16xi32>
      %slice3A_439 = vector.extract_strided_slice %all_reduce_population_count3A_438 {offsets = [0], sizes = [1], strides = [1]} : vector<16xi32> to vector<1xi32>
      %squeeze3A_440 = vector.extract %slice3A_439[0] : i32 from vector<1xi32>
      %sub3A_441 = arith.constant 1 : i32
      %sub3A_442 = arith.subi %squeeze3A_440, %sub3A_441 : i32
      %mul3A_443 = arith.constant 16 : i32
      %mul3A_444 = arith.muli %while3A_411#1, %mul3A_443 : i32
      %add3A_445 = arith.addi %mul3A_444, %sub3A_442 : i32
      %eq3A_446 = vector.broadcast %sub3A_442 : i32 to vector<16xi32>
      %eq3A_447 = arith.cmpi eq, %iota3A_408, %eq3A_446 : vector<16xi32>
      %sub3A_448 = arith.subi %add3A_435, %get3A_415 : vector<16xi32>
      %jit3A_449 = arith.constant 0 : i32
      %broadcast_in_dim3A_450 = vector.broadcast %jit3A_449 : i32 to vector<16xi32>
      %select_n3A_451 = arith.select %eq3A_447, %sub3A_448, %broadcast_in_dim3A_450 : vector<16xi1>, vector<16xi32>
      %reduce_max3A_452 = arith.constant true
      %reduce_max3A_453 = vector.broadcast %reduce_max3A_452 : i1 to vector<16xi1>
      %reduce_max3A_454 = arith.constant -2147483648 : i32
      %reduce_max3A_455 = vector.broadcast %reduce_max3A_454 : i32 to vector<16xi32>
      %reduce_max3A_456 = arith.xori %select_n3A_451, %reduce_max3A_455 : vector<16xi32>
      %reduce_max3A_457 = tpu.scan <max>, %reduce_max3A_456 masked %reduce_max3A_453 : vector<16xi32>, vector<16xi1> -> vector<16xi32>
      %reduce_max3A_458 = arith.xori %reduce_max3A_457, %reduce_max3A_455 : vector<16xi32>
      %reduce_max3A_459 = vector.extract %reduce_max3A_458[15] : i32 from vector<16xi32>
      %sub3A_460 = arith.subi %sub3A_361, %reduce_max3A_459 : i32
      %shift_left3A = arith.constant 23 : i32
      %shift_left3A_461 = arith.shli %add3A_146, %shift_left3A : i32
      %shift_left3A_462 = arith.constant 15 : i32
      %shift_left3A_463 = arith.shli %add3A_245, %shift_left3A_462 : i32
      %or3A = arith.ori %shift_left3A_461, %shift_left3A_463 : i32
      %shift_left3A_464 = arith.constant 7 : i32
      %shift_left3A_465 = arith.shli %add3A_346, %shift_left3A_464 : i32
      %or3A_466 = arith.ori %or3A, %shift_left3A_465 : i32
      %or3A_467 = arith.ori %or3A_466, %add3A_445 : i32
      %broadcast_in_dim3A_468 = vector.broadcast %scan3A_28 : i32 to vector<16xi32>
      %broadcast_in_dim3A_469 = vector.broadcast %or3A_467 : i32 to vector<16xi32>
      %eq3A_470 = arith.constant 0 : i32
      %eq3A_471 = vector.broadcast %eq3A_470 : i32 to vector<16xi32>
      %eq3A_472 = arith.cmpi eq, %iota3A, %eq3A_471 : vector<16xi32>
      tpu.vector_store_idx %arg8[%broadcast_in_dim3A_468], %broadcast_in_dim3A_469 masked %eq3A_472 : memref<24xi32, #tpu.memory_space<vmem>>[vector<16xi32>], vector<16xi32>, vector<16xi1>
      scf.yield %or3A_467 : i32
    }
    %scan3A_25 = arith.constant 24 : i32
    %mul3A_26 = arith.constant 24 : i32
    %mul3A_27 = arith.muli %add3A, %mul3A_26 : i32
    "tpu.region"() ({
      %run_scoped3A = tpu.sem_alloc : memref<!tpu.dma_semaphore, #tpu.memory_space<semaphore_mem>>
      %dma_start3A_28 = tpu.memref_slice %arg3[%mul3A_27] : memref<768xi32, #tpu.memory_space<hbm>> -> memref<24xi32, #tpu.memory_space<hbm>>
      %dma_start3A_29 = tpu.memref_slice %arg3[%mul3A_27] : memref<768xi32, #tpu.memory_space<hbm>> -> memref<24xi32, #tpu.memory_space<hbm>>
      tpu.enqueue_dma source(%arg8 : memref<24xi32, #tpu.memory_space<vmem>>) target(%dma_start3A_29 : memref<24xi32, #tpu.memory_space<hbm>>) target_semaphore(%run_scoped3A : memref<!tpu.dma_semaphore, #tpu.memory_space<semaphore_mem>>)
      %dma_wait3A = tpu.memref_slice %arg3[%mul3A_27] : memref<768xi32, #tpu.memory_space<hbm>> -> memref<24xi32, #tpu.memory_space<hbm>>
      %dma_wait3A_30 = tpu.memref_slice %arg3[%mul3A_27] : memref<768xi32, #tpu.memory_space<hbm>> -> memref<24xi32, #tpu.memory_space<hbm>>
      tpu.wait_dma2 semaphore(%run_scoped3A : memref<!tpu.dma_semaphore, #tpu.memory_space<semaphore_mem>>) src(%arg8 : memref<24xi32, #tpu.memory_space<vmem>>) dst(%dma_wait3A_30 : memref<24xi32, #tpu.memory_space<hbm>>)
      tpu.yield
    }) : () -> ()
    return
  }
}

module attributes {stable_mosaic.version = 14 : i64} {
  func.func @_tc_mask_body(%arg0: i32, %arg1: memref<1x8x224x224xf32, #tpu.memory_space<vmem>>, %arg2: memref<8x128xi32, #tpu.memory_space<vmem>>, %arg3: memref<1x8x224x224xf32, #tpu.memory_space<vmem>>) attributes {dimension_semantics = [#tpu.dimension_semantics<arbitrary>], iteration_bounds = array<i64: 96>, scalar_prefetch = 0 : i64, scratch_operands = 0 : i64, tpu.core_type = #tpu.core_type<tc>, window_params = [{transform_indices = @transform_0, window_bounds = array<i64: 1, 8, 224, 224>}, {transform_indices = @transform_1, window_bounds = array<i64: 8, 128>}, {transform_indices = @transform_2, window_bounds = array<i64: 1, 8, 224, 224>}]} {
    %get3A = arith.constant 0 : index
    %get3A_0 = arith.constant 0 : index
    %get3A_1 = arith.constant 0 : index
    %get3A_2 = arith.constant 0 : index
    %get3A_3 = vector.load %arg1[%get3A, %get3A_0, %get3A_1, %get3A_2] : memref<1x8x224x224xf32, #tpu.memory_space<vmem>>, vector<1x8x224x224xf32>
    %bitcast_convert_type3A = tpu.bitcast %get3A_3 : vector<1x8x224x224xf32> -> vector<1x8x224x224xi32>
    %and3A = arith.constant 2147483647 : i32
    %and3A_4 = vector.broadcast %and3A : i32 to vector<1x8x224x224xi32>
    %and3A_5 = arith.andi %bitcast_convert_type3A, %and3A_4 : vector<1x8x224x224xi32>
    %get3A_6 = arith.constant 0 : index
    %get3A_7 = arith.constant 0 : index
    %get3A_8 = vector.load %arg2[%get3A_6, %get3A_7] : memref<8x128xi32, #tpu.memory_space<vmem>>, vector<8x1xi32>
    %reshape3A = vector.shape_cast %get3A_8 : vector<8x1xi32> to vector<1x8x1x1xi32>
    %ge3A = vector.broadcast %reshape3A : vector<1x8x1x1xi32> to vector<1x8x224x224xi32>
    %ge3A_9 = arith.cmpi sge, %and3A_5, %ge3A : vector<1x8x224x224xi32>
    %jit3A = arith.constant 0.000000e+00 : f32
    %broadcast_in_dim3A = vector.broadcast %jit3A : f32 to vector<1x8x224x224xf32>
    %select_n3A = arith.select %ge3A_9, %get3A_3, %broadcast_in_dim3A : vector<1x8x224x224xi1>, vector<1x8x224x224xf32>
    %swap3A = arith.constant 0 : index
    %swap3A_10 = arith.constant 0 : index
    %swap3A_11 = arith.constant 0 : index
    %swap3A_12 = arith.constant 0 : index
    %swap3A_13 = vector.load %arg3[%swap3A, %swap3A_10, %swap3A_11, %swap3A_12] : memref<1x8x224x224xf32, #tpu.memory_space<vmem>>, vector<1x8x224x224xf32>
    tpu.vector_store %arg3[%swap3A, %swap3A_10, %swap3A_11, %swap3A_12], %select_n3A {strides = array<i32>} : memref<1x8x224x224xf32, #tpu.memory_space<vmem>>, vector<1x8x224x224xf32>,
    return
  }
  func.func @transform_0(%arg0: i32) -> (i32, i32, i32, i32) {
    %jit3A = arith.constant 24 : i32
    %div3A = arith.divsi %arg0, %jit3A : i32
    %sign3A = arith.constant 0 : i32
    %sign3A_0 = arith.cmpi sgt, %arg0, %sign3A : i32
    %sign3A_1 = arith.extui %sign3A_0 : i1 to i32
    %sign3A_2 = arith.constant 0 : i32
    %sign3A_3 = arith.cmpi slt, %arg0, %sign3A_2 : i32
    %sign3A_4 = arith.extui %sign3A_3 : i1 to i32
    %sign3A_5 = arith.subi %sign3A_1, %sign3A_4 : i32
    %sign3A_6 = arith.constant 0 : i32
    %sign3A_7 = arith.cmpi sgt, %jit3A, %sign3A_6 : i32
    %sign3A_8 = arith.extui %sign3A_7 : i1 to i32
    %sign3A_9 = arith.constant 0 : i32
    %sign3A_10 = arith.cmpi slt, %jit3A, %sign3A_9 : i32
    %sign3A_11 = arith.extui %sign3A_10 : i1 to i32
    %sign3A_12 = arith.subi %sign3A_8, %sign3A_11 : i32
    %ne3A = arith.cmpi ne, %sign3A_5, %sign3A_12 : i32
    %rem3A = arith.remsi %arg0, %jit3A : i32
    %ne3A_13 = arith.constant 0 : i32
    %ne3A_14 = arith.cmpi ne, %rem3A, %ne3A_13 : i32
    %and3A = arith.andi %ne3A, %ne3A_14 : i1
    %sub3A = arith.constant 1 : i32
    %sub3A_15 = arith.subi %div3A, %sub3A : i32
    %select_n3A = arith.select %and3A, %sub3A_15, %div3A : i32
    %jit3A_16 = arith.constant 24 : i32
    %eq3A = arith.constant 0 : i32
    %eq3A_17 = arith.cmpi eq, %jit3A_16, %eq3A : i32
    %jit3A_18 = arith.constant 1 : i32
    %select_n3A_19 = arith.select %eq3A_17, %jit3A_18, %jit3A_16 : i32
    %rem3A_20 = arith.remsi %arg0, %select_n3A_19 : i32
    %ne3A_21 = arith.constant 0 : i32
    %ne3A_22 = arith.cmpi ne, %rem3A_20, %ne3A_21 : i32
    %lt3A = arith.constant 0 : i32
    %lt3A_23 = arith.cmpi slt, %rem3A_20, %lt3A : i32
    %lt3A_24 = arith.constant 0 : i32
    %lt3A_25 = arith.cmpi slt, %select_n3A_19, %lt3A_24 : i32
    %ne3A_26 = arith.xori %lt3A_23, %lt3A_25 : i1
    %and3A_27 = arith.andi %ne3A_26, %ne3A_22 : i1
    %add3A = arith.addi %rem3A_20, %select_n3A_19 : i32
    %select_n3A_28 = arith.select %and3A_27, %add3A, %rem3A_20 : i32
    %c0_i32 = arith.constant 0 : i32
    %c0_i32_29 = arith.constant 0 : i32
    %c0_i32_30 = arith.constant 0 : i32
    return %select_n3A, %select_n3A_28, %c0_i32, %c0_i32_29 : i32, i32, i32, i32
  }
  func.func @transform_1(%arg0: i32) -> (i32, i32) {
    %c0_i32 = arith.constant 0 : i32
    %c0_i32_0 = arith.constant 0 : i32
    return %arg0, %c0_i32 : i32, i32
  }
  func.func @transform_2(%arg0: i32) -> (i32, i32, i32, i32) {
    %jit3A = arith.constant 24 : i32
    %div3A = arith.divsi %arg0, %jit3A : i32
    %sign3A = arith.constant 0 : i32
    %sign3A_0 = arith.cmpi sgt, %arg0, %sign3A : i32
    %sign3A_1 = arith.extui %sign3A_0 : i1 to i32
    %sign3A_2 = arith.constant 0 : i32
    %sign3A_3 = arith.cmpi slt, %arg0, %sign3A_2 : i32
    %sign3A_4 = arith.extui %sign3A_3 : i1 to i32
    %sign3A_5 = arith.subi %sign3A_1, %sign3A_4 : i32
    %sign3A_6 = arith.constant 0 : i32
    %sign3A_7 = arith.cmpi sgt, %jit3A, %sign3A_6 : i32
    %sign3A_8 = arith.extui %sign3A_7 : i1 to i32
    %sign3A_9 = arith.constant 0 : i32
    %sign3A_10 = arith.cmpi slt, %jit3A, %sign3A_9 : i32
    %sign3A_11 = arith.extui %sign3A_10 : i1 to i32
    %sign3A_12 = arith.subi %sign3A_8, %sign3A_11 : i32
    %ne3A = arith.cmpi ne, %sign3A_5, %sign3A_12 : i32
    %rem3A = arith.remsi %arg0, %jit3A : i32
    %ne3A_13 = arith.constant 0 : i32
    %ne3A_14 = arith.cmpi ne, %rem3A, %ne3A_13 : i32
    %and3A = arith.andi %ne3A, %ne3A_14 : i1
    %sub3A = arith.constant 1 : i32
    %sub3A_15 = arith.subi %div3A, %sub3A : i32
    %select_n3A = arith.select %and3A, %sub3A_15, %div3A : i32
    %jit3A_16 = arith.constant 24 : i32
    %eq3A = arith.constant 0 : i32
    %eq3A_17 = arith.cmpi eq, %jit3A_16, %eq3A : i32
    %jit3A_18 = arith.constant 1 : i32
    %select_n3A_19 = arith.select %eq3A_17, %jit3A_18, %jit3A_16 : i32
    %rem3A_20 = arith.remsi %arg0, %select_n3A_19 : i32
    %ne3A_21 = arith.constant 0 : i32
    %ne3A_22 = arith.cmpi ne, %rem3A_20, %ne3A_21 : i32
    %lt3A = arith.constant 0 : i32
    %lt3A_23 = arith.cmpi slt, %rem3A_20, %lt3A : i32
    %lt3A_24 = arith.constant 0 : i32
    %lt3A_25 = arith.cmpi slt, %select_n3A_19, %lt3A_24 : i32
    %ne3A_26 = arith.xori %lt3A_23, %lt3A_25 : i1
    %and3A_27 = arith.andi %ne3A_26, %ne3A_22 : i1
    %add3A = arith.addi %rem3A_20, %select_n3A_19 : i32
    %select_n3A_28 = arith.select %and3A_27, %add3A, %rem3A_20 : i32
    %c0_i32 = arith.constant 0 : i32
    %c0_i32_29 = arith.constant 0 : i32
    %c0_i32_30 = arith.constant 0 : i32
    return %select_n3A, %select_n3A_28, %c0_i32, %c0_i32_29 : i32, i32, i32, i32
  }
}

</mosaic_0001>

<sc_bundles>
// kernel: kernel.4.cloned.1.call-start
scs
__scs_entry_jumppad:
0x0: {  	(pc) =	sbr.rel $0x88, $3  }
0x1: {  	(tag) =	ssettag $0x0;
	lr =	simm.s32 $0x1  }
0x2: {  	[smem:$0x3FA0] =	sst lr;
	_ =	strace $0xD0000000  }
0x3: {  	_ = 	snop  }
0x4: {  	_ = 	snop  }
0x5: {  	_ = 	snop  }
0x6: {  	_ = 	snop  }
0x7: {  	_ = 	snop  }
__scs_overlays_trampoline_lowered:
0x8: {  	[smem:$0x3FAF] =	sst s0  }
0x9: {  	[smem:$0x3FB0] =	sst s1  }
0xa: {  	[smem:$0x3FB1] =	sst s2  }
0xb: {  	[smem:$0x3FB2] =	sst s3  }
0xc: {  	[smem:$0x3FB3] =	sst s4  }
0xd: {  	[smem:$0x3FB4] =	sst s5  }
0xe: {  	[smem:$0x3FB5] =	sst s6  }
0xf: {  	[smem:$0x3FB6] =	sst s7  }
0x10: {  	[smem:$0x3FB7] =	sst s8  }
0x11: {  	[smem:$0x3FB8] =	sst s9;
	s0 =	simm.s32 @!p0 $0x0  }
0x12: {  	s1 =	sld [smem:$0x3F9E];
	s0 =	simm.s32 @p0 $0x1  }
0x13: {  	[smem:$0x3FB9] =	sst s0;
	s0 =	simm.s32 @!p1 $0x0  }
0x14: {  	s2 =	sld [smem:$0x3F9D];
	s0 =	simm.s32 @p1 $0x1  }
0x15: {  	[smem:$0x3FBA] =	sst s0;
	s0 =	simm.s32 @!p2 $0x0  }
0x16: {  	s3 =	sld [smem:$0x3FDB];
	s0 =	simm.s32 @p2 $0x1  }
0x17: {  	s4 =	simm.s32 $0x1BF5;
	[smem:$0x3FBC] =	sst s0  }
0x18: {  	s0 =	sld [smem:$0x3F9F];
	_ =	swait.ge [sflag:s4], $0x0  }
0x19: {  	s7 =	sld [smem:$0x3FA0]  }
0x1a: {  	s8 =	sadd.s32 $0xFFFFE003, lr  }
0x1b: {  	s9 =	sadd.s32 $0xFFFFFEF7, lr;
	s5 =	simm.s32 $0xFFFFFFFF;
	p2 =	slt.u32 s8, $0xFFFFF086  }
0x1c: {  	p1 =	slt.u32 s9, $0xF7A;
	s5 =	simm.s32 @!p2 $0x0  }
0x1d: {  	s5 =	simm.s32 @p1 $0x1;
	p0 =	seq.s32 s7, s2  }
0x1e: {  	s7 =	smul.u32 @!p0 $0xF7A, s2;
	p2 =	seq.s32 @!p0 s5, $0x0  }
0x1f: {  	s9 =	smul.u32 $0xF7A, s1;
	s8 =	simm.s32 @!p0 $0x1BF5;
	p2 =	por !p2, p0  }
0x20: {  	[sflag:s8] =	ssyncset.s32 @!p0 $0xFFFFF086;
	s6 =	sadd.s32 @!p0 s3, s7;
	s7 =	simm.s32 @!p0 $0x108  }
0x21: {  	s3 =	sadd.s32 s3, s9;
	s6 =	sadd.s32 @!p0 $0x88, s6;
	s7 =	simm.s32 @p2 $0x1082  }
0x22: {  	[simem:s7], [sflag:s8] =	dma.local @!p0 [hbm:s6], $0xF7A  }
0x23: {  	s9 =	sor.u32 $0xD0000000, s2;
	s6 =	simm.s32 $0x108;
	_ =	swait.ge @!p0 [sflag:s8], $0x0  }
0x24: {  	s3 =	sadd.s32 $0x88, s3;
	s6 =	simm.s32 @!p1 $0x1082;
	[sflag:s4] =	ssyncset.s32 $0xFFFFF086  }
0x25: {  	[simem:s6], [sflag:s4] =	dma.local [hbm:s3], $0xF7A  }
0x26: {  	[smem:$0x3FA0] =	sst s1;
	(tag) =	ssettag s2;
	_ =	strace s9  }
0x27: {  	s1 =	sld [smem:$0x3FB0]  }
0x28: {  	s2 =	sld [smem:$0x3FB1]  }
0x29: {  	s4 =	sld [smem:$0x3FB3]  }
0x2a: {  	p0 =	seq.s32 s5, $0x0;
	s5 =	sld [smem:$0x3FB4]  }
0x2b: {  	s6 =	sld [smem:$0x3FB5]  }
0x2c: {  	s7 =	sld [smem:$0x3FB6]  }
0x2d: {  	s3 =	simm.s32 $0x108;
	s8 =	sld [smem:$0x3FB7]  }
0x2e: {  	s3 =	simm.s32 @!p0 $0x1082;
	s9 =	sld [smem:$0x3FB8]  }
0x2f: {  	lr =	sadd.s32 s0, s3;
	s0 =	sld [smem:$0x3FAF]  }
0x30: {  	s3 =	sld [smem:$0x3FB2]  }
0x31: {  	[smem:$0x3FBB] =	sst s10  }
0x32: {  	s10 =	sld [smem:$0x3FB9];
	_ =	sdelay $0x3  }
0x33: {  	p0 =	seq.s32 s10, $0x1;
	s10 =	sld [smem:$0x3FBB];
	_ =	sdelay $0x3  }
0x34: {  	[smem:$0x3FBB] =	sst s10  }
0x35: {  	s10 =	sld [smem:$0x3FBA];
	_ =	sdelay $0x3  }
0x36: {  	p1 =	seq.s32 s10, $0x1;
	s10 =	sld [smem:$0x3FBB];
	_ =	sdelay $0x3  }
0x37: {  	[smem:$0x3FBB] =	sst s10  }
0x38: {  	s10 =	sld [smem:$0x3FBC]  }
0x39: {  	_ = 	snop;
	(pc) =	sbr.ind lr, $3  }
0x3a: {  	_ = 	snop  }
0x3b: {  	_ = 	snop  }
0x3c: {  	p2 =	seq.s32 s10, $0x1;
	s10 =	sld [smem:$0x3FBB]  }
0x3d: {  	_ =	shalt  }
0x3e: {  	_ =	shalt  }
0x3f: {  	_ =	shalt  }
0x40: {  	_ =	shalt  }
0x41: {  	_ =	shalt  }
0x42: {  	_ =	shalt  }
0x43: {  	_ =	shalt  }
0x44: {  	_ =	shalt  }
0x45: {  	_ =	shalt  }
0x46: {  	_ =	shalt  }
0x47: {  	_ =	shalt  }
0x48: {  	_ =	shalt  }
0x49: {  	_ =	shalt  }
0x4a: {  	_ =	shalt  }
0x4b: {  	_ =	shalt  }
0x4c: {  	_ =	shalt  }
0x4d: {  	_ =	shalt  }
0x4e: {  	_ =	shalt  }
0x4f: {  	_ =	shalt  }
0x50: {  	_ =	shalt  }
0x51: {  	_ =	shalt  }
0x52: {  	_ =	shalt  }
0x53: {  	_ =	shalt  }
0x54: {  	_ =	shalt  }
0x55: {  	_ =	shalt  }
0x56: {  	_ =	shalt  }
0x57: {  	_ =	shalt  }
0x58: {  	_ =	shalt  }
0x59: {  	_ =	shalt  }
0x5a: {  	_ =	shalt  }
0x5b: {  	_ =	shalt  }
0x5c: {  	_ =	shalt  }
0x5d: {  	_ =	shalt  }
0x5e: {  	_ =	shalt  }
0x5f: {  	_ =	shalt  }
0x60: {  	_ =	shalt  }
0x61: {  	_ =	shalt  }
0x62: {  	_ =	shalt  }
0x63: {  	_ =	shalt  }
0x64: {  	_ =	shalt  }
0x65: {  	_ =	shalt  }
0x66: {  	_ =	shalt  }
0x67: {  	_ =	shalt  }
0x68: {  	_ =	shalt  }
0x69: {  	_ =	shalt  }
0x6a: {  	_ =	shalt  }
0x6b: {  	_ =	shalt  }
0x6c: {  	_ =	shalt  }
0x6d: {  	_ =	shalt  }
0x6e: {  	_ =	shalt  }
0x6f: {  	_ =	shalt  }
0x70: {  	_ =	shalt  }
0x71: {  	_ =	shalt  }
0x72: {  	_ =	shalt  }
0x73: {  	_ =	shalt  }
0x74: {  	_ =	shalt  }
0x75: {  	_ =	shalt  }
0x76: {  	_ =	shalt  }
0x77: {  	_ =	shalt  }
0x78: {  	_ =	shalt  }
0x79: {  	_ =	shalt  }
0x7a: {  	_ =	shalt  }
0x7b: {  	_ =	shalt  }
0x7c: {  	_ =	shalt  }
0x7d: {  	_ =	shalt  }
0x7e: {  	_ =	shalt  }
0x7f: {  	_ =	shalt  }
0x80: {  	_ =	shalt  }
0x81: {  	_ =	shalt  }
0x82: {  	_ =	shalt  }
0x83: {  	_ =	shalt  }
0x84: {  	_ =	shalt  }
0x85: {  	_ =	shalt  }
0x86: {  	_ =	shalt  }
0x87: {  	_ =	shalt  }
.Lfunc_end0:
.L_simem_size_0:
called_computation_lowered:
.L_overlay_start_0:
0x88: {  	s2 =	sld [smem:$0x3FD9]  }
0x89: {  	s3 =	sld [smem:$0x3FFE];
	_ =	sdelay $0x1  }
0x8a: {  	s1 =	srdreg.scid  }
0x8b: {  	s0 =	sand.u32 $0x1, s1  }
0x8c: {  	s17 =	sshll.u32 s0, $0xA;
	s2 =	sadd.s32 s3, s2  }
0x8d: {  	s2 =	sadd.s32 s2, s17  }
0x8e: {  	[smem:$0x3FC7] =	sst s2  }
0x8f: {  	_ = 	snop  }
0x90: {  	s2 =	sld [smem:$0x3FD0];
	(tm) =	ssettm $0x1  }
0x91: {  	s18 =	sld [smem:$0x3FFB];
	_ =	sdelay $0x3  }
0x92: {  	_ =	strace s18  }
0x93: {  	s3 =	sld [smem:$0x3FFC];
	_ =	sdelay $0x3  }
0x94: {  	_ =	strace s3  }
0x95: {  	s3 =	sld [smem:$0x3FFD];
	_ =	sdelay $0x3  }
0x96: {  	_ =	strace s3  }
0x97: {  	_ =	strace $0x8FFFFFFF  }
0x98: {  	s19 =	sld [smem:$0x3FDB];
	_ =	sdelay $0x1  }
0x99: {  	s4 =	simm.s32 $_scs_section_size  }
0x9a: {  	s5 =	simm.s32 $_size__tile_overlayer_lowered;
	s6 =	simm.s32 $_tile_overlayer_lowered  }
0x9b: {  	s22 =	simm.s32 $0x1BFF;
	s21 =	sshll.u32 s6, $0x1;
	s3 =	sadd.s32 s4, s19  }
0x9c: {  	s7 =	simm.s32 $0x0;
	s20 =	sshll.u32 s5, $0x1;
	s5 =	sadd.s32 s21, s3  }
0x9d: {  	[timem:s7], [sflag:s22] =	dma.local [hbm:s5], s20  }
0x9e: {  	_ =	swait.ge [sflag:s22], s20  }
0x9f: {  	s4 =	ssub.s32 $0x0, s20;
	[sflag:s22] =	ssyncset.done $0x0  }
0xa0: {  	[sflag:s22] =	ssyncadd.s32 s4;
	_ =	sdelay $0x1  }
0xa1: {  	s23 =	simm.s32 $0x1B8B  }
0xa2: {  	_ =	swait.ge [sflag:s23], $0x1  }
0xa3: {  	[sflag:s23] =	ssyncset.done $0x0  }
0xa4: {  	s25 =	simm.s32 $0x1B8E;
	s24 =	sld [smem:$0x3FFE];
	[sflag:s23] =	ssyncadd.s32 $0xFFFFFFFF  }
0xa5: {  	s26 =	simm.s32 $execute0_lowered;
	[smem:$0x3FD2] =	sst s25  }
0xa6: {  	s5 =	sshll.u32 s26, $0x1;
	_ =	strace $0x80000046;
	[dreg:$0x1] =	wrdreg $0xFFFFFFFF  }
0xa7: {  	s28 =	simm.s32 $_size_execute0_lowered;
	s3 =	sadd.s32 s3, s5;
	[dreg:$0x0] =	wrdreg $0x0  }
0xa8: {  	s5 =	sshll.u32 s28, $0x1;
	[dreg:$0x2] =	wrdreg s3  }
0xa9: {  	[dreg:$0x3] =	wrdreg s5  }
0xaa: {  	[dreg:$0x4] =	wrdreg $0xC0  }
0xab: {  	_ =	task [dreg:s7], $0x5FFFF  }
0xac: {  	[dreg:$0x1] =	wrdreg $0xFFFFFFFF  }
0xad: {  	[dreg:$0x0] =	wrdreg $0x60  }
0xae: {  	[dreg:$0x2] =	wrdreg s2  }
0xaf: {  	[dreg:$0x3] =	wrdreg s24  }
0xb0: {  	[dreg:$0x4] =	wrdreg $0x9  }
0xb1: {  	_ =	task.clear_ibuf [dreg:s7], $0x5FFFF;
	_ =	strace $0x90000046  }
0xb2: {  	s29 =	simm.s32 $0x9;
	_ =	strace $0x80000048  }
0xb3: {  	_ =	swait.ge [sflag:s29], $0x1  }
0xb4: {  	[sflag:s29] =	ssyncadd.s32 $0xFFFFFFFF  }
0xb5: {  	_ =	strace $0x90000048  }
0xb6: {  	_ =	sfence  }
0xb7: {  	s30 =	sld [smem:$0x0];
	_ =	sdelay $0x2  }
0xb8: {  	s31 =	sshll.u32 s1, $0xD;
	s1 =	sshrl.u32 s1, $0x2  }
0xb9: {  	s3 =	sand.u32 $0x4000, s31;
	s1 =	sadd.s32 s1, s30  }
0xba: {  	s0 =	sor.u32 s3, s0;
	s1 =	sshll.u32 s1, $0x11  }
0xbb: {  	s0 =	sor.u32 s1, s0  }
0xbc: {  	s0 =	sadd.s32 $0x8F2B, s0  }
0xbd: {  	[sflag:s0] =	ssyncadd.remote.s32 $0x1  }
0xbe: {  	_ =	sfence.sel $0xFFFF  }
0xbf: {  	[dreg:$0x0] =	wrdreg $0xFFFFFFFF;
	(pc) =	sbr.abs _section_cstart, $3  }
0xc0: {  	[dreg:$0x1] =	wrdreg $0xFFFFFFFF  }
0xc1: {  	_ =	task.clear_ibuf [dreg:s7], $0x2FFFF;
	_ =	strace $0x9FFFFFFF  }
0xc2: {  	(tm) =	ssettm $0x7FFFFFFF  }
0xc3: {  	_ =	shalt  }
tec
execute0_lowered:
.L_overlay_start_1:
0x0: {  	(tag) =	ssettag $0x1  }
0x1: {  	s1 =	srdreg.scid  }
0x2: {  	s0 =	stileid.u32;
	s2 =	rddreg [dreg:$0x0]  }
0x3: {  	s6 =	rddreg [dreg:$0x1];
	s3 =	simm.s32 $0x0;
	s9 =	simm.s32 $0x400  }
0x4: {  	s10 =	simm.s32 $0x1;
	s4 =	sand.u32 $0x1, s1;
	s30 =	sshll.u32 s0, $0x1  }
0x5: {  	s11 =	simm.s32 $0x18880;
	s12 =	simm.s32 $0x19A80;
	s1 =	sor.u32 s4, s30  }
0x6: {  	s13 =	simm.s32 $0x2;
	s14 =	simm.s32 $0x0;
	s5 =	smul.u32 $0x18, s1  }
.Ltmp0:
0x7: {  	[smem:$0x7FF] =	sst s3;
	s4 =	ssub.s32 $0x2, s4;
	(pc) =	sbr.rel .LBB2_1-.Ltmp0, $4  }
0x8: {  	v0 =	vlaneseq.u32;
	s1 =	rddreg [dreg:$0x2];
	_ =	strace $0x80000047;
	s7 =	sshrl.u32 s5, $0x3  }
0x9: {  	v4 =	vmul.u32 $0xFFFFFFFF, v0;
	s31 =	sshrl.u32 s4, $0x1;
	s8 =	smul.u32 $0xC400, s7;
	s6 =	sadd.s32 s7, s6  }
0xa: {  	v1 =	vimm.s32 $0x0;
	s5 =	sor.u32 $0x1, s5;
	s7 =	ssub.s32 s4, s31;
	s6 =	sadd.s32 $0x400, s6  }
0xb: {  	v3 =	vimm.s32 $0x1;
	v2 =	vmul.u32 $0x101, v0;
	v4 =	vadd.s32 $0xF, v4;
	s7 =	smax.u32 s7, $0x1;
	s4 =	sadd.s32 s2, s8;
	s8 =	simm.s32 $0x80  }
.LBB2_37:
0xc: {  	s14 =	sadd.s32 $0x1, s14  }
0xd: {  	p0 =	sne.s32 s14, s7  }
.Ltmp1:
0xe: {  	_ = 	snop;
	(pc) =	sbr.rel @!p0 .LBB2_38-.Ltmp1, $4  }
0xf: {  	[hbm4b:s6+s3] =	stream.linear.scatter [tilespmem:s12], [sflag:$0x2], $0x18, $0x38;
	[tilespmem:$0x19B00] =	vst v63  }
0x10: {  	_ =	swait.ge [sflag:s13], $0x18  }
0x11: {  	[sflag:s13] =	ssyncset.done $0x0  }
0x12: {  	[sflag:s13] =	ssyncadd.s32 $0xFFFFFFE8  }
.LBB2_1:
0x13: {  	[tilespmem:s3], [sflag:$0x1] =	stream.strided.gather [hbm4b:s4+s8], $0xC400, s9, s8, $0x38;
	[tilespmem:$0x19B00] =	vst v63  }
0x14: {  	s15 =	simm.s32 $0x40;
	s16 =	simm.s32 $0x0  }
.LBB2_2:
0x15: {  	p0 =	sne.s32 s15, $0x4000;
	[tilespmem:s16+$0x18880] =	vst v1;
	s16 =	smov.u32 s15;
	s15 =	sadd.s32 $0x40, s15  }
.Ltmp2:
0x16: {  	(pc) =	sbr.rel @p0 .LBB2_2-.Ltmp2, $2  }
0x17: {  	_ =	sdelay $0x2  }
0x18: {  	s16 =	sshra.s32 s16, $0x2  }
.Ltmp3:
0x19: {  	(pc) =	sbr.rel .LBB2_4-.Ltmp3, $2  }
0x1a: {  	_ =	sdelay $0x2  }
0x1b: {  	[tilespmem:s16+$0x18880] =	vst v1;
	s15 =	simm.s32 $0x0;
	s16 =	simm.s32 $0x0;
	s17 =	simm.s32 $0x0  }
.LBB2_36:
0x1c: {  	v5 =	vld [tilespmem:s22+$0x19900];
	_ =	sdelay $0x4  }
0x1d: {  	(xrf0) =	vadd.scan.msk.s32 $0xffff, v5;
	_ =	sdelay $0x5  }
0x1e: {  	v6, _, _ =	vpop (xrf0)  }
0x1f: {  	(v2sf) =	vpush v6, $0xF;
	_ =	sdelay $0x5  }
0x20: {  	v5 =	vperm.xlane v5, v4;
	_ =	sdelay $0x1  }
0x21: {  	(xrf0) =	vadd.scan.msk.s32 $0xffff, v5;
	_ =	sdelay $0x5  }
0x22: {  	v5, _, _ =	vpop (xrf0)  }
0x23: {  	v5 =	vperm.xlane v5, v4;
	s24 =	spop (v2sf)  }
0x24: {  	s23 =	ssub.s32 s23, s24  }
0x25: {  	v5 =	vadd.s32 s23, v5  }
0x26: {  	vm0 =	vge.s32 v5, s20  }
0x27: {  	v5 =	vmpcnt.ones.xlane vm0;
	_ =	sdelay $0x1  }
0x28: {  	(v2sf) =	vpush v5, $0x0;
	_ =	sdelay $0xd  }
0x29: {  	s18 =	sshll.u32 s18, $0x17;
	s19 =	sshll.u32 s19, $0xF  }
0x2a: {  	s31 =	sshll.u32 s21, $0x7;
	p0 =	sne.s32 s17, $0x18;
	v5 =	vmov s16;
	s29 =	spop (v2sf)  }
.Ltmp4:
0x2b: {  	s18 =	sor.u32 s18, s19;
	s30 =	sadd.s32 s29, s22;
	(pc) =	sbr.rel @!p0 .LBB2_37-.Ltmp4, $4  }
0x2c: {  	s18 =	sor.u32 s31, s18;
	s16 =	sadd.s32 $0xFFFFFFFF, s30  }
0x2d: {  	s16 =	sor.u32 s16, s18  }
0x2e: {  	v6 =	vmov s16  }
0x2f: {  	[tilespmem:v5+s12+$0x0] =	vst.idx.msk $0x1, v6  }
.LBB2_4:
0x30: {  	_ =	swait.ge [sflag:s10], $0xC400  }
0x31: {  	[sflag:s10] =	ssyncset.done $0x0  }
0x32: {  	s18 =	simm.s32 $0x70;
	[sflag:s10] =	ssyncadd.s32 $0xFFFF3C00  }
0x33: {  	v9 =	vld [tilespmem:s18+$0xFFFFFFA0]  }
0x34: {  	v10 =	vld [tilespmem:s18+$0xFFFFFF90]  }
0x35: {  	v11 =	vld [tilespmem:s18+$0xFFFFFFB0]  }
0x36: {  	s19 =	sadd.s32 $0xFFF6D840, s16;
	v12 =	vld [tilespmem:s18+$0xFFFFFFC0]  }
0x37: {  	p0 =	sgt.s32 s19, $0x0  }
0x38: {  	s26 =	sadd.s32 $0x927C0, s16;
	s19 =	simm.s32 @!p0 $0x0  }
0x39: {  	v8 =	vimm.s32 $0x0;
	v5 =	vmov s26;
	s20 =	ssub.s32 s26, s19;
	v6 =	vmov s19  }
0x3a: {  	v15 =	vld [tilespmem:s18+$0xFFFFFFE0];
	v7 =	vmov s20;
	v23 =	vand.u32 $0x7FFFFFFF, v10;
	v27 =	vand.u32 $0x7FFFFFFF, v9  }
0x3b: {  	v28 =	vand.u32 $0x7FFFFFFF, v11;
	v11 =	vand.u32 $0x7FFFFFFF, v12;
	vm0 =	vgt.s32 v23, v5  }
0x3c: {  	v13 =	vld [tilespmem:s18+$0xFFFFFFD0];
	v9 =	vsub.s32 v23, v6;
	v10 =	vsub.s32 v27, v6;
	vm1 =	vgt.s32 v28, v5  }
0x3d: {  	vm2 =	vgt.s32 v27, v5;
	v12 =	vsub.s32 v11, v6;
	vm6 =	vgt.s32 v11, v5  }
0x3e: {  	vm12 =	vle.u32 v9, v7;
	vm11 =	vle.u32 v10, v7;
	v9 =	vsel vm0, $0x1, v1  }
0x3f: {  	v14 =	vld [tilespmem:s18+$0xFFFFFFF0];
	vm0 =	vle.u32 v12, v7;
	v12 =	vand.u32 $0x7FFFFFFF, v15;
	v15 =	vsel vm1, $0x1, v1  }
0x40: {  	v16 =	vmpcnt.ones.xlane vm12;
	v10 =	vmpcnt.ones.xlane vm11;
	v17 =	vadd.s32 v9, v8  }
0x41: {  	v9 =	vand.u32 $0x7FFFFFFF, v13;
	v13 =	vsub.s32 v28, v6;
	v21 =	vmpcnt.ones.xlane vm0  }
0x42: {  	v31 =	vadd.s32 v15, v8;
	v18 =	vsub.s32 v9, v6;
	vm5 =	vgt.s32 v9, v5  }
0x43: {  	vm13 =	vle.u32 v13, v7;
	v13 =	vsub.s32 v12, v6;
	(v2sf) =	vpush v10, $0x0  }
0x44: {  	v19 =	vld [tilespmem:s18+$0x20];
	v10 =	vand.u32 $0x7FFFFFFF, v14;
	vm1 =	vle.u32 v13, v7;
	v20 =	vmpcnt.ones.xlane vm13  }
0x45: {  	vm4 =	vle.u32 v18, v7;
	v25 =	vsel vm5, $0x1, v1;
	vm5 =	vgt.s32 v12, v5  }
0x46: {  	v14 =	vld [tilespmem:s18+$0x0];
	vm3 =	vgt.s32 v10, v5;
	v13 =	vsub.s32 v10, v6;
	v22 =	vmpcnt.ones.xlane vm1  }
0x47: {  	s28 =	sand.u32 $0xFFE0, s15;
	(v2sf) =	vpush v16, $0x0;
	v26 =	vmpcnt.ones.xlane vm4;
	v18 =	vsel vm5, $0x1, v1  }
0x48: {  	v16 =	vld [tilespmem:s28+$0x80];
	v24 =	vsel vm3, $0x1, v1;
	vm3 =	vle.u32 v13, v7;
	v13 =	vsel vm6, $0x1, v1  }
0x49: {  	(v2sf) =	vpush v20, $0x0;
	v29 =	vadd.s32 v13, v8;
	v13 =	vand.u32 $0x7FFFFFFF, v19  }
0x4a: {  	v17 =	vadd.s32 v25, v17;
	(v2sf) =	vpush v22, $0x0;
	vm7 =	vgt.s32 v13, v5  }
0x4b: {  	v19 =	vld [tilespmem:s18+$0x30];
	v30 =	vsub.s32 v13, v6;
	(v2sf) =	vpush v21, $0x0;
	v14 =	vand.u32 $0x7FFFFFFF, v14  }
0x4c: {  	v32 =	vld [tilespmem:s18+$0x60];
	(v2sf) =	vpush v26, $0x0;
	vm6 =	vle.u32 v30, v7;
	v25 =	vsub.s32 v14, v6  }
0x4d: {  	v20 =	vld [tilespmem:s18+$0x50];
	v21 =	vand.u32 $0x7FFFFFFF, v16;
	vm5 =	vle.u32 v25, v7;
	v25 =	vmpcnt.ones.xlane vm3  }
0x4e: {  	v22 =	vld [tilespmem:s18+$0x40];
	[tilespmem:s15+$0xC400] =	vst.msk vm12, v23;
	v26 =	vmpcnt.ones.xlane vm6;
	vm12 =	vgt.s32 v14, v5;
	v16 =	vmpcnt.ones.xlane vm5  }
0x4f: {  	vm10 =	vgt.s32 v21, v5;
	v23 =	vsel vm12, $0x1, v1;
	(v2sf) =	vpush v25, $0x0  }
0x50: {  	v15 =	vand.u32 $0x7FFFFFFF, v19;
	v19 =	vsub.s32 v21, v6;
	(v2sf) =	vpush v16, $0x0  }
0x51: {  	v23 =	vadd.s32 v23, v29;
	v25 =	vsub.s32 v15, v6;
	vm9 =	vle.u32 v19, v7  }
0x52: {  	v19 =	vand.u32 $0x7FFFFFFF, v32;
	vm15 =	vgt.s32 v15, v5;
	v16 =	vand.u32 $0x7FFFFFFF, v20  }
0x53: {  	v20 =	vand.u32 $0x7FFFFFFF, v22;
	v22 =	vsel vm7, $0x1, v1;
	(v2sf) =	vpush v26, $0x0  }
0x54: {  	v32 =	vsub.s32 v19, v6;
	vm8 =	vle.u32 v25, v7;
	v25 =	vsel vm10, $0x1, v1  }
0x55: {  	v63 =	vsel vm15, $0x1, v1;
	v34 =	vmpcnt.ones.xlane vm9;
	vm12 =	vgt.s32 v19, v5  }
0x56: {  	v62 =	vsub.s32 v16, v6;
	vm14 =	vgt.s32 v16, v5;
	v26 =	vsub.s32 v20, v6;
	s29 =	spop (v2sf)  }
0x57: {  	v33 =	vmpcnt.ones.xlane vm8;
	v25 =	vadd.s32 v25, v17;
	vm7 =	vle.u32 v26, v7;
	s30 =	spop (v2sf)  }
0x58: {  	v26 =	vadd.s32 v24, v31;
	vm10 =	vle.u32 v62, v7;
	v24 =	vmpcnt.ones.xlane vm7;
	s19 =	sadd.s32 $0x0, s30  }
0x59: {  	s16 =	smov.u32 s17;
	v17 =	vadd.s32 v63, v26;
	(v2sf) =	vpush v33, $0x0;
	s31 =	spop (v2sf);
	[tilespmem:s19+$0xC400] =	vst.msk vm11, v27;
	s19 =	sadd.s32 s29, s19;
	vm11 =	vle.u32 v32, v7  }
0x5a: {  	s17 =	simm.s32 $0xE0;
	v26 =	vsel vm14, $0x1, v1;
	(v2sf) =	vpush v34, $0x0;
	[tilespmem:s19+$0xC400] =	vst.msk vm13, v28;
	v27 =	vmpcnt.ones.xlane vm11;
	s21 =	sadd.s32 s31, s19;
	s19 =	spop (v2sf)  }
.LBB2_5:
0x5b: {  	p0 =	sne.s32 s17, $0xC320  }
0x5c: {  	vm13 =	vgt.s32 v20, v5;
	v28 =	vmpcnt.ones.xlane vm10;
	s18 =	sadd.s32 $0xE0, s18;
	s22 =	spop (v2sf);
	(v2sf) =	vpush v24, $0x0;
	s20 =	smov.u32 s17  }
0x5d: {  	s17 =	sadd.s32 $0xE0, s17;
	v24 =	vsel vm2, $0x1, v1;
	v25 =	vadd.s32 v26, v25;
	[tilespmem:s21+$0xC400] =	vst.msk vm0, v11;
	s21 =	sadd.s32 s22, s21;
	s22 =	spop (v2sf);
	(v2sf) =	vpush v27, $0x0  }
0x5e: {  	[tilespmem:s21+$0xC400] =	vst.msk vm4, v9;
	s21 =	sadd.s32 s22, s21;
	s22 =	spop (v2sf);
	(v2sf) =	vpush v28, $0x0  }
0x5f: {  	[tilespmem:s21+$0xC400] =	vst.msk vm1, v12;
	s19 =	sadd.s32 s19, s21;
	s21 =	spop (v2sf)  }
0x60: {  	[tilespmem:s19+$0xC400] =	vst.msk vm3, v10;
	s19 =	sadd.s32 s22, s19  }
0x61: {  	[tilespmem:s19+$0xC400] =	vst.msk vm5, v14;
	s19 =	sadd.s32 s21, s19  }
0x62: {  	[tilespmem:s19+$0xC400] =	vst.msk vm9, v21;
	s21 =	spop (v2sf);
	_ =	sdelay $0x5  }
0x63: {  	s22 =	spop (v2sf)  }
0x64: {  	s23 =	spop (v2sf)  }
0x65: {  	s19 =	sadd.s32 s23, s19  }
0x66: {  	v8 =	vadd.s32 v24, v8;
	v9 =	vsel vm13, $0x1, v1;
	[tilespmem:s19+$0xC400] =	vst.msk vm6, v13;
	s19 =	sadd.s32 s21, s19;
	s21 =	spop (v2sf)  }
0x67: {  	v8 =	vadd.s32 v18, v8;
	v13 =	vadd.s32 v9, v23;
	[tilespmem:s19+$0xC400] =	vst.msk vm8, v15;
	s19 =	sadd.s32 s22, s19;
	s22 =	spop (v2sf)  }
0x68: {  	v8 =	vadd.s32 v22, v8;
	v9 =	vsel vm12, $0x1, v1;
	[tilespmem:s19+$0xC400] =	vst.msk vm7, v20;
	s19 =	sadd.s32 s21, s19;
	s21 =	spop (v2sf)  }
0x69: {  	v8 =	vadd.s32 v9, v8;
	[tilespmem:s19+$0xC400] =	vst.msk vm10, v16;
	s19 =	sadd.s32 s21, s19  }
0x6a: {  	[tilespmem:s19+$0xC400] =	vst.msk vm11, v19;
	s19 =	sadd.s32 s22, s19  }
0x6b: {  	v9 =	vld [tilespmem:s18+$0xFFFFFFA0]  }
0x6c: {  	v10 =	vld [tilespmem:s18+$0xFFFFFF90]  }
0x6d: {  	v11 =	vld [tilespmem:s18+$0xFFFFFFB0]  }
0x6e: {  	v12 =	vld [tilespmem:s18+$0xFFFFFFC0]  }
0x6f: {  	v14 =	vld [tilespmem:s18+$0xFFFFFFD0];
	_ =	sdelay $0x1  }
0x70: {  	v23 =	vand.u32 $0x7FFFFFFF, v9;
	v16 =	vand.u32 $0x7FFFFFFF, v10;
	v15 =	vld [tilespmem:s18+$0xFFFFFFE0]  }
0x71: {  	v10 =	vsub.s32 v23, v6;
	vm0 =	vgt.s32 v16, v5;
	v9 =	vsub.s32 v16, v6  }
0x72: {  	vm11 =	vle.u32 v10, v7;
	v18 =	vld [tilespmem:s18+$0xFFFFFFF0];
	vm6 =	vle.u32 v9, v7;
	v9 =	vsel vm0, $0x1, v1  }
0x73: {  	v27 =	vand.u32 $0x7FFFFFFF, v11;
	v10 =	vmpcnt.ones.xlane vm11;
	v19 =	vmpcnt.ones.xlane vm6  }
0x74: {  	v11 =	vand.u32 $0x7FFFFFFF, v12;
	vm1 =	vgt.s32 v27, v5;
	v20 =	vadd.s32 v9, v25  }
0x75: {  	vm2 =	vgt.s32 v23, v5;
	v9 =	vand.u32 $0x7FFFFFFF, v14;
	(v2sf) =	vpush v10, $0x0  }
0x76: {  	v21 =	vsub.s32 v27, v6;
	v12 =	vsub.s32 v11, v6;
	v22 =	vsub.s32 v9, v6;
	v14 =	vld [tilespmem:s18+$0x0]  }
0x77: {  	vm5 =	vgt.s32 v9, v5;
	vm0 =	vle.u32 v12, v7;
	v10 =	vand.u32 $0x7FFFFFFF, v18  }
0x78: {  	v24 =	vsel vm1, $0x1, v1;
	v12 =	vand.u32 $0x7FFFFFFF, v15;
	v15 =	vld [tilespmem:s18+$0x20];
	vm3 =	vgt.s32 v10, v5  }
0x79: {  	vm12 =	vle.u32 v21, v7;
	v18 =	vsub.s32 v12, v6;
	v25 =	vsel vm3, $0x1, v1  }
0x7a: {  	v21 =	vmpcnt.ones.xlane vm12;
	v26 =	vmpcnt.ones.xlane vm0;
	vm1 =	vle.u32 v18, v7  }
0x7b: {  	vm7 =	vgt.s32 v11, v5;
	v18 =	vsub.s32 v10, v6;
	v28 =	vmpcnt.ones.xlane vm1  }
0x7c: {  	s20 =	sand.u32 $0xFFE0, s20;
	vm4 =	vle.u32 v22, v7;
	v22 =	vsel vm5, $0x1, v1;
	vm3 =	vle.u32 v18, v7  }
0x7d: {  	vm5 =	vgt.s32 v12, v5;
	v18 =	vsel vm7, $0x1, v1;
	v29 =	vld [tilespmem:s20+$0x80];
	(v2sf) =	vpush v19, $0x0  }
0x7e: {  	v30 =	vadd.s32 v18, v13;
	v18 =	vsel vm5, $0x1, v1;
	v19 =	vmpcnt.ones.xlane vm4  }
0x7f: {  	v31 =	vadd.s32 v22, v20;
	v14 =	vand.u32 $0x7FFFFFFF, v14;
	v13 =	vand.u32 $0x7FFFFFFF, v15;
	v15 =	vld [tilespmem:s18+$0x30]  }
0x80: {  	v20 =	vsub.s32 v14, v6;
	vm7 =	vgt.s32 v13, v5;
	(v2sf) =	vpush v21, $0x0  }
0x81: {  	vm5 =	vle.u32 v20, v7;
	v20 =	vmpcnt.ones.xlane vm3;
	v22 =	vld [tilespmem:s18+$0x50];
	(v2sf) =	vpush v28, $0x0  }
0x82: {  	v17 =	vadd.s32 v24, v17;
	v32 =	vsub.s32 v13, v6;
	v28 =	vld [tilespmem:s18+$0x40];
	(v2sf) =	vpush v26, $0x0  }
0x83: {  	v21 =	vand.u32 $0x7FFFFFFF, v29;
	v26 =	vmpcnt.ones.xlane vm5;
	v24 =	vld [tilespmem:s18+$0x60];
	(v2sf) =	vpush v19, $0x0  }
0x84: {  	vm10 =	vgt.s32 v21, v5;
	v15 =	vand.u32 $0x7FFFFFFF, v15;
	[tilespmem:s19+$0xC400] =	vst.msk vm6, v16;
	s20 =	spop (v2sf);
	(v2sf) =	vpush v20, $0x0  }
0x85: {  	vm6 =	vle.u32 v32, v7;
	v29 =	vsub.s32 v15, v6;
	(v2sf) =	vpush v26, $0x0  }
0x86: {  	v19 =	vsub.s32 v21, v6;
	v26 =	vmpcnt.ones.xlane vm6;
	v16 =	vand.u32 $0x7FFFFFFF, v22  }
0x87: {  	vm9 =	vle.u32 v19, v7;
	v22 =	vsel vm7, $0x1, v1;
	v20 =	vand.u32 $0x7FFFFFFF, v28  }
0x88: {  	v28 =	vsub.s32 v16, v6;
	v19 =	vand.u32 $0x7FFFFFFF, v24;
	(v2sf) =	vpush v26, $0x0  }
0x89: {  	vm13 =	vgt.s32 v16, v5;
	v24 =	vsub.s32 v20, v6;
	v32 =	vsub.s32 v19, v6  }
0x8a: {  	vm14 =	vgt.s32 v15, v5;
	vm8 =	vle.u32 v29, v7;
	vm7 =	vle.u32 v24, v7  }
0x8b: {  	v29 =	vmpcnt.ones.xlane vm8;
	v26 =	vsel vm14, $0x1, v1;
	v24 =	vmpcnt.ones.xlane vm7  }
.Ltmp5:
0x8c: {  	v17 =	vadd.s32 v25, v17;
	v25 =	vsel vm10, $0x1, v1;
	v33 =	vmpcnt.ones.xlane vm9;
	s21 =	spop (v2sf);
	(pc) =	sbr.rel @p0 .LBB2_5-.Ltmp5, $4  }
0x8d: {  	v25 =	vadd.s32 v25, v31;
	vm10 =	vle.u32 v28, v7;
	v17 =	vadd.s32 v26, v17;
	s19 =	sadd.s32 s19, s21  }
0x8e: {  	vm14 =	vgt.s32 v14, v5;
	v26 =	vsel vm13, $0x1, v1;
	[tilespmem:s19+$0xC400] =	vst.msk vm11, v23;
	s19 =	sadd.s32 s20, s19;
	(v2sf) =	vpush v29, $0x0  }
0x8f: {  	vm11 =	vle.u32 v32, v7;
	v23 =	vsel vm14, $0x1, v1;
	[tilespmem:s19+$0xC400] =	vst.msk vm12, v27;
	s20 =	spop (v2sf);
	(v2sf) =	vpush v33, $0x0  }
0x90: {  	vm12 =	vgt.s32 v19, v5;
	v27 =	vmpcnt.ones.xlane vm11;
	v23 =	vadd.s32 v23, v30;
	s21 =	sadd.s32 s20, s19;
	s19 =	spop (v2sf)  }
0x91: {  	v6 =	vsel vm2, $0x1, v1  }
0x92: {  	v6 =	vadd.s32 v6, v8  }
0x93: {  	v6 =	vadd.s32 v18, v6  }
0x94: {  	v7 =	vsel vm12, $0x1, v1;
	v6 =	vadd.s32 v22, v6  }
0x95: {  	vm15 =	vgt.s32 v20, v5;
	v5 =	vadd.s32 v26, v25;
	v6 =	vadd.s32 v7, v6  }
0x96: {  	v7 =	vsel vm15, $0x1, v1;
	v5 =	vadd.s32 v5, v6  }
0x97: {  	v6 =	vadd.s32 v7, v23;
	v5 =	vadd.s32 v17, v5  }
0x98: {  	v5 =	vadd.s32 v6, v5  }
0x99: {  	(xrf0) =	vadd.scan.msk.s32 $0xffff, v5;
	_ =	sdelay $0x1  }
0x9a: {  	v5 =	vmpcnt.ones.xlane vm10  }
0x9b: {  	(v2sf) =	vpush v24, $0x0  }
0x9c: {  	(v2sf) =	vpush v27, $0x0  }
0x9d: {  	(v2sf) =	vpush v5, $0x0  }
0x9e: {  	v5, _, _ =	vpop (xrf0)  }
0x9f: {  	(v2sf) =	vpush v5, $0xF;
	_ =	sdelay $0x2  }
0xa0: {  	s17 =	spop (v2sf)  }
0xa1: {  	s18 =	spop (v2sf)  }
0xa2: {  	s17 =	sadd.s32 s17, s21;
	s20 =	spop (v2sf)  }
0xa3: {  	s18 =	sadd.s32 s18, s17;
	s22 =	spop (v2sf)  }
0xa4: {  	s19 =	sadd.s32 s19, s18;
	s23 =	spop (v2sf)  }
0xa5: {  	s20 =	sadd.s32 s20, s19;
	s24 =	spop (v2sf)  }
0xa6: {  	[tilespmem:s21+$0xC400] =	vst.msk vm0, v11;
	s21 =	sadd.s32 s22, s20;
	s30 =	spop (v2sf)  }
0xa7: {  	[tilespmem:s17+$0xC400] =	vst.msk vm4, v9;
	s17 =	sadd.s32 s30, s21  }
0xa8: {  	[tilespmem:s18+$0xC400] =	vst.msk vm1, v12;
	s31 =	sadd.s32 s23, s17;
	s25 =	spop (v2sf)  }
0xa9: {  	[tilespmem:s19+$0xC400] =	vst.msk vm3, v10;
	s23 =	sadd.s32 s24, s31;
	s26 =	spop (v2sf)  }
0xaa: {  	[tilespmem:s20+$0xC400] =	vst.msk vm5, v14;
	s28 =	sadd.s32 s25, s23;
	s29 =	spop (v2sf)  }
0xab: {  	[tilespmem:s21+$0xC400] =	vst.msk vm9, v21;
	s30 =	sadd.s32 s29, s28  }
0xac: {  	[tilespmem:s17+$0xC400] =	vst.msk vm6, v13;
	s19 =	sadd.s32 s26, s30;
	s17 =	spop (v2sf)  }
0xad: {  	[tilespmem:s31+$0xC400] =	vst.msk vm8, v15;
	s31 =	sadd.s32 s19, s17  }
0xae: {  	p1 =	sgt.s32 s17, $0x61FF;
	p0 =	slt.s32 s31, $0x6200  }
0xaf: {  	p1 =	por p1, p0  }
.Ltmp6:
0xb0: {  	_ = 	snop;
	(pc) =	sbr.rel @!p1 .LBB2_10-.Ltmp6, $4  }
0xb1: {  	_ = 	snop  }
0xb2: {  	[tilespmem:s23+$0xC400] =	vst.msk vm7, v20  }
0xb3: {  	[tilespmem:s28+$0xC400] =	vst.msk vm10, v16  }
0xb4: {  	[tilespmem:s30+$0xC400] =	vst.msk vm11, v19  }
0xb5: {  	s18 =	simm.s32 $0x0  }
0xb6: {  	v7 =	vld [tilespmem:s18+$0x30]  }
0xb7: {  	v8 =	vld [tilespmem:s18+$0x0]  }
0xb8: {  	v5 =	vld [tilespmem:s18+$0x10]  }
0xb9: {  	s20 =	simm.s32 $0x100;
	v6 =	vld [tilespmem:s18+$0x20]  }
.LBB2_8:
0xba: {  	p0 =	sne.s32 s20, $0x30F00  }
.Ltmp7:
0xbb: {  	s21 =	sshra.s32 s20, $0x2;
	s20 =	sadd.s32 $0x100, s20;
	v9 =	vand.u32 $0x7FFFFFFF, v7;
	(pc) =	sbr.rel @p0 .LBB2_8-.Ltmp7, $4  }
0xbc: {  	v7 =	vld [tilespmem:s21+$0x30];
	v10 =	vand.u32 $0x7FFFFFFF, v8;
	[tilespmem:s18+$0xC430] =	vst v9  }
0xbd: {  	v8 =	vld [tilespmem:s21+$0x0];
	[tilespmem:s18+$0xC400] =	vst v10;
	v9 =	vand.u32 $0x7FFFFFFF, v5  }
0xbe: {  	v5 =	vld [tilespmem:s21+$0x10];
	[tilespmem:s18+$0xC410] =	vst v9;
	v9 =	vand.u32 $0x7FFFFFFF, v6  }
0xbf: {  	v6 =	vld [tilespmem:s21+$0x20];
	[tilespmem:s18+$0xC420] =	vst v9;
	s18 =	smov.u32 s21  }
0xc0: {  	_ = 	snop  }
0xc1: {  	v7 =	vand.u32 $0x7FFFFFFF, v7  }
0xc2: {  	v8 =	vand.u32 $0x7FFFFFFF, v8;
	[tilespmem:s18+$0xC430] =	vst v7  }
0xc3: {  	[tilespmem:s18+$0xC400] =	vst v8;
	v5 =	vand.u32 $0x7FFFFFFF, v5  }
0xc4: {  	[tilespmem:s18+$0xC410] =	vst v5;
	v5 =	vand.u32 $0x7FFFFFFF, v6  }
0xc5: {  	[tilespmem:s18+$0xC420] =	vst v5  }
.LBB2_10:
0xc6: {  	p0 =	seq.s32 s16, $0x17  }
0xc7: {  	s18 =	sadd.s32 @!p0 s16, s5  }
0xc8: {  	s20 =	sshrl.u32 @!p0 s18, $0x3  }
0xc9: {  	s19 =	simm.s32 @p1 $0xC400;
	s18 =	sshll.u32 @!p0 s18, $0x7;
	s20 =	smul.u32 @!p0 $0x62000, s20  }
0xca: {  	s21 =	simm.s32 @!p0 $0x400;
	s28 =	sadd.s32 $0x3F, s19;
	s18 =	sand.u32 @!p0 $0x380, s18  }
0xcb: {  	s22 =	simm.s32 @!p0 $0x0;
	s29 =	sand.u32 $0x3F, s28;
	s18 =	sor.u32 @!p0 s18, s20  }
0xcc: {  	s30 =	sshra.s32 s28, $0x1F;
	p6 =	slt.s32 s28, $0x1;
	s18 =	sshrl.u32 @!p0 s18, $0x3  }
0xcd: {  	p2 =	sne.s32 s29, $0x0;
	s20 =	simm.s32 @!p0 $0x80;
	s18 =	sadd.s32 @!p0 s2, s18  }
0xce: {  	[tilespmem:s22], [sflag:$0x1] =	stream.strided.gather @!p0 [hbm4b:s18+s20], $0xC400, s21, s20, $0x38;
	[tilespmem:$0x19B00] =	vst v63  }
0xcf: {  	s31 =	sshrl.u32 s30, $0x1A;
	p0 =	por !p6, !p2  }
0xd0: {  	s18 =	sadd.s32 s31, s28;
	s20 =	simm.s32 $0x1;
	p0 =	por !p0, !p0  }
0xd1: {  	s18 =	sshra.s32 s18, $0x6;
	s20 =	simm.s32 @!p0 $0x0  }
0xd2: {  	s18 =	ssub.s32 s18, s20  }
0xd3: {  	p2 =	sgt.s32 s18, $0x0  }
.Ltmp8:
0xd4: {  	_ = 	snop;
	(pc) =	sbr.rel @!p2 .LBB2_11-.Ltmp8, $2  }
0xd5: {  	_ =	sdelay $0x2  }
0xd6: {  	v5 =	vmov s19;
	p0 =	seq.s32 s18, $0x1;
	s19 =	sadd.s32 $0xFFFFFFFF, s18  }
0xd7: {  	s20 =	simm.s32 $0xC420  }
0xd8: {  	v6 =	vld [tilespmem:s20+$0xFFFFFFF0]  }
0xd9: {  	v7 =	vld [tilespmem:s20+$0xFFFFFFE0];
	_ =	sdelay $0x1  }
0xda: {  	s21 =	simm.s32 $0x0;
	v8 =	vld [tilespmem:s20+$0x0]  }
0xdb: {  	s22 =	simm.s32 $0x10;
	s23 =	simm.s32 $0x20;
	v9 =	vld [tilespmem:s20+$0x10];
	v10 =	vor.u32 s21, v0  }
0xdc: {  	v11 =	vor.u32 s22, v0;
	vm0 =	vlt.s32 v10, v5;
	v10 =	vor.u32 s23, v0  }
0xdd: {  	vm1 =	vlt.s32 v11, v5;
	v6 =	vshrl.u32 v6, $0x17;
	v7 =	vshrl.u32 v7, $0x17  }
.Ltmp9:
0xde: {  	s31 =	simm.s32 $0x30;
	vm2 =	vlt.s32 v10, v5;
	v12 =	vand.u32 $0xFF, v6;
	v6 =	vand.u32 $0xFF, v7;
	(pc) =	sbr.rel @p0 .LBB2_41-.Ltmp9, $4  }
0xdf: {  	v10 =	vor.u32 s31, v0;
	v7 =	vshrl.u32 v8, $0x17;
	v6 =	vadd.s32 v2, v6  }
0xe0: {  	v9 =	vshrl.u32 v9, $0x17;
	v8 =	vand.u32 $0xFF, v7;
	v7 =	vadd.s32 v2, v12  }
0xe1: {  	vm3 =	vlt.s32 v10, v5;
	v9 =	vand.u32 $0xFF, v9;
	v8 =	vadd.s32 v2, v8  }
0xe2: {  	s22 =	sadd.s32 $0xFFFFFFFF, s18;
	v9 =	vadd.s32 v2, v9  }
.LBB2_40:
0xe3: {  	_ = 	snop  }
0xe4: {  	p2 =	seq.s32 s22, $0x1;
	[tilespmem:v6+s11+$0x0] =	vst.idx.add.s32.msk vm0, v3;
	s21 =	sadd.s32 $0x40, s21;
	s20 =	sadd.s32 $0x40, s20  }
0xe5: {  	s22 =	sadd.s32 $0xFFFFFFFF, s22;
	[tilespmem:v7+s11+$0x0] =	vst.idx.add.s32.msk vm1, v3  }
0xe6: {  	[tilespmem:v8+s11+$0x0] =	vst.idx.add.s32.msk vm2, v3  }
0xe7: {  	[tilespmem:v9+s11+$0x0] =	vst.idx.add.s32.msk vm3, v3  }
0xe8: {  	v6 =	vld [tilespmem:s20+$0xFFFFFFF0]  }
0xe9: {  	v7 =	vld [tilespmem:s20+$0xFFFFFFE0]  }
0xea: {  	v8 =	vld [tilespmem:s20+$0x0]  }
0xeb: {  	s23 =	sadd.s32 $0x10, s21;
	v9 =	vor.u32 s21, v0  }
0xec: {  	s24 =	sadd.s32 $0x20, s21;
	v11 =	vor.u32 s23, v0;
	v10 =	vld [tilespmem:s20+$0x10]  }
0xed: {  	vm0 =	vlt.s32 v9, v5;
	v9 =	vor.u32 s24, v0;
	v6 =	vshrl.u32 v6, $0x17  }
0xee: {  	v7 =	vshrl.u32 v7, $0x17;
	v12 =	vand.u32 $0xFF, v6  }
.Ltmp10:
0xef: {  	s23 =	sadd.s32 $0x30, s21;
	vm1 =	vlt.s32 v11, v5;
	v6 =	vand.u32 $0xFF, v7;
	v7 =	vshrl.u32 v8, $0x17;
	(pc) =	sbr.rel @!p2 .LBB2_40-.Ltmp10, $4  }
0xf0: {  	vm2 =	vlt.s32 v9, v5;
	v8 =	vand.u32 $0xFF, v7;
	v6 =	vadd.s32 v2, v6  }
0xf1: {  	v9 =	vor.u32 s23, v0;
	v7 =	vadd.s32 v2, v12;
	v10 =	vshrl.u32 v10, $0x17  }
0xf2: {  	vm3 =	vlt.s32 v9, v5;
	v8 =	vadd.s32 v2, v8;
	v9 =	vand.u32 $0xFF, v10  }
0xf3: {  	v9 =	vadd.s32 v2, v9  }
.LBB2_41:
0xf4: {  	_ =	sdelay $0x4  }
0xf5: {  	[tilespmem:v6+s11+$0x0] =	vst.idx.add.s32.msk vm0, v3  }
0xf6: {  	[tilespmem:v7+s11+$0x0] =	vst.idx.add.s32.msk vm1, v3  }
0xf7: {  	[tilespmem:v8+s11+$0x0] =	vst.idx.add.s32.msk vm2, v3  }
0xf8: {  	[tilespmem:v9+s11+$0x0] =	vst.idx.add.s32.msk vm3, v3  }
.LBB2_11:
0xf9: {  	s22 =	simm.s32 $0x0  }
0xfa: {  	v6 =	vld [tilespmem:s22+$0x18880];
	[tilespmem:s22+$0x18880] =	vst v1  }
0xfb: {  	v7 =	vld [tilespmem:s22+$0x18981];
	[tilespmem:s22+$0x18981] =	vst v1  }
0xfc: {  	v8 =	vld [tilespmem:s22+$0x18A82];
	[tilespmem:s22+$0x18A82] =	vst v1  }
0xfd: {  	v9 =	vld [tilespmem:s22+$0x18B83];
	[tilespmem:s22+$0x18B83] =	vst v1  }
0xfe: {  	v10 =	vld [tilespmem:s22+$0x18C84];
	[tilespmem:s22+$0x18C84] =	vst v1  }
0xff: {  	v11 =	vld [tilespmem:s22+$0x18D85];
	[tilespmem:s22+$0x18D85] =	vst v1  }
0x100: {  	v12 =	vld [tilespmem:s22+$0x18E86];
	[tilespmem:s22+$0x18E86] =	vst v1  }
0x101: {  	v13 =	vld [tilespmem:s22+$0x18F87];
	[tilespmem:s22+$0x18F87] =	vst v1  }
0x102: {  	v14 =	vld [tilespmem:s22+$0x19088];
	[tilespmem:s22+$0x19088] =	vst v1  }
0x103: {  	v15 =	vld [tilespmem:s22+$0x19189];
	[tilespmem:s22+$0x19189] =	vst v1  }
0x104: {  	v16 =	vld [tilespmem:s22+$0x1928A];
	[tilespmem:s22+$0x1928A] =	vst v1  }
0x105: {  	v17 =	vld [tilespmem:s22+$0x1938B];
	[tilespmem:s22+$0x1938B] =	vst v1  }
0x106: {  	v18 =	vld [tilespmem:s22+$0x1948C];
	[tilespmem:s22+$0x1948C] =	vst v1  }
0x107: {  	v19 =	vld [tilespmem:s22+$0x1958D];
	[tilespmem:s22+$0x1958D] =	vst v1  }
0x108: {  	v20 =	vld [tilespmem:s22+$0x1968E];
	[tilespmem:s22+$0x1968E] =	vst v1  }
0x109: {  	s21 =	simm.s32 $0x10;
	v21 =	vld [tilespmem:s22+$0x1978F];
	[tilespmem:s22+$0x1978F] =	vst v1;
	v6 =	vadd.s32 v6, v7  }
0x10a: {  	v22 =	vld [tilespmem:s21+$0x18880];
	v6 =	vadd.s32 v8, v6  }
0x10b: {  	v23 =	vld [tilespmem:s21+$0x18981];
	v6 =	vadd.s32 v9, v6  }
0x10c: {  	[tilespmem:s21+$0x18880] =	vst v1;
	v24 =	vld [tilespmem:s21+$0x18A82];
	v6 =	vadd.s32 v10, v6  }
0x10d: {  	[tilespmem:s21+$0x18981] =	vst v1;
	v25 =	vld [tilespmem:s21+$0x18B83];
	v6 =	vadd.s32 v11, v6  }
0x10e: {  	[tilespmem:s21+$0x18A82] =	vst v1;
	v26 =	vld [tilespmem:s21+$0x18C84];
	v7 =	vadd.s32 v12, v6  }
0x10f: {  	[tilespmem:s21+$0x18B83] =	vst v1;
	v27 =	vld [tilespmem:s21+$0x18D85];
	v7 =	vadd.s32 v13, v7  }
0x110: {  	[tilespmem:s21+$0x18C84] =	vst v1;
	v10 =	vadd.s32 v22, v23;
	v8 =	vadd.s32 v14, v7  }
0x111: {  	[tilespmem:s21+$0x18D85] =	vst v1;
	v28 =	vld [tilespmem:s21+$0x18E86];
	v10 =	vadd.s32 v24, v10;
	v8 =	vadd.s32 v15, v8  }
0x112: {  	[tilespmem:s21+$0x18E86] =	vst v1;
	v6 =	vld [tilespmem:s21+$0x18F87];
	v10 =	vadd.s32 v25, v10;
	v9 =	vadd.s32 v16, v8  }
0x113: {  	[tilespmem:s21+$0x18F87] =	vst v1;
	v10 =	vadd.s32 v26, v10;
	v7 =	vld [tilespmem:s21+$0x19088];
	v9 =	vadd.s32 v17, v9  }
0x114: {  	[tilespmem:s21+$0x19088] =	vst v1;
	v12 =	vadd.s32 v27, v10;
	v10 =	vld [tilespmem:s21+$0x1938B];
	v11 =	vadd.s32 v18, v9  }
0x115: {  	[tilespmem:s21+$0x1938B] =	vst v1;
	v8 =	vld [tilespmem:s21+$0x19189];
	v11 =	vadd.s32 v19, v11  }
0x116: {  	s20 =	ssub.s32 $0x6200, s17;
	s17 =	sadd.s32 $0x1, s16;
	[tilespmem:s21+$0x19189] =	vst v1;
	v9 =	vld [tilespmem:s21+$0x1928A];
	v11 =	vadd.s32 v20, v11  }
0x117: {  	s23 =	simm.s32 $0x80;
	s24 =	simm.s32 $0xC0;
	s20 =	simm.s32 @p1 $0x6200;
	v12 =	vadd.s32 v28, v12;
	[tilespmem:s21+$0x1928A] =	vst v1;
	v11 =	vadd.s32 v21, v11  }
.LBB2_12:
0x118: {  	p1 =	seq.s32 s24, $0x3C0;
	v13 =	vld [tilespmem:s21+$0x1948C];
	[tilespmem:s21+$0x1948C] =	vst v1;
	v6 =	vadd.s32 v6, v12  }
0x119: {  	v12 =	vld [tilespmem:s21+$0x1958D];
	[tilespmem:s21+$0x1958D] =	vst v1;
	v6 =	vadd.s32 v7, v6  }
0x11a: {  	v7 =	vld [tilespmem:s21+$0x1968E];
	[tilespmem:s21+$0x1968E] =	vst v1;
	v6 =	vadd.s32 v8, v6  }
0x11b: {  	v8 =	vld [tilespmem:s21+$0x1978F];
	[tilespmem:s21+$0x1978F] =	vst v1;
	v6 =	vadd.s32 v9, v6  }
0x11c: {  	v6 =	vadd.s32 v10, v6;
	[tilespmem:s22+$0x19900] =	vst v11;
	s22 =	smov.u32 s21;
	s21 =	sshra.s32 s23, $0x2;
	s23 =	smov.u32 s24  }
0x11d: {  	v9 =	vld [tilespmem:s21+$0x18880];
	[tilespmem:s21+$0x18880] =	vst v1;
	v6 =	vadd.s32 v13, v6  }
0x11e: {  	v10 =	vld [tilespmem:s21+$0x18981];
	[tilespmem:s21+$0x18981] =	vst v1;
	v6 =	vadd.s32 v12, v6  }
0x11f: {  	v12 =	vld [tilespmem:s21+$0x18A82];
	[tilespmem:s21+$0x18A82] =	vst v1;
	v6 =	vadd.s32 v7, v6  }
0x120: {  	v13 =	vld [tilespmem:s21+$0x18B83];
	[tilespmem:s21+$0x18B83] =	vst v1;
	v11 =	vadd.s32 v8, v6  }
0x121: {  	v14 =	vld [tilespmem:s21+$0x18C84];
	[tilespmem:s21+$0x18C84] =	vst v1  }
0x122: {  	v15 =	vld [tilespmem:s21+$0x18D85];
	[tilespmem:s21+$0x18D85] =	vst v1  }
0x123: {  	v16 =	vld [tilespmem:s21+$0x18E86];
	[tilespmem:s21+$0x18E86] =	vst v1;
	v7 =	vadd.s32 v9, v10  }
.Ltmp11:
0x124: {  	v6 =	vld [tilespmem:s21+$0x18F87];
	[tilespmem:s21+$0x18F87] =	vst v1;
	v8 =	vadd.s32 v12, v7;
	(pc) =	sbr.rel @!p1 .LBB2_12-.Ltmp11, $4  }
0x125: {  	v7 =	vld [tilespmem:s21+$0x19088];
	[tilespmem:s21+$0x19088] =	vst v1;
	v9 =	vadd.s32 v13, v8  }
0x126: {  	v8 =	vld [tilespmem:s21+$0x19189];
	[tilespmem:s21+$0x19189] =	vst v1;
	v10 =	vadd.s32 v14, v9  }
0x127: {  	v9 =	vld [tilespmem:s21+$0x1928A];
	[tilespmem:s21+$0x1928A] =	vst v1;
	v12 =	vadd.s32 v15, v10  }
0x128: {  	s24 =	sadd.s32 $0x40, s24;
	v10 =	vld [tilespmem:s21+$0x1938B];
	[tilespmem:s21+$0x1938B] =	vst v1;
	v12 =	vadd.s32 v16, v12  }
0x129: {  	v13 =	vld [tilespmem:s21+$0x1948C];
	[tilespmem:s21+$0x1948C] =	vst v1  }
0x12a: {  	v14 =	vld [tilespmem:s21+$0x1958D];
	[tilespmem:s21+$0x1958D] =	vst v1  }
0x12b: {  	v15 =	vld [tilespmem:s21+$0x1968E];
	[tilespmem:s21+$0x1968E] =	vst v1  }
0x12c: {  	v16 =	vld [tilespmem:s21+$0x1978F];
	[tilespmem:s21+$0x1978F] =	vst v1  }
0x12d: {  	s23 =	sshra.s32 s23, $0x2;
	[tilespmem:s22+$0x19900] =	vst v11  }
0x12e: {  	v11 =	vld [tilespmem:s23+$0x18880]  }
0x12f: {  	v17 =	vld [tilespmem:s23+$0x18981]  }
0x130: {  	v18 =	vld [tilespmem:s23+$0x18A82]  }
0x131: {  	v19 =	vld [tilespmem:s23+$0x18B83]  }
0x132: {  	[tilespmem:s23+$0x18880] =	vst v1;
	v20 =	vld [tilespmem:s23+$0x18C84]  }
0x133: {  	[tilespmem:s23+$0x18981] =	vst v1;
	v21 =	vld [tilespmem:s23+$0x18D85]  }
0x134: {  	[tilespmem:s23+$0x18A82] =	vst v1;
	v54 =	vld [tilespmem:s23+$0x18E86];
	v11 =	vadd.s32 v11, v17  }
0x135: {  	[tilespmem:s23+$0x18B83] =	vst v1;
	v55 =	vld [tilespmem:s23+$0x18F87];
	v11 =	vadd.s32 v18, v11  }
0x136: {  	[tilespmem:s23+$0x18C84] =	vst v1;
	v56 =	vld [tilespmem:s23+$0x19088];
	v11 =	vadd.s32 v19, v11  }
0x137: {  	[tilespmem:s23+$0x18D85] =	vst v1;
	v57 =	vld [tilespmem:s23+$0x19189];
	v11 =	vadd.s32 v20, v11  }
0x138: {  	[tilespmem:s23+$0x18E86] =	vst v1;
	v58 =	vld [tilespmem:s23+$0x1928A];
	v11 =	vadd.s32 v21, v11  }
0x139: {  	v6 =	vadd.s32 v6, v12;
	[tilespmem:s23+$0x18F87] =	vst v1;
	v59 =	vld [tilespmem:s23+$0x1938B];
	v11 =	vadd.s32 v54, v11  }
0x13a: {  	v6 =	vadd.s32 v7, v6;
	[tilespmem:s23+$0x19088] =	vst v1;
	v60 =	vld [tilespmem:s23+$0x1948C];
	v7 =	vadd.s32 v55, v11  }
0x13b: {  	v6 =	vadd.s32 v8, v6;
	[tilespmem:s23+$0x19189] =	vst v1;
	v61 =	vld [tilespmem:s23+$0x1958D];
	v7 =	vadd.s32 v56, v7  }
0x13c: {  	[tilespmem:s23+$0x1928A] =	vst v1;
	v62 =	vld [tilespmem:s23+$0x1968E];
	v6 =	vadd.s32 v9, v6;
	v7 =	vadd.s32 v57, v7  }
0x13d: {  	[tilespmem:s23+$0x1938B] =	vst v1;
	v63 =	vld [tilespmem:s23+$0x1978F];
	v6 =	vadd.s32 v10, v6;
	v7 =	vadd.s32 v58, v7  }
0x13e: {  	p1 =	sgt.s32 s20, $0x0;
	[tilespmem:s23+$0x1948C] =	vst v1;
	v6 =	vadd.s32 v13, v6;
	v7 =	vadd.s32 v59, v7  }
.Ltmp12:
0x13f: {  	[tilespmem:s23+$0x1958D] =	vst v1;
	v6 =	vadd.s32 v14, v6;
	v7 =	vadd.s32 v60, v7;
	(pc) =	sbr.rel @!p1 .LBB2_15-.Ltmp12, $4  }
0x140: {  	[tilespmem:s23+$0x1968E] =	vst v1;
	v6 =	vadd.s32 v15, v6;
	v7 =	vadd.s32 v61, v7  }
0x141: {  	[tilespmem:s23+$0x1978F] =	vst v1;
	v6 =	vadd.s32 v16, v6;
	v7 =	vadd.s32 v62, v7  }
0x142: {  	s24 =	simm.s32 $0x199F0;
	[tilespmem:s21+$0x19900] =	vst v6;
	v6 =	vadd.s32 v63, v7  }
0x143: {  	s22 =	simm.s32 $0x100;
	s21 =	simm.s32 $0x0;
	[tilespmem:s23+$0x19900] =	vst v6;
	s23 =	simm.s32 $0x0  }
.LBB2_14:
0x144: {  	v6 =	vld [tilespmem:s24+$0x0];
	_ =	sdelay $0x4  }
0x145: {  	(xrf0) =	vadd.scan.msk.s32 $0xffff, v6;
	_ =	sdelay $0x5  }
0x146: {  	v6, _, _ =	vpop (xrf0)  }
0x147: {  	(v2sf) =	vpush v6, $0xF;
	_ =	sdelay $0xe  }
0x148: {  	s25 =	spop (v2sf)  }
0x149: {  	s23 =	sadd.s32 s23, s25  }
0x14a: {  	p1 =	slt.s32 s23, s20  }
.Ltmp13:
0x14b: {  	_ = 	snop;
	(pc) =	sbr.rel @p1 .LBB2_14-.Ltmp13, $2  }
0x14c: {  	_ =	sdelay $0x2  }
0x14d: {  	s22 =	sadd.s32 $0xFFFFFFF0, s22;
	s24 =	sadd.s32 $0xFFFFFFF0, s24  }
.LBB2_15:
0x14e: {  	v6 =	vld [tilespmem:s22+$0x19900];
	_ =	sdelay $0x4  }
0x14f: {  	(xrf0) =	vadd.scan.msk.s32 $0xffff, v6;
	_ =	sdelay $0x5  }
0x150: {  	v7, _, _ =	vpop (xrf0)  }
0x151: {  	(v2sf) =	vpush v7, $0xF;
	_ =	sdelay $0x5  }
0x152: {  	v7 =	vperm.xlane v6, v4;
	_ =	sdelay $0x1  }
0x153: {  	(xrf0) =	vadd.scan.msk.s32 $0xffff, v7;
	_ =	sdelay $0x5  }
0x154: {  	v7, _, _ =	vpop (xrf0)  }
0x155: {  	v7 =	vperm.xlane v7, v4;
	s24 =	spop (v2sf)  }
0x156: {  	s23 =	ssub.s32 s23, s24  }
0x157: {  	v7 =	vadd.s32 s23, v7  }
0x158: {  	vm0 =	vge.s32 v7, s20  }
0x159: {  	v8 =	vmpcnt.ones.xlane vm0;
	_ =	sdelay $0x1  }
0x15a: {  	(v2sf) =	vpush v8, $0x0;
	_ =	sdelay $0xe  }
0x15b: {  	s31 =	spop (v2sf)  }
0x15c: {  	s23 =	sadd.s32 $0xFFFFFFFF, s31  }
0x15d: {  	v6 =	vsub.s32 v7, v6;
	v63 =	vmov s23  }
0x15e: {  	v6 =	vxor.u32 $0x80000000, v6;
	vm15 =	veq.s32 v63, v0  }
0x15f: {  	v6 =	vnsel vm15, $0x80000000, v6  }
0x160: {  	(xrf0) =	vmax.scan.msk.u32 $0xffff, v6;
	_ =	sdelay $0x5  }
0x161: {  	v6, _, _ =	vpop (xrf0)  }
0x162: {  	(v2sf) =	vpush v6, $0xF;
	_ =	sdelay $0x9  }
0x163: {  	p1 =	slt.s32 s18, $0x1  }
.Ltmp14:
0x164: {  	_ = 	snop;
	(pc) =	sbr.rel @p1 .LBB2_19-.Ltmp14, $2  }
0x165: {  	_ =	sdelay $0x2  }
0x166: {  	s18 =	sadd.s32 s22, s23;
	s22 =	spop (v2sf)  }
0x167: {  	s23 =	simm.s32 $0xC420  }
0x168: {  	v10 =	vld [tilespmem:s23+$0xFFFFFFE0]  }
0x169: {  	v7 =	vld [tilespmem:s23+$0xFFFFFFF0];
	_ =	sdelay $0x2  }
0x16a: {  	s21 =	simm.s32 $0x0  }
0x16b: {  	v6 =	vmov s18;
	v8 =	vor.u32 s21, v0;
	v9 =	vshrl.u32 v10, $0x17  }
0x16c: {  	s24 =	simm.s32 $0x10;
	vm0 =	vlt.s32 v8, v5;
	v8 =	vand.u32 $0xFF, v9;
	v9 =	vshrl.u32 v7, $0x17  }
0x16d: {  	v11 =	vor.u32 s24, v0;
	vm1 =	veq.s32 v8, v6;
	v8 =	vand.u32 $0xFF, v9  }
0x16e: {  	vm2 =	vlt.s32 v11, v5;
	vm3 =	vmand vm0, vm1;
	vm0 =	veq.s32 v8, v6  }
0x16f: {  	vm0 =	vmand vm2, vm0;
	v8 =	vmpcnt.ones.xlane vm3  }
0x170: {  	v9 =	vmpcnt.ones.xlane vm0  }
0x171: {  	(v2sf) =	vpush v8, $0x0  }
0x172: {  	(v2sf) =	vpush v9, $0x0;
	v9 =	vld [tilespmem:s23+$0x0];
	_ =	sdelay $0x2  }
0x173: {  	v8 =	vld [tilespmem:s23+$0x10];
	_ =	sdelay $0x1  }
0x174: {  	s29 =	simm.s32 $0x20;
	v11 =	vshrl.u32 v10, $0xF;
	v13 =	vshrl.u32 v9, $0x17  }
0x175: {  	v14 =	vor.u32 s29, v0;
	v11 =	vand.u32 $0xFF, v11;
	v13 =	vand.u32 $0xFF, v13  }
0x176: {  	v11 =	vadd.s32 v2, v11;
	vm1 =	vlt.s32 v14, v5;
	vm2 =	veq.s32 v13, v6  }
0x177: {  	s30 =	simm.s32 $0x30;
	v59 =	vshrl.u32 v8, $0x17;
	vm1 =	vmand vm1, vm2  }
0x178: {  	v60 =	vor.u32 s30, v0;
	v13 =	vand.u32 $0xFF, v59;
	v61 =	vmpcnt.ones.xlane vm1  }
0x179: {  	vm4 =	vlt.s32 v60, v5;
	vm2 =	veq.s32 v13, v6  }
0x17a: {  	vm2 =	vmand vm4, vm2;
	(v2sf) =	vpush v61, $0x0  }
0x17b: {  	[tilespmem:v11+s11+$0x0] =	vst.idx.add.s32.msk vm3, v3;
	v11 =	vmpcnt.ones.xlane vm2;
	_ =	sdelay $0x1  }
0x17c: {  	s31 =	spop (v2sf);
	(v2sf) =	vpush v11, $0x0;
	_ =	sdelay $0x1  }
0x17d: {  	v12 =	vshrl.u32 v7, $0xF  }
0x17e: {  	v12 =	vand.u32 $0xFF, v12  }
0x17f: {  	v12 =	vadd.s32 v2, v12;
	v62 =	vshrl.u32 v9, $0xF  }
.Ltmp15:
0x180: {  	v14 =	vand.u32 $0xFF, v62;
	(pc) =	sbr.rel @p0 .LBB2_18-.Ltmp15, $4  }
0x181: {  	v15 =	vshrl.u32 v8, $0xF;
	v11 =	vadd.s32 v2, v14  }
0x182: {  	v63 =	vand.u32 $0xFF, v15  }
0x183: {  	[tilespmem:s21+$0xC400] =	vst.msk vm3, v10;
	v10 =	vadd.s32 v2, v63  }
0x184: {  	[tilespmem:v12+s11+$0x0] =	vst.idx.add.s32.msk vm0, v3;
	s24 =	sadd.s32 $0x0, s31;
	s25 =	spop (v2sf)  }
.LBB2_17:
0x185: {  	p0 =	seq.s32 s19, $0x1;
	[tilespmem:s24+$0xC400] =	vst.msk vm0, v7;
	s21 =	sadd.s32 $0x40, s21;
	s23 =	sadd.s32 $0x40, s23  }
0x186: {  	s19 =	sadd.s32 $0xFFFFFFFF, s19;
	s24 =	sadd.s32 s25, s24;
	[tilespmem:v11+s11+$0x0] =	vst.idx.add.s32.msk vm1, v3  }
0x187: {  	[tilespmem:s24+$0xC400] =	vst.msk vm1, v9;
	s25 =	spop (v2sf)  }
0x188: {  	s24 =	sadd.s32 s25, s24;
	[tilespmem:v10+s11+$0x0] =	vst.idx.add.s32.msk vm2, v3  }
0x189: {  	[tilespmem:s24+$0xC400] =	vst.msk vm2, v8  }
0x18a: {  	v10 =	vld [tilespmem:s23+$0xFFFFFFE0];
	s25 =	spop (v2sf)  }
0x18b: {  	v7 =	vld [tilespmem:s23+$0xFFFFFFF0];
	s24 =	sadd.s32 s25, s24  }
0x18c: {  	v8 =	vor.u32 s21, v0  }
0x18d: {  	vm0 =	vlt.s32 v8, v5;
	s25 =	sadd.s32 $0x10, s21;
	v9 =	vld [tilespmem:s23+$0x0]  }
0x18e: {  	v11 =	vor.u32 s25, v0;
	v8 =	vld [tilespmem:s23+$0x10]  }
0x18f: {  	v12 =	vshrl.u32 v10, $0x17;
	v13 =	vshrl.u32 v10, $0xF  }
0x190: {  	vm1 =	vlt.s32 v11, v5;
	v11 =	vand.u32 $0xFF, v12;
	v12 =	vshrl.u32 v7, $0x17  }
0x191: {  	vm2 =	veq.s32 v11, v6;
	v11 =	vand.u32 $0xFF, v12;
	v12 =	vshrl.u32 v7, $0xF  }
0x192: {  	s25 =	sadd.s32 $0x20, s21;
	vm3 =	vmand vm0, vm2;
	vm0 =	veq.s32 v11, v6;
	v11 =	vshrl.u32 v9, $0x17  }
0x193: {  	v14 =	vor.u32 s25, v0;
	vm0 =	vmand vm1, vm0;
	v15 =	vmpcnt.ones.xlane vm3  }
0x194: {  	s25 =	sadd.s32 $0x30, s21;
	vm1 =	vlt.s32 v14, v5;
	v11 =	vand.u32 $0xFF, v11;
	v14 =	vmpcnt.ones.xlane vm0  }
0x195: {  	vm2 =	veq.s32 v11, v6;
	v11 =	vshrl.u32 v8, $0x17;
	(v2sf) =	vpush v15, $0x0  }
0x196: {  	vm1 =	vmand vm1, vm2;
	v11 =	vand.u32 $0xFF, v11;
	(v2sf) =	vpush v14, $0x0  }
0x197: {  	v14 =	vor.u32 s25, v0;
	vm2 =	veq.s32 v11, v6;
	v11 =	vmpcnt.ones.xlane vm1  }
0x198: {  	v12 =	vand.u32 $0xFF, v12;
	vm4 =	vlt.s32 v14, v5;
	v14 =	vshrl.u32 v9, $0xF  }
0x199: {  	vm2 =	vmand vm4, vm2;
	v14 =	vand.u32 $0xFF, v14;
	(v2sf) =	vpush v11, $0x0  }
0x19a: {  	v11 =	vshrl.u32 v8, $0xF;
	v15 =	vmpcnt.ones.xlane vm2  }
0x19b: {  	v16 =	vand.u32 $0xFF, v11  }
0x19c: {  	(v2sf) =	vpush v15, $0x0  }
0x19d: {  	v11 =	vand.u32 $0xFF, v13  }
0x19e: {  	v13 =	vadd.s32 v2, v11;
	_ =	sdelay $0x1  }
0x19f: {  	v12 =	vadd.s32 v2, v12  }
.Ltmp16:
0x1a0: {  	(pc) =	sbr.rel @!p0 .LBB2_17-.Ltmp16, $4  }
0x1a1: {  	v11 =	vadd.s32 v2, v14  }
0x1a2: {  	[tilespmem:v13+s11+$0x0] =	vst.idx.add.s32.msk vm3, v3  }
0x1a3: {  	[tilespmem:s24+$0xC400] =	vst.msk vm3, v10;
	v10 =	vadd.s32 v2, v16;
	s25 =	spop (v2sf)  }
0x1a4: {  	s24 =	sadd.s32 s24, s25;
	[tilespmem:v12+s11+$0x0] =	vst.idx.add.s32.msk vm0, v3;
	s25 =	spop (v2sf)  }
.LBB2_18:
0x1a5: {  	_ =	sdelay $0x3  }
0x1a6: {  	[tilespmem:s24+$0xC400] =	vst.msk vm0, v7  }
0x1a7: {  	s19 =	sadd.s32 s25, s24;
	[tilespmem:v11+s11+$0x0] =	vst.idx.add.s32.msk vm1, v3  }
0x1a8: {  	[tilespmem:s19+$0xC400] =	vst.msk vm1, v9;
	s21 =	spop (v2sf)  }
0x1a9: {  	s19 =	sadd.s32 s21, s19;
	[tilespmem:v10+s11+$0x0] =	vst.idx.add.s32.msk vm2, v3;
	s31 =	spop (v2sf)  }
0x1aa: {  	[tilespmem:s19+$0xC400] =	vst.msk vm2, v8;
	s21 =	sadd.s32 s31, s19  }
.LBB2_19:
0x1ab: {  	s19 =	sxor.u32 $0x80000000, s22;
	s22 =	simm.s32 $0x0  }
0x1ac: {  	v5 =	vld [tilespmem:s22+$0x18880];
	[tilespmem:s22+$0x18880] =	vst v1  }
0x1ad: {  	v6 =	vld [tilespmem:s22+$0x18981];
	[tilespmem:s22+$0x18981] =	vst v1  }
0x1ae: {  	v7 =	vld [tilespmem:s22+$0x18A82];
	[tilespmem:s22+$0x18A82] =	vst v1  }
0x1af: {  	v8 =	vld [tilespmem:s22+$0x18B83];
	[tilespmem:s22+$0x18B83] =	vst v1  }
0x1b0: {  	v9 =	vld [tilespmem:s22+$0x18C84];
	[tilespmem:s22+$0x18C84] =	vst v1  }
0x1b1: {  	v10 =	vld [tilespmem:s22+$0x18D85];
	[tilespmem:s22+$0x18D85] =	vst v1  }
0x1b2: {  	v11 =	vld [tilespmem:s22+$0x18E86];
	[tilespmem:s22+$0x18E86] =	vst v1  }
0x1b3: {  	v12 =	vld [tilespmem:s22+$0x18F87];
	[tilespmem:s22+$0x18F87] =	vst v1  }
0x1b4: {  	v13 =	vld [tilespmem:s22+$0x19088];
	[tilespmem:s22+$0x19088] =	vst v1  }
0x1b5: {  	v14 =	vld [tilespmem:s22+$0x19189];
	[tilespmem:s22+$0x19189] =	vst v1  }
0x1b6: {  	v15 =	vld [tilespmem:s22+$0x1928A];
	[tilespmem:s22+$0x1928A] =	vst v1  }
0x1b7: {  	v16 =	vld [tilespmem:s22+$0x1938B];
	[tilespmem:s22+$0x1938B] =	vst v1  }
0x1b8: {  	v17 =	vld [tilespmem:s22+$0x1948C];
	[tilespmem:s22+$0x1948C] =	vst v1  }
0x1b9: {  	v18 =	vld [tilespmem:s22+$0x1958D];
	[tilespmem:s22+$0x1958D] =	vst v1  }
0x1ba: {  	v19 =	vld [tilespmem:s22+$0x1968E];
	[tilespmem:s22+$0x1968E] =	vst v1  }
0x1bb: {  	s20 =	ssub.s32 s20, s19;
	v20 =	vld [tilespmem:s22+$0x1978F];
	[tilespmem:s22+$0x1978F] =	vst v1;
	s19 =	simm.s32 $0x10;
	v5 =	vadd.s32 v5, v6  }
0x1bc: {  	v21 =	vld [tilespmem:s19+$0x18880];
	v5 =	vadd.s32 v7, v5  }
0x1bd: {  	v22 =	vld [tilespmem:s19+$0x18981];
	v5 =	vadd.s32 v8, v5  }
0x1be: {  	[tilespmem:s19+$0x18880] =	vst v1;
	v23 =	vld [tilespmem:s19+$0x18A82];
	v5 =	vadd.s32 v9, v5  }
0x1bf: {  	[tilespmem:s19+$0x18981] =	vst v1;
	v24 =	vld [tilespmem:s19+$0x18B83];
	v5 =	vadd.s32 v10, v5  }
0x1c0: {  	[tilespmem:s19+$0x18A82] =	vst v1;
	v25 =	vld [tilespmem:s19+$0x18C84];
	v6 =	vadd.s32 v11, v5  }
0x1c1: {  	[tilespmem:s19+$0x18B83] =	vst v1;
	v26 =	vld [tilespmem:s19+$0x18D85];
	v6 =	vadd.s32 v12, v6  }
0x1c2: {  	[tilespmem:s19+$0x18C84] =	vst v1;
	v9 =	vadd.s32 v21, v22;
	v7 =	vadd.s32 v13, v6  }
0x1c3: {  	[tilespmem:s19+$0x18D85] =	vst v1;
	v27 =	vld [tilespmem:s19+$0x18E86];
	v9 =	vadd.s32 v23, v9;
	v7 =	vadd.s32 v14, v7  }
0x1c4: {  	[tilespmem:s19+$0x18E86] =	vst v1;
	v5 =	vld [tilespmem:s19+$0x18F87];
	v9 =	vadd.s32 v24, v9;
	v8 =	vadd.s32 v15, v7  }
0x1c5: {  	[tilespmem:s19+$0x18F87] =	vst v1;
	v9 =	vadd.s32 v25, v9;
	v6 =	vld [tilespmem:s19+$0x19088];
	v8 =	vadd.s32 v16, v8  }
0x1c6: {  	[tilespmem:s19+$0x19088] =	vst v1;
	v11 =	vadd.s32 v26, v9;
	v9 =	vld [tilespmem:s19+$0x1938B];
	v10 =	vadd.s32 v17, v8  }
0x1c7: {  	[tilespmem:s19+$0x1938B] =	vst v1;
	v7 =	vld [tilespmem:s19+$0x19189];
	v10 =	vadd.s32 v18, v10  }
0x1c8: {  	[tilespmem:s19+$0x19189] =	vst v1;
	v8 =	vld [tilespmem:s19+$0x1928A];
	v10 =	vadd.s32 v19, v10  }
0x1c9: {  	s23 =	simm.s32 $0x80;
	s24 =	simm.s32 $0xC0;
	v11 =	vadd.s32 v27, v11;
	[tilespmem:s19+$0x1928A] =	vst v1;
	v10 =	vadd.s32 v20, v10  }
.LBB2_20:
0x1ca: {  	p0 =	seq.s32 s24, $0x3C0;
	v12 =	vld [tilespmem:s19+$0x1948C];
	[tilespmem:s19+$0x1948C] =	vst v1;
	v5 =	vadd.s32 v5, v11  }
0x1cb: {  	v11 =	vld [tilespmem:s19+$0x1958D];
	[tilespmem:s19+$0x1958D] =	vst v1;
	v5 =	vadd.s32 v6, v5  }
0x1cc: {  	v6 =	vld [tilespmem:s19+$0x1968E];
	[tilespmem:s19+$0x1968E] =	vst v1;
	v5 =	vadd.s32 v7, v5  }
0x1cd: {  	v7 =	vld [tilespmem:s19+$0x1978F];
	[tilespmem:s19+$0x1978F] =	vst v1;
	v5 =	vadd.s32 v8, v5  }
0x1ce: {  	v5 =	vadd.s32 v9, v5;
	[tilespmem:s22+$0x19900] =	vst v10;
	s22 =	smov.u32 s19;
	s19 =	sshra.s32 s23, $0x2;
	s23 =	smov.u32 s24  }
0x1cf: {  	v8 =	vld [tilespmem:s19+$0x18880];
	[tilespmem:s19+$0x18880] =	vst v1;
	v5 =	vadd.s32 v12, v5  }
0x1d0: {  	v9 =	vld [tilespmem:s19+$0x18981];
	[tilespmem:s19+$0x18981] =	vst v1;
	v5 =	vadd.s32 v11, v5  }
0x1d1: {  	v11 =	vld [tilespmem:s19+$0x18A82];
	[tilespmem:s19+$0x18A82] =	vst v1;
	v5 =	vadd.s32 v6, v5  }
0x1d2: {  	v12 =	vld [tilespmem:s19+$0x18B83];
	[tilespmem:s19+$0x18B83] =	vst v1;
	v10 =	vadd.s32 v7, v5  }
0x1d3: {  	v13 =	vld [tilespmem:s19+$0x18C84];
	[tilespmem:s19+$0x18C84] =	vst v1  }
0x1d4: {  	v14 =	vld [tilespmem:s19+$0x18D85];
	[tilespmem:s19+$0x18D85] =	vst v1  }
0x1d5: {  	v15 =	vld [tilespmem:s19+$0x18E86];
	[tilespmem:s19+$0x18E86] =	vst v1;
	v6 =	vadd.s32 v8, v9  }
.Ltmp17:
0x1d6: {  	v5 =	vld [tilespmem:s19+$0x18F87];
	[tilespmem:s19+$0x18F87] =	vst v1;
	v7 =	vadd.s32 v11, v6;
	(pc) =	sbr.rel @!p0 .LBB2_20-.Ltmp17, $4  }
0x1d7: {  	v6 =	vld [tilespmem:s19+$0x19088];
	[tilespmem:s19+$0x19088] =	vst v1;
	v8 =	vadd.s32 v12, v7  }
0x1d8: {  	v7 =	vld [tilespmem:s19+$0x19189];
	[tilespmem:s19+$0x19189] =	vst v1;
	v9 =	vadd.s32 v13, v8  }
0x1d9: {  	v8 =	vld [tilespmem:s19+$0x1928A];
	[tilespmem:s19+$0x1928A] =	vst v1;
	v11 =	vadd.s32 v14, v9  }
0x1da: {  	s24 =	sadd.s32 $0x40, s24;
	v9 =	vld [tilespmem:s19+$0x1938B];
	[tilespmem:s19+$0x1938B] =	vst v1;
	v11 =	vadd.s32 v15, v11  }
0x1db: {  	v12 =	vld [tilespmem:s19+$0x1948C];
	[tilespmem:s19+$0x1948C] =	vst v1  }
0x1dc: {  	v13 =	vld [tilespmem:s19+$0x1958D];
	[tilespmem:s19+$0x1958D] =	vst v1  }
0x1dd: {  	v14 =	vld [tilespmem:s19+$0x1968E];
	[tilespmem:s19+$0x1968E] =	vst v1  }
0x1de: {  	v15 =	vld [tilespmem:s19+$0x1978F];
	[tilespmem:s19+$0x1978F] =	vst v1  }
0x1df: {  	s23 =	sshra.s32 s23, $0x2;
	[tilespmem:s22+$0x19900] =	vst v10  }
0x1e0: {  	v10 =	vld [tilespmem:s23+$0x18880]  }
0x1e1: {  	v16 =	vld [tilespmem:s23+$0x18981]  }
0x1e2: {  	v17 =	vld [tilespmem:s23+$0x18A82]  }
0x1e3: {  	v18 =	vld [tilespmem:s23+$0x18B83]  }
0x1e4: {  	[tilespmem:s23+$0x18880] =	vst v1;
	v19 =	vld [tilespmem:s23+$0x18C84]  }
0x1e5: {  	[tilespmem:s23+$0x18981] =	vst v1;
	v20 =	vld [tilespmem:s23+$0x18D85]  }
0x1e6: {  	[tilespmem:s23+$0x18A82] =	vst v1;
	v55 =	vld [tilespmem:s23+$0x18E86];
	v10 =	vadd.s32 v10, v16  }
0x1e7: {  	[tilespmem:s23+$0x18B83] =	vst v1;
	v56 =	vld [tilespmem:s23+$0x18F87];
	v10 =	vadd.s32 v17, v10  }
0x1e8: {  	[tilespmem:s23+$0x18C84] =	vst v1;
	v57 =	vld [tilespmem:s23+$0x19088];
	v10 =	vadd.s32 v18, v10  }
0x1e9: {  	[tilespmem:s23+$0x18D85] =	vst v1;
	v58 =	vld [tilespmem:s23+$0x19189];
	v10 =	vadd.s32 v19, v10  }
0x1ea: {  	[tilespmem:s23+$0x18E86] =	vst v1;
	v59 =	vld [tilespmem:s23+$0x1928A];
	v10 =	vadd.s32 v20, v10  }
0x1eb: {  	v5 =	vadd.s32 v5, v11;
	[tilespmem:s23+$0x18F87] =	vst v1;
	v60 =	vld [tilespmem:s23+$0x1938B];
	v10 =	vadd.s32 v55, v10  }
0x1ec: {  	v5 =	vadd.s32 v6, v5;
	[tilespmem:s23+$0x19088] =	vst v1;
	v61 =	vld [tilespmem:s23+$0x1948C];
	v6 =	vadd.s32 v56, v10  }
0x1ed: {  	v5 =	vadd.s32 v7, v5;
	[tilespmem:s23+$0x19189] =	vst v1;
	v7 =	vld [tilespmem:s23+$0x1958D];
	v6 =	vadd.s32 v57, v6  }
0x1ee: {  	[tilespmem:s23+$0x1928A] =	vst v1;
	v62 =	vld [tilespmem:s23+$0x1968E];
	v5 =	vadd.s32 v8, v5;
	v6 =	vadd.s32 v58, v6  }
0x1ef: {  	[tilespmem:s23+$0x1938B] =	vst v1;
	v63 =	vld [tilespmem:s23+$0x1978F];
	v5 =	vadd.s32 v9, v5;
	v6 =	vadd.s32 v59, v6  }
0x1f0: {  	p0 =	sgt.s32 s20, $0x0;
	[tilespmem:s23+$0x1948C] =	vst v1;
	v5 =	vadd.s32 v12, v5;
	v6 =	vadd.s32 v60, v6  }
.Ltmp18:
0x1f1: {  	[tilespmem:s23+$0x1958D] =	vst v1;
	v5 =	vadd.s32 v13, v5;
	v6 =	vadd.s32 v61, v6;
	(pc) =	sbr.rel @!p0 .LBB2_23-.Ltmp18, $4  }
0x1f2: {  	[tilespmem:s23+$0x1968E] =	vst v1;
	v5 =	vadd.s32 v14, v5;
	v6 =	vadd.s32 v7, v6  }
0x1f3: {  	[tilespmem:s23+$0x1978F] =	vst v1;
	v5 =	vadd.s32 v15, v5;
	v6 =	vadd.s32 v62, v6  }
0x1f4: {  	s24 =	simm.s32 $0x199F0;
	[tilespmem:s19+$0x19900] =	vst v5;
	v5 =	vadd.s32 v63, v6  }
0x1f5: {  	s22 =	simm.s32 $0x0;
	s19 =	simm.s32 $0x100;
	[tilespmem:s23+$0x19900] =	vst v5;
	s23 =	simm.s32 $0x0  }
.LBB2_22:
0x1f6: {  	v5 =	vld [tilespmem:s24+$0x0];
	_ =	sdelay $0x4  }
0x1f7: {  	(xrf0) =	vadd.scan.msk.s32 $0xffff, v5;
	_ =	sdelay $0x5  }
0x1f8: {  	v5, _, _ =	vpop (xrf0)  }
0x1f9: {  	(v2sf) =	vpush v5, $0xF;
	_ =	sdelay $0xe  }
0x1fa: {  	s25 =	spop (v2sf)  }
0x1fb: {  	s23 =	sadd.s32 s23, s25  }
0x1fc: {  	p0 =	slt.s32 s23, s20  }
.Ltmp19:
0x1fd: {  	_ = 	snop;
	(pc) =	sbr.rel @p0 .LBB2_22-.Ltmp19, $2  }
0x1fe: {  	_ =	sdelay $0x2  }
0x1ff: {  	s19 =	sadd.s32 $0xFFFFFFF0, s19;
	s24 =	sadd.s32 $0xFFFFFFF0, s24  }
.LBB2_23:
0x200: {  	v5 =	vld [tilespmem:s19+$0x19900];
	_ =	sdelay $0x4  }
0x201: {  	(xrf0) =	vadd.scan.msk.s32 $0xffff, v5;
	_ =	sdelay $0x5  }
0x202: {  	v6, _, _ =	vpop (xrf0)  }
0x203: {  	(v2sf) =	vpush v6, $0xF;
	_ =	sdelay $0x5  }
0x204: {  	v6 =	vperm.xlane v5, v4;
	_ =	sdelay $0x1  }
0x205: {  	(xrf0) =	vadd.scan.msk.s32 $0xffff, v6;
	_ =	sdelay $0x5  }
0x206: {  	v6, _, _ =	vpop (xrf0)  }
0x207: {  	v6 =	vperm.xlane v6, v4;
	s24 =	spop (v2sf)  }
0x208: {  	s23 =	ssub.s32 s23, s24  }
0x209: {  	v6 =	vadd.s32 s23, v6  }
0x20a: {  	vm0 =	vge.s32 v6, s20  }
0x20b: {  	v7 =	vmpcnt.ones.xlane vm0;
	_ =	sdelay $0x1  }
0x20c: {  	(v2sf) =	vpush v7, $0x0;
	_ =	sdelay $0xe  }
0x20d: {  	s29 =	spop (v2sf)  }
0x20e: {  	s23 =	sadd.s32 $0xFFFFFFFF, s29  }
0x20f: {  	v5 =	vsub.s32 v6, v5;
	v7 =	vmov s23  }
0x210: {  	v5 =	vxor.u32 $0x80000000, v5;
	vm15 =	veq.s32 v7, v0  }
0x211: {  	v5 =	vnsel vm15, $0x80000000, v5  }
0x212: {  	(xrf0) =	vmax.scan.msk.u32 $0xffff, v5;
	_ =	sdelay $0x5  }
0x213: {  	v5, _, _ =	vpop (xrf0)  }
0x214: {  	(v2sf) =	vpush v5, $0xF;
	_ =	sdelay $0x2  }
0x215: {  	s30 =	sadd.s32 $0x3F, s21  }
0x216: {  	s25 =	sand.u32 $0x3F, s30  }
0x217: {  	s31 =	sshra.s32 s30, $0x1F;
	p1 =	slt.s32 s30, $0x1;
	p0 =	sne.s32 s25, $0x0  }
0x218: {  	s25 =	sshrl.u32 s31, $0x1A;
	p0 =	por !p1, !p0  }
0x219: {  	p0 =	por !p0, !p0;
	s24 =	sadd.s32 s25, s30;
	s25 =	simm.s32 $0x1  }
0x21a: {  	s24 =	sshra.s32 s24, $0x6;
	s25 =	simm.s32 @!p0 $0x0  }
0x21b: {  	s24 =	ssub.s32 s24, s25  }
0x21c: {  	p0 =	slt.s32 s24, $0x1  }
.Ltmp20:
0x21d: {  	_ = 	snop;
	(pc) =	sbr.rel @p0 .LBB2_27-.Ltmp20, $2  }
0x21e: {  	_ =	sdelay $0x2  }
0x21f: {  	s19 =	sadd.s32 s19, s23;
	s23 =	spop (v2sf)  }
0x220: {  	s22 =	simm.s32 $0xC420  }
0x221: {  	v10 =	vld [tilespmem:s22+$0xFFFFFFE0]  }
0x222: {  	v7 =	vld [tilespmem:s22+$0xFFFFFFF0];
	_ =	sdelay $0x2  }
0x223: {  	v5 =	vmov s21;
	s21 =	simm.s32 $0x0  }
0x224: {  	v6 =	vmov s19;
	v8 =	vor.u32 s21, v0;
	v9 =	vshrl.u32 v10, $0xF  }
0x225: {  	s25 =	simm.s32 $0x10;
	vm0 =	vlt.s32 v8, v5;
	v8 =	vand.u32 $0xFF, v9;
	v9 =	vshrl.u32 v7, $0xF  }
0x226: {  	v11 =	vor.u32 s25, v0;
	vm1 =	veq.s32 v8, v6;
	v8 =	vand.u32 $0xFF, v9  }
0x227: {  	vm2 =	vlt.s32 v11, v5;
	vm3 =	vmand vm0, vm1;
	vm0 =	veq.s32 v8, v6  }
0x228: {  	vm0 =	vmand vm2, vm0;
	v8 =	vmpcnt.ones.xlane vm3  }
0x229: {  	v9 =	vmpcnt.ones.xlane vm0  }
0x22a: {  	(v2sf) =	vpush v8, $0x0  }
0x22b: {  	(v2sf) =	vpush v9, $0x0;
	v9 =	vld [tilespmem:s22+$0x0];
	_ =	sdelay $0x2  }
0x22c: {  	v8 =	vld [tilespmem:s22+$0x10];
	_ =	sdelay $0x1  }
0x22d: {  	s29 =	simm.s32 $0x20;
	v11 =	vshrl.u32 v10, $0x7;
	v13 =	vshrl.u32 v9, $0xF  }
0x22e: {  	v14 =	vor.u32 s29, v0;
	v11 =	vand.u32 $0xFF, v11;
	v13 =	vand.u32 $0xFF, v13  }
0x22f: {  	v11 =	vadd.s32 v2, v11;
	vm1 =	vlt.s32 v14, v5;
	vm2 =	veq.s32 v13, v6  }
0x230: {  	s30 =	simm.s32 $0x30;
	v59 =	vshrl.u32 v8, $0xF;
	vm1 =	vmand vm1, vm2  }
0x231: {  	v60 =	vor.u32 s30, v0;
	v13 =	vand.u32 $0xFF, v59;
	v61 =	vmpcnt.ones.xlane vm1  }
0x232: {  	vm4 =	vlt.s32 v60, v5;
	vm2 =	veq.s32 v13, v6  }
0x233: {  	vm2 =	vmand vm4, vm2;
	(v2sf) =	vpush v61, $0x0  }
0x234: {  	[tilespmem:v11+s11+$0x0] =	vst.idx.add.s32.msk vm3, v3;
	v11 =	vmpcnt.ones.xlane vm2;
	_ =	sdelay $0x1  }
0x235: {  	s31 =	spop (v2sf);
	(v2sf) =	vpush v11, $0x0;
	_ =	sdelay $0x1  }
0x236: {  	v12 =	vshrl.u32 v7, $0x7  }
0x237: {  	v12 =	vand.u32 $0xFF, v12  }
0x238: {  	p0 =	seq.s32 s24, $0x1;
	v12 =	vadd.s32 v2, v12;
	v62 =	vshrl.u32 v9, $0x7  }
.Ltmp21:
0x239: {  	v14 =	vand.u32 $0xFF, v62;
	(pc) =	sbr.rel @p0 .LBB2_26-.Ltmp21, $4  }
0x23a: {  	v15 =	vshrl.u32 v8, $0x7;
	v11 =	vadd.s32 v2, v14  }
0x23b: {  	v63 =	vand.u32 $0xFF, v15  }
0x23c: {  	[tilespmem:s21+$0xC400] =	vst.msk vm3, v10;
	v10 =	vadd.s32 v2, v63  }
0x23d: {  	s24 =	sadd.s32 $0xFFFFFFFF, s24;
	[tilespmem:v12+s11+$0x0] =	vst.idx.add.s32.msk vm0, v3;
	s25 =	sadd.s32 $0x0, s31;
	s26 =	spop (v2sf)  }
.LBB2_25:
0x23e: {  	p0 =	seq.s32 s24, $0x1;
	[tilespmem:s25+$0xC400] =	vst.msk vm0, v7;
	s21 =	sadd.s32 $0x40, s21;
	s22 =	sadd.s32 $0x40, s22  }
0x23f: {  	s24 =	sadd.s32 $0xFFFFFFFF, s24;
	s25 =	sadd.s32 s26, s25;
	[tilespmem:v11+s11+$0x0] =	vst.idx.add.s32.msk vm1, v3  }
0x240: {  	[tilespmem:s25+$0xC400] =	vst.msk vm1, v9;
	s26 =	spop (v2sf)  }
0x241: {  	s25 =	sadd.s32 s26, s25;
	[tilespmem:v10+s11+$0x0] =	vst.idx.add.s32.msk vm2, v3  }
0x242: {  	[tilespmem:s25+$0xC400] =	vst.msk vm2, v8  }
0x243: {  	v10 =	vld [tilespmem:s22+$0xFFFFFFE0];
	s26 =	spop (v2sf)  }
0x244: {  	v7 =	vld [tilespmem:s22+$0xFFFFFFF0];
	s25 =	sadd.s32 s26, s25  }
0x245: {  	v8 =	vor.u32 s21, v0  }
0x246: {  	vm0 =	vlt.s32 v8, v5;
	s26 =	sadd.s32 $0x10, s21;
	v9 =	vld [tilespmem:s22+$0x0]  }
0x247: {  	v11 =	vor.u32 s26, v0;
	v8 =	vld [tilespmem:s22+$0x10]  }
0x248: {  	v12 =	vshrl.u32 v10, $0xF;
	v13 =	vshrl.u32 v10, $0x7  }
0x249: {  	vm1 =	vlt.s32 v11, v5;
	v11 =	vand.u32 $0xFF, v12;
	v12 =	vshrl.u32 v7, $0xF  }
0x24a: {  	vm2 =	veq.s32 v11, v6;
	v11 =	vand.u32 $0xFF, v12;
	v12 =	vshrl.u32 v7, $0x7  }
0x24b: {  	s26 =	sadd.s32 $0x20, s21;
	vm3 =	vmand vm0, vm2;
	vm0 =	veq.s32 v11, v6;
	v11 =	vshrl.u32 v9, $0xF  }
0x24c: {  	v14 =	vor.u32 s26, v0;
	vm0 =	vmand vm1, vm0;
	v15 =	vmpcnt.ones.xlane vm3  }
0x24d: {  	s26 =	sadd.s32 $0x30, s21;
	vm1 =	vlt.s32 v14, v5;
	v11 =	vand.u32 $0xFF, v11;
	v14 =	vmpcnt.ones.xlane vm0  }
0x24e: {  	vm2 =	veq.s32 v11, v6;
	v11 =	vshrl.u32 v8, $0xF;
	(v2sf) =	vpush v15, $0x0  }
0x24f: {  	vm1 =	vmand vm1, vm2;
	v11 =	vand.u32 $0xFF, v11;
	(v2sf) =	vpush v14, $0x0  }
0x250: {  	v14 =	vor.u32 s26, v0;
	vm2 =	veq.s32 v11, v6;
	v11 =	vmpcnt.ones.xlane vm1  }
0x251: {  	v12 =	vand.u32 $0xFF, v12;
	vm4 =	vlt.s32 v14, v5;
	v14 =	vshrl.u32 v9, $0x7  }
0x252: {  	vm2 =	vmand vm4, vm2;
	v14 =	vand.u32 $0xFF, v14;
	(v2sf) =	vpush v11, $0x0  }
0x253: {  	v11 =	vshrl.u32 v8, $0x7;
	v15 =	vmpcnt.ones.xlane vm2  }
0x254: {  	v16 =	vand.u32 $0xFF, v11  }
0x255: {  	(v2sf) =	vpush v15, $0x0  }
0x256: {  	v11 =	vand.u32 $0xFF, v13  }
0x257: {  	v13 =	vadd.s32 v2, v11;
	_ =	sdelay $0x1  }
0x258: {  	v12 =	vadd.s32 v2, v12  }
.Ltmp22:
0x259: {  	(pc) =	sbr.rel @!p0 .LBB2_25-.Ltmp22, $4  }
0x25a: {  	v11 =	vadd.s32 v2, v14  }
0x25b: {  	[tilespmem:v13+s11+$0x0] =	vst.idx.add.s32.msk vm3, v3  }
0x25c: {  	[tilespmem:s25+$0xC400] =	vst.msk vm3, v10;
	v10 =	vadd.s32 v2, v16;
	s26 =	spop (v2sf)  }
0x25d: {  	s25 =	sadd.s32 s25, s26;
	[tilespmem:v12+s11+$0x0] =	vst.idx.add.s32.msk vm0, v3;
	s26 =	spop (v2sf)  }
.LBB2_26:
0x25e: {  	_ =	sdelay $0x3  }
0x25f: {  	[tilespmem:s25+$0xC400] =	vst.msk vm0, v7  }
0x260: {  	s21 =	sadd.s32 s26, s25;
	[tilespmem:v11+s11+$0x0] =	vst.idx.add.s32.msk vm1, v3  }
0x261: {  	[tilespmem:s21+$0xC400] =	vst.msk vm1, v9;
	s22 =	spop (v2sf)  }
0x262: {  	s21 =	sadd.s32 s22, s21;
	[tilespmem:v10+s11+$0x0] =	vst.idx.add.s32.msk vm2, v3;
	s31 =	spop (v2sf)  }
0x263: {  	[tilespmem:s21+$0xC400] =	vst.msk vm2, v8;
	s22 =	sadd.s32 s31, s21  }
.LBB2_27:
0x264: {  	s21 =	sxor.u32 $0x80000000, s23;
	s23 =	simm.s32 $0x0  }
0x265: {  	v5 =	vld [tilespmem:s23+$0x18880];
	[tilespmem:s23+$0x18880] =	vst v1  }
0x266: {  	v6 =	vld [tilespmem:s23+$0x18981];
	[tilespmem:s23+$0x18981] =	vst v1  }
0x267: {  	v7 =	vld [tilespmem:s23+$0x18A82];
	[tilespmem:s23+$0x18A82] =	vst v1  }
0x268: {  	v8 =	vld [tilespmem:s23+$0x18B83];
	[tilespmem:s23+$0x18B83] =	vst v1  }
0x269: {  	v9 =	vld [tilespmem:s23+$0x18C84];
	[tilespmem:s23+$0x18C84] =	vst v1  }
0x26a: {  	v10 =	vld [tilespmem:s23+$0x18D85];
	[tilespmem:s23+$0x18D85] =	vst v1  }
0x26b: {  	v11 =	vld [tilespmem:s23+$0x18E86];
	[tilespmem:s23+$0x18E86] =	vst v1  }
0x26c: {  	v12 =	vld [tilespmem:s23+$0x18F87];
	[tilespmem:s23+$0x18F87] =	vst v1  }
0x26d: {  	v13 =	vld [tilespmem:s23+$0x19088];
	[tilespmem:s23+$0x19088] =	vst v1  }
0x26e: {  	v14 =	vld [tilespmem:s23+$0x19189];
	[tilespmem:s23+$0x19189] =	vst v1  }
0x26f: {  	v15 =	vld [tilespmem:s23+$0x1928A];
	[tilespmem:s23+$0x1928A] =	vst v1  }
0x270: {  	v16 =	vld [tilespmem:s23+$0x1938B];
	[tilespmem:s23+$0x1938B] =	vst v1  }
0x271: {  	v17 =	vld [tilespmem:s23+$0x1948C];
	[tilespmem:s23+$0x1948C] =	vst v1  }
0x272: {  	v18 =	vld [tilespmem:s23+$0x1958D];
	[tilespmem:s23+$0x1958D] =	vst v1  }
0x273: {  	v19 =	vld [tilespmem:s23+$0x1968E];
	[tilespmem:s23+$0x1968E] =	vst v1  }
0x274: {  	s20 =	ssub.s32 s20, s21;
	v20 =	vld [tilespmem:s23+$0x1978F];
	[tilespmem:s23+$0x1978F] =	vst v1;
	s21 =	simm.s32 $0x10;
	v5 =	vadd.s32 v5, v6  }
0x275: {  	v21 =	vld [tilespmem:s21+$0x18880];
	v5 =	vadd.s32 v7, v5  }
0x276: {  	v22 =	vld [tilespmem:s21+$0x18981];
	v5 =	vadd.s32 v8, v5  }
0x277: {  	[tilespmem:s21+$0x18880] =	vst v1;
	v23 =	vld [tilespmem:s21+$0x18A82];
	v5 =	vadd.s32 v9, v5  }
0x278: {  	[tilespmem:s21+$0x18981] =	vst v1;
	v24 =	vld [tilespmem:s21+$0x18B83];
	v5 =	vadd.s32 v10, v5  }
0x279: {  	[tilespmem:s21+$0x18A82] =	vst v1;
	v25 =	vld [tilespmem:s21+$0x18C84];
	v6 =	vadd.s32 v11, v5  }
0x27a: {  	[tilespmem:s21+$0x18B83] =	vst v1;
	v26 =	vld [tilespmem:s21+$0x18D85];
	v6 =	vadd.s32 v12, v6  }
0x27b: {  	[tilespmem:s21+$0x18C84] =	vst v1;
	v9 =	vadd.s32 v21, v22;
	v7 =	vadd.s32 v13, v6  }
0x27c: {  	[tilespmem:s21+$0x18D85] =	vst v1;
	v27 =	vld [tilespmem:s21+$0x18E86];
	v9 =	vadd.s32 v23, v9;
	v7 =	vadd.s32 v14, v7  }
0x27d: {  	[tilespmem:s21+$0x18E86] =	vst v1;
	v5 =	vld [tilespmem:s21+$0x18F87];
	v9 =	vadd.s32 v24, v9;
	v8 =	vadd.s32 v15, v7  }
0x27e: {  	[tilespmem:s21+$0x18F87] =	vst v1;
	v9 =	vadd.s32 v25, v9;
	v6 =	vld [tilespmem:s21+$0x19088];
	v8 =	vadd.s32 v16, v8  }
0x27f: {  	[tilespmem:s21+$0x19088] =	vst v1;
	v11 =	vadd.s32 v26, v9;
	v9 =	vld [tilespmem:s21+$0x1938B];
	v10 =	vadd.s32 v17, v8  }
0x280: {  	[tilespmem:s21+$0x1938B] =	vst v1;
	v7 =	vld [tilespmem:s21+$0x19189];
	v10 =	vadd.s32 v18, v10  }
0x281: {  	[tilespmem:s21+$0x19189] =	vst v1;
	v8 =	vld [tilespmem:s21+$0x1928A];
	v10 =	vadd.s32 v19, v10  }
0x282: {  	s24 =	simm.s32 $0x80;
	s25 =	simm.s32 $0xC0;
	v11 =	vadd.s32 v27, v11;
	[tilespmem:s21+$0x1928A] =	vst v1;
	v10 =	vadd.s32 v20, v10  }
.LBB2_28:
0x283: {  	p0 =	seq.s32 s25, $0x3C0;
	v12 =	vld [tilespmem:s21+$0x1948C];
	[tilespmem:s21+$0x1948C] =	vst v1;
	v5 =	vadd.s32 v5, v11  }
0x284: {  	v11 =	vld [tilespmem:s21+$0x1958D];
	[tilespmem:s21+$0x1958D] =	vst v1;
	v5 =	vadd.s32 v6, v5  }
0x285: {  	v6 =	vld [tilespmem:s21+$0x1968E];
	[tilespmem:s21+$0x1968E] =	vst v1;
	v5 =	vadd.s32 v7, v5  }
0x286: {  	v7 =	vld [tilespmem:s21+$0x1978F];
	[tilespmem:s21+$0x1978F] =	vst v1;
	v5 =	vadd.s32 v8, v5  }
0x287: {  	v5 =	vadd.s32 v9, v5;
	[tilespmem:s23+$0x19900] =	vst v10;
	s23 =	smov.u32 s21;
	s21 =	sshra.s32 s24, $0x2;
	s24 =	smov.u32 s25  }
0x288: {  	v8 =	vld [tilespmem:s21+$0x18880];
	[tilespmem:s21+$0x18880] =	vst v1;
	v5 =	vadd.s32 v12, v5  }
0x289: {  	v9 =	vld [tilespmem:s21+$0x18981];
	[tilespmem:s21+$0x18981] =	vst v1;
	v5 =	vadd.s32 v11, v5  }
0x28a: {  	v11 =	vld [tilespmem:s21+$0x18A82];
	[tilespmem:s21+$0x18A82] =	vst v1;
	v5 =	vadd.s32 v6, v5  }
0x28b: {  	v12 =	vld [tilespmem:s21+$0x18B83];
	[tilespmem:s21+$0x18B83] =	vst v1;
	v10 =	vadd.s32 v7, v5  }
0x28c: {  	v13 =	vld [tilespmem:s21+$0x18C84];
	[tilespmem:s21+$0x18C84] =	vst v1  }
0x28d: {  	v14 =	vld [tilespmem:s21+$0x18D85];
	[tilespmem:s21+$0x18D85] =	vst v1  }
0x28e: {  	v15 =	vld [tilespmem:s21+$0x18E86];
	[tilespmem:s21+$0x18E86] =	vst v1;
	v6 =	vadd.s32 v8, v9  }
.Ltmp23:
0x28f: {  	v5 =	vld [tilespmem:s21+$0x18F87];
	[tilespmem:s21+$0x18F87] =	vst v1;
	v7 =	vadd.s32 v11, v6;
	(pc) =	sbr.rel @!p0 .LBB2_28-.Ltmp23, $4  }
0x290: {  	v6 =	vld [tilespmem:s21+$0x19088];
	[tilespmem:s21+$0x19088] =	vst v1;
	v8 =	vadd.s32 v12, v7  }
0x291: {  	v7 =	vld [tilespmem:s21+$0x19189];
	[tilespmem:s21+$0x19189] =	vst v1;
	v9 =	vadd.s32 v13, v8  }
0x292: {  	v8 =	vld [tilespmem:s21+$0x1928A];
	[tilespmem:s21+$0x1928A] =	vst v1;
	v11 =	vadd.s32 v14, v9  }
0x293: {  	s25 =	sadd.s32 $0x40, s25;
	v9 =	vld [tilespmem:s21+$0x1938B];
	[tilespmem:s21+$0x1938B] =	vst v1;
	v11 =	vadd.s32 v15, v11  }
0x294: {  	v12 =	vld [tilespmem:s21+$0x1948C];
	[tilespmem:s21+$0x1948C] =	vst v1  }
0x295: {  	v13 =	vld [tilespmem:s21+$0x1958D];
	[tilespmem:s21+$0x1958D] =	vst v1  }
0x296: {  	v14 =	vld [tilespmem:s21+$0x1968E];
	[tilespmem:s21+$0x1968E] =	vst v1  }
0x297: {  	v15 =	vld [tilespmem:s21+$0x1978F];
	[tilespmem:s21+$0x1978F] =	vst v1  }
0x298: {  	s24 =	sshra.s32 s24, $0x2;
	[tilespmem:s23+$0x19900] =	vst v10  }
0x299: {  	v10 =	vld [tilespmem:s24+$0x18880]  }
0x29a: {  	v16 =	vld [tilespmem:s24+$0x18981]  }
0x29b: {  	v17 =	vld [tilespmem:s24+$0x18A82]  }
0x29c: {  	v18 =	vld [tilespmem:s24+$0x18B83]  }
0x29d: {  	[tilespmem:s24+$0x18880] =	vst v1;
	v19 =	vld [tilespmem:s24+$0x18C84]  }
0x29e: {  	[tilespmem:s24+$0x18981] =	vst v1;
	v20 =	vld [tilespmem:s24+$0x18D85]  }
0x29f: {  	[tilespmem:s24+$0x18A82] =	vst v1;
	v55 =	vld [tilespmem:s24+$0x18E86];
	v10 =	vadd.s32 v10, v16  }
0x2a0: {  	[tilespmem:s24+$0x18B83] =	vst v1;
	v56 =	vld [tilespmem:s24+$0x18F87];
	v10 =	vadd.s32 v17, v10  }
0x2a1: {  	[tilespmem:s24+$0x18C84] =	vst v1;
	v57 =	vld [tilespmem:s24+$0x19088];
	v10 =	vadd.s32 v18, v10  }
0x2a2: {  	[tilespmem:s24+$0x18D85] =	vst v1;
	v58 =	vld [tilespmem:s24+$0x19189];
	v10 =	vadd.s32 v19, v10  }
0x2a3: {  	[tilespmem:s24+$0x18E86] =	vst v1;
	v59 =	vld [tilespmem:s24+$0x1928A];
	v10 =	vadd.s32 v20, v10  }
0x2a4: {  	v5 =	vadd.s32 v5, v11;
	[tilespmem:s24+$0x18F87] =	vst v1;
	v60 =	vld [tilespmem:s24+$0x1938B];
	v10 =	vadd.s32 v55, v10  }
0x2a5: {  	v5 =	vadd.s32 v6, v5;
	[tilespmem:s24+$0x19088] =	vst v1;
	v61 =	vld [tilespmem:s24+$0x1948C];
	v6 =	vadd.s32 v56, v10  }
0x2a6: {  	v5 =	vadd.s32 v7, v5;
	[tilespmem:s24+$0x19189] =	vst v1;
	v7 =	vld [tilespmem:s24+$0x1958D];
	v6 =	vadd.s32 v57, v6  }
0x2a7: {  	[tilespmem:s24+$0x1928A] =	vst v1;
	v62 =	vld [tilespmem:s24+$0x1968E];
	v5 =	vadd.s32 v8, v5;
	v6 =	vadd.s32 v58, v6  }
0x2a8: {  	[tilespmem:s24+$0x1938B] =	vst v1;
	v63 =	vld [tilespmem:s24+$0x1978F];
	v5 =	vadd.s32 v9, v5;
	v6 =	vadd.s32 v59, v6  }
0x2a9: {  	p0 =	sgt.s32 s20, $0x0;
	[tilespmem:s24+$0x1948C] =	vst v1;
	v5 =	vadd.s32 v12, v5;
	v6 =	vadd.s32 v60, v6  }
.Ltmp24:
0x2aa: {  	[tilespmem:s24+$0x1958D] =	vst v1;
	v5 =	vadd.s32 v13, v5;
	v6 =	vadd.s32 v61, v6;
	(pc) =	sbr.rel @!p0 .LBB2_31-.Ltmp24, $4  }
0x2ab: {  	[tilespmem:s24+$0x1968E] =	vst v1;
	v5 =	vadd.s32 v14, v5;
	v6 =	vadd.s32 v7, v6  }
0x2ac: {  	[tilespmem:s24+$0x1978F] =	vst v1;
	v5 =	vadd.s32 v15, v5;
	v6 =	vadd.s32 v62, v6  }
0x2ad: {  	[tilespmem:s21+$0x19900] =	vst v5;
	v5 =	vadd.s32 v63, v6  }
0x2ae: {  	s23 =	simm.s32 $0x0;
	s21 =	simm.s32 $0x100;
	[tilespmem:s24+$0x19900] =	vst v5;
	s24 =	simm.s32 $0x199F0  }
.LBB2_30:
0x2af: {  	v5 =	vld [tilespmem:s24+$0x0];
	_ =	sdelay $0x4  }
0x2b0: {  	(xrf0) =	vadd.scan.msk.s32 $0xffff, v5;
	_ =	sdelay $0x5  }
0x2b1: {  	v5, _, _ =	vpop (xrf0)  }
0x2b2: {  	(v2sf) =	vpush v5, $0xF;
	_ =	sdelay $0xe  }
0x2b3: {  	s25 =	spop (v2sf)  }
0x2b4: {  	s23 =	sadd.s32 s23, s25  }
0x2b5: {  	p0 =	slt.s32 s23, s20  }
.Ltmp25:
0x2b6: {  	_ = 	snop;
	(pc) =	sbr.rel @p0 .LBB2_30-.Ltmp25, $2  }
0x2b7: {  	_ =	sdelay $0x2  }
0x2b8: {  	s21 =	sadd.s32 $0xFFFFFFF0, s21;
	s24 =	sadd.s32 $0xFFFFFFF0, s24  }
.LBB2_31:
0x2b9: {  	v5 =	vld [tilespmem:s21+$0x19900];
	_ =	sdelay $0x4  }
0x2ba: {  	(xrf0) =	vadd.scan.msk.s32 $0xffff, v5;
	_ =	sdelay $0x5  }
0x2bb: {  	v6, _, _ =	vpop (xrf0)  }
0x2bc: {  	(v2sf) =	vpush v6, $0xF;
	_ =	sdelay $0x5  }
0x2bd: {  	v6 =	vperm.xlane v5, v4;
	_ =	sdelay $0x1  }
0x2be: {  	(xrf0) =	vadd.scan.msk.s32 $0xffff, v6;
	_ =	sdelay $0x5  }
0x2bf: {  	v6, _, _ =	vpop (xrf0)  }
0x2c0: {  	v6 =	vperm.xlane v6, v4;
	s24 =	spop (v2sf)  }
0x2c1: {  	s23 =	ssub.s32 s23, s24  }
0x2c2: {  	v6 =	vadd.s32 s23, v6  }
0x2c3: {  	vm0 =	vge.s32 v6, s20  }
0x2c4: {  	v7 =	vmpcnt.ones.xlane vm0;
	_ =	sdelay $0x1  }
0x2c5: {  	(v2sf) =	vpush v7, $0x0;
	_ =	sdelay $0xe  }
0x2c6: {  	s29 =	spop (v2sf)  }
0x2c7: {  	s23 =	sadd.s32 $0xFFFFFFFF, s29  }
0x2c8: {  	v5 =	vsub.s32 v6, v5;
	v7 =	vmov s23  }
0x2c9: {  	v5 =	vxor.u32 $0x80000000, v5;
	vm15 =	veq.s32 v7, v0  }
0x2ca: {  	v5 =	vnsel vm15, $0x80000000, v5  }
0x2cb: {  	(xrf0) =	vmax.scan.msk.u32 $0xffff, v5;
	_ =	sdelay $0x5  }
0x2cc: {  	v5, _, _ =	vpop (xrf0)  }
0x2cd: {  	(v2sf) =	vpush v5, $0xF;
	_ =	sdelay $0x2  }
0x2ce: {  	s30 =	sadd.s32 $0x3F, s22  }
0x2cf: {  	s25 =	sand.u32 $0x3F, s30  }
0x2d0: {  	s31 =	sshra.s32 s30, $0x1F;
	p1 =	slt.s32 s30, $0x1;
	p0 =	sne.s32 s25, $0x0  }
0x2d1: {  	s25 =	sshrl.u32 s31, $0x1A;
	p0 =	por !p1, !p0  }
0x2d2: {  	p0 =	por !p0, !p0;
	s24 =	sadd.s32 s25, s30;
	s25 =	simm.s32 $0x1  }
0x2d3: {  	s24 =	sshra.s32 s24, $0x6;
	s25 =	simm.s32 @!p0 $0x0  }
0x2d4: {  	s25 =	ssub.s32 s24, s25  }
0x2d5: {  	p0 =	sgt.s32 s25, $0x0  }
.Ltmp26:
0x2d6: {  	_ = 	snop;
	(pc) =	sbr.rel @!p0 .LBB2_32-.Ltmp26, $2  }
0x2d7: {  	_ =	sdelay $0x2  }
0x2d8: {  	s21 =	sadd.s32 s21, s23;
	s23 =	spop (v2sf)  }
0x2d9: {  	p0 =	seq.s32 s25, $0x1  }
.Ltmp27:
0x2da: {  	_ = 	snop;
	(pc) =	sbr.rel @p0 .LBB2_44-.Ltmp27, $4  }
0x2db: {  	s24 =	simm.s32 $0xC420  }
0x2dc: {  	v6 =	vmov s22;
	s22 =	simm.s32 $0x0;
	s26 =	simm.s32 $0x10;
	v9 =	vld [tilespmem:s24+$0xFFFFFFF0]  }
0x2dd: {  	v5 =	vmov s21;
	s28 =	simm.s32 $0x30;
	v7 =	vor.u32 s22, v0;
	v11 =	vor.u32 s26, v0;
	v10 =	vld [tilespmem:s24+$0xFFFFFFE0]  }
0x2de: {  	s25 =	sadd.s32 $0xFFFFFFFF, s25;
	v8 =	vor.u32 s28, v0;
	s28 =	simm.s32 $0x20;
	s26 =	simm.s32 $0xC420;
	vm0 =	vlt.s32 v7, v6;
	vm1 =	vlt.s32 v11, v6;
	v7 =	vld [tilespmem:s24+$0x0]  }
.LBB2_43:
0x2df: {  	p0 =	seq.s32 s25, $0x1;
	v11 =	vor.u32 s28, v0;
	s22 =	sadd.s32 $0x40, s22;
	s26 =	sadd.s32 $0x40, s26  }
0x2e0: {  	s25 =	sadd.s32 $0xFFFFFFFF, s25;
	vm2 =	vlt.s32 v8, v6;
	s28 =	sadd.s32 $0x30, s22;
	v12 =	vld [tilespmem:s24+$0x10];
	s24 =	smov.u32 s26  }
0x2e1: {  	vm3 =	vlt.s32 v11, v6;
	v8 =	vshrl.u32 v9, $0x7;
	v9 =	vand.u32 $0x7F, v9  }
0x2e2: {  	v11 =	vshrl.u32 v10, $0x7;
	v8 =	vand.u32 $0xFF, v8;
	v10 =	vand.u32 $0x7F, v10  }
0x2e3: {  	v11 =	vand.u32 $0xFF, v11;
	vm4 =	veq.s32 v8, v5;
	v8 =	vshrl.u32 v7, $0x7  }
0x2e4: {  	vm5 =	veq.s32 v11, v5;
	vm1 =	vmand vm1, vm4;
	v8 =	vand.u32 $0xFF, v8  }
0x2e5: {  	vm4 =	vmand vm0, vm5;
	vm0 =	veq.s32 v8, v5;
	v8 =	vshrl.u32 v12, $0x7  }
0x2e6: {  	v10 =	vadd.s32 v2, v10;
	vm3 =	vmand vm3, vm0;
	v8 =	vand.u32 $0xFF, v8  }
0x2e7: {  	v9 =	vadd.s32 v2, v9;
	v7 =	vand.u32 $0x7F, v7;
	vm0 =	veq.s32 v8, v5  }
0x2e8: {  	v7 =	vadd.s32 v2, v7;
	v11 =	vand.u32 $0x7F, v12;
	vm2 =	vmand vm2, vm0  }
0x2e9: {  	v11 =	vadd.s32 v2, v11;
	v8 =	vor.u32 s28, v0  }
0x2ea: {  	v12 =	vor.u32 s22, v0  }
0x2eb: {  	vm0 =	vlt.s32 v12, v6;
	[tilespmem:v10+s11+$0x0] =	vst.idx.add.s32.msk vm4, v3  }
0x2ec: {  	s28 =	sadd.s32 $0x10, s22;
	[tilespmem:v9+s11+$0x0] =	vst.idx.add.s32.msk vm1, v3  }
.Ltmp28:
0x2ed: {  	v9 =	vor.u32 s28, v0;
	[tilespmem:v7+s11+$0x0] =	vst.idx.add.s32.msk vm3, v3;
	(pc) =	sbr.rel @!p0 .LBB2_43-.Ltmp28, $4  }
0x2ee: {  	vm1 =	vlt.s32 v9, v6;
	[tilespmem:v11+s11+$0x0] =	vst.idx.add.s32.msk vm2, v3  }
0x2ef: {  	v9 =	vld [tilespmem:s26+$0xFFFFFFF0]  }
0x2f0: {  	v10 =	vld [tilespmem:s26+$0xFFFFFFE0]  }
0x2f1: {  	s28 =	sadd.s32 $0x20, s22;
	v7 =	vld [tilespmem:s26+$0x0]  }
.LBB2_44:
0x2f2: {  	_ = 	snop  }
0x2f3: {  	v11 =	vor.u32 s28, v0;
	v12 =	vld [tilespmem:s24+$0x10];
	vm2 =	vlt.s32 v8, v6  }
0x2f4: {  	vm3 =	vlt.s32 v11, v6;
	v6 =	vshrl.u32 v9, $0x7;
	v60 =	vand.u32 $0x7F, v9  }
0x2f5: {  	v61 =	vshrl.u32 v10, $0x7;
	v6 =	vand.u32 $0xFF, v6;
	v62 =	vand.u32 $0x7F, v10  }
0x2f6: {  	v9 =	vand.u32 $0xFF, v61;
	vm4 =	veq.s32 v6, v5;
	v6 =	vshrl.u32 v7, $0x7  }
0x2f7: {  	v63 =	vadd.s32 v2, v62;
	vm5 =	veq.s32 v9, v5;
	v6 =	vand.u32 $0xFF, v6  }
0x2f8: {  	vm0 =	vmand vm0, vm5;
	vm14 =	veq.s32 v6, v5;
	v6 =	vshrl.u32 v12, $0x7  }
0x2f9: {  	vm1 =	vmand vm1, vm4;
	vm3 =	vmand vm3, vm14;
	v6 =	vand.u32 $0xFF, v6  }
0x2fa: {  	vm15 =	veq.s32 v6, v5;
	v5 =	vand.u32 $0x7F, v7;
	v6 =	vadd.s32 v2, v60  }
0x2fb: {  	v7 =	vand.u32 $0x7F, v12;
	vm2 =	vmand vm2, vm15;
	v5 =	vadd.s32 v2, v5  }
0x2fc: {  	v7 =	vadd.s32 v2, v7;
	_ =	sdelay $0x1  }
0x2fd: {  	[tilespmem:v63+s11+$0x0] =	vst.idx.add.s32.msk vm0, v3  }
0x2fe: {  	[tilespmem:v6+s11+$0x0] =	vst.idx.add.s32.msk vm1, v3  }
0x2ff: {  	[tilespmem:v5+s11+$0x0] =	vst.idx.add.s32.msk vm3, v3  }
0x300: {  	[tilespmem:v7+s11+$0x0] =	vst.idx.add.s32.msk vm2, v3  }
.LBB2_32:
0x301: {  	s22 =	sxor.u32 $0x80000000, s23;
	s23 =	simm.s32 $0x0  }
0x302: {  	v5 =	vld [tilespmem:s23+$0x18880];
	[tilespmem:s23+$0x18880] =	vst v1  }
0x303: {  	v6 =	vld [tilespmem:s23+$0x18981];
	[tilespmem:s23+$0x18981] =	vst v1  }
0x304: {  	v7 =	vld [tilespmem:s23+$0x18A82];
	[tilespmem:s23+$0x18A82] =	vst v1  }
0x305: {  	v8 =	vld [tilespmem:s23+$0x18B83];
	[tilespmem:s23+$0x18B83] =	vst v1  }
0x306: {  	v9 =	vld [tilespmem:s23+$0x18C84];
	[tilespmem:s23+$0x18C84] =	vst v1  }
0x307: {  	v10 =	vld [tilespmem:s23+$0x18D85];
	[tilespmem:s23+$0x18D85] =	vst v1  }
0x308: {  	v11 =	vld [tilespmem:s23+$0x18E86];
	[tilespmem:s23+$0x18E86] =	vst v1  }
0x309: {  	v12 =	vld [tilespmem:s23+$0x18F87];
	[tilespmem:s23+$0x18F87] =	vst v1  }
0x30a: {  	v13 =	vld [tilespmem:s23+$0x19088];
	[tilespmem:s23+$0x19088] =	vst v1  }
0x30b: {  	v14 =	vld [tilespmem:s23+$0x19189];
	[tilespmem:s23+$0x19189] =	vst v1  }
0x30c: {  	v15 =	vld [tilespmem:s23+$0x1928A];
	[tilespmem:s23+$0x1928A] =	vst v1  }
0x30d: {  	v16 =	vld [tilespmem:s23+$0x1938B];
	[tilespmem:s23+$0x1938B] =	vst v1  }
0x30e: {  	v17 =	vld [tilespmem:s23+$0x1948C];
	[tilespmem:s23+$0x1948C] =	vst v1  }
0x30f: {  	v18 =	vld [tilespmem:s23+$0x1958D];
	[tilespmem:s23+$0x1958D] =	vst v1  }
0x310: {  	v19 =	vld [tilespmem:s23+$0x1968E];
	[tilespmem:s23+$0x1968E] =	vst v1  }
0x311: {  	s20 =	ssub.s32 s20, s22;
	v20 =	vld [tilespmem:s23+$0x1978F];
	[tilespmem:s23+$0x1978F] =	vst v1;
	s22 =	simm.s32 $0x10;
	v5 =	vadd.s32 v5, v6  }
0x312: {  	v21 =	vld [tilespmem:s22+$0x18880];
	v5 =	vadd.s32 v7, v5  }
0x313: {  	v22 =	vld [tilespmem:s22+$0x18981];
	v5 =	vadd.s32 v8, v5  }
0x314: {  	[tilespmem:s22+$0x18880] =	vst v1;
	v23 =	vld [tilespmem:s22+$0x18A82];
	v5 =	vadd.s32 v9, v5  }
0x315: {  	[tilespmem:s22+$0x18981] =	vst v1;
	v24 =	vld [tilespmem:s22+$0x18B83];
	v5 =	vadd.s32 v10, v5  }
0x316: {  	[tilespmem:s22+$0x18A82] =	vst v1;
	v25 =	vld [tilespmem:s22+$0x18C84];
	v6 =	vadd.s32 v11, v5  }
0x317: {  	[tilespmem:s22+$0x18B83] =	vst v1;
	v26 =	vld [tilespmem:s22+$0x18D85];
	v6 =	vadd.s32 v12, v6  }
0x318: {  	[tilespmem:s22+$0x18C84] =	vst v1;
	v9 =	vadd.s32 v21, v22;
	v7 =	vadd.s32 v13, v6  }
0x319: {  	[tilespmem:s22+$0x18D85] =	vst v1;
	v27 =	vld [tilespmem:s22+$0x18E86];
	v9 =	vadd.s32 v23, v9;
	v7 =	vadd.s32 v14, v7  }
0x31a: {  	[tilespmem:s22+$0x18E86] =	vst v1;
	v5 =	vld [tilespmem:s22+$0x18F87];
	v9 =	vadd.s32 v24, v9;
	v8 =	vadd.s32 v15, v7  }
0x31b: {  	[tilespmem:s22+$0x18F87] =	vst v1;
	v9 =	vadd.s32 v25, v9;
	v6 =	vld [tilespmem:s22+$0x19088];
	v8 =	vadd.s32 v16, v8  }
0x31c: {  	[tilespmem:s22+$0x19088] =	vst v1;
	v11 =	vadd.s32 v26, v9;
	v9 =	vld [tilespmem:s22+$0x1938B];
	v10 =	vadd.s32 v17, v8  }
0x31d: {  	[tilespmem:s22+$0x1938B] =	vst v1;
	v7 =	vld [tilespmem:s22+$0x19189];
	v10 =	vadd.s32 v18, v10  }
0x31e: {  	[tilespmem:s22+$0x19189] =	vst v1;
	v8 =	vld [tilespmem:s22+$0x1928A];
	v10 =	vadd.s32 v19, v10  }
0x31f: {  	s24 =	simm.s32 $0x80;
	s25 =	simm.s32 $0xC0;
	v11 =	vadd.s32 v27, v11;
	[tilespmem:s22+$0x1928A] =	vst v1;
	v10 =	vadd.s32 v20, v10  }
.LBB2_33:
0x320: {  	p0 =	seq.s32 s25, $0x3C0;
	v12 =	vld [tilespmem:s22+$0x1948C];
	[tilespmem:s22+$0x1948C] =	vst v1;
	v5 =	vadd.s32 v5, v11  }
0x321: {  	v11 =	vld [tilespmem:s22+$0x1958D];
	[tilespmem:s22+$0x1958D] =	vst v1;
	v5 =	vadd.s32 v6, v5  }
0x322: {  	v6 =	vld [tilespmem:s22+$0x1968E];
	[tilespmem:s22+$0x1968E] =	vst v1;
	v5 =	vadd.s32 v7, v5  }
0x323: {  	v7 =	vld [tilespmem:s22+$0x1978F];
	[tilespmem:s22+$0x1978F] =	vst v1;
	v5 =	vadd.s32 v8, v5  }
0x324: {  	v5 =	vadd.s32 v9, v5;
	[tilespmem:s23+$0x19900] =	vst v10;
	s23 =	smov.u32 s22;
	s22 =	sshra.s32 s24, $0x2;
	s24 =	smov.u32 s25  }
0x325: {  	v8 =	vld [tilespmem:s22+$0x18880];
	[tilespmem:s22+$0x18880] =	vst v1;
	v5 =	vadd.s32 v12, v5  }
0x326: {  	v9 =	vld [tilespmem:s22+$0x18981];
	[tilespmem:s22+$0x18981] =	vst v1;
	v5 =	vadd.s32 v11, v5  }
0x327: {  	v11 =	vld [tilespmem:s22+$0x18A82];
	[tilespmem:s22+$0x18A82] =	vst v1;
	v5 =	vadd.s32 v6, v5  }
0x328: {  	v12 =	vld [tilespmem:s22+$0x18B83];
	[tilespmem:s22+$0x18B83] =	vst v1;
	v10 =	vadd.s32 v7, v5  }
0x329: {  	v13 =	vld [tilespmem:s22+$0x18C84];
	[tilespmem:s22+$0x18C84] =	vst v1  }
0x32a: {  	v14 =	vld [tilespmem:s22+$0x18D85];
	[tilespmem:s22+$0x18D85] =	vst v1  }
0x32b: {  	v15 =	vld [tilespmem:s22+$0x18E86];
	[tilespmem:s22+$0x18E86] =	vst v1;
	v6 =	vadd.s32 v8, v9  }
.Ltmp29:
0x32c: {  	v5 =	vld [tilespmem:s22+$0x18F87];
	[tilespmem:s22+$0x18F87] =	vst v1;
	v7 =	vadd.s32 v11, v6;
	(pc) =	sbr.rel @!p0 .LBB2_33-.Ltmp29, $4  }
0x32d: {  	v6 =	vld [tilespmem:s22+$0x19088];
	[tilespmem:s22+$0x19088] =	vst v1;
	v8 =	vadd.s32 v12, v7  }
0x32e: {  	v7 =	vld [tilespmem:s22+$0x19189];
	[tilespmem:s22+$0x19189] =	vst v1;
	v9 =	vadd.s32 v13, v8  }
0x32f: {  	v8 =	vld [tilespmem:s22+$0x1928A];
	[tilespmem:s22+$0x1928A] =	vst v1;
	v11 =	vadd.s32 v14, v9  }
0x330: {  	s25 =	sadd.s32 $0x40, s25;
	v9 =	vld [tilespmem:s22+$0x1938B];
	[tilespmem:s22+$0x1938B] =	vst v1;
	v11 =	vadd.s32 v15, v11  }
0x331: {  	v12 =	vld [tilespmem:s22+$0x1948C];
	[tilespmem:s22+$0x1948C] =	vst v1  }
0x332: {  	v13 =	vld [tilespmem:s22+$0x1958D];
	[tilespmem:s22+$0x1958D] =	vst v1  }
0x333: {  	v14 =	vld [tilespmem:s22+$0x1968E];
	[tilespmem:s22+$0x1968E] =	vst v1  }
0x334: {  	v15 =	vld [tilespmem:s22+$0x1978F];
	[tilespmem:s22+$0x1978F] =	vst v1  }
0x335: {  	s24 =	sshra.s32 s24, $0x2;
	[tilespmem:s23+$0x19900] =	vst v10  }
0x336: {  	v10 =	vld [tilespmem:s24+$0x18880]  }
0x337: {  	v16 =	vld [tilespmem:s24+$0x18981]  }
0x338: {  	v17 =	vld [tilespmem:s24+$0x18A82]  }
0x339: {  	v18 =	vld [tilespmem:s24+$0x18B83]  }
0x33a: {  	[tilespmem:s24+$0x18880] =	vst v1;
	v19 =	vld [tilespmem:s24+$0x18C84]  }
0x33b: {  	[tilespmem:s24+$0x18981] =	vst v1;
	v20 =	vld [tilespmem:s24+$0x18D85]  }
0x33c: {  	[tilespmem:s24+$0x18A82] =	vst v1;
	v55 =	vld [tilespmem:s24+$0x18E86];
	v10 =	vadd.s32 v10, v16  }
0x33d: {  	[tilespmem:s24+$0x18B83] =	vst v1;
	v56 =	vld [tilespmem:s24+$0x18F87];
	v10 =	vadd.s32 v17, v10  }
0x33e: {  	[tilespmem:s24+$0x18C84] =	vst v1;
	v57 =	vld [tilespmem:s24+$0x19088];
	v10 =	vadd.s32 v18, v10  }
0x33f: {  	[tilespmem:s24+$0x18D85] =	vst v1;
	v58 =	vld [tilespmem:s24+$0x19189];
	v10 =	vadd.s32 v19, v10  }
0x340: {  	[tilespmem:s24+$0x18E86] =	vst v1;
	v59 =	vld [tilespmem:s24+$0x1928A];
	v10 =	vadd.s32 v20, v10  }
0x341: {  	v5 =	vadd.s32 v5, v11;
	[tilespmem:s24+$0x18F87] =	vst v1;
	v60 =	vld [tilespmem:s24+$0x1938B];
	v10 =	vadd.s32 v55, v10  }
0x342: {  	v5 =	vadd.s32 v6, v5;
	[tilespmem:s24+$0x19088] =	vst v1;
	v61 =	vld [tilespmem:s24+$0x1948C];
	v6 =	vadd.s32 v56, v10  }
0x343: {  	v5 =	vadd.s32 v7, v5;
	[tilespmem:s24+$0x19189] =	vst v1;
	v7 =	vld [tilespmem:s24+$0x1958D];
	v6 =	vadd.s32 v57, v6  }
0x344: {  	[tilespmem:s24+$0x1928A] =	vst v1;
	v62 =	vld [tilespmem:s24+$0x1968E];
	v5 =	vadd.s32 v8, v5;
	v6 =	vadd.s32 v58, v6  }
0x345: {  	[tilespmem:s24+$0x1938B] =	vst v1;
	v63 =	vld [tilespmem:s24+$0x1978F];
	v5 =	vadd.s32 v9, v5;
	v6 =	vadd.s32 v59, v6  }
0x346: {  	p0 =	sgt.s32 s20, $0x0;
	[tilespmem:s24+$0x1948C] =	vst v1;
	v5 =	vadd.s32 v12, v5;
	v6 =	vadd.s32 v60, v6  }
.Ltmp30:
0x347: {  	[tilespmem:s24+$0x1958D] =	vst v1;
	v5 =	vadd.s32 v13, v5;
	v6 =	vadd.s32 v61, v6;
	(pc) =	sbr.rel @!p0 .LBB2_36-.Ltmp30, $4  }
0x348: {  	[tilespmem:s24+$0x1968E] =	vst v1;
	v5 =	vadd.s32 v14, v5;
	v6 =	vadd.s32 v7, v6  }
0x349: {  	[tilespmem:s24+$0x1978F] =	vst v1;
	v5 =	vadd.s32 v15, v5;
	v6 =	vadd.s32 v62, v6  }
0x34a: {  	[tilespmem:s22+$0x19900] =	vst v5;
	v5 =	vadd.s32 v63, v6  }
0x34b: {  	s23 =	simm.s32 $0x0;
	s22 =	simm.s32 $0x80;
	[tilespmem:s24+$0x19900] =	vst v5;
	s24 =	simm.s32 $0x19970  }
.LBB2_35:
0x34c: {  	v5 =	vld [tilespmem:s24+$0x0];
	_ =	sdelay $0x4  }
0x34d: {  	(xrf0) =	vadd.scan.msk.s32 $0xffff, v5;
	_ =	sdelay $0x5  }
0x34e: {  	v5, _, _ =	vpop (xrf0)  }
0x34f: {  	(v2sf) =	vpush v5, $0xF;
	_ =	sdelay $0xe  }
0x350: {  	s25 =	spop (v2sf)  }
0x351: {  	s23 =	sadd.s32 s23, s25  }
0x352: {  	p0 =	slt.s32 s23, s20  }
.Ltmp31:
0x353: {  	_ = 	snop;
	(pc) =	sbr.rel @p0 .LBB2_35-.Ltmp31, $2  }
0x354: {  	_ =	sdelay $0x2  }
0x355: {  	s22 =	sadd.s32 $0xFFFFFFF0, s22;
	s24 =	sadd.s32 $0xFFFFFFF0, s24  }
.Ltmp32:
0x356: {  	_ = 	snop;
	(pc) =	sbr.rel .LBB2_36-.Ltmp32, $1  }
0x357: {  	_ =	sdelay $0x3  }
.LBB2_38:
0x358: {  	_ =	sfence.sel $0x180000  }
0x359: {  	[bflag:$0x0] =	sbarrier.arrive $0xFFFF  }
0x35a: {  	p0 =	sne.s32 s0, $0x0;
	_ =	strace $0x90000047  }
0x35b: {  	s0 =	sadd.s32 @!p0 $0x100000, s1;
	[bflag:$0x2] =	sbarrier.arrive $0xFFFF  }
0x35c: {  	[sflag:s0] =	ssyncadd.tile.s32 @!p0 $0x1;
	_ =	shalt  }
.Lfunc_end2:
_tile_overlayer_lowered:
.L_overlay_start_2:
0x35d: {  	(tag) =	ssettag $0x2  }
0x35e: {  	s0 =	rddreg [dreg:$0x0];
	s2 =	stileid.u32  }
0x35f: {  	s1 =	rddreg [dreg:$0x1];
	p0 =	sne.s32 s2, $0x0  }
0x360: {  	s3 =	rddreg [dreg:$0x2];
	[bflag:$0x3] =	sbarrier.arrive $0xFFFF;
	s2 =	simm.s32 @!p0 $0x1C02  }
0x361: {  	[timem:s3], [sflag:s2] =	dma.local @!p0 [hbm:s0], s1  }
0x362: {  	s0 =	simm.s32 @!p0 $0x2  }
0x363: {  	_ =	swait.ge @!p0 [sflag:s0], s1  }
0x364: {  	s1 =	ssub.s32 @!p0 $0x0, s1;
	[sflag:s0] =	ssyncset.done @!p0 $0x0  }
0x365: {  	[sflag:s0] =	ssyncadd.s32 @!p0 s1  }
0x366: {  	[bflag:$0x3] =	sbarrier.arrive $0xFFFF  }
0x367: {  	_ =	shalt  }

</sc_bundles>
